<compile_context>
chip_gen: v7x
topology: tpu7x:2x2x1
jax: 0.10.2.dev20260603
libtpu: 0.0.44.dev20260713+nightly
codegen_flags: <defaults>
</compile_context>

<pallas_src>
import jax
import jax.numpy as jnp
from jax import lax
from jax.experimental import pallas as pl
from jax.experimental.pallas import tpu as pltpu
from jax.experimental.pallas import tpu_sc as plsc

NUM_NUMERICAL = 13
NUM_EMBED = 26
NUM_FEATS = NUM_NUMERICAL + NUM_EMBED
VOCAB = 100000
EMBED_DIM = 32
BATCH = 4096
OUT_COLS = NUM_NUMERICAL + NUM_EMBED * EMBED_DIM + 1

NW = 32
CHUNK = 64
CHUNKS_PER_WORKER = BATCH // (NW * CHUNK)


def _body(x_hbm, w_hbm, out_hbm, x_v, idx_v, rows_v, out_v, gsem):
    wid = lax.axis_index("s") * 2 + lax.axis_index("c")
    lane = lax.iota(jnp.int32, 16)

    for k in range(CHUNKS_PER_WORKER):
        b0 = wid * (CHUNK * CHUNKS_PER_WORKER) + k * CHUNK
        pltpu.sync_copy(x_hbm.at[pl.ds(b0, CHUNK), :], x_v)

        def idx_body(b, _):
            rows = jnp.full((16,), b, jnp.int32)
            va = plsc.load_gather(x_v, [rows, lane + NUM_NUMERICAL])
            ga = va.astype(jnp.int32)
            plsc.store_scatter(idx_v, [lane * CHUNK + b], ga)
            m = lane < (NUM_EMBED - 16)
            vb = plsc.load_gather(
                x_v, [rows, lane + (NUM_NUMERICAL + 16)], mask=m
            )
            gb = vb.astype(jnp.int32)
            plsc.store_scatter(idx_v, [(lane + 16) * CHUNK + b], gb, mask=m)
            return _

        lax.fori_loop(0, CHUNK, idx_body, None)

        copies = []
        for t in range(NUM_EMBED):
            copies.append(
                pltpu.async_copy(
                    w_hbm.at[t].at[idx_v.at[pl.ds(t * CHUNK, CHUNK)]],
                    rows_v.at[pl.ds(t * CHUNK, CHUNK), :],
                    gsem,
                )
            )
        for cp in copies:
            cp.wait()

        num_src = jnp.where(lane < NUM_NUMERICAL, lane, NUM_FEATS - 1)
        num_dst = jnp.where(lane < NUM_NUMERICAL, lane, OUT_COLS - 1)
        num_msk = lane < (NUM_NUMERICAL + 1)

        def asm_body(b, _):
            rows = jnp.full((16,), b, jnp.int32)
            v = plsc.load_gather(x_v, [rows, num_src])
            plsc.store_scatter(out_v, [rows, num_dst], v, mask=num_msk)
            for t in range(NUM_EMBED):
                r = jnp.full((16,), t * CHUNK + b, jnp.int32)
                for h in range(2):
                    ve = plsc.load_gather(rows_v, [r, lane + 16 * h])
                    plsc.store_scatter(
                        out_v,
                        [rows, lane + (NUM_NUMERICAL + EMBED_DIM * t + 16 * h)],
                        ve,
                    )
            return _

        lax.fori_loop(0, CHUNK, asm_body, None)

        pltpu.sync_copy(out_v, out_hbm.at[pl.ds(b0, CHUNK), :])


def kernel(x, W):
    mesh = plsc.VectorSubcoreMesh(core_axis_name="c", subcore_axis_name="s")
    f = pl.kernel(
        _body,
        out_type=jax.ShapeDtypeStruct((BATCH, OUT_COLS), jnp.float32),
        mesh=mesh,
        scratch_types=[
            pltpu.VMEM((CHUNK, NUM_FEATS), jnp.float32),
            pltpu.VMEM((CHUNK * NUM_EMBED,), jnp.int32),
            pltpu.VMEM((CHUNK * NUM_EMBED, EMBED_DIM), jnp.float32),
            pltpu.VMEM((CHUNK, OUT_COLS), jnp.float32),
            pltpu.SemaphoreType.DMA,
        ],
        compiler_params=pltpu.CompilerParams(
            use_tc_tiling_on_sc=False, needs_layout_passes=False
        ),
    )
    return f(x, W)

# --- scband reference (transcript-rebuilt; emitter-appended) ---
"""Pipeline reference for scband-learned-entity-embedding-45689862095262 (READ-ONLY COPY).

The authoritative reference and input builder live on the scoring server;
editing this copy changes nothing except your own understanding.
"""

import jax, jax.numpy as jnp
import numpy as np

NUM_NUMERICAL = 13
NUM_EMBED = 26
NUM_FEATS = NUM_NUMERICAL + NUM_EMBED
VOCAB = 100000
EMBED_DIM = 32
BATCH = 4096


def setup_inputs(seed: int = 0) -> dict:
    key = jax.random.key(seed)
    k1, k2 = jax.random.split(key)
    # x holds category indices (as float32) in ALL columns; the first 13 columns
    # are treated as raw numerical features (passed through), the last 26 are
    # embedded. Using randint values keeps the embedded columns in-range.
    x = jax.random.randint(k1, (BATCH, NUM_FEATS), 0, VOCAB).astype(jnp.float32)
    # 26 embedding tables, all [VOCAB, EMBED_DIM]; stacked for convenience.
    W = jax.random.normal(k2, (NUM_EMBED, VOCAB, EMBED_DIM), dtype=jnp.float32) * 0.05
    return {"x": x, "W": W}


def reference(x, W):
    # Faithful translation of _LearnedEntityEmbedding.forward, including the
    # trailing `x[..., x_pointer:]` append (which re-appends the LAST column,
    # since x_pointer ends at the last index after the loop).
    concat_seq = []
    x_pointer = 0
    layer_pointer = 0
    embed_features = [False] * NUM_NUMERICAL + [True] * NUM_EMBED
    for x_pointer, embed in enumerate(embed_features):
        if not embed:
            concat_seq.append(x[..., x_pointer:x_pointer + 1])
            continue
        idx = x[..., x_pointer].astype(jnp.int32)
        concat_seq.append(jnp.take(W[layer_pointer], idx, axis=0))
        layer_pointer += 1
    concat_seq.append(x[..., x_pointer:])
    return jnp.concatenate(concat_seq, axis=-1)

if __name__ == "__main__":
    import jax
    _d = setup_inputs()
    print(jax.jit(kernel)(*tuple(_d.values())))

</pallas_src>

<mosaic_0001>
#map = affine_map<(d0, d1) -> (0, 0)>
#map1 = affine_map<(d0, d1) -> (0, 0, 0)>
module attributes {stable_mosaic.version = 14 : i64} {
  func.func @_body(%arg0: i32, %arg1: i32, %arg2: memref<4096x39xf32, #tpu.memory_space<hbm>>, %arg3: memref<26x100000x32xf32, #tpu.memory_space<hbm>>, %arg4: memref<4096x846xf32, #tpu.memory_space<hbm>>, %arg5: memref<64x39xf32, #tpu.memory_space<vmem>>, %arg6: memref<1664xi32, #tpu.memory_space<vmem>>, %arg7: memref<1664x32xf32, #tpu.memory_space<vmem>>, %arg8: memref<64x846xf32, #tpu.memory_space<vmem>>, %arg9: memref<!tpu.dma_semaphore, #tpu.memory_space<semaphore_mem>>) attributes {dimension_semantics = [#tpu.dimension_semantics<core_parallel>, #tpu.dimension_semantics<subcore_parallel>], iteration_bounds = array<i64: 2, 16>, scalar_prefetch = 0 : i64, scratch_operands = 5 : i64, tpu.core_type = #tpu.core_type<sc_vector_subcore>, window_params = [{transform_indices = #map}, {transform_indices = #map1}, {transform_indices = #map}]} {
    %mul3A = arith.constant 2 : i32
    %mul3A_0 = arith.muli %arg1, %mul3A : i32
    %add3A = arith.addi %mul3A_0, %arg0 : i32
    %iota3A = tpu.iota {dimensions = array<i32: 0>} : vector<16xi32>
    %mul3A_1 = arith.constant 128 : i32
    %mul3A_2 = arith.muli %add3A, %mul3A_1 : i32
    %add3A_3 = arith.constant 0 : i32
    %add3A_4 = arith.addi %mul3A_2, %add3A_3 : i32
    "tpu.region"() ({
      %run_scoped3A = tpu.sem_alloc : memref<!tpu.dma_semaphore, #tpu.memory_space<semaphore_mem>>
      %dma_start3A_1404 = arith.constant 0 : i32
      %dma_start3A_1405 = tpu.memref_slice %arg2[%add3A_4, %dma_start3A_1404] : memref<4096x39xf32, #tpu.memory_space<hbm>> -> memref<64x39xf32, #tpu.memory_space<hbm>>
      %dma_start3A_1406 = arith.constant 0 : i32
      %dma_start3A_1407 = tpu.memref_slice %arg2[%add3A_4, %dma_start3A_1406] : memref<4096x39xf32, #tpu.memory_space<hbm>> -> memref<64x39xf32, #tpu.memory_space<hbm>>
      tpu.enqueue_dma source(%dma_start3A_1407 : memref<64x39xf32, #tpu.memory_space<hbm>>) target(%arg5 : memref<64x39xf32, #tpu.memory_space<vmem>>) target_semaphore(%run_scoped3A : memref<!tpu.dma_semaphore, #tpu.memory_space<semaphore_mem>>)
      %dma_wait3A_1408 = arith.constant 0 : i32
      %dma_wait3A_1409 = tpu.memref_slice %arg2[%add3A_4, %dma_wait3A_1408] : memref<4096x39xf32, #tpu.memory_space<hbm>> -> memref<64x39xf32, #tpu.memory_space<hbm>>
      %dma_wait3A_1410 = arith.constant 0 : i32
      %dma_wait3A_1411 = tpu.memref_slice %arg2[%add3A_4, %dma_wait3A_1410] : memref<4096x39xf32, #tpu.memory_space<hbm>> -> memref<64x39xf32, #tpu.memory_space<hbm>>
      tpu.wait_dma2 semaphore(%run_scoped3A : memref<!tpu.dma_semaphore, #tpu.memory_space<semaphore_mem>>) src(%dma_wait3A_1411 : memref<64x39xf32, #tpu.memory_space<hbm>>) dst(%arg5 : memref<64x39xf32, #tpu.memory_space<vmem>>)
      tpu.yield
    }) : () -> ()
    %scan3A = arith.constant 0 : i32
    %scan3A_5 = arith.constant 64 : i32
    %scan3A_6 = arith.addi %scan3A, %scan3A_5 : i32
    %scan3A_7 = arith.constant 1 : i32
    scf.for %scan3A_1404 = %scan3A to %scan3A_6 step %scan3A_7  : i32 {
      %broadcast_in_dim3A_1405 = vector.broadcast %scan3A_1404 : i32 to vector<16xi32>
      %add3A_1406 = arith.constant 13 : i32
      %add3A_1407 = vector.broadcast %add3A_1406 : i32 to vector<16xi32>
      %add3A_1408 = arith.addi %iota3A, %add3A_1407 : vector<16xi32>
      %gather3A = tpu.vector_load_idx %arg5[%broadcast_in_dim3A_1405, %add3A_1408] : memref<64x39xf32, #tpu.memory_space<vmem>>[vector<16xi32>, vector<16xi32>], vector<16xf32>,
      %convert_element_type3A = arith.fptosi %gather3A : vector<16xf32> to vector<16xi32>
      %mul3A_1409 = arith.constant 64 : i32
      %mul3A_1410 = vector.broadcast %mul3A_1409 : i32 to vector<16xi32>
      %mul3A_1411 = arith.muli %iota3A, %mul3A_1410 : vector<16xi32>
      %add3A_1412 = vector.broadcast %scan3A_1404 : i32 to vector<16xi32>
      %add3A_1413 = arith.addi %mul3A_1411, %add3A_1412 : vector<16xi32>
      tpu.vector_store_idx %arg6[%add3A_1413], %convert_element_type3A : memref<1664xi32, #tpu.memory_space<vmem>>[vector<16xi32>], vector<16xi32>,
      %lt3A_1414 = arith.constant 10 : i32
      %lt3A_1415 = vector.broadcast %lt3A_1414 : i32 to vector<16xi32>
      %lt3A_1416 = arith.cmpi slt, %iota3A, %lt3A_1415 : vector<16xi32>
      %add3A_1417 = arith.constant 29 : i32
      %add3A_1418 = vector.broadcast %add3A_1417 : i32 to vector<16xi32>
      %add3A_1419 = arith.addi %iota3A, %add3A_1418 : vector<16xi32>
      %gather3A_1420 = tpu.vector_load_idx %arg5[%broadcast_in_dim3A_1405, %add3A_1419] masked %lt3A_1416 : memref<64x39xf32, #tpu.memory_space<vmem>>[vector<16xi32>, vector<16xi32>], vector<16xf32>, vector<16xi1>
      %convert_element_type3A_1421 = arith.fptosi %gather3A_1420 : vector<16xf32> to vector<16xi32>
      %add3A_1422 = arith.constant 16 : i32
      %add3A_1423 = vector.broadcast %add3A_1422 : i32 to vector<16xi32>
      %add3A_1424 = arith.addi %iota3A, %add3A_1423 : vector<16xi32>
      %mul3A_1425 = arith.constant 64 : i32
      %mul3A_1426 = vector.broadcast %mul3A_1425 : i32 to vector<16xi32>
      %mul3A_1427 = arith.muli %add3A_1424, %mul3A_1426 : vector<16xi32>
      %add3A_1428 = vector.broadcast %scan3A_1404 : i32 to vector<16xi32>
      %add3A_1429 = arith.addi %mul3A_1427, %add3A_1428 : vector<16xi32>
      tpu.vector_store_idx %arg6[%add3A_1429], %convert_element_type3A_1421 masked %lt3A_1416 : memref<1664xi32, #tpu.memory_space<vmem>>[vector<16xi32>], vector<16xi32>, vector<16xi1>
    }
    %scan3A_8 = arith.constant 64 : i32
    %dma_start3A = arith.constant 0 : i32
    %dma_start3A_9 = arith.constant 0 : i32
    %dma_start3A_10 = arith.constant 0 : i32
    %dma_start3A_11 = tpu.memref_slice %arg7[%dma_start3A_9, %dma_start3A_10] : memref<1664x32xf32, #tpu.memory_space<vmem>> -> memref<64x32xf32, #tpu.memory_space<vmem>>
    %dma_start3A_12 = arith.constant 0 : i32
    %dma_start3A_13 = tpu.memref_slice %arg6[%dma_start3A_12] : memref<1664xi32, #tpu.memory_space<vmem>> -> memref<64xi32, #tpu.memory_space<vmem>>
    %dma_start3A_14 = arith.constant 0 : i32
    %dma_start3A_15 = arith.constant 0 : i32
    %dma_start3A_16 = tpu.memref_slice %arg3[%dma_start3A, %dma_start3A_14, %dma_start3A_15] : memref<26x100000x32xf32, #tpu.memory_space<hbm>> -> memref<1x100000x32xf32, #tpu.memory_space<hbm>>
    %dma_start3A_17 = tpu.memref_squeeze %dma_start3A_16 : memref<1x100000x32xf32, #tpu.memory_space<hbm>> -> memref<100000x32xf32, #tpu.memory_space<hbm>>
    %dma_start3A_18 = arith.constant 0 : i32
    %dma_start3A_19 = arith.constant 0 : i32
    %dma_start3A_20 = tpu.memref_slice %dma_start3A_17[%dma_start3A_18, %dma_start3A_19] : memref<100000x32xf32, #tpu.memory_space<hbm>> -> memref<100000x32xf32, #tpu.memory_space<hbm>>
    tpu.enqueue_indirect_dma source(%dma_start3A_20 : memref<100000x32xf32, #tpu.memory_space<hbm>>) target(%dma_start3A_11 : memref<64x32xf32, #tpu.memory_space<vmem>>) offsets(%dma_start3A_13 : memref<64xi32, #tpu.memory_space<vmem>>) semaphore(%arg9 : memref<!tpu.dma_semaphore, #tpu.memory_space<semaphore_mem>>)
    %dma_start3A_21 = arith.constant 1 : i32
    %dma_start3A_22 = arith.constant 64 : i32
    %dma_start3A_23 = arith.constant 0 : i32
    %dma_start3A_24 = tpu.memref_slice %arg7[%dma_start3A_22, %dma_start3A_23] : memref<1664x32xf32, #tpu.memory_space<vmem>> -> memref<64x32xf32, #tpu.memory_space<vmem>>
    %dma_start3A_25 = arith.constant 64 : i32
    %dma_start3A_26 = tpu.memref_slice %arg6[%dma_start3A_25] : memref<1664xi32, #tpu.memory_space<vmem>> -> memref<64xi32, #tpu.memory_space<vmem>>
    %dma_start3A_27 = arith.constant 0 : i32
    %dma_start3A_28 = arith.constant 0 : i32
    %dma_start3A_29 = tpu.memref_slice %arg3[%dma_start3A_21, %dma_start3A_27, %dma_start3A_28] : memref<26x100000x32xf32, #tpu.memory_space<hbm>> -> memref<1x100000x32xf32, #tpu.memory_space<hbm>>
    %dma_start3A_30 = tpu.memref_squeeze %dma_start3A_29 : memref<1x100000x32xf32, #tpu.memory_space<hbm>> -> memref<100000x32xf32, #tpu.memory_space<hbm>>
    %dma_start3A_31 = arith.constant 0 : i32
    %dma_start3A_32 = arith.constant 0 : i32
    %dma_start3A_33 = tpu.memref_slice %dma_start3A_30[%dma_start3A_31, %dma_start3A_32] : memref<100000x32xf32, #tpu.memory_space<hbm>> -> memref<100000x32xf32, #tpu.memory_space<hbm>>
    tpu.enqueue_indirect_dma source(%dma_start3A_33 : memref<100000x32xf32, #tpu.memory_space<hbm>>) target(%dma_start3A_24 : memref<64x32xf32, #tpu.memory_space<vmem>>) offsets(%dma_start3A_26 : memref<64xi32, #tpu.memory_space<vmem>>) semaphore(%arg9 : memref<!tpu.dma_semaphore, #tpu.memory_space<semaphore_mem>>)
    %dma_start3A_34 = arith.constant 2 : i32
    %dma_start3A_35 = arith.constant 128 : i32
    %dma_start3A_36 = arith.constant 0 : i32
    %dma_start3A_37 = tpu.memref_slice %arg7[%dma_start3A_35, %dma_start3A_36] : memref<1664x32xf32, #tpu.memory_space<vmem>> -> memref<64x32xf32, #tpu.memory_space<vmem>>
    %dma_start3A_38 = arith.constant 128 : i32
    %dma_start3A_39 = tpu.memref_slice %arg6[%dma_start3A_38] : memref<1664xi32, #tpu.memory_space<vmem>> -> memref<64xi32, #tpu.memory_space<vmem>>
    %dma_start3A_40 = arith.constant 0 : i32
    %dma_start3A_41 = arith.constant 0 : i32
    %dma_start3A_42 = tpu.memref_slice %arg3[%dma_start3A_34, %dma_start3A_40, %dma_start3A_41] : memref<26x100000x32xf32, #tpu.memory_space<hbm>> -> memref<1x100000x32xf32, #tpu.memory_space<hbm>>
    %dma_start3A_43 = tpu.memref_squeeze %dma_start3A_42 : memref<1x100000x32xf32, #tpu.memory_space<hbm>> -> memref<100000x32xf32, #tpu.memory_space<hbm>>
    %dma_start3A_44 = arith.constant 0 : i32
    %dma_start3A_45 = arith.constant 0 : i32
    %dma_start3A_46 = tpu.memref_slice %dma_start3A_43[%dma_start3A_44, %dma_start3A_45] : memref<100000x32xf32, #tpu.memory_space<hbm>> -> memref<100000x32xf32, #tpu.memory_space<hbm>>
    tpu.enqueue_indirect_dma source(%dma_start3A_46 : memref<100000x32xf32, #tpu.memory_space<hbm>>) target(%dma_start3A_37 : memref<64x32xf32, #tpu.memory_space<vmem>>) offsets(%dma_start3A_39 : memref<64xi32, #tpu.memory_space<vmem>>) semaphore(%arg9 : memref<!tpu.dma_semaphore, #tpu.memory_space<semaphore_mem>>)
    %dma_start3A_47 = arith.constant 3 : i32
    %dma_start3A_48 = arith.constant 192 : i32
    %dma_start3A_49 = arith.constant 0 : i32
    %dma_start3A_50 = tpu.memref_slice %arg7[%dma_start3A_48, %dma_start3A_49] : memref<1664x32xf32, #tpu.memory_space<vmem>> -> memref<64x32xf32, #tpu.memory_space<vmem>>
    %dma_start3A_51 = arith.constant 192 : i32
    %dma_start3A_52 = tpu.memref_slice %arg6[%dma_start3A_51] : memref<1664xi32, #tpu.memory_space<vmem>> -> memref<64xi32, #tpu.memory_space<vmem>>
    %dma_start3A_53 = arith.constant 0 : i32
    %dma_start3A_54 = arith.constant 0 : i32
    %dma_start3A_55 = tpu.memref_slice %arg3[%dma_start3A_47, %dma_start3A_53, %dma_start3A_54] : memref<26x100000x32xf32, #tpu.memory_space<hbm>> -> memref<1x100000x32xf32, #tpu.memory_space<hbm>>
    %dma_start3A_56 = tpu.memref_squeeze %dma_start3A_55 : memref<1x100000x32xf32, #tpu.memory_space<hbm>> -> memref<100000x32xf32, #tpu.memory_space<hbm>>
    %dma_start3A_57 = arith.constant 0 : i32
    %dma_start3A_58 = arith.constant 0 : i32
    %dma_start3A_59 = tpu.memref_slice %dma_start3A_56[%dma_start3A_57, %dma_start3A_58] : memref<100000x32xf32, #tpu.memory_space<hbm>> -> memref<100000x32xf32, #tpu.memory_space<hbm>>
    tpu.enqueue_indirect_dma source(%dma_start3A_59 : memref<100000x32xf32, #tpu.memory_space<hbm>>) target(%dma_start3A_50 : memref<64x32xf32, #tpu.memory_space<vmem>>) offsets(%dma_start3A_52 : memref<64xi32, #tpu.memory_space<vmem>>) semaphore(%arg9 : memref<!tpu.dma_semaphore, #tpu.memory_space<semaphore_mem>>)
    %dma_start3A_60 = arith.constant 4 : i32
    %dma_start3A_61 = arith.constant 256 : i32
    %dma_start3A_62 = arith.constant 0 : i32
    %dma_start3A_63 = tpu.memref_slice %arg7[%dma_start3A_61, %dma_start3A_62] : memref<1664x32xf32, #tpu.memory_space<vmem>> -> memref<64x32xf32, #tpu.memory_space<vmem>>
    %dma_start3A_64 = arith.constant 256 : i32
    %dma_start3A_65 = tpu.memref_slice %arg6[%dma_start3A_64] : memref<1664xi32, #tpu.memory_space<vmem>> -> memref<64xi32, #tpu.memory_space<vmem>>
    %dma_start3A_66 = arith.constant 0 : i32
    %dma_start3A_67 = arith.constant 0 : i32
    %dma_start3A_68 = tpu.memref_slice %arg3[%dma_start3A_60, %dma_start3A_66, %dma_start3A_67] : memref<26x100000x32xf32, #tpu.memory_space<hbm>> -> memref<1x100000x32xf32, #tpu.memory_space<hbm>>
    %dma_start3A_69 = tpu.memref_squeeze %dma_start3A_68 : memref<1x100000x32xf32, #tpu.memory_space<hbm>> -> memref<100000x32xf32, #tpu.memory_space<hbm>>
    %dma_start3A_70 = arith.constant 0 : i32
    %dma_start3A_71 = arith.constant 0 : i32
    %dma_start3A_72 = tpu.memref_slice %dma_start3A_69[%dma_start3A_70, %dma_start3A_71] : memref<100000x32xf32, #tpu.memory_space<hbm>> -> memref<100000x32xf32, #tpu.memory_space<hbm>>
    tpu.enqueue_indirect_dma source(%dma_start3A_72 : memref<100000x32xf32, #tpu.memory_space<hbm>>) target(%dma_start3A_63 : memref<64x32xf32, #tpu.memory_space<vmem>>) offsets(%dma_start3A_65 : memref<64xi32, #tpu.memory_space<vmem>>) semaphore(%arg9 : memref<!tpu.dma_semaphore, #tpu.memory_space<semaphore_mem>>)
    %dma_start3A_73 = arith.constant 5 : i32
    %dma_start3A_74 = arith.constant 320 : i32
    %dma_start3A_75 = arith.constant 0 : i32
    %dma_start3A_76 = tpu.memref_slice %arg7[%dma_start3A_74, %dma_start3A_75] : memref<1664x32xf32, #tpu.memory_space<vmem>> -> memref<64x32xf32, #tpu.memory_space<vmem>>
    %dma_start3A_77 = arith.constant 320 : i32
    %dma_start3A_78 = tpu.memref_slice %arg6[%dma_start3A_77] : memref<1664xi32, #tpu.memory_space<vmem>> -> memref<64xi32, #tpu.memory_space<vmem>>
    %dma_start3A_79 = arith.constant 0 : i32
    %dma_start3A_80 = arith.constant 0 : i32
    %dma_start3A_81 = tpu.memref_slice %arg3[%dma_start3A_73, %dma_start3A_79, %dma_start3A_80] : memref<26x100000x32xf32, #tpu.memory_space<hbm>> -> memref<1x100000x32xf32, #tpu.memory_space<hbm>>
    %dma_start3A_82 = tpu.memref_squeeze %dma_start3A_81 : memref<1x100000x32xf32, #tpu.memory_space<hbm>> -> memref<100000x32xf32, #tpu.memory_space<hbm>>
    %dma_start3A_83 = arith.constant 0 : i32
    %dma_start3A_84 = arith.constant 0 : i32
    %dma_start3A_85 = tpu.memref_slice %dma_start3A_82[%dma_start3A_83, %dma_start3A_84] : memref<100000x32xf32, #tpu.memory_space<hbm>> -> memref<100000x32xf32, #tpu.memory_space<hbm>>
    tpu.enqueue_indirect_dma source(%dma_start3A_85 : memref<100000x32xf32, #tpu.memory_space<hbm>>) target(%dma_start3A_76 : memref<64x32xf32, #tpu.memory_space<vmem>>) offsets(%dma_start3A_78 : memref<64xi32, #tpu.memory_space<vmem>>) semaphore(%arg9 : memref<!tpu.dma_semaphore, #tpu.memory_space<semaphore_mem>>)
    %dma_start3A_86 = arith.constant 6 : i32
    %dma_start3A_87 = arith.constant 384 : i32
    %dma_start3A_88 = arith.constant 0 : i32
    %dma_start3A_89 = tpu.memref_slice %arg7[%dma_start3A_87, %dma_start3A_88] : memref<1664x32xf32, #tpu.memory_space<vmem>> -> memref<64x32xf32, #tpu.memory_space<vmem>>
    %dma_start3A_90 = arith.constant 384 : i32
    %dma_start3A_91 = tpu.memref_slice %arg6[%dma_start3A_90] : memref<1664xi32, #tpu.memory_space<vmem>> -> memref<64xi32, #tpu.memory_space<vmem>>
    %dma_start3A_92 = arith.constant 0 : i32
    %dma_start3A_93 = arith.constant 0 : i32
    %dma_start3A_94 = tpu.memref_slice %arg3[%dma_start3A_86, %dma_start3A_92, %dma_start3A_93] : memref<26x100000x32xf32, #tpu.memory_space<hbm>> -> memref<1x100000x32xf32, #tpu.memory_space<hbm>>
    %dma_start3A_95 = tpu.memref_squeeze %dma_start3A_94 : memref<1x100000x32xf32, #tpu.memory_space<hbm>> -> memref<100000x32xf32, #tpu.memory_space<hbm>>
    %dma_start3A_96 = arith.constant 0 : i32
    %dma_start3A_97 = arith.constant 0 : i32
    %dma_start3A_98 = tpu.memref_slice %dma_start3A_95[%dma_start3A_96, %dma_start3A_97] : memref<100000x32xf32, #tpu.memory_space<hbm>> -> memref<100000x32xf32, #tpu.memory_space<hbm>>
    tpu.enqueue_indirect_dma source(%dma_start3A_98 : memref<100000x32xf32, #tpu.memory_space<hbm>>) target(%dma_start3A_89 : memref<64x32xf32, #tpu.memory_space<vmem>>) offsets(%dma_start3A_91 : memref<64xi32, #tpu.memory_space<vmem>>) semaphore(%arg9 : memref<!tpu.dma_semaphore, #tpu.memory_space<semaphore_mem>>)
    %dma_start3A_99 = arith.constant 7 : i32
    %dma_start3A_100 = arith.constant 448 : i32
    %dma_start3A_101 = arith.constant 0 : i32
    %dma_start3A_102 = tpu.memref_slice %arg7[%dma_start3A_100, %dma_start3A_101] : memref<1664x32xf32, #tpu.memory_space<vmem>> -> memref<64x32xf32, #tpu.memory_space<vmem>>
    %dma_start3A_103 = arith.constant 448 : i32
    %dma_start3A_104 = tpu.memref_slice %arg6[%dma_start3A_103] : memref<1664xi32, #tpu.memory_space<vmem>> -> memref<64xi32, #tpu.memory_space<vmem>>
    %dma_start3A_105 = arith.constant 0 : i32
    %dma_start3A_106 = arith.constant 0 : i32
    %dma_start3A_107 = tpu.memref_slice %arg3[%dma_start3A_99, %dma_start3A_105, %dma_start3A_106] : memref<26x100000x32xf32, #tpu.memory_space<hbm>> -> memref<1x100000x32xf32, #tpu.memory_space<hbm>>
    %dma_start3A_108 = tpu.memref_squeeze %dma_start3A_107 : memref<1x100000x32xf32, #tpu.memory_space<hbm>> -> memref<100000x32xf32, #tpu.memory_space<hbm>>
    %dma_start3A_109 = arith.constant 0 : i32
    %dma_start3A_110 = arith.constant 0 : i32
    %dma_start3A_111 = tpu.memref_slice %dma_start3A_108[%dma_start3A_109, %dma_start3A_110] : memref<100000x32xf32, #tpu.memory_space<hbm>> -> memref<100000x32xf32, #tpu.memory_space<hbm>>
    tpu.enqueue_indirect_dma source(%dma_start3A_111 : memref<100000x32xf32, #tpu.memory_space<hbm>>) target(%dma_start3A_102 : memref<64x32xf32, #tpu.memory_space<vmem>>) offsets(%dma_start3A_104 : memref<64xi32, #tpu.memory_space<vmem>>) semaphore(%arg9 : memref<!tpu.dma_semaphore, #tpu.memory_space<semaphore_mem>>)
    %dma_start3A_112 = arith.constant 8 : i32
    %dma_start3A_113 = arith.constant 512 : i32
    %dma_start3A_114 = arith.constant 0 : i32
    %dma_start3A_115 = tpu.memref_slice %arg7[%dma_start3A_113, %dma_start3A_114] : memref<1664x32xf32, #tpu.memory_space<vmem>> -> memref<64x32xf32, #tpu.memory_space<vmem>>
    %dma_start3A_116 = arith.constant 512 : i32
    %dma_start3A_117 = tpu.memref_slice %arg6[%dma_start3A_116] : memref<1664xi32, #tpu.memory_space<vmem>> -> memref<64xi32, #tpu.memory_space<vmem>>
    %dma_start3A_118 = arith.constant 0 : i32
    %dma_start3A_119 = arith.constant 0 : i32
    %dma_start3A_120 = tpu.memref_slice %arg3[%dma_start3A_112, %dma_start3A_118, %dma_start3A_119] : memref<26x100000x32xf32, #tpu.memory_space<hbm>> -> memref<1x100000x32xf32, #tpu.memory_space<hbm>>
    %dma_start3A_121 = tpu.memref_squeeze %dma_start3A_120 : memref<1x100000x32xf32, #tpu.memory_space<hbm>> -> memref<100000x32xf32, #tpu.memory_space<hbm>>
    %dma_start3A_122 = arith.constant 0 : i32
    %dma_start3A_123 = arith.constant 0 : i32
    %dma_start3A_124 = tpu.memref_slice %dma_start3A_121[%dma_start3A_122, %dma_start3A_123] : memref<100000x32xf32, #tpu.memory_space<hbm>> -> memref<100000x32xf32, #tpu.memory_space<hbm>>
    tpu.enqueue_indirect_dma source(%dma_start3A_124 : memref<100000x32xf32, #tpu.memory_space<hbm>>) target(%dma_start3A_115 : memref<64x32xf32, #tpu.memory_space<vmem>>) offsets(%dma_start3A_117 : memref<64xi32, #tpu.memory_space<vmem>>) semaphore(%arg9 : memref<!tpu.dma_semaphore, #tpu.memory_space<semaphore_mem>>)
    %dma_start3A_125 = arith.constant 9 : i32
    %dma_start3A_126 = arith.constant 576 : i32
    %dma_start3A_127 = arith.constant 0 : i32
    %dma_start3A_128 = tpu.memref_slice %arg7[%dma_start3A_126, %dma_start3A_127] : memref<1664x32xf32, #tpu.memory_space<vmem>> -> memref<64x32xf32, #tpu.memory_space<vmem>>
    %dma_start3A_129 = arith.constant 576 : i32
    %dma_start3A_130 = tpu.memref_slice %arg6[%dma_start3A_129] : memref<1664xi32, #tpu.memory_space<vmem>> -> memref<64xi32, #tpu.memory_space<vmem>>
    %dma_start3A_131 = arith.constant 0 : i32
    %dma_start3A_132 = arith.constant 0 : i32
    %dma_start3A_133 = tpu.memref_slice %arg3[%dma_start3A_125, %dma_start3A_131, %dma_start3A_132] : memref<26x100000x32xf32, #tpu.memory_space<hbm>> -> memref<1x100000x32xf32, #tpu.memory_space<hbm>>
    %dma_start3A_134 = tpu.memref_squeeze %dma_start3A_133 : memref<1x100000x32xf32, #tpu.memory_space<hbm>> -> memref<100000x32xf32, #tpu.memory_space<hbm>>
    %dma_start3A_135 = arith.constant 0 : i32
    %dma_start3A_136 = arith.constant 0 : i32
    %dma_start3A_137 = tpu.memref_slice %dma_start3A_134[%dma_start3A_135, %dma_start3A_136] : memref<100000x32xf32, #tpu.memory_space<hbm>> -> memref<100000x32xf32, #tpu.memory_space<hbm>>
    tpu.enqueue_indirect_dma source(%dma_start3A_137 : memref<100000x32xf32, #tpu.memory_space<hbm>>) target(%dma_start3A_128 : memref<64x32xf32, #tpu.memory_space<vmem>>) offsets(%dma_start3A_130 : memref<64xi32, #tpu.memory_space<vmem>>) semaphore(%arg9 : memref<!tpu.dma_semaphore, #tpu.memory_space<semaphore_mem>>)
    %dma_start3A_138 = arith.constant 10 : i32
    %dma_start3A_139 = arith.constant 640 : i32
    %dma_start3A_140 = arith.constant 0 : i32
    %dma_start3A_141 = tpu.memref_slice %arg7[%dma_start3A_139, %dma_start3A_140] : memref<1664x32xf32, #tpu.memory_space<vmem>> -> memref<64x32xf32, #tpu.memory_space<vmem>>
    %dma_start3A_142 = arith.constant 640 : i32
    %dma_start3A_143 = tpu.memref_slice %arg6[%dma_start3A_142] : memref<1664xi32, #tpu.memory_space<vmem>> -> memref<64xi32, #tpu.memory_space<vmem>>
    %dma_start3A_144 = arith.constant 0 : i32
    %dma_start3A_145 = arith.constant 0 : i32
    %dma_start3A_146 = tpu.memref_slice %arg3[%dma_start3A_138, %dma_start3A_144, %dma_start3A_145] : memref<26x100000x32xf32, #tpu.memory_space<hbm>> -> memref<1x100000x32xf32, #tpu.memory_space<hbm>>
    %dma_start3A_147 = tpu.memref_squeeze %dma_start3A_146 : memref<1x100000x32xf32, #tpu.memory_space<hbm>> -> memref<100000x32xf32, #tpu.memory_space<hbm>>
    %dma_start3A_148 = arith.constant 0 : i32
    %dma_start3A_149 = arith.constant 0 : i32
    %dma_start3A_150 = tpu.memref_slice %dma_start3A_147[%dma_start3A_148, %dma_start3A_149] : memref<100000x32xf32, #tpu.memory_space<hbm>> -> memref<100000x32xf32, #tpu.memory_space<hbm>>
    tpu.enqueue_indirect_dma source(%dma_start3A_150 : memref<100000x32xf32, #tpu.memory_space<hbm>>) target(%dma_start3A_141 : memref<64x32xf32, #tpu.memory_space<vmem>>) offsets(%dma_start3A_143 : memref<64xi32, #tpu.memory_space<vmem>>) semaphore(%arg9 : memref<!tpu.dma_semaphore, #tpu.memory_space<semaphore_mem>>)
    %dma_start3A_151 = arith.constant 11 : i32
    %dma_start3A_152 = arith.constant 704 : i32
    %dma_start3A_153 = arith.constant 0 : i32
    %dma_start3A_154 = tpu.memref_slice %arg7[%dma_start3A_152, %dma_start3A_153] : memref<1664x32xf32, #tpu.memory_space<vmem>> -> memref<64x32xf32, #tpu.memory_space<vmem>>
    %dma_start3A_155 = arith.constant 704 : i32
    %dma_start3A_156 = tpu.memref_slice %arg6[%dma_start3A_155] : memref<1664xi32, #tpu.memory_space<vmem>> -> memref<64xi32, #tpu.memory_space<vmem>>
    %dma_start3A_157 = arith.constant 0 : i32
    %dma_start3A_158 = arith.constant 0 : i32
    %dma_start3A_159 = tpu.memref_slice %arg3[%dma_start3A_151, %dma_start3A_157, %dma_start3A_158] : memref<26x100000x32xf32, #tpu.memory_space<hbm>> -> memref<1x100000x32xf32, #tpu.memory_space<hbm>>
    %dma_start3A_160 = tpu.memref_squeeze %dma_start3A_159 : memref<1x100000x32xf32, #tpu.memory_space<hbm>> -> memref<100000x32xf32, #tpu.memory_space<hbm>>
    %dma_start3A_161 = arith.constant 0 : i32
    %dma_start3A_162 = arith.constant 0 : i32
    %dma_start3A_163 = tpu.memref_slice %dma_start3A_160[%dma_start3A_161, %dma_start3A_162] : memref<100000x32xf32, #tpu.memory_space<hbm>> -> memref<100000x32xf32, #tpu.memory_space<hbm>>
    tpu.enqueue_indirect_dma source(%dma_start3A_163 : memref<100000x32xf32, #tpu.memory_space<hbm>>) target(%dma_start3A_154 : memref<64x32xf32, #tpu.memory_space<vmem>>) offsets(%dma_start3A_156 : memref<64xi32, #tpu.memory_space<vmem>>) semaphore(%arg9 : memref<!tpu.dma_semaphore, #tpu.memory_space<semaphore_mem>>)
    %dma_start3A_164 = arith.constant 12 : i32
    %dma_start3A_165 = arith.constant 768 : i32
    %dma_start3A_166 = arith.constant 0 : i32
    %dma_start3A_167 = tpu.memref_slice %arg7[%dma_start3A_165, %dma_start3A_166] : memref<1664x32xf32, #tpu.memory_space<vmem>> -> memref<64x32xf32, #tpu.memory_space<vmem>>
    %dma_start3A_168 = arith.constant 768 : i32
    %dma_start3A_169 = tpu.memref_slice %arg6[%dma_start3A_168] : memref<1664xi32, #tpu.memory_space<vmem>> -> memref<64xi32, #tpu.memory_space<vmem>>
    %dma_start3A_170 = arith.constant 0 : i32
    %dma_start3A_171 = arith.constant 0 : i32
    %dma_start3A_172 = tpu.memref_slice %arg3[%dma_start3A_164, %dma_start3A_170, %dma_start3A_171] : memref<26x100000x32xf32, #tpu.memory_space<hbm>> -> memref<1x100000x32xf32, #tpu.memory_space<hbm>>
    %dma_start3A_173 = tpu.memref_squeeze %dma_start3A_172 : memref<1x100000x32xf32, #tpu.memory_space<hbm>> -> memref<100000x32xf32, #tpu.memory_space<hbm>>
    %dma_start3A_174 = arith.constant 0 : i32
    %dma_start3A_175 = arith.constant 0 : i32
    %dma_start3A_176 = tpu.memref_slice %dma_start3A_173[%dma_start3A_174, %dma_start3A_175] : memref<100000x32xf32, #tpu.memory_space<hbm>> -> memref<100000x32xf32, #tpu.memory_space<hbm>>
    tpu.enqueue_indirect_dma source(%dma_start3A_176 : memref<100000x32xf32, #tpu.memory_space<hbm>>) target(%dma_start3A_167 : memref<64x32xf32, #tpu.memory_space<vmem>>) offsets(%dma_start3A_169 : memref<64xi32, #tpu.memory_space<vmem>>) semaphore(%arg9 : memref<!tpu.dma_semaphore, #tpu.memory_space<semaphore_mem>>)
    %dma_start3A_177 = arith.constant 13 : i32
    %dma_start3A_178 = arith.constant 832 : i32
    %dma_start3A_179 = arith.constant 0 : i32
    %dma_start3A_180 = tpu.memref_slice %arg7[%dma_start3A_178, %dma_start3A_179] : memref<1664x32xf32, #tpu.memory_space<vmem>> -> memref<64x32xf32, #tpu.memory_space<vmem>>
    %dma_start3A_181 = arith.constant 832 : i32
    %dma_start3A_182 = tpu.memref_slice %arg6[%dma_start3A_181] : memref<1664xi32, #tpu.memory_space<vmem>> -> memref<64xi32, #tpu.memory_space<vmem>>
    %dma_start3A_183 = arith.constant 0 : i32
    %dma_start3A_184 = arith.constant 0 : i32
    %dma_start3A_185 = tpu.memref_slice %arg3[%dma_start3A_177, %dma_start3A_183, %dma_start3A_184] : memref<26x100000x32xf32, #tpu.memory_space<hbm>> -> memref<1x100000x32xf32, #tpu.memory_space<hbm>>
    %dma_start3A_186 = tpu.memref_squeeze %dma_start3A_185 : memref<1x100000x32xf32, #tpu.memory_space<hbm>> -> memref<100000x32xf32, #tpu.memory_space<hbm>>
    %dma_start3A_187 = arith.constant 0 : i32
    %dma_start3A_188 = arith.constant 0 : i32
    %dma_start3A_189 = tpu.memref_slice %dma_start3A_186[%dma_start3A_187, %dma_start3A_188] : memref<100000x32xf32, #tpu.memory_space<hbm>> -> memref<100000x32xf32, #tpu.memory_space<hbm>>
    tpu.enqueue_indirect_dma source(%dma_start3A_189 : memref<100000x32xf32, #tpu.memory_space<hbm>>) target(%dma_start3A_180 : memref<64x32xf32, #tpu.memory_space<vmem>>) offsets(%dma_start3A_182 : memref<64xi32, #tpu.memory_space<vmem>>) semaphore(%arg9 : memref<!tpu.dma_semaphore, #tpu.memory_space<semaphore_mem>>)
    %dma_start3A_190 = arith.constant 14 : i32
    %dma_start3A_191 = arith.constant 896 : i32
    %dma_start3A_192 = arith.constant 0 : i32
    %dma_start3A_193 = tpu.memref_slice %arg7[%dma_start3A_191, %dma_start3A_192] : memref<1664x32xf32, #tpu.memory_space<vmem>> -> memref<64x32xf32, #tpu.memory_space<vmem>>
    %dma_start3A_194 = arith.constant 896 : i32
    %dma_start3A_195 = tpu.memref_slice %arg6[%dma_start3A_194] : memref<1664xi32, #tpu.memory_space<vmem>> -> memref<64xi32, #tpu.memory_space<vmem>>
    %dma_start3A_196 = arith.constant 0 : i32
    %dma_start3A_197 = arith.constant 0 : i32
    %dma_start3A_198 = tpu.memref_slice %arg3[%dma_start3A_190, %dma_start3A_196, %dma_start3A_197] : memref<26x100000x32xf32, #tpu.memory_space<hbm>> -> memref<1x100000x32xf32, #tpu.memory_space<hbm>>
    %dma_start3A_199 = tpu.memref_squeeze %dma_start3A_198 : memref<1x100000x32xf32, #tpu.memory_space<hbm>> -> memref<100000x32xf32, #tpu.memory_space<hbm>>
    %dma_start3A_200 = arith.constant 0 : i32
    %dma_start3A_201 = arith.constant 0 : i32
    %dma_start3A_202 = tpu.memref_slice %dma_start3A_199[%dma_start3A_200, %dma_start3A_201] : memref<100000x32xf32, #tpu.memory_space<hbm>> -> memref<100000x32xf32, #tpu.memory_space<hbm>>
    tpu.enqueue_indirect_dma source(%dma_start3A_202 : memref<100000x32xf32, #tpu.memory_space<hbm>>) target(%dma_start3A_193 : memref<64x32xf32, #tpu.memory_space<vmem>>) offsets(%dma_start3A_195 : memref<64xi32, #tpu.memory_space<vmem>>) semaphore(%arg9 : memref<!tpu.dma_semaphore, #tpu.memory_space<semaphore_mem>>)
    %dma_start3A_203 = arith.constant 15 : i32
    %dma_start3A_204 = arith.constant 960 : i32
    %dma_start3A_205 = arith.constant 0 : i32
    %dma_start3A_206 = tpu.memref_slice %arg7[%dma_start3A_204, %dma_start3A_205] : memref<1664x32xf32, #tpu.memory_space<vmem>> -> memref<64x32xf32, #tpu.memory_space<vmem>>
    %dma_start3A_207 = arith.constant 960 : i32
    %dma_start3A_208 = tpu.memref_slice %arg6[%dma_start3A_207] : memref<1664xi32, #tpu.memory_space<vmem>> -> memref<64xi32, #tpu.memory_space<vmem>>
    %dma_start3A_209 = arith.constant 0 : i32
    %dma_start3A_210 = arith.constant 0 : i32
    %dma_start3A_211 = tpu.memref_slice %arg3[%dma_start3A_203, %dma_start3A_209, %dma_start3A_210] : memref<26x100000x32xf32, #tpu.memory_space<hbm>> -> memref<1x100000x32xf32, #tpu.memory_space<hbm>>
    %dma_start3A_212 = tpu.memref_squeeze %dma_start3A_211 : memref<1x100000x32xf32, #tpu.memory_space<hbm>> -> memref<100000x32xf32, #tpu.memory_space<hbm>>
    %dma_start3A_213 = arith.constant 0 : i32
    %dma_start3A_214 = arith.constant 0 : i32
    %dma_start3A_215 = tpu.memref_slice %dma_start3A_212[%dma_start3A_213, %dma_start3A_214] : memref<100000x32xf32, #tpu.memory_space<hbm>> -> memref<100000x32xf32, #tpu.memory_space<hbm>>
    tpu.enqueue_indirect_dma source(%dma_start3A_215 : memref<100000x32xf32, #tpu.memory_space<hbm>>) target(%dma_start3A_206 : memref<64x32xf32, #tpu.memory_space<vmem>>) offsets(%dma_start3A_208 : memref<64xi32, #tpu.memory_space<vmem>>) semaphore(%arg9 : memref<!tpu.dma_semaphore, #tpu.memory_space<semaphore_mem>>)
    %dma_start3A_216 = arith.constant 16 : i32
    %dma_start3A_217 = arith.constant 1024 : i32
    %dma_start3A_218 = arith.constant 0 : i32
    %dma_start3A_219 = tpu.memref_slice %arg7[%dma_start3A_217, %dma_start3A_218] : memref<1664x32xf32, #tpu.memory_space<vmem>> -> memref<64x32xf32, #tpu.memory_space<vmem>>
    %dma_start3A_220 = arith.constant 1024 : i32
    %dma_start3A_221 = tpu.memref_slice %arg6[%dma_start3A_220] : memref<1664xi32, #tpu.memory_space<vmem>> -> memref<64xi32, #tpu.memory_space<vmem>>
    %dma_start3A_222 = arith.constant 0 : i32
    %dma_start3A_223 = arith.constant 0 : i32
    %dma_start3A_224 = tpu.memref_slice %arg3[%dma_start3A_216, %dma_start3A_222, %dma_start3A_223] : memref<26x100000x32xf32, #tpu.memory_space<hbm>> -> memref<1x100000x32xf32, #tpu.memory_space<hbm>>
    %dma_start3A_225 = tpu.memref_squeeze %dma_start3A_224 : memref<1x100000x32xf32, #tpu.memory_space<hbm>> -> memref<100000x32xf32, #tpu.memory_space<hbm>>
    %dma_start3A_226 = arith.constant 0 : i32
    %dma_start3A_227 = arith.constant 0 : i32
    %dma_start3A_228 = tpu.memref_slice %dma_start3A_225[%dma_start3A_226, %dma_start3A_227] : memref<100000x32xf32, #tpu.memory_space<hbm>> -> memref<100000x32xf32, #tpu.memory_space<hbm>>
    tpu.enqueue_indirect_dma source(%dma_start3A_228 : memref<100000x32xf32, #tpu.memory_space<hbm>>) target(%dma_start3A_219 : memref<64x32xf32, #tpu.memory_space<vmem>>) offsets(%dma_start3A_221 : memref<64xi32, #tpu.memory_space<vmem>>) semaphore(%arg9 : memref<!tpu.dma_semaphore, #tpu.memory_space<semaphore_mem>>)
    %dma_start3A_229 = arith.constant 17 : i32
    %dma_start3A_230 = arith.constant 1088 : i32
    %dma_start3A_231 = arith.constant 0 : i32
    %dma_start3A_232 = tpu.memref_slice %arg7[%dma_start3A_230, %dma_start3A_231] : memref<1664x32xf32, #tpu.memory_space<vmem>> -> memref<64x32xf32, #tpu.memory_space<vmem>>
    %dma_start3A_233 = arith.constant 1088 : i32
    %dma_start3A_234 = tpu.memref_slice %arg6[%dma_start3A_233] : memref<1664xi32, #tpu.memory_space<vmem>> -> memref<64xi32, #tpu.memory_space<vmem>>
    %dma_start3A_235 = arith.constant 0 : i32
    %dma_start3A_236 = arith.constant 0 : i32
    %dma_start3A_237 = tpu.memref_slice %arg3[%dma_start3A_229, %dma_start3A_235, %dma_start3A_236] : memref<26x100000x32xf32, #tpu.memory_space<hbm>> -> memref<1x100000x32xf32, #tpu.memory_space<hbm>>
    %dma_start3A_238 = tpu.memref_squeeze %dma_start3A_237 : memref<1x100000x32xf32, #tpu.memory_space<hbm>> -> memref<100000x32xf32, #tpu.memory_space<hbm>>
    %dma_start3A_239 = arith.constant 0 : i32
    %dma_start3A_240 = arith.constant 0 : i32
    %dma_start3A_241 = tpu.memref_slice %dma_start3A_238[%dma_start3A_239, %dma_start3A_240] : memref<100000x32xf32, #tpu.memory_space<hbm>> -> memref<100000x32xf32, #tpu.memory_space<hbm>>
    tpu.enqueue_indirect_dma source(%dma_start3A_241 : memref<100000x32xf32, #tpu.memory_space<hbm>>) target(%dma_start3A_232 : memref<64x32xf32, #tpu.memory_space<vmem>>) offsets(%dma_start3A_234 : memref<64xi32, #tpu.memory_space<vmem>>) semaphore(%arg9 : memref<!tpu.dma_semaphore, #tpu.memory_space<semaphore_mem>>)
    %dma_start3A_242 = arith.constant 18 : i32
    %dma_start3A_243 = arith.constant 1152 : i32
    %dma_start3A_244 = arith.constant 0 : i32
    %dma_start3A_245 = tpu.memref_slice %arg7[%dma_start3A_243, %dma_start3A_244] : memref<1664x32xf32, #tpu.memory_space<vmem>> -> memref<64x32xf32, #tpu.memory_space<vmem>>
    %dma_start3A_246 = arith.constant 1152 : i32
    %dma_start3A_247 = tpu.memref_slice %arg6[%dma_start3A_246] : memref<1664xi32, #tpu.memory_space<vmem>> -> memref<64xi32, #tpu.memory_space<vmem>>
    %dma_start3A_248 = arith.constant 0 : i32
    %dma_start3A_249 = arith.constant 0 : i32
    %dma_start3A_250 = tpu.memref_slice %arg3[%dma_start3A_242, %dma_start3A_248, %dma_start3A_249] : memref<26x100000x32xf32, #tpu.memory_space<hbm>> -> memref<1x100000x32xf32, #tpu.memory_space<hbm>>
    %dma_start3A_251 = tpu.memref_squeeze %dma_start3A_250 : memref<1x100000x32xf32, #tpu.memory_space<hbm>> -> memref<100000x32xf32, #tpu.memory_space<hbm>>
    %dma_start3A_252 = arith.constant 0 : i32
    %dma_start3A_253 = arith.constant 0 : i32
    %dma_start3A_254 = tpu.memref_slice %dma_start3A_251[%dma_start3A_252, %dma_start3A_253] : memref<100000x32xf32, #tpu.memory_space<hbm>> -> memref<100000x32xf32, #tpu.memory_space<hbm>>
    tpu.enqueue_indirect_dma source(%dma_start3A_254 : memref<100000x32xf32, #tpu.memory_space<hbm>>) target(%dma_start3A_245 : memref<64x32xf32, #tpu.memory_space<vmem>>) offsets(%dma_start3A_247 : memref<64xi32, #tpu.memory_space<vmem>>) semaphore(%arg9 : memref<!tpu.dma_semaphore, #tpu.memory_space<semaphore_mem>>)
    %dma_start3A_255 = arith.constant 19 : i32
    %dma_start3A_256 = arith.constant 1216 : i32
    %dma_start3A_257 = arith.constant 0 : i32
    %dma_start3A_258 = tpu.memref_slice %arg7[%dma_start3A_256, %dma_start3A_257] : memref<1664x32xf32, #tpu.memory_space<vmem>> -> memref<64x32xf32, #tpu.memory_space<vmem>>
    %dma_start3A_259 = arith.constant 1216 : i32
    %dma_start3A_260 = tpu.memref_slice %arg6[%dma_start3A_259] : memref<1664xi32, #tpu.memory_space<vmem>> -> memref<64xi32, #tpu.memory_space<vmem>>
    %dma_start3A_261 = arith.constant 0 : i32
    %dma_start3A_262 = arith.constant 0 : i32
    %dma_start3A_263 = tpu.memref_slice %arg3[%dma_start3A_255, %dma_start3A_261, %dma_start3A_262] : memref<26x100000x32xf32, #tpu.memory_space<hbm>> -> memref<1x100000x32xf32, #tpu.memory_space<hbm>>
    %dma_start3A_264 = tpu.memref_squeeze %dma_start3A_263 : memref<1x100000x32xf32, #tpu.memory_space<hbm>> -> memref<100000x32xf32, #tpu.memory_space<hbm>>
    %dma_start3A_265 = arith.constant 0 : i32
    %dma_start3A_266 = arith.constant 0 : i32
    %dma_start3A_267 = tpu.memref_slice %dma_start3A_264[%dma_start3A_265, %dma_start3A_266] : memref<100000x32xf32, #tpu.memory_space<hbm>> -> memref<100000x32xf32, #tpu.memory_space<hbm>>
    tpu.enqueue_indirect_dma source(%dma_start3A_267 : memref<100000x32xf32, #tpu.memory_space<hbm>>) target(%dma_start3A_258 : memref<64x32xf32, #tpu.memory_space<vmem>>) offsets(%dma_start3A_260 : memref<64xi32, #tpu.memory_space<vmem>>) semaphore(%arg9 : memref<!tpu.dma_semaphore, #tpu.memory_space<semaphore_mem>>)
    %dma_start3A_268 = arith.constant 20 : i32
    %dma_start3A_269 = arith.constant 1280 : i32
    %dma_start3A_270 = arith.constant 0 : i32
    %dma_start3A_271 = tpu.memref_slice %arg7[%dma_start3A_269, %dma_start3A_270] : memref<1664x32xf32, #tpu.memory_space<vmem>> -> memref<64x32xf32, #tpu.memory_space<vmem>>
    %dma_start3A_272 = arith.constant 1280 : i32
    %dma_start3A_273 = tpu.memref_slice %arg6[%dma_start3A_272] : memref<1664xi32, #tpu.memory_space<vmem>> -> memref<64xi32, #tpu.memory_space<vmem>>
    %dma_start3A_274 = arith.constant 0 : i32
    %dma_start3A_275 = arith.constant 0 : i32
    %dma_start3A_276 = tpu.memref_slice %arg3[%dma_start3A_268, %dma_start3A_274, %dma_start3A_275] : memref<26x100000x32xf32, #tpu.memory_space<hbm>> -> memref<1x100000x32xf32, #tpu.memory_space<hbm>>
    %dma_start3A_277 = tpu.memref_squeeze %dma_start3A_276 : memref<1x100000x32xf32, #tpu.memory_space<hbm>> -> memref<100000x32xf32, #tpu.memory_space<hbm>>
    %dma_start3A_278 = arith.constant 0 : i32
    %dma_start3A_279 = arith.constant 0 : i32
    %dma_start3A_280 = tpu.memref_slice %dma_start3A_277[%dma_start3A_278, %dma_start3A_279] : memref<100000x32xf32, #tpu.memory_space<hbm>> -> memref<100000x32xf32, #tpu.memory_space<hbm>>
    tpu.enqueue_indirect_dma source(%dma_start3A_280 : memref<100000x32xf32, #tpu.memory_space<hbm>>) target(%dma_start3A_271 : memref<64x32xf32, #tpu.memory_space<vmem>>) offsets(%dma_start3A_273 : memref<64xi32, #tpu.memory_space<vmem>>) semaphore(%arg9 : memref<!tpu.dma_semaphore, #tpu.memory_space<semaphore_mem>>)
    %dma_start3A_281 = arith.constant 21 : i32
    %dma_start3A_282 = arith.constant 1344 : i32
    %dma_start3A_283 = arith.constant 0 : i32
    %dma_start3A_284 = tpu.memref_slice %arg7[%dma_start3A_282, %dma_start3A_283] : memref<1664x32xf32, #tpu.memory_space<vmem>> -> memref<64x32xf32, #tpu.memory_space<vmem>>
    %dma_start3A_285 = arith.constant 1344 : i32
    %dma_start3A_286 = tpu.memref_slice %arg6[%dma_start3A_285] : memref<1664xi32, #tpu.memory_space<vmem>> -> memref<64xi32, #tpu.memory_space<vmem>>
    %dma_start3A_287 = arith.constant 0 : i32
    %dma_start3A_288 = arith.constant 0 : i32
    %dma_start3A_289 = tpu.memref_slice %arg3[%dma_start3A_281, %dma_start3A_287, %dma_start3A_288] : memref<26x100000x32xf32, #tpu.memory_space<hbm>> -> memref<1x100000x32xf32, #tpu.memory_space<hbm>>
    %dma_start3A_290 = tpu.memref_squeeze %dma_start3A_289 : memref<1x100000x32xf32, #tpu.memory_space<hbm>> -> memref<100000x32xf32, #tpu.memory_space<hbm>>
    %dma_start3A_291 = arith.constant 0 : i32
    %dma_start3A_292 = arith.constant 0 : i32
    %dma_start3A_293 = tpu.memref_slice %dma_start3A_290[%dma_start3A_291, %dma_start3A_292] : memref<100000x32xf32, #tpu.memory_space<hbm>> -> memref<100000x32xf32, #tpu.memory_space<hbm>>
    tpu.enqueue_indirect_dma source(%dma_start3A_293 : memref<100000x32xf32, #tpu.memory_space<hbm>>) target(%dma_start3A_284 : memref<64x32xf32, #tpu.memory_space<vmem>>) offsets(%dma_start3A_286 : memref<64xi32, #tpu.memory_space<vmem>>) semaphore(%arg9 : memref<!tpu.dma_semaphore, #tpu.memory_space<semaphore_mem>>)
    %dma_start3A_294 = arith.constant 22 : i32
    %dma_start3A_295 = arith.constant 1408 : i32
    %dma_start3A_296 = arith.constant 0 : i32
    %dma_start3A_297 = tpu.memref_slice %arg7[%dma_start3A_295, %dma_start3A_296] : memref<1664x32xf32, #tpu.memory_space<vmem>> -> memref<64x32xf32, #tpu.memory_space<vmem>>
    %dma_start3A_298 = arith.constant 1408 : i32
    %dma_start3A_299 = tpu.memref_slice %arg6[%dma_start3A_298] : memref<1664xi32, #tpu.memory_space<vmem>> -> memref<64xi32, #tpu.memory_space<vmem>>
    %dma_start3A_300 = arith.constant 0 : i32
    %dma_start3A_301 = arith.constant 0 : i32
    %dma_start3A_302 = tpu.memref_slice %arg3[%dma_start3A_294, %dma_start3A_300, %dma_start3A_301] : memref<26x100000x32xf32, #tpu.memory_space<hbm>> -> memref<1x100000x32xf32, #tpu.memory_space<hbm>>
    %dma_start3A_303 = tpu.memref_squeeze %dma_start3A_302 : memref<1x100000x32xf32, #tpu.memory_space<hbm>> -> memref<100000x32xf32, #tpu.memory_space<hbm>>
    %dma_start3A_304 = arith.constant 0 : i32
    %dma_start3A_305 = arith.constant 0 : i32
    %dma_start3A_306 = tpu.memref_slice %dma_start3A_303[%dma_start3A_304, %dma_start3A_305] : memref<100000x32xf32, #tpu.memory_space<hbm>> -> memref<100000x32xf32, #tpu.memory_space<hbm>>
    tpu.enqueue_indirect_dma source(%dma_start3A_306 : memref<100000x32xf32, #tpu.memory_space<hbm>>) target(%dma_start3A_297 : memref<64x32xf32, #tpu.memory_space<vmem>>) offsets(%dma_start3A_299 : memref<64xi32, #tpu.memory_space<vmem>>) semaphore(%arg9 : memref<!tpu.dma_semaphore, #tpu.memory_space<semaphore_mem>>)
    %dma_start3A_307 = arith.constant 23 : i32
    %dma_start3A_308 = arith.constant 1472 : i32
    %dma_start3A_309 = arith.constant 0 : i32
    %dma_start3A_310 = tpu.memref_slice %arg7[%dma_start3A_308, %dma_start3A_309] : memref<1664x32xf32, #tpu.memory_space<vmem>> -> memref<64x32xf32, #tpu.memory_space<vmem>>
    %dma_start3A_311 = arith.constant 1472 : i32
    %dma_start3A_312 = tpu.memref_slice %arg6[%dma_start3A_311] : memref<1664xi32, #tpu.memory_space<vmem>> -> memref<64xi32, #tpu.memory_space<vmem>>
    %dma_start3A_313 = arith.constant 0 : i32
    %dma_start3A_314 = arith.constant 0 : i32
    %dma_start3A_315 = tpu.memref_slice %arg3[%dma_start3A_307, %dma_start3A_313, %dma_start3A_314] : memref<26x100000x32xf32, #tpu.memory_space<hbm>> -> memref<1x100000x32xf32, #tpu.memory_space<hbm>>
    %dma_start3A_316 = tpu.memref_squeeze %dma_start3A_315 : memref<1x100000x32xf32, #tpu.memory_space<hbm>> -> memref<100000x32xf32, #tpu.memory_space<hbm>>
    %dma_start3A_317 = arith.constant 0 : i32
    %dma_start3A_318 = arith.constant 0 : i32
    %dma_start3A_319 = tpu.memref_slice %dma_start3A_316[%dma_start3A_317, %dma_start3A_318] : memref<100000x32xf32, #tpu.memory_space<hbm>> -> memref<100000x32xf32, #tpu.memory_space<hbm>>
    tpu.enqueue_indirect_dma source(%dma_start3A_319 : memref<100000x32xf32, #tpu.memory_space<hbm>>) target(%dma_start3A_310 : memref<64x32xf32, #tpu.memory_space<vmem>>) offsets(%dma_start3A_312 : memref<64xi32, #tpu.memory_space<vmem>>) semaphore(%arg9 : memref<!tpu.dma_semaphore, #tpu.memory_space<semaphore_mem>>)
    %dma_start3A_320 = arith.constant 24 : i32
    %dma_start3A_321 = arith.constant 1536 : i32
    %dma_start3A_322 = arith.constant 0 : i32
    %dma_start3A_323 = tpu.memref_slice %arg7[%dma_start3A_321, %dma_start3A_322] : memref<1664x32xf32, #tpu.memory_space<vmem>> -> memref<64x32xf32, #tpu.memory_space<vmem>>
    %dma_start3A_324 = arith.constant 1536 : i32
    %dma_start3A_325 = tpu.memref_slice %arg6[%dma_start3A_324] : memref<1664xi32, #tpu.memory_space<vmem>> -> memref<64xi32, #tpu.memory_space<vmem>>
    %dma_start3A_326 = arith.constant 0 : i32
    %dma_start3A_327 = arith.constant 0 : i32
    %dma_start3A_328 = tpu.memref_slice %arg3[%dma_start3A_320, %dma_start3A_326, %dma_start3A_327] : memref<26x100000x32xf32, #tpu.memory_space<hbm>> -> memref<1x100000x32xf32, #tpu.memory_space<hbm>>
    %dma_start3A_329 = tpu.memref_squeeze %dma_start3A_328 : memref<1x100000x32xf32, #tpu.memory_space<hbm>> -> memref<100000x32xf32, #tpu.memory_space<hbm>>
    %dma_start3A_330 = arith.constant 0 : i32
    %dma_start3A_331 = arith.constant 0 : i32
    %dma_start3A_332 = tpu.memref_slice %dma_start3A_329[%dma_start3A_330, %dma_start3A_331] : memref<100000x32xf32, #tpu.memory_space<hbm>> -> memref<100000x32xf32, #tpu.memory_space<hbm>>
    tpu.enqueue_indirect_dma source(%dma_start3A_332 : memref<100000x32xf32, #tpu.memory_space<hbm>>) target(%dma_start3A_323 : memref<64x32xf32, #tpu.memory_space<vmem>>) offsets(%dma_start3A_325 : memref<64xi32, #tpu.memory_space<vmem>>) semaphore(%arg9 : memref<!tpu.dma_semaphore, #tpu.memory_space<semaphore_mem>>)
    %dma_start3A_333 = arith.constant 25 : i32
    %dma_start3A_334 = arith.constant 1600 : i32
    %dma_start3A_335 = arith.constant 0 : i32
    %dma_start3A_336 = tpu.memref_slice %arg7[%dma_start3A_334, %dma_start3A_335] : memref<1664x32xf32, #tpu.memory_space<vmem>> -> memref<64x32xf32, #tpu.memory_space<vmem>>
    %dma_start3A_337 = arith.constant 1600 : i32
    %dma_start3A_338 = tpu.memref_slice %arg6[%dma_start3A_337] : memref<1664xi32, #tpu.memory_space<vmem>> -> memref<64xi32, #tpu.memory_space<vmem>>
    %dma_start3A_339 = arith.constant 0 : i32
    %dma_start3A_340 = arith.constant 0 : i32
    %dma_start3A_341 = tpu.memref_slice %arg3[%dma_start3A_333, %dma_start3A_339, %dma_start3A_340] : memref<26x100000x32xf32, #tpu.memory_space<hbm>> -> memref<1x100000x32xf32, #tpu.memory_space<hbm>>
    %dma_start3A_342 = tpu.memref_squeeze %dma_start3A_341 : memref<1x100000x32xf32, #tpu.memory_space<hbm>> -> memref<100000x32xf32, #tpu.memory_space<hbm>>
    %dma_start3A_343 = arith.constant 0 : i32
    %dma_start3A_344 = arith.constant 0 : i32
    %dma_start3A_345 = tpu.memref_slice %dma_start3A_342[%dma_start3A_343, %dma_start3A_344] : memref<100000x32xf32, #tpu.memory_space<hbm>> -> memref<100000x32xf32, #tpu.memory_space<hbm>>
    tpu.enqueue_indirect_dma source(%dma_start3A_345 : memref<100000x32xf32, #tpu.memory_space<hbm>>) target(%dma_start3A_336 : memref<64x32xf32, #tpu.memory_space<vmem>>) offsets(%dma_start3A_338 : memref<64xi32, #tpu.memory_space<vmem>>) semaphore(%arg9 : memref<!tpu.dma_semaphore, #tpu.memory_space<semaphore_mem>>)
    %dma_wait3A = arith.constant 0 : i32
    %dma_wait3A_346 = arith.constant 0 : i32
    %dma_wait3A_347 = arith.constant 0 : i32
    %dma_wait3A_348 = tpu.memref_slice %arg7[%dma_wait3A_346, %dma_wait3A_347] : memref<1664x32xf32, #tpu.memory_space<vmem>> -> memref<64x32xf32, #tpu.memory_space<vmem>>
    %dma_wait3A_349 = arith.constant 0 : i32
    %dma_wait3A_350 = tpu.memref_slice %arg6[%dma_wait3A_349] : memref<1664xi32, #tpu.memory_space<vmem>> -> memref<64xi32, #tpu.memory_space<vmem>>
    %dma_wait3A_351 = arith.constant 0 : i32
    %dma_wait3A_352 = arith.constant 0 : i32
    %dma_wait3A_353 = tpu.memref_slice %arg3[%dma_wait3A, %dma_wait3A_351, %dma_wait3A_352] : memref<26x100000x32xf32, #tpu.memory_space<hbm>> -> memref<1x100000x32xf32, #tpu.memory_space<hbm>>
    %dma_wait3A_354 = tpu.memref_squeeze %dma_wait3A_353 : memref<1x100000x32xf32, #tpu.memory_space<hbm>> -> memref<100000x32xf32, #tpu.memory_space<hbm>>
    %dma_wait3A_355 = arith.constant 0 : i32
    %dma_wait3A_356 = arith.constant 0 : i32
    %dma_wait3A_357 = tpu.memref_slice %dma_wait3A_354[%dma_wait3A_355, %dma_wait3A_356] : memref<100000x32xf32, #tpu.memory_space<hbm>> -> memref<100000x32xf32, #tpu.memory_space<hbm>>
    tpu.wait_indirect_dma semaphore(%arg9 : memref<!tpu.dma_semaphore, #tpu.memory_space<semaphore_mem>>) src(%dma_wait3A_357 : memref<100000x32xf32, #tpu.memory_space<hbm>>) dst(%dma_wait3A_348 : memref<64x32xf32, #tpu.memory_space<vmem>>)
    %dma_wait3A_358 = arith.constant 1 : i32
    %dma_wait3A_359 = arith.constant 64 : i32
    %dma_wait3A_360 = arith.constant 0 : i32
    %dma_wait3A_361 = tpu.memref_slice %arg7[%dma_wait3A_359, %dma_wait3A_360] : memref<1664x32xf32, #tpu.memory_space<vmem>> -> memref<64x32xf32, #tpu.memory_space<vmem>>
    %dma_wait3A_362 = arith.constant 64 : i32
    %dma_wait3A_363 = tpu.memref_slice %arg6[%dma_wait3A_362] : memref<1664xi32, #tpu.memory_space<vmem>> -> memref<64xi32, #tpu.memory_space<vmem>>
    %dma_wait3A_364 = arith.constant 0 : i32
    %dma_wait3A_365 = arith.constant 0 : i32
    %dma_wait3A_366 = tpu.memref_slice %arg3[%dma_wait3A_358, %dma_wait3A_364, %dma_wait3A_365] : memref<26x100000x32xf32, #tpu.memory_space<hbm>> -> memref<1x100000x32xf32, #tpu.memory_space<hbm>>
    %dma_wait3A_367 = tpu.memref_squeeze %dma_wait3A_366 : memref<1x100000x32xf32, #tpu.memory_space<hbm>> -> memref<100000x32xf32, #tpu.memory_space<hbm>>
    %dma_wait3A_368 = arith.constant 0 : i32
    %dma_wait3A_369 = arith.constant 0 : i32
    %dma_wait3A_370 = tpu.memref_slice %dma_wait3A_367[%dma_wait3A_368, %dma_wait3A_369] : memref<100000x32xf32, #tpu.memory_space<hbm>> -> memref<100000x32xf32, #tpu.memory_space<hbm>>
    tpu.wait_indirect_dma semaphore(%arg9 : memref<!tpu.dma_semaphore, #tpu.memory_space<semaphore_mem>>) src(%dma_wait3A_370 : memref<100000x32xf32, #tpu.memory_space<hbm>>) dst(%dma_wait3A_361 : memref<64x32xf32, #tpu.memory_space<vmem>>)
    %dma_wait3A_371 = arith.constant 2 : i32
    %dma_wait3A_372 = arith.constant 128 : i32
    %dma_wait3A_373 = arith.constant 0 : i32
    %dma_wait3A_374 = tpu.memref_slice %arg7[%dma_wait3A_372, %dma_wait3A_373] : memref<1664x32xf32, #tpu.memory_space<vmem>> -> memref<64x32xf32, #tpu.memory_space<vmem>>
    %dma_wait3A_375 = arith.constant 128 : i32
    %dma_wait3A_376 = tpu.memref_slice %arg6[%dma_wait3A_375] : memref<1664xi32, #tpu.memory_space<vmem>> -> memref<64xi32, #tpu.memory_space<vmem>>
    %dma_wait3A_377 = arith.constant 0 : i32
    %dma_wait3A_378 = arith.constant 0 : i32
    %dma_wait3A_379 = tpu.memref_slice %arg3[%dma_wait3A_371, %dma_wait3A_377, %dma_wait3A_378] : memref<26x100000x32xf32, #tpu.memory_space<hbm>> -> memref<1x100000x32xf32, #tpu.memory_space<hbm>>
    %dma_wait3A_380 = tpu.memref_squeeze %dma_wait3A_379 : memref<1x100000x32xf32, #tpu.memory_space<hbm>> -> memref<100000x32xf32, #tpu.memory_space<hbm>>
    %dma_wait3A_381 = arith.constant 0 : i32
    %dma_wait3A_382 = arith.constant 0 : i32
    %dma_wait3A_383 = tpu.memref_slice %dma_wait3A_380[%dma_wait3A_381, %dma_wait3A_382] : memref<100000x32xf32, #tpu.memory_space<hbm>> -> memref<100000x32xf32, #tpu.memory_space<hbm>>
    tpu.wait_indirect_dma semaphore(%arg9 : memref<!tpu.dma_semaphore, #tpu.memory_space<semaphore_mem>>) src(%dma_wait3A_383 : memref<100000x32xf32, #tpu.memory_space<hbm>>) dst(%dma_wait3A_374 : memref<64x32xf32, #tpu.memory_space<vmem>>)
    %dma_wait3A_384 = arith.constant 3 : i32
    %dma_wait3A_385 = arith.constant 192 : i32
    %dma_wait3A_386 = arith.constant 0 : i32
    %dma_wait3A_387 = tpu.memref_slice %arg7[%dma_wait3A_385, %dma_wait3A_386] : memref<1664x32xf32, #tpu.memory_space<vmem>> -> memref<64x32xf32, #tpu.memory_space<vmem>>
    %dma_wait3A_388 = arith.constant 192 : i32
    %dma_wait3A_389 = tpu.memref_slice %arg6[%dma_wait3A_388] : memref<1664xi32, #tpu.memory_space<vmem>> -> memref<64xi32, #tpu.memory_space<vmem>>
    %dma_wait3A_390 = arith.constant 0 : i32
    %dma_wait3A_391 = arith.constant 0 : i32
    %dma_wait3A_392 = tpu.memref_slice %arg3[%dma_wait3A_384, %dma_wait3A_390, %dma_wait3A_391] : memref<26x100000x32xf32, #tpu.memory_space<hbm>> -> memref<1x100000x32xf32, #tpu.memory_space<hbm>>
    %dma_wait3A_393 = tpu.memref_squeeze %dma_wait3A_392 : memref<1x100000x32xf32, #tpu.memory_space<hbm>> -> memref<100000x32xf32, #tpu.memory_space<hbm>>
    %dma_wait3A_394 = arith.constant 0 : i32
    %dma_wait3A_395 = arith.constant 0 : i32
    %dma_wait3A_396 = tpu.memref_slice %dma_wait3A_393[%dma_wait3A_394, %dma_wait3A_395] : memref<100000x32xf32, #tpu.memory_space<hbm>> -> memref<100000x32xf32, #tpu.memory_space<hbm>>
    tpu.wait_indirect_dma semaphore(%arg9 : memref<!tpu.dma_semaphore, #tpu.memory_space<semaphore_mem>>) src(%dma_wait3A_396 : memref<100000x32xf32, #tpu.memory_space<hbm>>) dst(%dma_wait3A_387 : memref<64x32xf32, #tpu.memory_space<vmem>>)
    %dma_wait3A_397 = arith.constant 4 : i32
    %dma_wait3A_398 = arith.constant 256 : i32
    %dma_wait3A_399 = arith.constant 0 : i32
    %dma_wait3A_400 = tpu.memref_slice %arg7[%dma_wait3A_398, %dma_wait3A_399] : memref<1664x32xf32, #tpu.memory_space<vmem>> -> memref<64x32xf32, #tpu.memory_space<vmem>>
    %dma_wait3A_401 = arith.constant 256 : i32
    %dma_wait3A_402 = tpu.memref_slice %arg6[%dma_wait3A_401] : memref<1664xi32, #tpu.memory_space<vmem>> -> memref<64xi32, #tpu.memory_space<vmem>>
    %dma_wait3A_403 = arith.constant 0 : i32
    %dma_wait3A_404 = arith.constant 0 : i32
    %dma_wait3A_405 = tpu.memref_slice %arg3[%dma_wait3A_397, %dma_wait3A_403, %dma_wait3A_404] : memref<26x100000x32xf32, #tpu.memory_space<hbm>> -> memref<1x100000x32xf32, #tpu.memory_space<hbm>>
    %dma_wait3A_406 = tpu.memref_squeeze %dma_wait3A_405 : memref<1x100000x32xf32, #tpu.memory_space<hbm>> -> memref<100000x32xf32, #tpu.memory_space<hbm>>
    %dma_wait3A_407 = arith.constant 0 : i32
    %dma_wait3A_408 = arith.constant 0 : i32
    %dma_wait3A_409 = tpu.memref_slice %dma_wait3A_406[%dma_wait3A_407, %dma_wait3A_408] : memref<100000x32xf32, #tpu.memory_space<hbm>> -> memref<100000x32xf32, #tpu.memory_space<hbm>>
    tpu.wait_indirect_dma semaphore(%arg9 : memref<!tpu.dma_semaphore, #tpu.memory_space<semaphore_mem>>) src(%dma_wait3A_409 : memref<100000x32xf32, #tpu.memory_space<hbm>>) dst(%dma_wait3A_400 : memref<64x32xf32, #tpu.memory_space<vmem>>)
    %dma_wait3A_410 = arith.constant 5 : i32
    %dma_wait3A_411 = arith.constant 320 : i32
    %dma_wait3A_412 = arith.constant 0 : i32
    %dma_wait3A_413 = tpu.memref_slice %arg7[%dma_wait3A_411, %dma_wait3A_412] : memref<1664x32xf32, #tpu.memory_space<vmem>> -> memref<64x32xf32, #tpu.memory_space<vmem>>
    %dma_wait3A_414 = arith.constant 320 : i32
    %dma_wait3A_415 = tpu.memref_slice %arg6[%dma_wait3A_414] : memref<1664xi32, #tpu.memory_space<vmem>> -> memref<64xi32, #tpu.memory_space<vmem>>
    %dma_wait3A_416 = arith.constant 0 : i32
    %dma_wait3A_417 = arith.constant 0 : i32
    %dma_wait3A_418 = tpu.memref_slice %arg3[%dma_wait3A_410, %dma_wait3A_416, %dma_wait3A_417] : memref<26x100000x32xf32, #tpu.memory_space<hbm>> -> memref<1x100000x32xf32, #tpu.memory_space<hbm>>
    %dma_wait3A_419 = tpu.memref_squeeze %dma_wait3A_418 : memref<1x100000x32xf32, #tpu.memory_space<hbm>> -> memref<100000x32xf32, #tpu.memory_space<hbm>>
    %dma_wait3A_420 = arith.constant 0 : i32
    %dma_wait3A_421 = arith.constant 0 : i32
    %dma_wait3A_422 = tpu.memref_slice %dma_wait3A_419[%dma_wait3A_420, %dma_wait3A_421] : memref<100000x32xf32, #tpu.memory_space<hbm>> -> memref<100000x32xf32, #tpu.memory_space<hbm>>
    tpu.wait_indirect_dma semaphore(%arg9 : memref<!tpu.dma_semaphore, #tpu.memory_space<semaphore_mem>>) src(%dma_wait3A_422 : memref<100000x32xf32, #tpu.memory_space<hbm>>) dst(%dma_wait3A_413 : memref<64x32xf32, #tpu.memory_space<vmem>>)
    %dma_wait3A_423 = arith.constant 6 : i32
    %dma_wait3A_424 = arith.constant 384 : i32
    %dma_wait3A_425 = arith.constant 0 : i32
    %dma_wait3A_426 = tpu.memref_slice %arg7[%dma_wait3A_424, %dma_wait3A_425] : memref<1664x32xf32, #tpu.memory_space<vmem>> -> memref<64x32xf32, #tpu.memory_space<vmem>>
    %dma_wait3A_427 = arith.constant 384 : i32
    %dma_wait3A_428 = tpu.memref_slice %arg6[%dma_wait3A_427] : memref<1664xi32, #tpu.memory_space<vmem>> -> memref<64xi32, #tpu.memory_space<vmem>>
    %dma_wait3A_429 = arith.constant 0 : i32
    %dma_wait3A_430 = arith.constant 0 : i32
    %dma_wait3A_431 = tpu.memref_slice %arg3[%dma_wait3A_423, %dma_wait3A_429, %dma_wait3A_430] : memref<26x100000x32xf32, #tpu.memory_space<hbm>> -> memref<1x100000x32xf32, #tpu.memory_space<hbm>>
    %dma_wait3A_432 = tpu.memref_squeeze %dma_wait3A_431 : memref<1x100000x32xf32, #tpu.memory_space<hbm>> -> memref<100000x32xf32, #tpu.memory_space<hbm>>
    %dma_wait3A_433 = arith.constant 0 : i32
    %dma_wait3A_434 = arith.constant 0 : i32
    %dma_wait3A_435 = tpu.memref_slice %dma_wait3A_432[%dma_wait3A_433, %dma_wait3A_434] : memref<100000x32xf32, #tpu.memory_space<hbm>> -> memref<100000x32xf32, #tpu.memory_space<hbm>>
    tpu.wait_indirect_dma semaphore(%arg9 : memref<!tpu.dma_semaphore, #tpu.memory_space<semaphore_mem>>) src(%dma_wait3A_435 : memref<100000x32xf32, #tpu.memory_space<hbm>>) dst(%dma_wait3A_426 : memref<64x32xf32, #tpu.memory_space<vmem>>)
    %dma_wait3A_436 = arith.constant 7 : i32
    %dma_wait3A_437 = arith.constant 448 : i32
    %dma_wait3A_438 = arith.constant 0 : i32
    %dma_wait3A_439 = tpu.memref_slice %arg7[%dma_wait3A_437, %dma_wait3A_438] : memref<1664x32xf32, #tpu.memory_space<vmem>> -> memref<64x32xf32, #tpu.memory_space<vmem>>
    %dma_wait3A_440 = arith.constant 448 : i32
    %dma_wait3A_441 = tpu.memref_slice %arg6[%dma_wait3A_440] : memref<1664xi32, #tpu.memory_space<vmem>> -> memref<64xi32, #tpu.memory_space<vmem>>
    %dma_wait3A_442 = arith.constant 0 : i32
    %dma_wait3A_443 = arith.constant 0 : i32
    %dma_wait3A_444 = tpu.memref_slice %arg3[%dma_wait3A_436, %dma_wait3A_442, %dma_wait3A_443] : memref<26x100000x32xf32, #tpu.memory_space<hbm>> -> memref<1x100000x32xf32, #tpu.memory_space<hbm>>
    %dma_wait3A_445 = tpu.memref_squeeze %dma_wait3A_444 : memref<1x100000x32xf32, #tpu.memory_space<hbm>> -> memref<100000x32xf32, #tpu.memory_space<hbm>>
    %dma_wait3A_446 = arith.constant 0 : i32
    %dma_wait3A_447 = arith.constant 0 : i32
    %dma_wait3A_448 = tpu.memref_slice %dma_wait3A_445[%dma_wait3A_446, %dma_wait3A_447] : memref<100000x32xf32, #tpu.memory_space<hbm>> -> memref<100000x32xf32, #tpu.memory_space<hbm>>
    tpu.wait_indirect_dma semaphore(%arg9 : memref<!tpu.dma_semaphore, #tpu.memory_space<semaphore_mem>>) src(%dma_wait3A_448 : memref<100000x32xf32, #tpu.memory_space<hbm>>) dst(%dma_wait3A_439 : memref<64x32xf32, #tpu.memory_space<vmem>>)
    %dma_wait3A_449 = arith.constant 8 : i32
    %dma_wait3A_450 = arith.constant 512 : i32
    %dma_wait3A_451 = arith.constant 0 : i32
    %dma_wait3A_452 = tpu.memref_slice %arg7[%dma_wait3A_450, %dma_wait3A_451] : memref<1664x32xf32, #tpu.memory_space<vmem>> -> memref<64x32xf32, #tpu.memory_space<vmem>>
    %dma_wait3A_453 = arith.constant 512 : i32
    %dma_wait3A_454 = tpu.memref_slice %arg6[%dma_wait3A_453] : memref<1664xi32, #tpu.memory_space<vmem>> -> memref<64xi32, #tpu.memory_space<vmem>>
    %dma_wait3A_455 = arith.constant 0 : i32
    %dma_wait3A_456 = arith.constant 0 : i32
    %dma_wait3A_457 = tpu.memref_slice %arg3[%dma_wait3A_449, %dma_wait3A_455, %dma_wait3A_456] : memref<26x100000x32xf32, #tpu.memory_space<hbm>> -> memref<1x100000x32xf32, #tpu.memory_space<hbm>>
    %dma_wait3A_458 = tpu.memref_squeeze %dma_wait3A_457 : memref<1x100000x32xf32, #tpu.memory_space<hbm>> -> memref<100000x32xf32, #tpu.memory_space<hbm>>
    %dma_wait3A_459 = arith.constant 0 : i32
    %dma_wait3A_460 = arith.constant 0 : i32
    %dma_wait3A_461 = tpu.memref_slice %dma_wait3A_458[%dma_wait3A_459, %dma_wait3A_460] : memref<100000x32xf32, #tpu.memory_space<hbm>> -> memref<100000x32xf32, #tpu.memory_space<hbm>>
    tpu.wait_indirect_dma semaphore(%arg9 : memref<!tpu.dma_semaphore, #tpu.memory_space<semaphore_mem>>) src(%dma_wait3A_461 : memref<100000x32xf32, #tpu.memory_space<hbm>>) dst(%dma_wait3A_452 : memref<64x32xf32, #tpu.memory_space<vmem>>)
    %dma_wait3A_462 = arith.constant 9 : i32
    %dma_wait3A_463 = arith.constant 576 : i32
    %dma_wait3A_464 = arith.constant 0 : i32
    %dma_wait3A_465 = tpu.memref_slice %arg7[%dma_wait3A_463, %dma_wait3A_464] : memref<1664x32xf32, #tpu.memory_space<vmem>> -> memref<64x32xf32, #tpu.memory_space<vmem>>
    %dma_wait3A_466 = arith.constant 576 : i32
    %dma_wait3A_467 = tpu.memref_slice %arg6[%dma_wait3A_466] : memref<1664xi32, #tpu.memory_space<vmem>> -> memref<64xi32, #tpu.memory_space<vmem>>
    %dma_wait3A_468 = arith.constant 0 : i32
    %dma_wait3A_469 = arith.constant 0 : i32
    %dma_wait3A_470 = tpu.memref_slice %arg3[%dma_wait3A_462, %dma_wait3A_468, %dma_wait3A_469] : memref<26x100000x32xf32, #tpu.memory_space<hbm>> -> memref<1x100000x32xf32, #tpu.memory_space<hbm>>
    %dma_wait3A_471 = tpu.memref_squeeze %dma_wait3A_470 : memref<1x100000x32xf32, #tpu.memory_space<hbm>> -> memref<100000x32xf32, #tpu.memory_space<hbm>>
    %dma_wait3A_472 = arith.constant 0 : i32
    %dma_wait3A_473 = arith.constant 0 : i32
    %dma_wait3A_474 = tpu.memref_slice %dma_wait3A_471[%dma_wait3A_472, %dma_wait3A_473] : memref<100000x32xf32, #tpu.memory_space<hbm>> -> memref<100000x32xf32, #tpu.memory_space<hbm>>
    tpu.wait_indirect_dma semaphore(%arg9 : memref<!tpu.dma_semaphore, #tpu.memory_space<semaphore_mem>>) src(%dma_wait3A_474 : memref<100000x32xf32, #tpu.memory_space<hbm>>) dst(%dma_wait3A_465 : memref<64x32xf32, #tpu.memory_space<vmem>>)
    %dma_wait3A_475 = arith.constant 10 : i32
    %dma_wait3A_476 = arith.constant 640 : i32
    %dma_wait3A_477 = arith.constant 0 : i32
    %dma_wait3A_478 = tpu.memref_slice %arg7[%dma_wait3A_476, %dma_wait3A_477] : memref<1664x32xf32, #tpu.memory_space<vmem>> -> memref<64x32xf32, #tpu.memory_space<vmem>>
    %dma_wait3A_479 = arith.constant 640 : i32
    %dma_wait3A_480 = tpu.memref_slice %arg6[%dma_wait3A_479] : memref<1664xi32, #tpu.memory_space<vmem>> -> memref<64xi32, #tpu.memory_space<vmem>>
    %dma_wait3A_481 = arith.constant 0 : i32
    %dma_wait3A_482 = arith.constant 0 : i32
    %dma_wait3A_483 = tpu.memref_slice %arg3[%dma_wait3A_475, %dma_wait3A_481, %dma_wait3A_482] : memref<26x100000x32xf32, #tpu.memory_space<hbm>> -> memref<1x100000x32xf32, #tpu.memory_space<hbm>>
    %dma_wait3A_484 = tpu.memref_squeeze %dma_wait3A_483 : memref<1x100000x32xf32, #tpu.memory_space<hbm>> -> memref<100000x32xf32, #tpu.memory_space<hbm>>
    %dma_wait3A_485 = arith.constant 0 : i32
    %dma_wait3A_486 = arith.constant 0 : i32
    %dma_wait3A_487 = tpu.memref_slice %dma_wait3A_484[%dma_wait3A_485, %dma_wait3A_486] : memref<100000x32xf32, #tpu.memory_space<hbm>> -> memref<100000x32xf32, #tpu.memory_space<hbm>>
    tpu.wait_indirect_dma semaphore(%arg9 : memref<!tpu.dma_semaphore, #tpu.memory_space<semaphore_mem>>) src(%dma_wait3A_487 : memref<100000x32xf32, #tpu.memory_space<hbm>>) dst(%dma_wait3A_478 : memref<64x32xf32, #tpu.memory_space<vmem>>)
    %dma_wait3A_488 = arith.constant 11 : i32
    %dma_wait3A_489 = arith.constant 704 : i32
    %dma_wait3A_490 = arith.constant 0 : i32
    %dma_wait3A_491 = tpu.memref_slice %arg7[%dma_wait3A_489, %dma_wait3A_490] : memref<1664x32xf32, #tpu.memory_space<vmem>> -> memref<64x32xf32, #tpu.memory_space<vmem>>
    %dma_wait3A_492 = arith.constant 704 : i32
    %dma_wait3A_493 = tpu.memref_slice %arg6[%dma_wait3A_492] : memref<1664xi32, #tpu.memory_space<vmem>> -> memref<64xi32, #tpu.memory_space<vmem>>
    %dma_wait3A_494 = arith.constant 0 : i32
    %dma_wait3A_495 = arith.constant 0 : i32
    %dma_wait3A_496 = tpu.memref_slice %arg3[%dma_wait3A_488, %dma_wait3A_494, %dma_wait3A_495] : memref<26x100000x32xf32, #tpu.memory_space<hbm>> -> memref<1x100000x32xf32, #tpu.memory_space<hbm>>
    %dma_wait3A_497 = tpu.memref_squeeze %dma_wait3A_496 : memref<1x100000x32xf32, #tpu.memory_space<hbm>> -> memref<100000x32xf32, #tpu.memory_space<hbm>>
    %dma_wait3A_498 = arith.constant 0 : i32
    %dma_wait3A_499 = arith.constant 0 : i32
    %dma_wait3A_500 = tpu.memref_slice %dma_wait3A_497[%dma_wait3A_498, %dma_wait3A_499] : memref<100000x32xf32, #tpu.memory_space<hbm>> -> memref<100000x32xf32, #tpu.memory_space<hbm>>
    tpu.wait_indirect_dma semaphore(%arg9 : memref<!tpu.dma_semaphore, #tpu.memory_space<semaphore_mem>>) src(%dma_wait3A_500 : memref<100000x32xf32, #tpu.memory_space<hbm>>) dst(%dma_wait3A_491 : memref<64x32xf32, #tpu.memory_space<vmem>>)
    %dma_wait3A_501 = arith.constant 12 : i32
    %dma_wait3A_502 = arith.constant 768 : i32
    %dma_wait3A_503 = arith.constant 0 : i32
    %dma_wait3A_504 = tpu.memref_slice %arg7[%dma_wait3A_502, %dma_wait3A_503] : memref<1664x32xf32, #tpu.memory_space<vmem>> -> memref<64x32xf32, #tpu.memory_space<vmem>>
    %dma_wait3A_505 = arith.constant 768 : i32
    %dma_wait3A_506 = tpu.memref_slice %arg6[%dma_wait3A_505] : memref<1664xi32, #tpu.memory_space<vmem>> -> memref<64xi32, #tpu.memory_space<vmem>>
    %dma_wait3A_507 = arith.constant 0 : i32
    %dma_wait3A_508 = arith.constant 0 : i32
    %dma_wait3A_509 = tpu.memref_slice %arg3[%dma_wait3A_501, %dma_wait3A_507, %dma_wait3A_508] : memref<26x100000x32xf32, #tpu.memory_space<hbm>> -> memref<1x100000x32xf32, #tpu.memory_space<hbm>>
    %dma_wait3A_510 = tpu.memref_squeeze %dma_wait3A_509 : memref<1x100000x32xf32, #tpu.memory_space<hbm>> -> memref<100000x32xf32, #tpu.memory_space<hbm>>
    %dma_wait3A_511 = arith.constant 0 : i32
    %dma_wait3A_512 = arith.constant 0 : i32
    %dma_wait3A_513 = tpu.memref_slice %dma_wait3A_510[%dma_wait3A_511, %dma_wait3A_512] : memref<100000x32xf32, #tpu.memory_space<hbm>> -> memref<100000x32xf32, #tpu.memory_space<hbm>>
    tpu.wait_indirect_dma semaphore(%arg9 : memref<!tpu.dma_semaphore, #tpu.memory_space<semaphore_mem>>) src(%dma_wait3A_513 : memref<100000x32xf32, #tpu.memory_space<hbm>>) dst(%dma_wait3A_504 : memref<64x32xf32, #tpu.memory_space<vmem>>)
    %dma_wait3A_514 = arith.constant 13 : i32
    %dma_wait3A_515 = arith.constant 832 : i32
    %dma_wait3A_516 = arith.constant 0 : i32
    %dma_wait3A_517 = tpu.memref_slice %arg7[%dma_wait3A_515, %dma_wait3A_516] : memref<1664x32xf32, #tpu.memory_space<vmem>> -> memref<64x32xf32, #tpu.memory_space<vmem>>
    %dma_wait3A_518 = arith.constant 832 : i32
    %dma_wait3A_519 = tpu.memref_slice %arg6[%dma_wait3A_518] : memref<1664xi32, #tpu.memory_space<vmem>> -> memref<64xi32, #tpu.memory_space<vmem>>
    %dma_wait3A_520 = arith.constant 0 : i32
    %dma_wait3A_521 = arith.constant 0 : i32
    %dma_wait3A_522 = tpu.memref_slice %arg3[%dma_wait3A_514, %dma_wait3A_520, %dma_wait3A_521] : memref<26x100000x32xf32, #tpu.memory_space<hbm>> -> memref<1x100000x32xf32, #tpu.memory_space<hbm>>
    %dma_wait3A_523 = tpu.memref_squeeze %dma_wait3A_522 : memref<1x100000x32xf32, #tpu.memory_space<hbm>> -> memref<100000x32xf32, #tpu.memory_space<hbm>>
    %dma_wait3A_524 = arith.constant 0 : i32
    %dma_wait3A_525 = arith.constant 0 : i32
    %dma_wait3A_526 = tpu.memref_slice %dma_wait3A_523[%dma_wait3A_524, %dma_wait3A_525] : memref<100000x32xf32, #tpu.memory_space<hbm>> -> memref<100000x32xf32, #tpu.memory_space<hbm>>
    tpu.wait_indirect_dma semaphore(%arg9 : memref<!tpu.dma_semaphore, #tpu.memory_space<semaphore_mem>>) src(%dma_wait3A_526 : memref<100000x32xf32, #tpu.memory_space<hbm>>) dst(%dma_wait3A_517 : memref<64x32xf32, #tpu.memory_space<vmem>>)
    %dma_wait3A_527 = arith.constant 14 : i32
    %dma_wait3A_528 = arith.constant 896 : i32
    %dma_wait3A_529 = arith.constant 0 : i32
    %dma_wait3A_530 = tpu.memref_slice %arg7[%dma_wait3A_528, %dma_wait3A_529] : memref<1664x32xf32, #tpu.memory_space<vmem>> -> memref<64x32xf32, #tpu.memory_space<vmem>>
    %dma_wait3A_531 = arith.constant 896 : i32
    %dma_wait3A_532 = tpu.memref_slice %arg6[%dma_wait3A_531] : memref<1664xi32, #tpu.memory_space<vmem>> -> memref<64xi32, #tpu.memory_space<vmem>>
    %dma_wait3A_533 = arith.constant 0 : i32
    %dma_wait3A_534 = arith.constant 0 : i32
    %dma_wait3A_535 = tpu.memref_slice %arg3[%dma_wait3A_527, %dma_wait3A_533, %dma_wait3A_534] : memref<26x100000x32xf32, #tpu.memory_space<hbm>> -> memref<1x100000x32xf32, #tpu.memory_space<hbm>>
    %dma_wait3A_536 = tpu.memref_squeeze %dma_wait3A_535 : memref<1x100000x32xf32, #tpu.memory_space<hbm>> -> memref<100000x32xf32, #tpu.memory_space<hbm>>
    %dma_wait3A_537 = arith.constant 0 : i32
    %dma_wait3A_538 = arith.constant 0 : i32
    %dma_wait3A_539 = tpu.memref_slice %dma_wait3A_536[%dma_wait3A_537, %dma_wait3A_538] : memref<100000x32xf32, #tpu.memory_space<hbm>> -> memref<100000x32xf32, #tpu.memory_space<hbm>>
    tpu.wait_indirect_dma semaphore(%arg9 : memref<!tpu.dma_semaphore, #tpu.memory_space<semaphore_mem>>) src(%dma_wait3A_539 : memref<100000x32xf32, #tpu.memory_space<hbm>>) dst(%dma_wait3A_530 : memref<64x32xf32, #tpu.memory_space<vmem>>)
    %dma_wait3A_540 = arith.constant 15 : i32
    %dma_wait3A_541 = arith.constant 960 : i32
    %dma_wait3A_542 = arith.constant 0 : i32
    %dma_wait3A_543 = tpu.memref_slice %arg7[%dma_wait3A_541, %dma_wait3A_542] : memref<1664x32xf32, #tpu.memory_space<vmem>> -> memref<64x32xf32, #tpu.memory_space<vmem>>
    %dma_wait3A_544 = arith.constant 960 : i32
    %dma_wait3A_545 = tpu.memref_slice %arg6[%dma_wait3A_544] : memref<1664xi32, #tpu.memory_space<vmem>> -> memref<64xi32, #tpu.memory_space<vmem>>
    %dma_wait3A_546 = arith.constant 0 : i32
    %dma_wait3A_547 = arith.constant 0 : i32
    %dma_wait3A_548 = tpu.memref_slice %arg3[%dma_wait3A_540, %dma_wait3A_546, %dma_wait3A_547] : memref<26x100000x32xf32, #tpu.memory_space<hbm>> -> memref<1x100000x32xf32, #tpu.memory_space<hbm>>
    %dma_wait3A_549 = tpu.memref_squeeze %dma_wait3A_548 : memref<1x100000x32xf32, #tpu.memory_space<hbm>> -> memref<100000x32xf32, #tpu.memory_space<hbm>>
    %dma_wait3A_550 = arith.constant 0 : i32
    %dma_wait3A_551 = arith.constant 0 : i32
    %dma_wait3A_552 = tpu.memref_slice %dma_wait3A_549[%dma_wait3A_550, %dma_wait3A_551] : memref<100000x32xf32, #tpu.memory_space<hbm>> -> memref<100000x32xf32, #tpu.memory_space<hbm>>
    tpu.wait_indirect_dma semaphore(%arg9 : memref<!tpu.dma_semaphore, #tpu.memory_space<semaphore_mem>>) src(%dma_wait3A_552 : memref<100000x32xf32, #tpu.memory_space<hbm>>) dst(%dma_wait3A_543 : memref<64x32xf32, #tpu.memory_space<vmem>>)
    %dma_wait3A_553 = arith.constant 16 : i32
    %dma_wait3A_554 = arith.constant 1024 : i32
    %dma_wait3A_555 = arith.constant 0 : i32
    %dma_wait3A_556 = tpu.memref_slice %arg7[%dma_wait3A_554, %dma_wait3A_555] : memref<1664x32xf32, #tpu.memory_space<vmem>> -> memref<64x32xf32, #tpu.memory_space<vmem>>
    %dma_wait3A_557 = arith.constant 1024 : i32
    %dma_wait3A_558 = tpu.memref_slice %arg6[%dma_wait3A_557] : memref<1664xi32, #tpu.memory_space<vmem>> -> memref<64xi32, #tpu.memory_space<vmem>>
    %dma_wait3A_559 = arith.constant 0 : i32
    %dma_wait3A_560 = arith.constant 0 : i32
    %dma_wait3A_561 = tpu.memref_slice %arg3[%dma_wait3A_553, %dma_wait3A_559, %dma_wait3A_560] : memref<26x100000x32xf32, #tpu.memory_space<hbm>> -> memref<1x100000x32xf32, #tpu.memory_space<hbm>>
    %dma_wait3A_562 = tpu.memref_squeeze %dma_wait3A_561 : memref<1x100000x32xf32, #tpu.memory_space<hbm>> -> memref<100000x32xf32, #tpu.memory_space<hbm>>
    %dma_wait3A_563 = arith.constant 0 : i32
    %dma_wait3A_564 = arith.constant 0 : i32
    %dma_wait3A_565 = tpu.memref_slice %dma_wait3A_562[%dma_wait3A_563, %dma_wait3A_564] : memref<100000x32xf32, #tpu.memory_space<hbm>> -> memref<100000x32xf32, #tpu.memory_space<hbm>>
    tpu.wait_indirect_dma semaphore(%arg9 : memref<!tpu.dma_semaphore, #tpu.memory_space<semaphore_mem>>) src(%dma_wait3A_565 : memref<100000x32xf32, #tpu.memory_space<hbm>>) dst(%dma_wait3A_556 : memref<64x32xf32, #tpu.memory_space<vmem>>)
    %dma_wait3A_566 = arith.constant 17 : i32
    %dma_wait3A_567 = arith.constant 1088 : i32
    %dma_wait3A_568 = arith.constant 0 : i32
    %dma_wait3A_569 = tpu.memref_slice %arg7[%dma_wait3A_567, %dma_wait3A_568] : memref<1664x32xf32, #tpu.memory_space<vmem>> -> memref<64x32xf32, #tpu.memory_space<vmem>>
    %dma_wait3A_570 = arith.constant 1088 : i32
    %dma_wait3A_571 = tpu.memref_slice %arg6[%dma_wait3A_570] : memref<1664xi32, #tpu.memory_space<vmem>> -> memref<64xi32, #tpu.memory_space<vmem>>
    %dma_wait3A_572 = arith.constant 0 : i32
    %dma_wait3A_573 = arith.constant 0 : i32
    %dma_wait3A_574 = tpu.memref_slice %arg3[%dma_wait3A_566, %dma_wait3A_572, %dma_wait3A_573] : memref<26x100000x32xf32, #tpu.memory_space<hbm>> -> memref<1x100000x32xf32, #tpu.memory_space<hbm>>
    %dma_wait3A_575 = tpu.memref_squeeze %dma_wait3A_574 : memref<1x100000x32xf32, #tpu.memory_space<hbm>> -> memref<100000x32xf32, #tpu.memory_space<hbm>>
    %dma_wait3A_576 = arith.constant 0 : i32
    %dma_wait3A_577 = arith.constant 0 : i32
    %dma_wait3A_578 = tpu.memref_slice %dma_wait3A_575[%dma_wait3A_576, %dma_wait3A_577] : memref<100000x32xf32, #tpu.memory_space<hbm>> -> memref<100000x32xf32, #tpu.memory_space<hbm>>
    tpu.wait_indirect_dma semaphore(%arg9 : memref<!tpu.dma_semaphore, #tpu.memory_space<semaphore_mem>>) src(%dma_wait3A_578 : memref<100000x32xf32, #tpu.memory_space<hbm>>) dst(%dma_wait3A_569 : memref<64x32xf32, #tpu.memory_space<vmem>>)
    %dma_wait3A_579 = arith.constant 18 : i32
    %dma_wait3A_580 = arith.constant 1152 : i32
    %dma_wait3A_581 = arith.constant 0 : i32
    %dma_wait3A_582 = tpu.memref_slice %arg7[%dma_wait3A_580, %dma_wait3A_581] : memref<1664x32xf32, #tpu.memory_space<vmem>> -> memref<64x32xf32, #tpu.memory_space<vmem>>
    %dma_wait3A_583 = arith.constant 1152 : i32
    %dma_wait3A_584 = tpu.memref_slice %arg6[%dma_wait3A_583] : memref<1664xi32, #tpu.memory_space<vmem>> -> memref<64xi32, #tpu.memory_space<vmem>>
    %dma_wait3A_585 = arith.constant 0 : i32
    %dma_wait3A_586 = arith.constant 0 : i32
    %dma_wait3A_587 = tpu.memref_slice %arg3[%dma_wait3A_579, %dma_wait3A_585, %dma_wait3A_586] : memref<26x100000x32xf32, #tpu.memory_space<hbm>> -> memref<1x100000x32xf32, #tpu.memory_space<hbm>>
    %dma_wait3A_588 = tpu.memref_squeeze %dma_wait3A_587 : memref<1x100000x32xf32, #tpu.memory_space<hbm>> -> memref<100000x32xf32, #tpu.memory_space<hbm>>
    %dma_wait3A_589 = arith.constant 0 : i32
    %dma_wait3A_590 = arith.constant 0 : i32
    %dma_wait3A_591 = tpu.memref_slice %dma_wait3A_588[%dma_wait3A_589, %dma_wait3A_590] : memref<100000x32xf32, #tpu.memory_space<hbm>> -> memref<100000x32xf32, #tpu.memory_space<hbm>>
    tpu.wait_indirect_dma semaphore(%arg9 : memref<!tpu.dma_semaphore, #tpu.memory_space<semaphore_mem>>) src(%dma_wait3A_591 : memref<100000x32xf32, #tpu.memory_space<hbm>>) dst(%dma_wait3A_582 : memref<64x32xf32, #tpu.memory_space<vmem>>)
    %dma_wait3A_592 = arith.constant 19 : i32
    %dma_wait3A_593 = arith.constant 1216 : i32
    %dma_wait3A_594 = arith.constant 0 : i32
    %dma_wait3A_595 = tpu.memref_slice %arg7[%dma_wait3A_593, %dma_wait3A_594] : memref<1664x32xf32, #tpu.memory_space<vmem>> -> memref<64x32xf32, #tpu.memory_space<vmem>>
    %dma_wait3A_596 = arith.constant 1216 : i32
    %dma_wait3A_597 = tpu.memref_slice %arg6[%dma_wait3A_596] : memref<1664xi32, #tpu.memory_space<vmem>> -> memref<64xi32, #tpu.memory_space<vmem>>
    %dma_wait3A_598 = arith.constant 0 : i32
    %dma_wait3A_599 = arith.constant 0 : i32
    %dma_wait3A_600 = tpu.memref_slice %arg3[%dma_wait3A_592, %dma_wait3A_598, %dma_wait3A_599] : memref<26x100000x32xf32, #tpu.memory_space<hbm>> -> memref<1x100000x32xf32, #tpu.memory_space<hbm>>
    %dma_wait3A_601 = tpu.memref_squeeze %dma_wait3A_600 : memref<1x100000x32xf32, #tpu.memory_space<hbm>> -> memref<100000x32xf32, #tpu.memory_space<hbm>>
    %dma_wait3A_602 = arith.constant 0 : i32
    %dma_wait3A_603 = arith.constant 0 : i32
    %dma_wait3A_604 = tpu.memref_slice %dma_wait3A_601[%dma_wait3A_602, %dma_wait3A_603] : memref<100000x32xf32, #tpu.memory_space<hbm>> -> memref<100000x32xf32, #tpu.memory_space<hbm>>
    tpu.wait_indirect_dma semaphore(%arg9 : memref<!tpu.dma_semaphore, #tpu.memory_space<semaphore_mem>>) src(%dma_wait3A_604 : memref<100000x32xf32, #tpu.memory_space<hbm>>) dst(%dma_wait3A_595 : memref<64x32xf32, #tpu.memory_space<vmem>>)
    %dma_wait3A_605 = arith.constant 20 : i32
    %dma_wait3A_606 = arith.constant 1280 : i32
    %dma_wait3A_607 = arith.constant 0 : i32
    %dma_wait3A_608 = tpu.memref_slice %arg7[%dma_wait3A_606, %dma_wait3A_607] : memref<1664x32xf32, #tpu.memory_space<vmem>> -> memref<64x32xf32, #tpu.memory_space<vmem>>
    %dma_wait3A_609 = arith.constant 1280 : i32
    %dma_wait3A_610 = tpu.memref_slice %arg6[%dma_wait3A_609] : memref<1664xi32, #tpu.memory_space<vmem>> -> memref<64xi32, #tpu.memory_space<vmem>>
    %dma_wait3A_611 = arith.constant 0 : i32
    %dma_wait3A_612 = arith.constant 0 : i32
    %dma_wait3A_613 = tpu.memref_slice %arg3[%dma_wait3A_605, %dma_wait3A_611, %dma_wait3A_612] : memref<26x100000x32xf32, #tpu.memory_space<hbm>> -> memref<1x100000x32xf32, #tpu.memory_space<hbm>>
    %dma_wait3A_614 = tpu.memref_squeeze %dma_wait3A_613 : memref<1x100000x32xf32, #tpu.memory_space<hbm>> -> memref<100000x32xf32, #tpu.memory_space<hbm>>
    %dma_wait3A_615 = arith.constant 0 : i32
    %dma_wait3A_616 = arith.constant 0 : i32
    %dma_wait3A_617 = tpu.memref_slice %dma_wait3A_614[%dma_wait3A_615, %dma_wait3A_616] : memref<100000x32xf32, #tpu.memory_space<hbm>> -> memref<100000x32xf32, #tpu.memory_space<hbm>>
    tpu.wait_indirect_dma semaphore(%arg9 : memref<!tpu.dma_semaphore, #tpu.memory_space<semaphore_mem>>) src(%dma_wait3A_617 : memref<100000x32xf32, #tpu.memory_space<hbm>>) dst(%dma_wait3A_608 : memref<64x32xf32, #tpu.memory_space<vmem>>)
    %dma_wait3A_618 = arith.constant 21 : i32
    %dma_wait3A_619 = arith.constant 1344 : i32
    %dma_wait3A_620 = arith.constant 0 : i32
    %dma_wait3A_621 = tpu.memref_slice %arg7[%dma_wait3A_619, %dma_wait3A_620] : memref<1664x32xf32, #tpu.memory_space<vmem>> -> memref<64x32xf32, #tpu.memory_space<vmem>>
    %dma_wait3A_622 = arith.constant 1344 : i32
    %dma_wait3A_623 = tpu.memref_slice %arg6[%dma_wait3A_622] : memref<1664xi32, #tpu.memory_space<vmem>> -> memref<64xi32, #tpu.memory_space<vmem>>
    %dma_wait3A_624 = arith.constant 0 : i32
    %dma_wait3A_625 = arith.constant 0 : i32
    %dma_wait3A_626 = tpu.memref_slice %arg3[%dma_wait3A_618, %dma_wait3A_624, %dma_wait3A_625] : memref<26x100000x32xf32, #tpu.memory_space<hbm>> -> memref<1x100000x32xf32, #tpu.memory_space<hbm>>
    %dma_wait3A_627 = tpu.memref_squeeze %dma_wait3A_626 : memref<1x100000x32xf32, #tpu.memory_space<hbm>> -> memref<100000x32xf32, #tpu.memory_space<hbm>>
    %dma_wait3A_628 = arith.constant 0 : i32
    %dma_wait3A_629 = arith.constant 0 : i32
    %dma_wait3A_630 = tpu.memref_slice %dma_wait3A_627[%dma_wait3A_628, %dma_wait3A_629] : memref<100000x32xf32, #tpu.memory_space<hbm>> -> memref<100000x32xf32, #tpu.memory_space<hbm>>
    tpu.wait_indirect_dma semaphore(%arg9 : memref<!tpu.dma_semaphore, #tpu.memory_space<semaphore_mem>>) src(%dma_wait3A_630 : memref<100000x32xf32, #tpu.memory_space<hbm>>) dst(%dma_wait3A_621 : memref<64x32xf32, #tpu.memory_space<vmem>>)
    %dma_wait3A_631 = arith.constant 22 : i32
    %dma_wait3A_632 = arith.constant 1408 : i32
    %dma_wait3A_633 = arith.constant 0 : i32
    %dma_wait3A_634 = tpu.memref_slice %arg7[%dma_wait3A_632, %dma_wait3A_633] : memref<1664x32xf32, #tpu.memory_space<vmem>> -> memref<64x32xf32, #tpu.memory_space<vmem>>
    %dma_wait3A_635 = arith.constant 1408 : i32
    %dma_wait3A_636 = tpu.memref_slice %arg6[%dma_wait3A_635] : memref<1664xi32, #tpu.memory_space<vmem>> -> memref<64xi32, #tpu.memory_space<vmem>>
    %dma_wait3A_637 = arith.constant 0 : i32
    %dma_wait3A_638 = arith.constant 0 : i32
    %dma_wait3A_639 = tpu.memref_slice %arg3[%dma_wait3A_631, %dma_wait3A_637, %dma_wait3A_638] : memref<26x100000x32xf32, #tpu.memory_space<hbm>> -> memref<1x100000x32xf32, #tpu.memory_space<hbm>>
    %dma_wait3A_640 = tpu.memref_squeeze %dma_wait3A_639 : memref<1x100000x32xf32, #tpu.memory_space<hbm>> -> memref<100000x32xf32, #tpu.memory_space<hbm>>
    %dma_wait3A_641 = arith.constant 0 : i32
    %dma_wait3A_642 = arith.constant 0 : i32
    %dma_wait3A_643 = tpu.memref_slice %dma_wait3A_640[%dma_wait3A_641, %dma_wait3A_642] : memref<100000x32xf32, #tpu.memory_space<hbm>> -> memref<100000x32xf32, #tpu.memory_space<hbm>>
    tpu.wait_indirect_dma semaphore(%arg9 : memref<!tpu.dma_semaphore, #tpu.memory_space<semaphore_mem>>) src(%dma_wait3A_643 : memref<100000x32xf32, #tpu.memory_space<hbm>>) dst(%dma_wait3A_634 : memref<64x32xf32, #tpu.memory_space<vmem>>)
    %dma_wait3A_644 = arith.constant 23 : i32
    %dma_wait3A_645 = arith.constant 1472 : i32
    %dma_wait3A_646 = arith.constant 0 : i32
    %dma_wait3A_647 = tpu.memref_slice %arg7[%dma_wait3A_645, %dma_wait3A_646] : memref<1664x32xf32, #tpu.memory_space<vmem>> -> memref<64x32xf32, #tpu.memory_space<vmem>>
    %dma_wait3A_648 = arith.constant 1472 : i32
    %dma_wait3A_649 = tpu.memref_slice %arg6[%dma_wait3A_648] : memref<1664xi32, #tpu.memory_space<vmem>> -> memref<64xi32, #tpu.memory_space<vmem>>
    %dma_wait3A_650 = arith.constant 0 : i32
    %dma_wait3A_651 = arith.constant 0 : i32
    %dma_wait3A_652 = tpu.memref_slice %arg3[%dma_wait3A_644, %dma_wait3A_650, %dma_wait3A_651] : memref<26x100000x32xf32, #tpu.memory_space<hbm>> -> memref<1x100000x32xf32, #tpu.memory_space<hbm>>
    %dma_wait3A_653 = tpu.memref_squeeze %dma_wait3A_652 : memref<1x100000x32xf32, #tpu.memory_space<hbm>> -> memref<100000x32xf32, #tpu.memory_space<hbm>>
    %dma_wait3A_654 = arith.constant 0 : i32
    %dma_wait3A_655 = arith.constant 0 : i32
    %dma_wait3A_656 = tpu.memref_slice %dma_wait3A_653[%dma_wait3A_654, %dma_wait3A_655] : memref<100000x32xf32, #tpu.memory_space<hbm>> -> memref<100000x32xf32, #tpu.memory_space<hbm>>
    tpu.wait_indirect_dma semaphore(%arg9 : memref<!tpu.dma_semaphore, #tpu.memory_space<semaphore_mem>>) src(%dma_wait3A_656 : memref<100000x32xf32, #tpu.memory_space<hbm>>) dst(%dma_wait3A_647 : memref<64x32xf32, #tpu.memory_space<vmem>>)
    %dma_wait3A_657 = arith.constant 24 : i32
    %dma_wait3A_658 = arith.constant 1536 : i32
    %dma_wait3A_659 = arith.constant 0 : i32
    %dma_wait3A_660 = tpu.memref_slice %arg7[%dma_wait3A_658, %dma_wait3A_659] : memref<1664x32xf32, #tpu.memory_space<vmem>> -> memref<64x32xf32, #tpu.memory_space<vmem>>
    %dma_wait3A_661 = arith.constant 1536 : i32
    %dma_wait3A_662 = tpu.memref_slice %arg6[%dma_wait3A_661] : memref<1664xi32, #tpu.memory_space<vmem>> -> memref<64xi32, #tpu.memory_space<vmem>>
    %dma_wait3A_663 = arith.constant 0 : i32
    %dma_wait3A_664 = arith.constant 0 : i32
    %dma_wait3A_665 = tpu.memref_slice %arg3[%dma_wait3A_657, %dma_wait3A_663, %dma_wait3A_664] : memref<26x100000x32xf32, #tpu.memory_space<hbm>> -> memref<1x100000x32xf32, #tpu.memory_space<hbm>>
    %dma_wait3A_666 = tpu.memref_squeeze %dma_wait3A_665 : memref<1x100000x32xf32, #tpu.memory_space<hbm>> -> memref<100000x32xf32, #tpu.memory_space<hbm>>
    %dma_wait3A_667 = arith.constant 0 : i32
    %dma_wait3A_668 = arith.constant 0 : i32
    %dma_wait3A_669 = tpu.memref_slice %dma_wait3A_666[%dma_wait3A_667, %dma_wait3A_668] : memref<100000x32xf32, #tpu.memory_space<hbm>> -> memref<100000x32xf32, #tpu.memory_space<hbm>>
    tpu.wait_indirect_dma semaphore(%arg9 : memref<!tpu.dma_semaphore, #tpu.memory_space<semaphore_mem>>) src(%dma_wait3A_669 : memref<100000x32xf32, #tpu.memory_space<hbm>>) dst(%dma_wait3A_660 : memref<64x32xf32, #tpu.memory_space<vmem>>)
    %dma_wait3A_670 = arith.constant 25 : i32
    %dma_wait3A_671 = arith.constant 1600 : i32
    %dma_wait3A_672 = arith.constant 0 : i32
    %dma_wait3A_673 = tpu.memref_slice %arg7[%dma_wait3A_671, %dma_wait3A_672] : memref<1664x32xf32, #tpu.memory_space<vmem>> -> memref<64x32xf32, #tpu.memory_space<vmem>>
    %dma_wait3A_674 = arith.constant 1600 : i32
    %dma_wait3A_675 = tpu.memref_slice %arg6[%dma_wait3A_674] : memref<1664xi32, #tpu.memory_space<vmem>> -> memref<64xi32, #tpu.memory_space<vmem>>
    %dma_wait3A_676 = arith.constant 0 : i32
    %dma_wait3A_677 = arith.constant 0 : i32
    %dma_wait3A_678 = tpu.memref_slice %arg3[%dma_wait3A_670, %dma_wait3A_676, %dma_wait3A_677] : memref<26x100000x32xf32, #tpu.memory_space<hbm>> -> memref<1x100000x32xf32, #tpu.memory_space<hbm>>
    %dma_wait3A_679 = tpu.memref_squeeze %dma_wait3A_678 : memref<1x100000x32xf32, #tpu.memory_space<hbm>> -> memref<100000x32xf32, #tpu.memory_space<hbm>>
    %dma_wait3A_680 = arith.constant 0 : i32
    %dma_wait3A_681 = arith.constant 0 : i32
    %dma_wait3A_682 = tpu.memref_slice %dma_wait3A_679[%dma_wait3A_680, %dma_wait3A_681] : memref<100000x32xf32, #tpu.memory_space<hbm>> -> memref<100000x32xf32, #tpu.memory_space<hbm>>
    tpu.wait_indirect_dma semaphore(%arg9 : memref<!tpu.dma_semaphore, #tpu.memory_space<semaphore_mem>>) src(%dma_wait3A_682 : memref<100000x32xf32, #tpu.memory_space<hbm>>) dst(%dma_wait3A_673 : memref<64x32xf32, #tpu.memory_space<vmem>>)
    %lt3A = arith.constant 13 : i32
    %lt3A_683 = vector.broadcast %lt3A : i32 to vector<16xi32>
    %lt3A_684 = arith.cmpi slt, %iota3A, %lt3A_683 : vector<16xi32>
    %jit3A = arith.constant 38 : i32
    %broadcast_in_dim3A = vector.broadcast %jit3A : i32 to vector<16xi32>
    %select_n3A = arith.select %lt3A_684, %iota3A, %broadcast_in_dim3A : vector<16xi1>, vector<16xi32>
    %lt3A_685 = arith.constant 13 : i32
    %lt3A_686 = vector.broadcast %lt3A_685 : i32 to vector<16xi32>
    %lt3A_687 = arith.cmpi slt, %iota3A, %lt3A_686 : vector<16xi32>
    %jit3A_688 = arith.constant 845 : i32
    %broadcast_in_dim3A_689 = vector.broadcast %jit3A_688 : i32 to vector<16xi32>
    %select_n3A_690 = arith.select %lt3A_687, %iota3A, %broadcast_in_dim3A_689 : vector<16xi1>, vector<16xi32>
    %lt3A_691 = arith.constant 14 : i32
    %lt3A_692 = vector.broadcast %lt3A_691 : i32 to vector<16xi32>
    %lt3A_693 = arith.cmpi slt, %iota3A, %lt3A_692 : vector<16xi32>
    %scan3A_694 = arith.constant 0 : i32
    %scan3A_695 = arith.constant 64 : i32
    %scan3A_696 = arith.addi %scan3A_694, %scan3A_695 : i32
    %scan3A_697 = arith.constant 1 : i32
    scf.for %scan3A_1404 = %scan3A_694 to %scan3A_696 step %scan3A_697  : i32 {
      %broadcast_in_dim3A_1405 = vector.broadcast %scan3A_1404 : i32 to vector<16xi32>
      %gather3A = tpu.vector_load_idx %arg5[%broadcast_in_dim3A_1405, %select_n3A] : memref<64x39xf32, #tpu.memory_space<vmem>>[vector<16xi32>, vector<16xi32>], vector<16xf32>,
      tpu.vector_store_idx %arg8[%broadcast_in_dim3A_1405, %select_n3A_690], %gather3A masked %lt3A_693 : memref<64x846xf32, #tpu.memory_space<vmem>>[vector<16xi32>, vector<16xi32>], vector<16xf32>, vector<16xi1>
      %add3A_1406 = arith.constant 0 : i32
      %add3A_1407 = arith.addi %add3A_1406, %scan3A_1404 : i32
      %broadcast_in_dim3A_1408 = vector.broadcast %add3A_1407 : i32 to vector<16xi32>
      %add3A_1409 = arith.constant 0 : i32
      %add3A_1410 = vector.broadcast %add3A_1409 : i32 to vector<16xi32>
      %add3A_1411 = arith.addi %iota3A, %add3A_1410 : vector<16xi32>
      %gather3A_1412 = tpu.vector_load_idx %arg7[%broadcast_in_dim3A_1408, %add3A_1411] : memref<1664x32xf32, #tpu.memory_space<vmem>>[vector<16xi32>, vector<16xi32>], vector<16xf32>,
      %add3A_1413 = arith.constant 13 : i32
      %add3A_1414 = vector.broadcast %add3A_1413 : i32 to vector<16xi32>
      %add3A_1415 = arith.addi %iota3A, %add3A_1414 : vector<16xi32>
      tpu.vector_store_idx %arg8[%broadcast_in_dim3A_1405, %add3A_1415], %gather3A_1412 : memref<64x846xf32, #tpu.memory_space<vmem>>[vector<16xi32>, vector<16xi32>], vector<16xf32>,
      %add3A_1416 = arith.constant 16 : i32
      %add3A_1417 = vector.broadcast %add3A_1416 : i32 to vector<16xi32>
      %add3A_1418 = arith.addi %iota3A, %add3A_1417 : vector<16xi32>
      %gather3A_1419 = tpu.vector_load_idx %arg7[%broadcast_in_dim3A_1408, %add3A_1418] : memref<1664x32xf32, #tpu.memory_space<vmem>>[vector<16xi32>, vector<16xi32>], vector<16xf32>,
      %add3A_1420 = arith.constant 29 : i32
      %add3A_1421 = vector.broadcast %add3A_1420 : i32 to vector<16xi32>
      %add3A_1422 = arith.addi %iota3A, %add3A_1421 : vector<16xi32>
      tpu.vector_store_idx %arg8[%broadcast_in_dim3A_1405, %add3A_1422], %gather3A_1419 : memref<64x846xf32, #tpu.memory_space<vmem>>[vector<16xi32>, vector<16xi32>], vector<16xf32>,
      %add3A_1423 = arith.constant 64 : i32
      %add3A_1424 = arith.addi %add3A_1423, %scan3A_1404 : i32
      %broadcast_in_dim3A_1425 = vector.broadcast %add3A_1424 : i32 to vector<16xi32>
      %add3A_1426 = arith.constant 0 : i32
      %add3A_1427 = vector.broadcast %add3A_1426 : i32 to vector<16xi32>
      %add3A_1428 = arith.addi %iota3A, %add3A_1427 : vector<16xi32>
      %gather3A_1429 = tpu.vector_load_idx %arg7[%broadcast_in_dim3A_1425, %add3A_1428] : memref<1664x32xf32, #tpu.memory_space<vmem>>[vector<16xi32>, vector<16xi32>], vector<16xf32>,
      %add3A_1430 = arith.constant 45 : i32
      %add3A_1431 = vector.broadcast %add3A_1430 : i32 to vector<16xi32>
      %add3A_1432 = arith.addi %iota3A, %add3A_1431 : vector<16xi32>
      tpu.vector_store_idx %arg8[%broadcast_in_dim3A_1405, %add3A_1432], %gather3A_1429 : memref<64x846xf32, #tpu.memory_space<vmem>>[vector<16xi32>, vector<16xi32>], vector<16xf32>,
      %add3A_1433 = arith.constant 16 : i32
      %add3A_1434 = vector.broadcast %add3A_1433 : i32 to vector<16xi32>
      %add3A_1435 = arith.addi %iota3A, %add3A_1434 : vector<16xi32>
      %gather3A_1436 = tpu.vector_load_idx %arg7[%broadcast_in_dim3A_1425, %add3A_1435] : memref<1664x32xf32, #tpu.memory_space<vmem>>[vector<16xi32>, vector<16xi32>], vector<16xf32>,
      %add3A_1437 = arith.constant 61 : i32
      %add3A_1438 = vector.broadcast %add3A_1437 : i32 to vector<16xi32>
      %add3A_1439 = arith.addi %iota3A, %add3A_1438 : vector<16xi32>
      tpu.vector_store_idx %arg8[%broadcast_in_dim3A_1405, %add3A_1439], %gather3A_1436 : memref<64x846xf32, #tpu.memory_space<vmem>>[vector<16xi32>, vector<16xi32>], vector<16xf32>,
      %add3A_1440 = arith.constant 128 : i32
      %add3A_1441 = arith.addi %add3A_1440, %scan3A_1404 : i32
      %broadcast_in_dim3A_1442 = vector.broadcast %add3A_1441 : i32 to vector<16xi32>
      %add3A_1443 = arith.constant 0 : i32
      %add3A_1444 = vector.broadcast %add3A_1443 : i32 to vector<16xi32>
      %add3A_1445 = arith.addi %iota3A, %add3A_1444 : vector<16xi32>
      %gather3A_1446 = tpu.vector_load_idx %arg7[%broadcast_in_dim3A_1442, %add3A_1445] : memref<1664x32xf32, #tpu.memory_space<vmem>>[vector<16xi32>, vector<16xi32>], vector<16xf32>,
      %add3A_1447 = arith.constant 77 : i32
      %add3A_1448 = vector.broadcast %add3A_1447 : i32 to vector<16xi32>
      %add3A_1449 = arith.addi %iota3A, %add3A_1448 : vector<16xi32>
      tpu.vector_store_idx %arg8[%broadcast_in_dim3A_1405, %add3A_1449], %gather3A_1446 : memref<64x846xf32, #tpu.memory_space<vmem>>[vector<16xi32>, vector<16xi32>], vector<16xf32>,
      %add3A_1450 = arith.constant 16 : i32
      %add3A_1451 = vector.broadcast %add3A_1450 : i32 to vector<16xi32>
      %add3A_1452 = arith.addi %iota3A, %add3A_1451 : vector<16xi32>
      %gather3A_1453 = tpu.vector_load_idx %arg7[%broadcast_in_dim3A_1442, %add3A_1452] : memref<1664x32xf32, #tpu.memory_space<vmem>>[vector<16xi32>, vector<16xi32>], vector<16xf32>,
      %add3A_1454 = arith.constant 93 : i32
      %add3A_1455 = vector.broadcast %add3A_1454 : i32 to vector<16xi32>
      %add3A_1456 = arith.addi %iota3A, %add3A_1455 : vector<16xi32>
      tpu.vector_store_idx %arg8[%broadcast_in_dim3A_1405, %add3A_1456], %gather3A_1453 : memref<64x846xf32, #tpu.memory_space<vmem>>[vector<16xi32>, vector<16xi32>], vector<16xf32>,
      %add3A_1457 = arith.constant 192 : i32
      %add3A_1458 = arith.addi %add3A_1457, %scan3A_1404 : i32
      %broadcast_in_dim3A_1459 = vector.broadcast %add3A_1458 : i32 to vector<16xi32>
      %add3A_1460 = arith.constant 0 : i32
      %add3A_1461 = vector.broadcast %add3A_1460 : i32 to vector<16xi32>
      %add3A_1462 = arith.addi %iota3A, %add3A_1461 : vector<16xi32>
      %gather3A_1463 = tpu.vector_load_idx %arg7[%broadcast_in_dim3A_1459, %add3A_1462] : memref<1664x32xf32, #tpu.memory_space<vmem>>[vector<16xi32>, vector<16xi32>], vector<16xf32>,
      %add3A_1464 = arith.constant 109 : i32
      %add3A_1465 = vector.broadcast %add3A_1464 : i32 to vector<16xi32>
      %add3A_1466 = arith.addi %iota3A, %add3A_1465 : vector<16xi32>
      tpu.vector_store_idx %arg8[%broadcast_in_dim3A_1405, %add3A_1466], %gather3A_1463 : memref<64x846xf32, #tpu.memory_space<vmem>>[vector<16xi32>, vector<16xi32>], vector<16xf32>,
      %add3A_1467 = arith.constant 16 : i32
      %add3A_1468 = vector.broadcast %add3A_1467 : i32 to vector<16xi32>
      %add3A_1469 = arith.addi %iota3A, %add3A_1468 : vector<16xi32>
      %gather3A_1470 = tpu.vector_load_idx %arg7[%broadcast_in_dim3A_1459, %add3A_1469] : memref<1664x32xf32, #tpu.memory_space<vmem>>[vector<16xi32>, vector<16xi32>], vector<16xf32>,
      %add3A_1471 = arith.constant 125 : i32
      %add3A_1472 = vector.broadcast %add3A_1471 : i32 to vector<16xi32>
      %add3A_1473 = arith.addi %iota3A, %add3A_1472 : vector<16xi32>
      tpu.vector_store_idx %arg8[%broadcast_in_dim3A_1405, %add3A_1473], %gather3A_1470 : memref<64x846xf32, #tpu.memory_space<vmem>>[vector<16xi32>, vector<16xi32>], vector<16xf32>,
      %add3A_1474 = arith.constant 256 : i32
      %add3A_1475 = arith.addi %add3A_1474, %scan3A_1404 : i32
      %broadcast_in_dim3A_1476 = vector.broadcast %add3A_1475 : i32 to vector<16xi32>
      %add3A_1477 = arith.constant 0 : i32
      %add3A_1478 = vector.broadcast %add3A_1477 : i32 to vector<16xi32>
      %add3A_1479 = arith.addi %iota3A, %add3A_1478 : vector<16xi32>
      %gather3A_1480 = tpu.vector_load_idx %arg7[%broadcast_in_dim3A_1476, %add3A_1479] : memref<1664x32xf32, #tpu.memory_space<vmem>>[vector<16xi32>, vector<16xi32>], vector<16xf32>,
      %add3A_1481 = arith.constant 141 : i32
      %add3A_1482 = vector.broadcast %add3A_1481 : i32 to vector<16xi32>
      %add3A_1483 = arith.addi %iota3A, %add3A_1482 : vector<16xi32>
      tpu.vector_store_idx %arg8[%broadcast_in_dim3A_1405, %add3A_1483], %gather3A_1480 : memref<64x846xf32, #tpu.memory_space<vmem>>[vector<16xi32>, vector<16xi32>], vector<16xf32>,
      %add3A_1484 = arith.constant 16 : i32
      %add3A_1485 = vector.broadcast %add3A_1484 : i32 to vector<16xi32>
      %add3A_1486 = arith.addi %iota3A, %add3A_1485 : vector<16xi32>
      %gather3A_1487 = tpu.vector_load_idx %arg7[%broadcast_in_dim3A_1476, %add3A_1486] : memref<1664x32xf32, #tpu.memory_space<vmem>>[vector<16xi32>, vector<16xi32>], vector<16xf32>,
      %add3A_1488 = arith.constant 157 : i32
      %add3A_1489 = vector.broadcast %add3A_1488 : i32 to vector<16xi32>
      %add3A_1490 = arith.addi %iota3A, %add3A_1489 : vector<16xi32>
      tpu.vector_store_idx %arg8[%broadcast_in_dim3A_1405, %add3A_1490], %gather3A_1487 : memref<64x846xf32, #tpu.memory_space<vmem>>[vector<16xi32>, vector<16xi32>], vector<16xf32>,
      %add3A_1491 = arith.constant 320 : i32
      %add3A_1492 = arith.addi %add3A_1491, %scan3A_1404 : i32
      %broadcast_in_dim3A_1493 = vector.broadcast %add3A_1492 : i32 to vector<16xi32>
      %add3A_1494 = arith.constant 0 : i32
      %add3A_1495 = vector.broadcast %add3A_1494 : i32 to vector<16xi32>
      %add3A_1496 = arith.addi %iota3A, %add3A_1495 : vector<16xi32>
      %gather3A_1497 = tpu.vector_load_idx %arg7[%broadcast_in_dim3A_1493, %add3A_1496] : memref<1664x32xf32, #tpu.memory_space<vmem>>[vector<16xi32>, vector<16xi32>], vector<16xf32>,
      %add3A_1498 = arith.constant 173 : i32
      %add3A_1499 = vector.broadcast %add3A_1498 : i32 to vector<16xi32>
      %add3A_1500 = arith.addi %iota3A, %add3A_1499 : vector<16xi32>
      tpu.vector_store_idx %arg8[%broadcast_in_dim3A_1405, %add3A_1500], %gather3A_1497 : memref<64x846xf32, #tpu.memory_space<vmem>>[vector<16xi32>, vector<16xi32>], vector<16xf32>,
      %add3A_1501 = arith.constant 16 : i32
      %add3A_1502 = vector.broadcast %add3A_1501 : i32 to vector<16xi32>
      %add3A_1503 = arith.addi %iota3A, %add3A_1502 : vector<16xi32>
      %gather3A_1504 = tpu.vector_load_idx %arg7[%broadcast_in_dim3A_1493, %add3A_1503] : memref<1664x32xf32, #tpu.memory_space<vmem>>[vector<16xi32>, vector<16xi32>], vector<16xf32>,
      %add3A_1505 = arith.constant 189 : i32
      %add3A_1506 = vector.broadcast %add3A_1505 : i32 to vector<16xi32>
      %add3A_1507 = arith.addi %iota3A, %add3A_1506 : vector<16xi32>
      tpu.vector_store_idx %arg8[%broadcast_in_dim3A_1405, %add3A_1507], %gather3A_1504 : memref<64x846xf32, #tpu.memory_space<vmem>>[vector<16xi32>, vector<16xi32>], vector<16xf32>,
      %add3A_1508 = arith.constant 384 : i32
      %add3A_1509 = arith.addi %add3A_1508, %scan3A_1404 : i32
      %broadcast_in_dim3A_1510 = vector.broadcast %add3A_1509 : i32 to vector<16xi32>
      %add3A_1511 = arith.constant 0 : i32
      %add3A_1512 = vector.broadcast %add3A_1511 : i32 to vector<16xi32>
      %add3A_1513 = arith.addi %iota3A, %add3A_1512 : vector<16xi32>
      %gather3A_1514 = tpu.vector_load_idx %arg7[%broadcast_in_dim3A_1510, %add3A_1513] : memref<1664x32xf32, #tpu.memory_space<vmem>>[vector<16xi32>, vector<16xi32>], vector<16xf32>,
      %add3A_1515 = arith.constant 205 : i32
      %add3A_1516 = vector.broadcast %add3A_1515 : i32 to vector<16xi32>
      %add3A_1517 = arith.addi %iota3A, %add3A_1516 : vector<16xi32>
      tpu.vector_store_idx %arg8[%broadcast_in_dim3A_1405, %add3A_1517], %gather3A_1514 : memref<64x846xf32, #tpu.memory_space<vmem>>[vector<16xi32>, vector<16xi32>], vector<16xf32>,
      %add3A_1518 = arith.constant 16 : i32
      %add3A_1519 = vector.broadcast %add3A_1518 : i32 to vector<16xi32>
      %add3A_1520 = arith.addi %iota3A, %add3A_1519 : vector<16xi32>
      %gather3A_1521 = tpu.vector_load_idx %arg7[%broadcast_in_dim3A_1510, %add3A_1520] : memref<1664x32xf32, #tpu.memory_space<vmem>>[vector<16xi32>, vector<16xi32>], vector<16xf32>,
      %add3A_1522 = arith.constant 221 : i32
      %add3A_1523 = vector.broadcast %add3A_1522 : i32 to vector<16xi32>
      %add3A_1524 = arith.addi %iota3A, %add3A_1523 : vector<16xi32>
      tpu.vector_store_idx %arg8[%broadcast_in_dim3A_1405, %add3A_1524], %gather3A_1521 : memref<64x846xf32, #tpu.memory_space<vmem>>[vector<16xi32>, vector<16xi32>], vector<16xf32>,
      %add3A_1525 = arith.constant 448 : i32
      %add3A_1526 = arith.addi %add3A_1525, %scan3A_1404 : i32
      %broadcast_in_dim3A_1527 = vector.broadcast %add3A_1526 : i32 to vector<16xi32>
      %add3A_1528 = arith.constant 0 : i32
      %add3A_1529 = vector.broadcast %add3A_1528 : i32 to vector<16xi32>
      %add3A_1530 = arith.addi %iota3A, %add3A_1529 : vector<16xi32>
      %gather3A_1531 = tpu.vector_load_idx %arg7[%broadcast_in_dim3A_1527, %add3A_1530] : memref<1664x32xf32, #tpu.memory_space<vmem>>[vector<16xi32>, vector<16xi32>], vector<16xf32>,
      %add3A_1532 = arith.constant 237 : i32
      %add3A_1533 = vector.broadcast %add3A_1532 : i32 to vector<16xi32>
      %add3A_1534 = arith.addi %iota3A, %add3A_1533 : vector<16xi32>
      tpu.vector_store_idx %arg8[%broadcast_in_dim3A_1405, %add3A_1534], %gather3A_1531 : memref<64x846xf32, #tpu.memory_space<vmem>>[vector<16xi32>, vector<16xi32>], vector<16xf32>,
      %add3A_1535 = arith.constant 16 : i32
      %add3A_1536 = vector.broadcast %add3A_1535 : i32 to vector<16xi32>
      %add3A_1537 = arith.addi %iota3A, %add3A_1536 : vector<16xi32>
      %gather3A_1538 = tpu.vector_load_idx %arg7[%broadcast_in_dim3A_1527, %add3A_1537] : memref<1664x32xf32, #tpu.memory_space<vmem>>[vector<16xi32>, vector<16xi32>], vector<16xf32>,
      %add3A_1539 = arith.constant 253 : i32
      %add3A_1540 = vector.broadcast %add3A_1539 : i32 to vector<16xi32>
      %add3A_1541 = arith.addi %iota3A, %add3A_1540 : vector<16xi32>
      tpu.vector_store_idx %arg8[%broadcast_in_dim3A_1405, %add3A_1541], %gather3A_1538 : memref<64x846xf32, #tpu.memory_space<vmem>>[vector<16xi32>, vector<16xi32>], vector<16xf32>,
      %add3A_1542 = arith.constant 512 : i32
      %add3A_1543 = arith.addi %add3A_1542, %scan3A_1404 : i32
      %broadcast_in_dim3A_1544 = vector.broadcast %add3A_1543 : i32 to vector<16xi32>
      %add3A_1545 = arith.constant 0 : i32
      %add3A_1546 = vector.broadcast %add3A_1545 : i32 to vector<16xi32>
      %add3A_1547 = arith.addi %iota3A, %add3A_1546 : vector<16xi32>
      %gather3A_1548 = tpu.vector_load_idx %arg7[%broadcast_in_dim3A_1544, %add3A_1547] : memref<1664x32xf32, #tpu.memory_space<vmem>>[vector<16xi32>, vector<16xi32>], vector<16xf32>,
      %add3A_1549 = arith.constant 269 : i32
      %add3A_1550 = vector.broadcast %add3A_1549 : i32 to vector<16xi32>
      %add3A_1551 = arith.addi %iota3A, %add3A_1550 : vector<16xi32>
      tpu.vector_store_idx %arg8[%broadcast_in_dim3A_1405, %add3A_1551], %gather3A_1548 : memref<64x846xf32, #tpu.memory_space<vmem>>[vector<16xi32>, vector<16xi32>], vector<16xf32>,
      %add3A_1552 = arith.constant 16 : i32
      %add3A_1553 = vector.broadcast %add3A_1552 : i32 to vector<16xi32>
      %add3A_1554 = arith.addi %iota3A, %add3A_1553 : vector<16xi32>
      %gather3A_1555 = tpu.vector_load_idx %arg7[%broadcast_in_dim3A_1544, %add3A_1554] : memref<1664x32xf32, #tpu.memory_space<vmem>>[vector<16xi32>, vector<16xi32>], vector<16xf32>,
      %add3A_1556 = arith.constant 285 : i32
      %add3A_1557 = vector.broadcast %add3A_1556 : i32 to vector<16xi32>
      %add3A_1558 = arith.addi %iota3A, %add3A_1557 : vector<16xi32>
      tpu.vector_store_idx %arg8[%broadcast_in_dim3A_1405, %add3A_1558], %gather3A_1555 : memref<64x846xf32, #tpu.memory_space<vmem>>[vector<16xi32>, vector<16xi32>], vector<16xf32>,
      %add3A_1559 = arith.constant 576 : i32
      %add3A_1560 = arith.addi %add3A_1559, %scan3A_1404 : i32
      %broadcast_in_dim3A_1561 = vector.broadcast %add3A_1560 : i32 to vector<16xi32>
      %add3A_1562 = arith.constant 0 : i32
      %add3A_1563 = vector.broadcast %add3A_1562 : i32 to vector<16xi32>
      %add3A_1564 = arith.addi %iota3A, %add3A_1563 : vector<16xi32>
      %gather3A_1565 = tpu.vector_load_idx %arg7[%broadcast_in_dim3A_1561, %add3A_1564] : memref<1664x32xf32, #tpu.memory_space<vmem>>[vector<16xi32>, vector<16xi32>], vector<16xf32>,
      %add3A_1566 = arith.constant 301 : i32
      %add3A_1567 = vector.broadcast %add3A_1566 : i32 to vector<16xi32>
      %add3A_1568 = arith.addi %iota3A, %add3A_1567 : vector<16xi32>
      tpu.vector_store_idx %arg8[%broadcast_in_dim3A_1405, %add3A_1568], %gather3A_1565 : memref<64x846xf32, #tpu.memory_space<vmem>>[vector<16xi32>, vector<16xi32>], vector<16xf32>,
      %add3A_1569 = arith.constant 16 : i32
      %add3A_1570 = vector.broadcast %add3A_1569 : i32 to vector<16xi32>
      %add3A_1571 = arith.addi %iota3A, %add3A_1570 : vector<16xi32>
      %gather3A_1572 = tpu.vector_load_idx %arg7[%broadcast_in_dim3A_1561, %add3A_1571] : memref<1664x32xf32, #tpu.memory_space<vmem>>[vector<16xi32>, vector<16xi32>], vector<16xf32>,
      %add3A_1573 = arith.constant 317 : i32
      %add3A_1574 = vector.broadcast %add3A_1573 : i32 to vector<16xi32>
      %add3A_1575 = arith.addi %iota3A, %add3A_1574 : vector<16xi32>
      tpu.vector_store_idx %arg8[%broadcast_in_dim3A_1405, %add3A_1575], %gather3A_1572 : memref<64x846xf32, #tpu.memory_space<vmem>>[vector<16xi32>, vector<16xi32>], vector<16xf32>,
      %add3A_1576 = arith.constant 640 : i32
      %add3A_1577 = arith.addi %add3A_1576, %scan3A_1404 : i32
      %broadcast_in_dim3A_1578 = vector.broadcast %add3A_1577 : i32 to vector<16xi32>
      %add3A_1579 = arith.constant 0 : i32
      %add3A_1580 = vector.broadcast %add3A_1579 : i32 to vector<16xi32>
      %add3A_1581 = arith.addi %iota3A, %add3A_1580 : vector<16xi32>
      %gather3A_1582 = tpu.vector_load_idx %arg7[%broadcast_in_dim3A_1578, %add3A_1581] : memref<1664x32xf32, #tpu.memory_space<vmem>>[vector<16xi32>, vector<16xi32>], vector<16xf32>,
      %add3A_1583 = arith.constant 333 : i32
      %add3A_1584 = vector.broadcast %add3A_1583 : i32 to vector<16xi32>
      %add3A_1585 = arith.addi %iota3A, %add3A_1584 : vector<16xi32>
      tpu.vector_store_idx %arg8[%broadcast_in_dim3A_1405, %add3A_1585], %gather3A_1582 : memref<64x846xf32, #tpu.memory_space<vmem>>[vector<16xi32>, vector<16xi32>], vector<16xf32>,
      %add3A_1586 = arith.constant 16 : i32
      %add3A_1587 = vector.broadcast %add3A_1586 : i32 to vector<16xi32>
      %add3A_1588 = arith.addi %iota3A, %add3A_1587 : vector<16xi32>
      %gather3A_1589 = tpu.vector_load_idx %arg7[%broadcast_in_dim3A_1578, %add3A_1588] : memref<1664x32xf32, #tpu.memory_space<vmem>>[vector<16xi32>, vector<16xi32>], vector<16xf32>,
      %add3A_1590 = arith.constant 349 : i32
      %add3A_1591 = vector.broadcast %add3A_1590 : i32 to vector<16xi32>
      %add3A_1592 = arith.addi %iota3A, %add3A_1591 : vector<16xi32>
      tpu.vector_store_idx %arg8[%broadcast_in_dim3A_1405, %add3A_1592], %gather3A_1589 : memref<64x846xf32, #tpu.memory_space<vmem>>[vector<16xi32>, vector<16xi32>], vector<16xf32>,
      %add3A_1593 = arith.constant 704 : i32
      %add3A_1594 = arith.addi %add3A_1593, %scan3A_1404 : i32
      %broadcast_in_dim3A_1595 = vector.broadcast %add3A_1594 : i32 to vector<16xi32>
      %add3A_1596 = arith.constant 0 : i32
      %add3A_1597 = vector.broadcast %add3A_1596 : i32 to vector<16xi32>
      %add3A_1598 = arith.addi %iota3A, %add3A_1597 : vector<16xi32>
      %gather3A_1599 = tpu.vector_load_idx %arg7[%broadcast_in_dim3A_1595, %add3A_1598] : memref<1664x32xf32, #tpu.memory_space<vmem>>[vector<16xi32>, vector<16xi32>], vector<16xf32>,
      %add3A_1600 = arith.constant 365 : i32
      %add3A_1601 = vector.broadcast %add3A_1600 : i32 to vector<16xi32>
      %add3A_1602 = arith.addi %iota3A, %add3A_1601 : vector<16xi32>
      tpu.vector_store_idx %arg8[%broadcast_in_dim3A_1405, %add3A_1602], %gather3A_1599 : memref<64x846xf32, #tpu.memory_space<vmem>>[vector<16xi32>, vector<16xi32>], vector<16xf32>,
      %add3A_1603 = arith.constant 16 : i32
      %add3A_1604 = vector.broadcast %add3A_1603 : i32 to vector<16xi32>
      %add3A_1605 = arith.addi %iota3A, %add3A_1604 : vector<16xi32>
      %gather3A_1606 = tpu.vector_load_idx %arg7[%broadcast_in_dim3A_1595, %add3A_1605] : memref<1664x32xf32, #tpu.memory_space<vmem>>[vector<16xi32>, vector<16xi32>], vector<16xf32>,
      %add3A_1607 = arith.constant 381 : i32
      %add3A_1608 = vector.broadcast %add3A_1607 : i32 to vector<16xi32>
      %add3A_1609 = arith.addi %iota3A, %add3A_1608 : vector<16xi32>
      tpu.vector_store_idx %arg8[%broadcast_in_dim3A_1405, %add3A_1609], %gather3A_1606 : memref<64x846xf32, #tpu.memory_space<vmem>>[vector<16xi32>, vector<16xi32>], vector<16xf32>,
      %add3A_1610 = arith.constant 768 : i32
      %add3A_1611 = arith.addi %add3A_1610, %scan3A_1404 : i32
      %broadcast_in_dim3A_1612 = vector.broadcast %add3A_1611 : i32 to vector<16xi32>
      %add3A_1613 = arith.constant 0 : i32
      %add3A_1614 = vector.broadcast %add3A_1613 : i32 to vector<16xi32>
      %add3A_1615 = arith.addi %iota3A, %add3A_1614 : vector<16xi32>
      %gather3A_1616 = tpu.vector_load_idx %arg7[%broadcast_in_dim3A_1612, %add3A_1615] : memref<1664x32xf32, #tpu.memory_space<vmem>>[vector<16xi32>, vector<16xi32>], vector<16xf32>,
      %add3A_1617 = arith.constant 397 : i32
      %add3A_1618 = vector.broadcast %add3A_1617 : i32 to vector<16xi32>
      %add3A_1619 = arith.addi %iota3A, %add3A_1618 : vector<16xi32>
      tpu.vector_store_idx %arg8[%broadcast_in_dim3A_1405, %add3A_1619], %gather3A_1616 : memref<64x846xf32, #tpu.memory_space<vmem>>[vector<16xi32>, vector<16xi32>], vector<16xf32>,
      %add3A_1620 = arith.constant 16 : i32
      %add3A_1621 = vector.broadcast %add3A_1620 : i32 to vector<16xi32>
      %add3A_1622 = arith.addi %iota3A, %add3A_1621 : vector<16xi32>
      %gather3A_1623 = tpu.vector_load_idx %arg7[%broadcast_in_dim3A_1612, %add3A_1622] : memref<1664x32xf32, #tpu.memory_space<vmem>>[vector<16xi32>, vector<16xi32>], vector<16xf32>,
      %add3A_1624 = arith.constant 413 : i32
      %add3A_1625 = vector.broadcast %add3A_1624 : i32 to vector<16xi32>
      %add3A_1626 = arith.addi %iota3A, %add3A_1625 : vector<16xi32>
      tpu.vector_store_idx %arg8[%broadcast_in_dim3A_1405, %add3A_1626], %gather3A_1623 : memref<64x846xf32, #tpu.memory_space<vmem>>[vector<16xi32>, vector<16xi32>], vector<16xf32>,
      %add3A_1627 = arith.constant 832 : i32
      %add3A_1628 = arith.addi %add3A_1627, %scan3A_1404 : i32
      %broadcast_in_dim3A_1629 = vector.broadcast %add3A_1628 : i32 to vector<16xi32>
      %add3A_1630 = arith.constant 0 : i32
      %add3A_1631 = vector.broadcast %add3A_1630 : i32 to vector<16xi32>
      %add3A_1632 = arith.addi %iota3A, %add3A_1631 : vector<16xi32>
      %gather3A_1633 = tpu.vector_load_idx %arg7[%broadcast_in_dim3A_1629, %add3A_1632] : memref<1664x32xf32, #tpu.memory_space<vmem>>[vector<16xi32>, vector<16xi32>], vector<16xf32>,
      %add3A_1634 = arith.constant 429 : i32
      %add3A_1635 = vector.broadcast %add3A_1634 : i32 to vector<16xi32>
      %add3A_1636 = arith.addi %iota3A, %add3A_1635 : vector<16xi32>
      tpu.vector_store_idx %arg8[%broadcast_in_dim3A_1405, %add3A_1636], %gather3A_1633 : memref<64x846xf32, #tpu.memory_space<vmem>>[vector<16xi32>, vector<16xi32>], vector<16xf32>,
      %add3A_1637 = arith.constant 16 : i32
      %add3A_1638 = vector.broadcast %add3A_1637 : i32 to vector<16xi32>
      %add3A_1639 = arith.addi %iota3A, %add3A_1638 : vector<16xi32>
      %gather3A_1640 = tpu.vector_load_idx %arg7[%broadcast_in_dim3A_1629, %add3A_1639] : memref<1664x32xf32, #tpu.memory_space<vmem>>[vector<16xi32>, vector<16xi32>], vector<16xf32>,
      %add3A_1641 = arith.constant 445 : i32
      %add3A_1642 = vector.broadcast %add3A_1641 : i32 to vector<16xi32>
      %add3A_1643 = arith.addi %iota3A, %add3A_1642 : vector<16xi32>
      tpu.vector_store_idx %arg8[%broadcast_in_dim3A_1405, %add3A_1643], %gather3A_1640 : memref<64x846xf32, #tpu.memory_space<vmem>>[vector<16xi32>, vector<16xi32>], vector<16xf32>,
      %add3A_1644 = arith.constant 896 : i32
      %add3A_1645 = arith.addi %add3A_1644, %scan3A_1404 : i32
      %broadcast_in_dim3A_1646 = vector.broadcast %add3A_1645 : i32 to vector<16xi32>
      %add3A_1647 = arith.constant 0 : i32
      %add3A_1648 = vector.broadcast %add3A_1647 : i32 to vector<16xi32>
      %add3A_1649 = arith.addi %iota3A, %add3A_1648 : vector<16xi32>
      %gather3A_1650 = tpu.vector_load_idx %arg7[%broadcast_in_dim3A_1646, %add3A_1649] : memref<1664x32xf32, #tpu.memory_space<vmem>>[vector<16xi32>, vector<16xi32>], vector<16xf32>,
      %add3A_1651 = arith.constant 461 : i32
      %add3A_1652 = vector.broadcast %add3A_1651 : i32 to vector<16xi32>
      %add3A_1653 = arith.addi %iota3A, %add3A_1652 : vector<16xi32>
      tpu.vector_store_idx %arg8[%broadcast_in_dim3A_1405, %add3A_1653], %gather3A_1650 : memref<64x846xf32, #tpu.memory_space<vmem>>[vector<16xi32>, vector<16xi32>], vector<16xf32>,
      %add3A_1654 = arith.constant 16 : i32
      %add3A_1655 = vector.broadcast %add3A_1654 : i32 to vector<16xi32>
      %add3A_1656 = arith.addi %iota3A, %add3A_1655 : vector<16xi32>
      %gather3A_1657 = tpu.vector_load_idx %arg7[%broadcast_in_dim3A_1646, %add3A_1656] : memref<1664x32xf32, #tpu.memory_space<vmem>>[vector<16xi32>, vector<16xi32>], vector<16xf32>,
      %add3A_1658 = arith.constant 477 : i32
      %add3A_1659 = vector.broadcast %add3A_1658 : i32 to vector<16xi32>
      %add3A_1660 = arith.addi %iota3A, %add3A_1659 : vector<16xi32>
      tpu.vector_store_idx %arg8[%broadcast_in_dim3A_1405, %add3A_1660], %gather3A_1657 : memref<64x846xf32, #tpu.memory_space<vmem>>[vector<16xi32>, vector<16xi32>], vector<16xf32>,
      %add3A_1661 = arith.constant 960 : i32
      %add3A_1662 = arith.addi %add3A_1661, %scan3A_1404 : i32
      %broadcast_in_dim3A_1663 = vector.broadcast %add3A_1662 : i32 to vector<16xi32>
      %add3A_1664 = arith.constant 0 : i32
      %add3A_1665 = vector.broadcast %add3A_1664 : i32 to vector<16xi32>
      %add3A_1666 = arith.addi %iota3A, %add3A_1665 : vector<16xi32>
      %gather3A_1667 = tpu.vector_load_idx %arg7[%broadcast_in_dim3A_1663, %add3A_1666] : memref<1664x32xf32, #tpu.memory_space<vmem>>[vector<16xi32>, vector<16xi32>], vector<16xf32>,
      %add3A_1668 = arith.constant 493 : i32
      %add3A_1669 = vector.broadcast %add3A_1668 : i32 to vector<16xi32>
      %add3A_1670 = arith.addi %iota3A, %add3A_1669 : vector<16xi32>
      tpu.vector_store_idx %arg8[%broadcast_in_dim3A_1405, %add3A_1670], %gather3A_1667 : memref<64x846xf32, #tpu.memory_space<vmem>>[vector<16xi32>, vector<16xi32>], vector<16xf32>,
      %add3A_1671 = arith.constant 16 : i32
      %add3A_1672 = vector.broadcast %add3A_1671 : i32 to vector<16xi32>
      %add3A_1673 = arith.addi %iota3A, %add3A_1672 : vector<16xi32>
      %gather3A_1674 = tpu.vector_load_idx %arg7[%broadcast_in_dim3A_1663, %add3A_1673] : memref<1664x32xf32, #tpu.memory_space<vmem>>[vector<16xi32>, vector<16xi32>], vector<16xf32>,
      %add3A_1675 = arith.constant 509 : i32
      %add3A_1676 = vector.broadcast %add3A_1675 : i32 to vector<16xi32>
      %add3A_1677 = arith.addi %iota3A, %add3A_1676 : vector<16xi32>
      tpu.vector_store_idx %arg8[%broadcast_in_dim3A_1405, %add3A_1677], %gather3A_1674 : memref<64x846xf32, #tpu.memory_space<vmem>>[vector<16xi32>, vector<16xi32>], vector<16xf32>,
      %add3A_1678 = arith.constant 1024 : i32
      %add3A_1679 = arith.addi %add3A_1678, %scan3A_1404 : i32
      %broadcast_in_dim3A_1680 = vector.broadcast %add3A_1679 : i32 to vector<16xi32>
      %add3A_1681 = arith.constant 0 : i32
      %add3A_1682 = vector.broadcast %add3A_1681 : i32 to vector<16xi32>
      %add3A_1683 = arith.addi %iota3A, %add3A_1682 : vector<16xi32>
      %gather3A_1684 = tpu.vector_load_idx %arg7[%broadcast_in_dim3A_1680, %add3A_1683] : memref<1664x32xf32, #tpu.memory_space<vmem>>[vector<16xi32>, vector<16xi32>], vector<16xf32>,
      %add3A_1685 = arith.constant 525 : i32
      %add3A_1686 = vector.broadcast %add3A_1685 : i32 to vector<16xi32>
      %add3A_1687 = arith.addi %iota3A, %add3A_1686 : vector<16xi32>
      tpu.vector_store_idx %arg8[%broadcast_in_dim3A_1405, %add3A_1687], %gather3A_1684 : memref<64x846xf32, #tpu.memory_space<vmem>>[vector<16xi32>, vector<16xi32>], vector<16xf32>,
      %add3A_1688 = arith.constant 16 : i32
      %add3A_1689 = vector.broadcast %add3A_1688 : i32 to vector<16xi32>
      %add3A_1690 = arith.addi %iota3A, %add3A_1689 : vector<16xi32>
      %gather3A_1691 = tpu.vector_load_idx %arg7[%broadcast_in_dim3A_1680, %add3A_1690] : memref<1664x32xf32, #tpu.memory_space<vmem>>[vector<16xi32>, vector<16xi32>], vector<16xf32>,
      %add3A_1692 = arith.constant 541 : i32
      %add3A_1693 = vector.broadcast %add3A_1692 : i32 to vector<16xi32>
      %add3A_1694 = arith.addi %iota3A, %add3A_1693 : vector<16xi32>
      tpu.vector_store_idx %arg8[%broadcast_in_dim3A_1405, %add3A_1694], %gather3A_1691 : memref<64x846xf32, #tpu.memory_space<vmem>>[vector<16xi32>, vector<16xi32>], vector<16xf32>,
      %add3A_1695 = arith.constant 1088 : i32
      %add3A_1696 = arith.addi %add3A_1695, %scan3A_1404 : i32
      %broadcast_in_dim3A_1697 = vector.broadcast %add3A_1696 : i32 to vector<16xi32>
      %add3A_1698 = arith.constant 0 : i32
      %add3A_1699 = vector.broadcast %add3A_1698 : i32 to vector<16xi32>
      %add3A_1700 = arith.addi %iota3A, %add3A_1699 : vector<16xi32>
      %gather3A_1701 = tpu.vector_load_idx %arg7[%broadcast_in_dim3A_1697, %add3A_1700] : memref<1664x32xf32, #tpu.memory_space<vmem>>[vector<16xi32>, vector<16xi32>], vector<16xf32>,
      %add3A_1702 = arith.constant 557 : i32
      %add3A_1703 = vector.broadcast %add3A_1702 : i32 to vector<16xi32>
      %add3A_1704 = arith.addi %iota3A, %add3A_1703 : vector<16xi32>
      tpu.vector_store_idx %arg8[%broadcast_in_dim3A_1405, %add3A_1704], %gather3A_1701 : memref<64x846xf32, #tpu.memory_space<vmem>>[vector<16xi32>, vector<16xi32>], vector<16xf32>,
      %add3A_1705 = arith.constant 16 : i32
      %add3A_1706 = vector.broadcast %add3A_1705 : i32 to vector<16xi32>
      %add3A_1707 = arith.addi %iota3A, %add3A_1706 : vector<16xi32>
      %gather3A_1708 = tpu.vector_load_idx %arg7[%broadcast_in_dim3A_1697, %add3A_1707] : memref<1664x32xf32, #tpu.memory_space<vmem>>[vector<16xi32>, vector<16xi32>], vector<16xf32>,
      %add3A_1709 = arith.constant 573 : i32
      %add3A_1710 = vector.broadcast %add3A_1709 : i32 to vector<16xi32>
      %add3A_1711 = arith.addi %iota3A, %add3A_1710 : vector<16xi32>
      tpu.vector_store_idx %arg8[%broadcast_in_dim3A_1405, %add3A_1711], %gather3A_1708 : memref<64x846xf32, #tpu.memory_space<vmem>>[vector<16xi32>, vector<16xi32>], vector<16xf32>,
      %add3A_1712 = arith.constant 1152 : i32
      %add3A_1713 = arith.addi %add3A_1712, %scan3A_1404 : i32
      %broadcast_in_dim3A_1714 = vector.broadcast %add3A_1713 : i32 to vector<16xi32>
      %add3A_1715 = arith.constant 0 : i32
      %add3A_1716 = vector.broadcast %add3A_1715 : i32 to vector<16xi32>
      %add3A_1717 = arith.addi %iota3A, %add3A_1716 : vector<16xi32>
      %gather3A_1718 = tpu.vector_load_idx %arg7[%broadcast_in_dim3A_1714, %add3A_1717] : memref<1664x32xf32, #tpu.memory_space<vmem>>[vector<16xi32>, vector<16xi32>], vector<16xf32>,
      %add3A_1719 = arith.constant 589 : i32
      %add3A_1720 = vector.broadcast %add3A_1719 : i32 to vector<16xi32>
      %add3A_1721 = arith.addi %iota3A, %add3A_1720 : vector<16xi32>
      tpu.vector_store_idx %arg8[%broadcast_in_dim3A_1405, %add3A_1721], %gather3A_1718 : memref<64x846xf32, #tpu.memory_space<vmem>>[vector<16xi32>, vector<16xi32>], vector<16xf32>,
      %add3A_1722 = arith.constant 16 : i32
      %add3A_1723 = vector.broadcast %add3A_1722 : i32 to vector<16xi32>
      %add3A_1724 = arith.addi %iota3A, %add3A_1723 : vector<16xi32>
      %gather3A_1725 = tpu.vector_load_idx %arg7[%broadcast_in_dim3A_1714, %add3A_1724] : memref<1664x32xf32, #tpu.memory_space<vmem>>[vector<16xi32>, vector<16xi32>], vector<16xf32>,
      %add3A_1726 = arith.constant 605 : i32
      %add3A_1727 = vector.broadcast %add3A_1726 : i32 to vector<16xi32>
      %add3A_1728 = arith.addi %iota3A, %add3A_1727 : vector<16xi32>
      tpu.vector_store_idx %arg8[%broadcast_in_dim3A_1405, %add3A_1728], %gather3A_1725 : memref<64x846xf32, #tpu.memory_space<vmem>>[vector<16xi32>, vector<16xi32>], vector<16xf32>,
      %add3A_1729 = arith.constant 1216 : i32
      %add3A_1730 = arith.addi %add3A_1729, %scan3A_1404 : i32
      %broadcast_in_dim3A_1731 = vector.broadcast %add3A_1730 : i32 to vector<16xi32>
      %add3A_1732 = arith.constant 0 : i32
      %add3A_1733 = vector.broadcast %add3A_1732 : i32 to vector<16xi32>
      %add3A_1734 = arith.addi %iota3A, %add3A_1733 : vector<16xi32>
      %gather3A_1735 = tpu.vector_load_idx %arg7[%broadcast_in_dim3A_1731, %add3A_1734] : memref<1664x32xf32, #tpu.memory_space<vmem>>[vector<16xi32>, vector<16xi32>], vector<16xf32>,
      %add3A_1736 = arith.constant 621 : i32
      %add3A_1737 = vector.broadcast %add3A_1736 : i32 to vector<16xi32>
      %add3A_1738 = arith.addi %iota3A, %add3A_1737 : vector<16xi32>
      tpu.vector_store_idx %arg8[%broadcast_in_dim3A_1405, %add3A_1738], %gather3A_1735 : memref<64x846xf32, #tpu.memory_space<vmem>>[vector<16xi32>, vector<16xi32>], vector<16xf32>,
      %add3A_1739 = arith.constant 16 : i32
      %add3A_1740 = vector.broadcast %add3A_1739 : i32 to vector<16xi32>
      %add3A_1741 = arith.addi %iota3A, %add3A_1740 : vector<16xi32>
      %gather3A_1742 = tpu.vector_load_idx %arg7[%broadcast_in_dim3A_1731, %add3A_1741] : memref<1664x32xf32, #tpu.memory_space<vmem>>[vector<16xi32>, vector<16xi32>], vector<16xf32>,
      %add3A_1743 = arith.constant 637 : i32
      %add3A_1744 = vector.broadcast %add3A_1743 : i32 to vector<16xi32>
      %add3A_1745 = arith.addi %iota3A, %add3A_1744 : vector<16xi32>
      tpu.vector_store_idx %arg8[%broadcast_in_dim3A_1405, %add3A_1745], %gather3A_1742 : memref<64x846xf32, #tpu.memory_space<vmem>>[vector<16xi32>, vector<16xi32>], vector<16xf32>,
      %add3A_1746 = arith.constant 1280 : i32
      %add3A_1747 = arith.addi %add3A_1746, %scan3A_1404 : i32
      %broadcast_in_dim3A_1748 = vector.broadcast %add3A_1747 : i32 to vector<16xi32>
      %add3A_1749 = arith.constant 0 : i32
      %add3A_1750 = vector.broadcast %add3A_1749 : i32 to vector<16xi32>
      %add3A_1751 = arith.addi %iota3A, %add3A_1750 : vector<16xi32>
      %gather3A_1752 = tpu.vector_load_idx %arg7[%broadcast_in_dim3A_1748, %add3A_1751] : memref<1664x32xf32, #tpu.memory_space<vmem>>[vector<16xi32>, vector<16xi32>], vector<16xf32>,
      %add3A_1753 = arith.constant 653 : i32
      %add3A_1754 = vector.broadcast %add3A_1753 : i32 to vector<16xi32>
      %add3A_1755 = arith.addi %iota3A, %add3A_1754 : vector<16xi32>
      tpu.vector_store_idx %arg8[%broadcast_in_dim3A_1405, %add3A_1755], %gather3A_1752 : memref<64x846xf32, #tpu.memory_space<vmem>>[vector<16xi32>, vector<16xi32>], vector<16xf32>,
      %add3A_1756 = arith.constant 16 : i32
      %add3A_1757 = vector.broadcast %add3A_1756 : i32 to vector<16xi32>
      %add3A_1758 = arith.addi %iota3A, %add3A_1757 : vector<16xi32>
      %gather3A_1759 = tpu.vector_load_idx %arg7[%broadcast_in_dim3A_1748, %add3A_1758] : memref<1664x32xf32, #tpu.memory_space<vmem>>[vector<16xi32>, vector<16xi32>], vector<16xf32>,
      %add3A_1760 = arith.constant 669 : i32
      %add3A_1761 = vector.broadcast %add3A_1760 : i32 to vector<16xi32>
      %add3A_1762 = arith.addi %iota3A, %add3A_1761 : vector<16xi32>
      tpu.vector_store_idx %arg8[%broadcast_in_dim3A_1405, %add3A_1762], %gather3A_1759 : memref<64x846xf32, #tpu.memory_space<vmem>>[vector<16xi32>, vector<16xi32>], vector<16xf32>,
      %add3A_1763 = arith.constant 1344 : i32
      %add3A_1764 = arith.addi %add3A_1763, %scan3A_1404 : i32
      %broadcast_in_dim3A_1765 = vector.broadcast %add3A_1764 : i32 to vector<16xi32>
      %add3A_1766 = arith.constant 0 : i32
      %add3A_1767 = vector.broadcast %add3A_1766 : i32 to vector<16xi32>
      %add3A_1768 = arith.addi %iota3A, %add3A_1767 : vector<16xi32>
      %gather3A_1769 = tpu.vector_load_idx %arg7[%broadcast_in_dim3A_1765, %add3A_1768] : memref<1664x32xf32, #tpu.memory_space<vmem>>[vector<16xi32>, vector<16xi32>], vector<16xf32>,
      %add3A_1770 = arith.constant 685 : i32
      %add3A_1771 = vector.broadcast %add3A_1770 : i32 to vector<16xi32>
      %add3A_1772 = arith.addi %iota3A, %add3A_1771 : vector<16xi32>
      tpu.vector_store_idx %arg8[%broadcast_in_dim3A_1405, %add3A_1772], %gather3A_1769 : memref<64x846xf32, #tpu.memory_space<vmem>>[vector<16xi32>, vector<16xi32>], vector<16xf32>,
      %add3A_1773 = arith.constant 16 : i32
      %add3A_1774 = vector.broadcast %add3A_1773 : i32 to vector<16xi32>
      %add3A_1775 = arith.addi %iota3A, %add3A_1774 : vector<16xi32>
      %gather3A_1776 = tpu.vector_load_idx %arg7[%broadcast_in_dim3A_1765, %add3A_1775] : memref<1664x32xf32, #tpu.memory_space<vmem>>[vector<16xi32>, vector<16xi32>], vector<16xf32>,
      %add3A_1777 = arith.constant 701 : i32
      %add3A_1778 = vector.broadcast %add3A_1777 : i32 to vector<16xi32>
      %add3A_1779 = arith.addi %iota3A, %add3A_1778 : vector<16xi32>
      tpu.vector_store_idx %arg8[%broadcast_in_dim3A_1405, %add3A_1779], %gather3A_1776 : memref<64x846xf32, #tpu.memory_space<vmem>>[vector<16xi32>, vector<16xi32>], vector<16xf32>,
      %add3A_1780 = arith.constant 1408 : i32
      %add3A_1781 = arith.addi %add3A_1780, %scan3A_1404 : i32
      %broadcast_in_dim3A_1782 = vector.broadcast %add3A_1781 : i32 to vector<16xi32>
      %add3A_1783 = arith.constant 0 : i32
      %add3A_1784 = vector.broadcast %add3A_1783 : i32 to vector<16xi32>
      %add3A_1785 = arith.addi %iota3A, %add3A_1784 : vector<16xi32>
      %gather3A_1786 = tpu.vector_load_idx %arg7[%broadcast_in_dim3A_1782, %add3A_1785] : memref<1664x32xf32, #tpu.memory_space<vmem>>[vector<16xi32>, vector<16xi32>], vector<16xf32>,
      %add3A_1787 = arith.constant 717 : i32
      %add3A_1788 = vector.broadcast %add3A_1787 : i32 to vector<16xi32>
      %add3A_1789 = arith.addi %iota3A, %add3A_1788 : vector<16xi32>
      tpu.vector_store_idx %arg8[%broadcast_in_dim3A_1405, %add3A_1789], %gather3A_1786 : memref<64x846xf32, #tpu.memory_space<vmem>>[vector<16xi32>, vector<16xi32>], vector<16xf32>,
      %add3A_1790 = arith.constant 16 : i32
      %add3A_1791 = vector.broadcast %add3A_1790 : i32 to vector<16xi32>
      %add3A_1792 = arith.addi %iota3A, %add3A_1791 : vector<16xi32>
      %gather3A_1793 = tpu.vector_load_idx %arg7[%broadcast_in_dim3A_1782, %add3A_1792] : memref<1664x32xf32, #tpu.memory_space<vmem>>[vector<16xi32>, vector<16xi32>], vector<16xf32>,
      %add3A_1794 = arith.constant 733 : i32
      %add3A_1795 = vector.broadcast %add3A_1794 : i32 to vector<16xi32>
      %add3A_1796 = arith.addi %iota3A, %add3A_1795 : vector<16xi32>
      tpu.vector_store_idx %arg8[%broadcast_in_dim3A_1405, %add3A_1796], %gather3A_1793 : memref<64x846xf32, #tpu.memory_space<vmem>>[vector<16xi32>, vector<16xi32>], vector<16xf32>,
      %add3A_1797 = arith.constant 1472 : i32
      %add3A_1798 = arith.addi %add3A_1797, %scan3A_1404 : i32
      %broadcast_in_dim3A_1799 = vector.broadcast %add3A_1798 : i32 to vector<16xi32>
      %add3A_1800 = arith.constant 0 : i32
      %add3A_1801 = vector.broadcast %add3A_1800 : i32 to vector<16xi32>
      %add3A_1802 = arith.addi %iota3A, %add3A_1801 : vector<16xi32>
      %gather3A_1803 = tpu.vector_load_idx %arg7[%broadcast_in_dim3A_1799, %add3A_1802] : memref<1664x32xf32, #tpu.memory_space<vmem>>[vector<16xi32>, vector<16xi32>], vector<16xf32>,
      %add3A_1804 = arith.constant 749 : i32
      %add3A_1805 = vector.broadcast %add3A_1804 : i32 to vector<16xi32>
      %add3A_1806 = arith.addi %iota3A, %add3A_1805 : vector<16xi32>
      tpu.vector_store_idx %arg8[%broadcast_in_dim3A_1405, %add3A_1806], %gather3A_1803 : memref<64x846xf32, #tpu.memory_space<vmem>>[vector<16xi32>, vector<16xi32>], vector<16xf32>,
      %add3A_1807 = arith.constant 16 : i32
      %add3A_1808 = vector.broadcast %add3A_1807 : i32 to vector<16xi32>
      %add3A_1809 = arith.addi %iota3A, %add3A_1808 : vector<16xi32>
      %gather3A_1810 = tpu.vector_load_idx %arg7[%broadcast_in_dim3A_1799, %add3A_1809] : memref<1664x32xf32, #tpu.memory_space<vmem>>[vector<16xi32>, vector<16xi32>], vector<16xf32>,
      %add3A_1811 = arith.constant 765 : i32
      %add3A_1812 = vector.broadcast %add3A_1811 : i32 to vector<16xi32>
      %add3A_1813 = arith.addi %iota3A, %add3A_1812 : vector<16xi32>
      tpu.vector_store_idx %arg8[%broadcast_in_dim3A_1405, %add3A_1813], %gather3A_1810 : memref<64x846xf32, #tpu.memory_space<vmem>>[vector<16xi32>, vector<16xi32>], vector<16xf32>,
      %add3A_1814 = arith.constant 1536 : i32
      %add3A_1815 = arith.addi %add3A_1814, %scan3A_1404 : i32
      %broadcast_in_dim3A_1816 = vector.broadcast %add3A_1815 : i32 to vector<16xi32>
      %add3A_1817 = arith.constant 0 : i32
      %add3A_1818 = vector.broadcast %add3A_1817 : i32 to vector<16xi32>
      %add3A_1819 = arith.addi %iota3A, %add3A_1818 : vector<16xi32>
      %gather3A_1820 = tpu.vector_load_idx %arg7[%broadcast_in_dim3A_1816, %add3A_1819] : memref<1664x32xf32, #tpu.memory_space<vmem>>[vector<16xi32>, vector<16xi32>], vector<16xf32>,
      %add3A_1821 = arith.constant 781 : i32
      %add3A_1822 = vector.broadcast %add3A_1821 : i32 to vector<16xi32>
      %add3A_1823 = arith.addi %iota3A, %add3A_1822 : vector<16xi32>
      tpu.vector_store_idx %arg8[%broadcast_in_dim3A_1405, %add3A_1823], %gather3A_1820 : memref<64x846xf32, #tpu.memory_space<vmem>>[vector<16xi32>, vector<16xi32>], vector<16xf32>,
      %add3A_1824 = arith.constant 16 : i32
      %add3A_1825 = vector.broadcast %add3A_1824 : i32 to vector<16xi32>
      %add3A_1826 = arith.addi %iota3A, %add3A_1825 : vector<16xi32>
      %gather3A_1827 = tpu.vector_load_idx %arg7[%broadcast_in_dim3A_1816, %add3A_1826] : memref<1664x32xf32, #tpu.memory_space<vmem>>[vector<16xi32>, vector<16xi32>], vector<16xf32>,
      %add3A_1828 = arith.constant 797 : i32
      %add3A_1829 = vector.broadcast %add3A_1828 : i32 to vector<16xi32>
      %add3A_1830 = arith.addi %iota3A, %add3A_1829 : vector<16xi32>
      tpu.vector_store_idx %arg8[%broadcast_in_dim3A_1405, %add3A_1830], %gather3A_1827 : memref<64x846xf32, #tpu.memory_space<vmem>>[vector<16xi32>, vector<16xi32>], vector<16xf32>,
      %add3A_1831 = arith.constant 1600 : i32
      %add3A_1832 = arith.addi %add3A_1831, %scan3A_1404 : i32
      %broadcast_in_dim3A_1833 = vector.broadcast %add3A_1832 : i32 to vector<16xi32>
      %add3A_1834 = arith.constant 0 : i32
      %add3A_1835 = vector.broadcast %add3A_1834 : i32 to vector<16xi32>
      %add3A_1836 = arith.addi %iota3A, %add3A_1835 : vector<16xi32>
      %gather3A_1837 = tpu.vector_load_idx %arg7[%broadcast_in_dim3A_1833, %add3A_1836] : memref<1664x32xf32, #tpu.memory_space<vmem>>[vector<16xi32>, vector<16xi32>], vector<16xf32>,
      %add3A_1838 = arith.constant 813 : i32
      %add3A_1839 = vector.broadcast %add3A_1838 : i32 to vector<16xi32>
      %add3A_1840 = arith.addi %iota3A, %add3A_1839 : vector<16xi32>
      tpu.vector_store_idx %arg8[%broadcast_in_dim3A_1405, %add3A_1840], %gather3A_1837 : memref<64x846xf32, #tpu.memory_space<vmem>>[vector<16xi32>, vector<16xi32>], vector<16xf32>,
      %add3A_1841 = arith.constant 16 : i32
      %add3A_1842 = vector.broadcast %add3A_1841 : i32 to vector<16xi32>
      %add3A_1843 = arith.addi %iota3A, %add3A_1842 : vector<16xi32>
      %gather3A_1844 = tpu.vector_load_idx %arg7[%broadcast_in_dim3A_1833, %add3A_1843] : memref<1664x32xf32, #tpu.memory_space<vmem>>[vector<16xi32>, vector<16xi32>], vector<16xf32>,
      %add3A_1845 = arith.constant 829 : i32
      %add3A_1846 = vector.broadcast %add3A_1845 : i32 to vector<16xi32>
      %add3A_1847 = arith.addi %iota3A, %add3A_1846 : vector<16xi32>
      tpu.vector_store_idx %arg8[%broadcast_in_dim3A_1405, %add3A_1847], %gather3A_1844 : memref<64x846xf32, #tpu.memory_space<vmem>>[vector<16xi32>, vector<16xi32>], vector<16xf32>,
    }
    %scan3A_698 = arith.constant 64 : i32
    "tpu.region"() ({
      %run_scoped3A = tpu.sem_alloc : memref<!tpu.dma_semaphore, #tpu.memory_space<semaphore_mem>>
      %dma_start3A_1404 = arith.constant 0 : i32
      %dma_start3A_1405 = tpu.memref_slice %arg4[%add3A_4, %dma_start3A_1404] : memref<4096x846xf32, #tpu.memory_space<hbm>> -> memref<64x846xf32, #tpu.memory_space<hbm>>
      %dma_start3A_1406 = arith.constant 0 : i32
      %dma_start3A_1407 = tpu.memref_slice %arg4[%add3A_4, %dma_start3A_1406] : memref<4096x846xf32, #tpu.memory_space<hbm>> -> memref<64x846xf32, #tpu.memory_space<hbm>>
      tpu.enqueue_dma source(%arg8 : memref<64x846xf32, #tpu.memory_space<vmem>>) target(%dma_start3A_1407 : memref<64x846xf32, #tpu.memory_space<hbm>>) target_semaphore(%run_scoped3A : memref<!tpu.dma_semaphore, #tpu.memory_space<semaphore_mem>>)
      %dma_wait3A_1408 = arith.constant 0 : i32
      %dma_wait3A_1409 = tpu.memref_slice %arg4[%add3A_4, %dma_wait3A_1408] : memref<4096x846xf32, #tpu.memory_space<hbm>> -> memref<64x846xf32, #tpu.memory_space<hbm>>
      %dma_wait3A_1410 = arith.constant 0 : i32
      %dma_wait3A_1411 = tpu.memref_slice %arg4[%add3A_4, %dma_wait3A_1410] : memref<4096x846xf32, #tpu.memory_space<hbm>> -> memref<64x846xf32, #tpu.memory_space<hbm>>
      tpu.wait_dma2 semaphore(%run_scoped3A : memref<!tpu.dma_semaphore, #tpu.memory_space<semaphore_mem>>) src(%arg8 : memref<64x846xf32, #tpu.memory_space<vmem>>) dst(%dma_wait3A_1411 : memref<64x846xf32, #tpu.memory_space<hbm>>)
      tpu.yield
    }) : () -> ()
    %mul3A_699 = arith.constant 128 : i32
    %mul3A_700 = arith.muli %add3A, %mul3A_699 : i32
    %add3A_701 = arith.constant 64 : i32
    %add3A_702 = arith.addi %mul3A_700, %add3A_701 : i32
    "tpu.region"() ({
      %run_scoped3A = tpu.sem_alloc : memref<!tpu.dma_semaphore, #tpu.memory_space<semaphore_mem>>
      %dma_start3A_1404 = arith.constant 0 : i32
      %dma_start3A_1405 = tpu.memref_slice %arg2[%add3A_702, %dma_start3A_1404] : memref<4096x39xf32, #tpu.memory_space<hbm>> -> memref<64x39xf32, #tpu.memory_space<hbm>>
      %dma_start3A_1406 = arith.constant 0 : i32
      %dma_start3A_1407 = tpu.memref_slice %arg2[%add3A_702, %dma_start3A_1406] : memref<4096x39xf32, #tpu.memory_space<hbm>> -> memref<64x39xf32, #tpu.memory_space<hbm>>
      tpu.enqueue_dma source(%dma_start3A_1407 : memref<64x39xf32, #tpu.memory_space<hbm>>) target(%arg5 : memref<64x39xf32, #tpu.memory_space<vmem>>) target_semaphore(%run_scoped3A : memref<!tpu.dma_semaphore, #tpu.memory_space<semaphore_mem>>)
      %dma_wait3A_1408 = arith.constant 0 : i32
      %dma_wait3A_1409 = tpu.memref_slice %arg2[%add3A_702, %dma_wait3A_1408] : memref<4096x39xf32, #tpu.memory_space<hbm>> -> memref<64x39xf32, #tpu.memory_space<hbm>>
      %dma_wait3A_1410 = arith.constant 0 : i32
      %dma_wait3A_1411 = tpu.memref_slice %arg2[%add3A_702, %dma_wait3A_1410] : memref<4096x39xf32, #tpu.memory_space<hbm>> -> memref<64x39xf32, #tpu.memory_space<hbm>>
      tpu.wait_dma2 semaphore(%run_scoped3A : memref<!tpu.dma_semaphore, #tpu.memory_space<semaphore_mem>>) src(%dma_wait3A_1411 : memref<64x39xf32, #tpu.memory_space<hbm>>) dst(%arg5 : memref<64x39xf32, #tpu.memory_space<vmem>>)
      tpu.yield
    }) : () -> ()
    %scan3A_703 = arith.constant 0 : i32
    %scan3A_704 = arith.constant 64 : i32
    %scan3A_705 = arith.addi %scan3A_703, %scan3A_704 : i32
    %scan3A_706 = arith.constant 1 : i32
    scf.for %scan3A_1404 = %scan3A_703 to %scan3A_705 step %scan3A_706  : i32 {
      %broadcast_in_dim3A_1405 = vector.broadcast %scan3A_1404 : i32 to vector<16xi32>
      %add3A_1406 = arith.constant 13 : i32
      %add3A_1407 = vector.broadcast %add3A_1406 : i32 to vector<16xi32>
      %add3A_1408 = arith.addi %iota3A, %add3A_1407 : vector<16xi32>
      %gather3A = tpu.vector_load_idx %arg5[%broadcast_in_dim3A_1405, %add3A_1408] : memref<64x39xf32, #tpu.memory_space<vmem>>[vector<16xi32>, vector<16xi32>], vector<16xf32>,
      %convert_element_type3A = arith.fptosi %gather3A : vector<16xf32> to vector<16xi32>
      %mul3A_1409 = arith.constant 64 : i32
      %mul3A_1410 = vector.broadcast %mul3A_1409 : i32 to vector<16xi32>
      %mul3A_1411 = arith.muli %iota3A, %mul3A_1410 : vector<16xi32>
      %add3A_1412 = vector.broadcast %scan3A_1404 : i32 to vector<16xi32>
      %add3A_1413 = arith.addi %mul3A_1411, %add3A_1412 : vector<16xi32>
      tpu.vector_store_idx %arg6[%add3A_1413], %convert_element_type3A : memref<1664xi32, #tpu.memory_space<vmem>>[vector<16xi32>], vector<16xi32>,
      %lt3A_1414 = arith.constant 10 : i32
      %lt3A_1415 = vector.broadcast %lt3A_1414 : i32 to vector<16xi32>
      %lt3A_1416 = arith.cmpi slt, %iota3A, %lt3A_1415 : vector<16xi32>
      %add3A_1417 = arith.constant 29 : i32
      %add3A_1418 = vector.broadcast %add3A_1417 : i32 to vector<16xi32>
      %add3A_1419 = arith.addi %iota3A, %add3A_1418 : vector<16xi32>
      %gather3A_1420 = tpu.vector_load_idx %arg5[%broadcast_in_dim3A_1405, %add3A_1419] masked %lt3A_1416 : memref<64x39xf32, #tpu.memory_space<vmem>>[vector<16xi32>, vector<16xi32>], vector<16xf32>, vector<16xi1>
      %convert_element_type3A_1421 = arith.fptosi %gather3A_1420 : vector<16xf32> to vector<16xi32>
      %add3A_1422 = arith.constant 16 : i32
      %add3A_1423 = vector.broadcast %add3A_1422 : i32 to vector<16xi32>
      %add3A_1424 = arith.addi %iota3A, %add3A_1423 : vector<16xi32>
      %mul3A_1425 = arith.constant 64 : i32
      %mul3A_1426 = vector.broadcast %mul3A_1425 : i32 to vector<16xi32>
      %mul3A_1427 = arith.muli %add3A_1424, %mul3A_1426 : vector<16xi32>
      %add3A_1428 = vector.broadcast %scan3A_1404 : i32 to vector<16xi32>
      %add3A_1429 = arith.addi %mul3A_1427, %add3A_1428 : vector<16xi32>
      tpu.vector_store_idx %arg6[%add3A_1429], %convert_element_type3A_1421 masked %lt3A_1416 : memref<1664xi32, #tpu.memory_space<vmem>>[vector<16xi32>], vector<16xi32>, vector<16xi1>
    }
    %scan3A_707 = arith.constant 64 : i32
    %dma_start3A_708 = arith.constant 0 : i32
    %dma_start3A_709 = arith.constant 0 : i32
    %dma_start3A_710 = arith.constant 0 : i32
    %dma_start3A_711 = tpu.memref_slice %arg7[%dma_start3A_709, %dma_start3A_710] : memref<1664x32xf32, #tpu.memory_space<vmem>> -> memref<64x32xf32, #tpu.memory_space<vmem>>
    %dma_start3A_712 = arith.constant 0 : i32
    %dma_start3A_713 = tpu.memref_slice %arg6[%dma_start3A_712] : memref<1664xi32, #tpu.memory_space<vmem>> -> memref<64xi32, #tpu.memory_space<vmem>>
    %dma_start3A_714 = arith.constant 0 : i32
    %dma_start3A_715 = arith.constant 0 : i32
    %dma_start3A_716 = tpu.memref_slice %arg3[%dma_start3A_708, %dma_start3A_714, %dma_start3A_715] : memref<26x100000x32xf32, #tpu.memory_space<hbm>> -> memref<1x100000x32xf32, #tpu.memory_space<hbm>>
    %dma_start3A_717 = tpu.memref_squeeze %dma_start3A_716 : memref<1x100000x32xf32, #tpu.memory_space<hbm>> -> memref<100000x32xf32, #tpu.memory_space<hbm>>
    %dma_start3A_718 = arith.constant 0 : i32
    %dma_start3A_719 = arith.constant 0 : i32
    %dma_start3A_720 = tpu.memref_slice %dma_start3A_717[%dma_start3A_718, %dma_start3A_719] : memref<100000x32xf32, #tpu.memory_space<hbm>> -> memref<100000x32xf32, #tpu.memory_space<hbm>>
    tpu.enqueue_indirect_dma source(%dma_start3A_720 : memref<100000x32xf32, #tpu.memory_space<hbm>>) target(%dma_start3A_711 : memref<64x32xf32, #tpu.memory_space<vmem>>) offsets(%dma_start3A_713 : memref<64xi32, #tpu.memory_space<vmem>>) semaphore(%arg9 : memref<!tpu.dma_semaphore, #tpu.memory_space<semaphore_mem>>)
    %dma_start3A_721 = arith.constant 1 : i32
    %dma_start3A_722 = arith.constant 64 : i32
    %dma_start3A_723 = arith.constant 0 : i32
    %dma_start3A_724 = tpu.memref_slice %arg7[%dma_start3A_722, %dma_start3A_723] : memref<1664x32xf32, #tpu.memory_space<vmem>> -> memref<64x32xf32, #tpu.memory_space<vmem>>
    %dma_start3A_725 = arith.constant 64 : i32
    %dma_start3A_726 = tpu.memref_slice %arg6[%dma_start3A_725] : memref<1664xi32, #tpu.memory_space<vmem>> -> memref<64xi32, #tpu.memory_space<vmem>>
    %dma_start3A_727 = arith.constant 0 : i32
    %dma_start3A_728 = arith.constant 0 : i32
    %dma_start3A_729 = tpu.memref_slice %arg3[%dma_start3A_721, %dma_start3A_727, %dma_start3A_728] : memref<26x100000x32xf32, #tpu.memory_space<hbm>> -> memref<1x100000x32xf32, #tpu.memory_space<hbm>>
    %dma_start3A_730 = tpu.memref_squeeze %dma_start3A_729 : memref<1x100000x32xf32, #tpu.memory_space<hbm>> -> memref<100000x32xf32, #tpu.memory_space<hbm>>
    %dma_start3A_731 = arith.constant 0 : i32
    %dma_start3A_732 = arith.constant 0 : i32
    %dma_start3A_733 = tpu.memref_slice %dma_start3A_730[%dma_start3A_731, %dma_start3A_732] : memref<100000x32xf32, #tpu.memory_space<hbm>> -> memref<100000x32xf32, #tpu.memory_space<hbm>>
    tpu.enqueue_indirect_dma source(%dma_start3A_733 : memref<100000x32xf32, #tpu.memory_space<hbm>>) target(%dma_start3A_724 : memref<64x32xf32, #tpu.memory_space<vmem>>) offsets(%dma_start3A_726 : memref<64xi32, #tpu.memory_space<vmem>>) semaphore(%arg9 : memref<!tpu.dma_semaphore, #tpu.memory_space<semaphore_mem>>)
    %dma_start3A_734 = arith.constant 2 : i32
    %dma_start3A_735 = arith.constant 128 : i32
    %dma_start3A_736 = arith.constant 0 : i32
    %dma_start3A_737 = tpu.memref_slice %arg7[%dma_start3A_735, %dma_start3A_736] : memref<1664x32xf32, #tpu.memory_space<vmem>> -> memref<64x32xf32, #tpu.memory_space<vmem>>
    %dma_start3A_738 = arith.constant 128 : i32
    %dma_start3A_739 = tpu.memref_slice %arg6[%dma_start3A_738] : memref<1664xi32, #tpu.memory_space<vmem>> -> memref<64xi32, #tpu.memory_space<vmem>>
    %dma_start3A_740 = arith.constant 0 : i32
    %dma_start3A_741 = arith.constant 0 : i32
    %dma_start3A_742 = tpu.memref_slice %arg3[%dma_start3A_734, %dma_start3A_740, %dma_start3A_741] : memref<26x100000x32xf32, #tpu.memory_space<hbm>> -> memref<1x100000x32xf32, #tpu.memory_space<hbm>>
    %dma_start3A_743 = tpu.memref_squeeze %dma_start3A_742 : memref<1x100000x32xf32, #tpu.memory_space<hbm>> -> memref<100000x32xf32, #tpu.memory_space<hbm>>
    %dma_start3A_744 = arith.constant 0 : i32
    %dma_start3A_745 = arith.constant 0 : i32
    %dma_start3A_746 = tpu.memref_slice %dma_start3A_743[%dma_start3A_744, %dma_start3A_745] : memref<100000x32xf32, #tpu.memory_space<hbm>> -> memref<100000x32xf32, #tpu.memory_space<hbm>>
    tpu.enqueue_indirect_dma source(%dma_start3A_746 : memref<100000x32xf32, #tpu.memory_space<hbm>>) target(%dma_start3A_737 : memref<64x32xf32, #tpu.memory_space<vmem>>) offsets(%dma_start3A_739 : memref<64xi32, #tpu.memory_space<vmem>>) semaphore(%arg9 : memref<!tpu.dma_semaphore, #tpu.memory_space<semaphore_mem>>)
    %dma_start3A_747 = arith.constant 3 : i32
    %dma_start3A_748 = arith.constant 192 : i32
    %dma_start3A_749 = arith.constant 0 : i32
    %dma_start3A_750 = tpu.memref_slice %arg7[%dma_start3A_748, %dma_start3A_749] : memref<1664x32xf32, #tpu.memory_space<vmem>> -> memref<64x32xf32, #tpu.memory_space<vmem>>
    %dma_start3A_751 = arith.constant 192 : i32
    %dma_start3A_752 = tpu.memref_slice %arg6[%dma_start3A_751] : memref<1664xi32, #tpu.memory_space<vmem>> -> memref<64xi32, #tpu.memory_space<vmem>>
    %dma_start3A_753 = arith.constant 0 : i32
    %dma_start3A_754 = arith.constant 0 : i32
    %dma_start3A_755 = tpu.memref_slice %arg3[%dma_start3A_747, %dma_start3A_753, %dma_start3A_754] : memref<26x100000x32xf32, #tpu.memory_space<hbm>> -> memref<1x100000x32xf32, #tpu.memory_space<hbm>>
    %dma_start3A_756 = tpu.memref_squeeze %dma_start3A_755 : memref<1x100000x32xf32, #tpu.memory_space<hbm>> -> memref<100000x32xf32, #tpu.memory_space<hbm>>
    %dma_start3A_757 = arith.constant 0 : i32
    %dma_start3A_758 = arith.constant 0 : i32
    %dma_start3A_759 = tpu.memref_slice %dma_start3A_756[%dma_start3A_757, %dma_start3A_758] : memref<100000x32xf32, #tpu.memory_space<hbm>> -> memref<100000x32xf32, #tpu.memory_space<hbm>>
    tpu.enqueue_indirect_dma source(%dma_start3A_759 : memref<100000x32xf32, #tpu.memory_space<hbm>>) target(%dma_start3A_750 : memref<64x32xf32, #tpu.memory_space<vmem>>) offsets(%dma_start3A_752 : memref<64xi32, #tpu.memory_space<vmem>>) semaphore(%arg9 : memref<!tpu.dma_semaphore, #tpu.memory_space<semaphore_mem>>)
    %dma_start3A_760 = arith.constant 4 : i32
    %dma_start3A_761 = arith.constant 256 : i32
    %dma_start3A_762 = arith.constant 0 : i32
    %dma_start3A_763 = tpu.memref_slice %arg7[%dma_start3A_761, %dma_start3A_762] : memref<1664x32xf32, #tpu.memory_space<vmem>> -> memref<64x32xf32, #tpu.memory_space<vmem>>
    %dma_start3A_764 = arith.constant 256 : i32
    %dma_start3A_765 = tpu.memref_slice %arg6[%dma_start3A_764] : memref<1664xi32, #tpu.memory_space<vmem>> -> memref<64xi32, #tpu.memory_space<vmem>>
    %dma_start3A_766 = arith.constant 0 : i32
    %dma_start3A_767 = arith.constant 0 : i32
    %dma_start3A_768 = tpu.memref_slice %arg3[%dma_start3A_760, %dma_start3A_766, %dma_start3A_767] : memref<26x100000x32xf32, #tpu.memory_space<hbm>> -> memref<1x100000x32xf32, #tpu.memory_space<hbm>>
    %dma_start3A_769 = tpu.memref_squeeze %dma_start3A_768 : memref<1x100000x32xf32, #tpu.memory_space<hbm>> -> memref<100000x32xf32, #tpu.memory_space<hbm>>
    %dma_start3A_770 = arith.constant 0 : i32
    %dma_start3A_771 = arith.constant 0 : i32
    %dma_start3A_772 = tpu.memref_slice %dma_start3A_769[%dma_start3A_770, %dma_start3A_771] : memref<100000x32xf32, #tpu.memory_space<hbm>> -> memref<100000x32xf32, #tpu.memory_space<hbm>>
    tpu.enqueue_indirect_dma source(%dma_start3A_772 : memref<100000x32xf32, #tpu.memory_space<hbm>>) target(%dma_start3A_763 : memref<64x32xf32, #tpu.memory_space<vmem>>) offsets(%dma_start3A_765 : memref<64xi32, #tpu.memory_space<vmem>>) semaphore(%arg9 : memref<!tpu.dma_semaphore, #tpu.memory_space<semaphore_mem>>)
    %dma_start3A_773 = arith.constant 5 : i32
    %dma_start3A_774 = arith.constant 320 : i32
    %dma_start3A_775 = arith.constant 0 : i32
    %dma_start3A_776 = tpu.memref_slice %arg7[%dma_start3A_774, %dma_start3A_775] : memref<1664x32xf32, #tpu.memory_space<vmem>> -> memref<64x32xf32, #tpu.memory_space<vmem>>
    %dma_start3A_777 = arith.constant 320 : i32
    %dma_start3A_778 = tpu.memref_slice %arg6[%dma_start3A_777] : memref<1664xi32, #tpu.memory_space<vmem>> -> memref<64xi32, #tpu.memory_space<vmem>>
    %dma_start3A_779 = arith.constant 0 : i32
    %dma_start3A_780 = arith.constant 0 : i32
    %dma_start3A_781 = tpu.memref_slice %arg3[%dma_start3A_773, %dma_start3A_779, %dma_start3A_780] : memref<26x100000x32xf32, #tpu.memory_space<hbm>> -> memref<1x100000x32xf32, #tpu.memory_space<hbm>>
    %dma_start3A_782 = tpu.memref_squeeze %dma_start3A_781 : memref<1x100000x32xf32, #tpu.memory_space<hbm>> -> memref<100000x32xf32, #tpu.memory_space<hbm>>
    %dma_start3A_783 = arith.constant 0 : i32
    %dma_start3A_784 = arith.constant 0 : i32
    %dma_start3A_785 = tpu.memref_slice %dma_start3A_782[%dma_start3A_783, %dma_start3A_784] : memref<100000x32xf32, #tpu.memory_space<hbm>> -> memref<100000x32xf32, #tpu.memory_space<hbm>>
    tpu.enqueue_indirect_dma source(%dma_start3A_785 : memref<100000x32xf32, #tpu.memory_space<hbm>>) target(%dma_start3A_776 : memref<64x32xf32, #tpu.memory_space<vmem>>) offsets(%dma_start3A_778 : memref<64xi32, #tpu.memory_space<vmem>>) semaphore(%arg9 : memref<!tpu.dma_semaphore, #tpu.memory_space<semaphore_mem>>)
    %dma_start3A_786 = arith.constant 6 : i32
    %dma_start3A_787 = arith.constant 384 : i32
    %dma_start3A_788 = arith.constant 0 : i32
    %dma_start3A_789 = tpu.memref_slice %arg7[%dma_start3A_787, %dma_start3A_788] : memref<1664x32xf32, #tpu.memory_space<vmem>> -> memref<64x32xf32, #tpu.memory_space<vmem>>
    %dma_start3A_790 = arith.constant 384 : i32
    %dma_start3A_791 = tpu.memref_slice %arg6[%dma_start3A_790] : memref<1664xi32, #tpu.memory_space<vmem>> -> memref<64xi32, #tpu.memory_space<vmem>>
    %dma_start3A_792 = arith.constant 0 : i32
    %dma_start3A_793 = arith.constant 0 : i32
    %dma_start3A_794 = tpu.memref_slice %arg3[%dma_start3A_786, %dma_start3A_792, %dma_start3A_793] : memref<26x100000x32xf32, #tpu.memory_space<hbm>> -> memref<1x100000x32xf32, #tpu.memory_space<hbm>>
    %dma_start3A_795 = tpu.memref_squeeze %dma_start3A_794 : memref<1x100000x32xf32, #tpu.memory_space<hbm>> -> memref<100000x32xf32, #tpu.memory_space<hbm>>
    %dma_start3A_796 = arith.constant 0 : i32
    %dma_start3A_797 = arith.constant 0 : i32
    %dma_start3A_798 = tpu.memref_slice %dma_start3A_795[%dma_start3A_796, %dma_start3A_797] : memref<100000x32xf32, #tpu.memory_space<hbm>> -> memref<100000x32xf32, #tpu.memory_space<hbm>>
    tpu.enqueue_indirect_dma source(%dma_start3A_798 : memref<100000x32xf32, #tpu.memory_space<hbm>>) target(%dma_start3A_789 : memref<64x32xf32, #tpu.memory_space<vmem>>) offsets(%dma_start3A_791 : memref<64xi32, #tpu.memory_space<vmem>>) semaphore(%arg9 : memref<!tpu.dma_semaphore, #tpu.memory_space<semaphore_mem>>)
    %dma_start3A_799 = arith.constant 7 : i32
    %dma_start3A_800 = arith.constant 448 : i32
    %dma_start3A_801 = arith.constant 0 : i32
    %dma_start3A_802 = tpu.memref_slice %arg7[%dma_start3A_800, %dma_start3A_801] : memref<1664x32xf32, #tpu.memory_space<vmem>> -> memref<64x32xf32, #tpu.memory_space<vmem>>
    %dma_start3A_803 = arith.constant 448 : i32
    %dma_start3A_804 = tpu.memref_slice %arg6[%dma_start3A_803] : memref<1664xi32, #tpu.memory_space<vmem>> -> memref<64xi32, #tpu.memory_space<vmem>>
    %dma_start3A_805 = arith.constant 0 : i32
    %dma_start3A_806 = arith.constant 0 : i32
    %dma_start3A_807 = tpu.memref_slice %arg3[%dma_start3A_799, %dma_start3A_805, %dma_start3A_806] : memref<26x100000x32xf32, #tpu.memory_space<hbm>> -> memref<1x100000x32xf32, #tpu.memory_space<hbm>>
    %dma_start3A_808 = tpu.memref_squeeze %dma_start3A_807 : memref<1x100000x32xf32, #tpu.memory_space<hbm>> -> memref<100000x32xf32, #tpu.memory_space<hbm>>
    %dma_start3A_809 = arith.constant 0 : i32
    %dma_start3A_810 = arith.constant 0 : i32
    %dma_start3A_811 = tpu.memref_slice %dma_start3A_808[%dma_start3A_809, %dma_start3A_810] : memref<100000x32xf32, #tpu.memory_space<hbm>> -> memref<100000x32xf32, #tpu.memory_space<hbm>>
    tpu.enqueue_indirect_dma source(%dma_start3A_811 : memref<100000x32xf32, #tpu.memory_space<hbm>>) target(%dma_start3A_802 : memref<64x32xf32, #tpu.memory_space<vmem>>) offsets(%dma_start3A_804 : memref<64xi32, #tpu.memory_space<vmem>>) semaphore(%arg9 : memref<!tpu.dma_semaphore, #tpu.memory_space<semaphore_mem>>)
    %dma_start3A_812 = arith.constant 8 : i32
    %dma_start3A_813 = arith.constant 512 : i32
    %dma_start3A_814 = arith.constant 0 : i32
    %dma_start3A_815 = tpu.memref_slice %arg7[%dma_start3A_813, %dma_start3A_814] : memref<1664x32xf32, #tpu.memory_space<vmem>> -> memref<64x32xf32, #tpu.memory_space<vmem>>
    %dma_start3A_816 = arith.constant 512 : i32
    %dma_start3A_817 = tpu.memref_slice %arg6[%dma_start3A_816] : memref<1664xi32, #tpu.memory_space<vmem>> -> memref<64xi32, #tpu.memory_space<vmem>>
    %dma_start3A_818 = arith.constant 0 : i32
    %dma_start3A_819 = arith.constant 0 : i32
    %dma_start3A_820 = tpu.memref_slice %arg3[%dma_start3A_812, %dma_start3A_818, %dma_start3A_819] : memref<26x100000x32xf32, #tpu.memory_space<hbm>> -> memref<1x100000x32xf32, #tpu.memory_space<hbm>>
    %dma_start3A_821 = tpu.memref_squeeze %dma_start3A_820 : memref<1x100000x32xf32, #tpu.memory_space<hbm>> -> memref<100000x32xf32, #tpu.memory_space<hbm>>
    %dma_start3A_822 = arith.constant 0 : i32
    %dma_start3A_823 = arith.constant 0 : i32
    %dma_start3A_824 = tpu.memref_slice %dma_start3A_821[%dma_start3A_822, %dma_start3A_823] : memref<100000x32xf32, #tpu.memory_space<hbm>> -> memref<100000x32xf32, #tpu.memory_space<hbm>>
    tpu.enqueue_indirect_dma source(%dma_start3A_824 : memref<100000x32xf32, #tpu.memory_space<hbm>>) target(%dma_start3A_815 : memref<64x32xf32, #tpu.memory_space<vmem>>) offsets(%dma_start3A_817 : memref<64xi32, #tpu.memory_space<vmem>>) semaphore(%arg9 : memref<!tpu.dma_semaphore, #tpu.memory_space<semaphore_mem>>)
    %dma_start3A_825 = arith.constant 9 : i32
    %dma_start3A_826 = arith.constant 576 : i32
    %dma_start3A_827 = arith.constant 0 : i32
    %dma_start3A_828 = tpu.memref_slice %arg7[%dma_start3A_826, %dma_start3A_827] : memref<1664x32xf32, #tpu.memory_space<vmem>> -> memref<64x32xf32, #tpu.memory_space<vmem>>
    %dma_start3A_829 = arith.constant 576 : i32
    %dma_start3A_830 = tpu.memref_slice %arg6[%dma_start3A_829] : memref<1664xi32, #tpu.memory_space<vmem>> -> memref<64xi32, #tpu.memory_space<vmem>>
    %dma_start3A_831 = arith.constant 0 : i32
    %dma_start3A_832 = arith.constant 0 : i32
    %dma_start3A_833 = tpu.memref_slice %arg3[%dma_start3A_825, %dma_start3A_831, %dma_start3A_832] : memref<26x100000x32xf32, #tpu.memory_space<hbm>> -> memref<1x100000x32xf32, #tpu.memory_space<hbm>>
    %dma_start3A_834 = tpu.memref_squeeze %dma_start3A_833 : memref<1x100000x32xf32, #tpu.memory_space<hbm>> -> memref<100000x32xf32, #tpu.memory_space<hbm>>
    %dma_start3A_835 = arith.constant 0 : i32
    %dma_start3A_836 = arith.constant 0 : i32
    %dma_start3A_837 = tpu.memref_slice %dma_start3A_834[%dma_start3A_835, %dma_start3A_836] : memref<100000x32xf32, #tpu.memory_space<hbm>> -> memref<100000x32xf32, #tpu.memory_space<hbm>>
    tpu.enqueue_indirect_dma source(%dma_start3A_837 : memref<100000x32xf32, #tpu.memory_space<hbm>>) target(%dma_start3A_828 : memref<64x32xf32, #tpu.memory_space<vmem>>) offsets(%dma_start3A_830 : memref<64xi32, #tpu.memory_space<vmem>>) semaphore(%arg9 : memref<!tpu.dma_semaphore, #tpu.memory_space<semaphore_mem>>)
    %dma_start3A_838 = arith.constant 10 : i32
    %dma_start3A_839 = arith.constant 640 : i32
    %dma_start3A_840 = arith.constant 0 : i32
    %dma_start3A_841 = tpu.memref_slice %arg7[%dma_start3A_839, %dma_start3A_840] : memref<1664x32xf32, #tpu.memory_space<vmem>> -> memref<64x32xf32, #tpu.memory_space<vmem>>
    %dma_start3A_842 = arith.constant 640 : i32
    %dma_start3A_843 = tpu.memref_slice %arg6[%dma_start3A_842] : memref<1664xi32, #tpu.memory_space<vmem>> -> memref<64xi32, #tpu.memory_space<vmem>>
    %dma_start3A_844 = arith.constant 0 : i32
    %dma_start3A_845 = arith.constant 0 : i32
    %dma_start3A_846 = tpu.memref_slice %arg3[%dma_start3A_838, %dma_start3A_844, %dma_start3A_845] : memref<26x100000x32xf32, #tpu.memory_space<hbm>> -> memref<1x100000x32xf32, #tpu.memory_space<hbm>>
    %dma_start3A_847 = tpu.memref_squeeze %dma_start3A_846 : memref<1x100000x32xf32, #tpu.memory_space<hbm>> -> memref<100000x32xf32, #tpu.memory_space<hbm>>
    %dma_start3A_848 = arith.constant 0 : i32
    %dma_start3A_849 = arith.constant 0 : i32
    %dma_start3A_850 = tpu.memref_slice %dma_start3A_847[%dma_start3A_848, %dma_start3A_849] : memref<100000x32xf32, #tpu.memory_space<hbm>> -> memref<100000x32xf32, #tpu.memory_space<hbm>>
    tpu.enqueue_indirect_dma source(%dma_start3A_850 : memref<100000x32xf32, #tpu.memory_space<hbm>>) target(%dma_start3A_841 : memref<64x32xf32, #tpu.memory_space<vmem>>) offsets(%dma_start3A_843 : memref<64xi32, #tpu.memory_space<vmem>>) semaphore(%arg9 : memref<!tpu.dma_semaphore, #tpu.memory_space<semaphore_mem>>)
    %dma_start3A_851 = arith.constant 11 : i32
    %dma_start3A_852 = arith.constant 704 : i32
    %dma_start3A_853 = arith.constant 0 : i32
    %dma_start3A_854 = tpu.memref_slice %arg7[%dma_start3A_852, %dma_start3A_853] : memref<1664x32xf32, #tpu.memory_space<vmem>> -> memref<64x32xf32, #tpu.memory_space<vmem>>
    %dma_start3A_855 = arith.constant 704 : i32
    %dma_start3A_856 = tpu.memref_slice %arg6[%dma_start3A_855] : memref<1664xi32, #tpu.memory_space<vmem>> -> memref<64xi32, #tpu.memory_space<vmem>>
    %dma_start3A_857 = arith.constant 0 : i32
    %dma_start3A_858 = arith.constant 0 : i32
    %dma_start3A_859 = tpu.memref_slice %arg3[%dma_start3A_851, %dma_start3A_857, %dma_start3A_858] : memref<26x100000x32xf32, #tpu.memory_space<hbm>> -> memref<1x100000x32xf32, #tpu.memory_space<hbm>>
    %dma_start3A_860 = tpu.memref_squeeze %dma_start3A_859 : memref<1x100000x32xf32, #tpu.memory_space<hbm>> -> memref<100000x32xf32, #tpu.memory_space<hbm>>
    %dma_start3A_861 = arith.constant 0 : i32
    %dma_start3A_862 = arith.constant 0 : i32
    %dma_start3A_863 = tpu.memref_slice %dma_start3A_860[%dma_start3A_861, %dma_start3A_862] : memref<100000x32xf32, #tpu.memory_space<hbm>> -> memref<100000x32xf32, #tpu.memory_space<hbm>>
    tpu.enqueue_indirect_dma source(%dma_start3A_863 : memref<100000x32xf32, #tpu.memory_space<hbm>>) target(%dma_start3A_854 : memref<64x32xf32, #tpu.memory_space<vmem>>) offsets(%dma_start3A_856 : memref<64xi32, #tpu.memory_space<vmem>>) semaphore(%arg9 : memref<!tpu.dma_semaphore, #tpu.memory_space<semaphore_mem>>)
    %dma_start3A_864 = arith.constant 12 : i32
    %dma_start3A_865 = arith.constant 768 : i32
    %dma_start3A_866 = arith.constant 0 : i32
    %dma_start3A_867 = tpu.memref_slice %arg7[%dma_start3A_865, %dma_start3A_866] : memref<1664x32xf32, #tpu.memory_space<vmem>> -> memref<64x32xf32, #tpu.memory_space<vmem>>
    %dma_start3A_868 = arith.constant 768 : i32
    %dma_start3A_869 = tpu.memref_slice %arg6[%dma_start3A_868] : memref<1664xi32, #tpu.memory_space<vmem>> -> memref<64xi32, #tpu.memory_space<vmem>>
    %dma_start3A_870 = arith.constant 0 : i32
    %dma_start3A_871 = arith.constant 0 : i32
    %dma_start3A_872 = tpu.memref_slice %arg3[%dma_start3A_864, %dma_start3A_870, %dma_start3A_871] : memref<26x100000x32xf32, #tpu.memory_space<hbm>> -> memref<1x100000x32xf32, #tpu.memory_space<hbm>>
    %dma_start3A_873 = tpu.memref_squeeze %dma_start3A_872 : memref<1x100000x32xf32, #tpu.memory_space<hbm>> -> memref<100000x32xf32, #tpu.memory_space<hbm>>
    %dma_start3A_874 = arith.constant 0 : i32
    %dma_start3A_875 = arith.constant 0 : i32
    %dma_start3A_876 = tpu.memref_slice %dma_start3A_873[%dma_start3A_874, %dma_start3A_875] : memref<100000x32xf32, #tpu.memory_space<hbm>> -> memref<100000x32xf32, #tpu.memory_space<hbm>>
    tpu.enqueue_indirect_dma source(%dma_start3A_876 : memref<100000x32xf32, #tpu.memory_space<hbm>>) target(%dma_start3A_867 : memref<64x32xf32, #tpu.memory_space<vmem>>) offsets(%dma_start3A_869 : memref<64xi32, #tpu.memory_space<vmem>>) semaphore(%arg9 : memref<!tpu.dma_semaphore, #tpu.memory_space<semaphore_mem>>)
    %dma_start3A_877 = arith.constant 13 : i32
    %dma_start3A_878 = arith.constant 832 : i32
    %dma_start3A_879 = arith.constant 0 : i32
    %dma_start3A_880 = tpu.memref_slice %arg7[%dma_start3A_878, %dma_start3A_879] : memref<1664x32xf32, #tpu.memory_space<vmem>> -> memref<64x32xf32, #tpu.memory_space<vmem>>
    %dma_start3A_881 = arith.constant 832 : i32
    %dma_start3A_882 = tpu.memref_slice %arg6[%dma_start3A_881] : memref<1664xi32, #tpu.memory_space<vmem>> -> memref<64xi32, #tpu.memory_space<vmem>>
    %dma_start3A_883 = arith.constant 0 : i32
    %dma_start3A_884 = arith.constant 0 : i32
    %dma_start3A_885 = tpu.memref_slice %arg3[%dma_start3A_877, %dma_start3A_883, %dma_start3A_884] : memref<26x100000x32xf32, #tpu.memory_space<hbm>> -> memref<1x100000x32xf32, #tpu.memory_space<hbm>>
    %dma_start3A_886 = tpu.memref_squeeze %dma_start3A_885 : memref<1x100000x32xf32, #tpu.memory_space<hbm>> -> memref<100000x32xf32, #tpu.memory_space<hbm>>
    %dma_start3A_887 = arith.constant 0 : i32
    %dma_start3A_888 = arith.constant 0 : i32
    %dma_start3A_889 = tpu.memref_slice %dma_start3A_886[%dma_start3A_887, %dma_start3A_888] : memref<100000x32xf32, #tpu.memory_space<hbm>> -> memref<100000x32xf32, #tpu.memory_space<hbm>>
    tpu.enqueue_indirect_dma source(%dma_start3A_889 : memref<100000x32xf32, #tpu.memory_space<hbm>>) target(%dma_start3A_880 : memref<64x32xf32, #tpu.memory_space<vmem>>) offsets(%dma_start3A_882 : memref<64xi32, #tpu.memory_space<vmem>>) semaphore(%arg9 : memref<!tpu.dma_semaphore, #tpu.memory_space<semaphore_mem>>)
    %dma_start3A_890 = arith.constant 14 : i32
    %dma_start3A_891 = arith.constant 896 : i32
    %dma_start3A_892 = arith.constant 0 : i32
    %dma_start3A_893 = tpu.memref_slice %arg7[%dma_start3A_891, %dma_start3A_892] : memref<1664x32xf32, #tpu.memory_space<vmem>> -> memref<64x32xf32, #tpu.memory_space<vmem>>
    %dma_start3A_894 = arith.constant 896 : i32
    %dma_start3A_895 = tpu.memref_slice %arg6[%dma_start3A_894] : memref<1664xi32, #tpu.memory_space<vmem>> -> memref<64xi32, #tpu.memory_space<vmem>>
    %dma_start3A_896 = arith.constant 0 : i32
    %dma_start3A_897 = arith.constant 0 : i32
    %dma_start3A_898 = tpu.memref_slice %arg3[%dma_start3A_890, %dma_start3A_896, %dma_start3A_897] : memref<26x100000x32xf32, #tpu.memory_space<hbm>> -> memref<1x100000x32xf32, #tpu.memory_space<hbm>>
    %dma_start3A_899 = tpu.memref_squeeze %dma_start3A_898 : memref<1x100000x32xf32, #tpu.memory_space<hbm>> -> memref<100000x32xf32, #tpu.memory_space<hbm>>
    %dma_start3A_900 = arith.constant 0 : i32
    %dma_start3A_901 = arith.constant 0 : i32
    %dma_start3A_902 = tpu.memref_slice %dma_start3A_899[%dma_start3A_900, %dma_start3A_901] : memref<100000x32xf32, #tpu.memory_space<hbm>> -> memref<100000x32xf32, #tpu.memory_space<hbm>>
    tpu.enqueue_indirect_dma source(%dma_start3A_902 : memref<100000x32xf32, #tpu.memory_space<hbm>>) target(%dma_start3A_893 : memref<64x32xf32, #tpu.memory_space<vmem>>) offsets(%dma_start3A_895 : memref<64xi32, #tpu.memory_space<vmem>>) semaphore(%arg9 : memref<!tpu.dma_semaphore, #tpu.memory_space<semaphore_mem>>)
    %dma_start3A_903 = arith.constant 15 : i32
    %dma_start3A_904 = arith.constant 960 : i32
    %dma_start3A_905 = arith.constant 0 : i32
    %dma_start3A_906 = tpu.memref_slice %arg7[%dma_start3A_904, %dma_start3A_905] : memref<1664x32xf32, #tpu.memory_space<vmem>> -> memref<64x32xf32, #tpu.memory_space<vmem>>
    %dma_start3A_907 = arith.constant 960 : i32
    %dma_start3A_908 = tpu.memref_slice %arg6[%dma_start3A_907] : memref<1664xi32, #tpu.memory_space<vmem>> -> memref<64xi32, #tpu.memory_space<vmem>>
    %dma_start3A_909 = arith.constant 0 : i32
    %dma_start3A_910 = arith.constant 0 : i32
    %dma_start3A_911 = tpu.memref_slice %arg3[%dma_start3A_903, %dma_start3A_909, %dma_start3A_910] : memref<26x100000x32xf32, #tpu.memory_space<hbm>> -> memref<1x100000x32xf32, #tpu.memory_space<hbm>>
    %dma_start3A_912 = tpu.memref_squeeze %dma_start3A_911 : memref<1x100000x32xf32, #tpu.memory_space<hbm>> -> memref<100000x32xf32, #tpu.memory_space<hbm>>
    %dma_start3A_913 = arith.constant 0 : i32
    %dma_start3A_914 = arith.constant 0 : i32
    %dma_start3A_915 = tpu.memref_slice %dma_start3A_912[%dma_start3A_913, %dma_start3A_914] : memref<100000x32xf32, #tpu.memory_space<hbm>> -> memref<100000x32xf32, #tpu.memory_space<hbm>>
    tpu.enqueue_indirect_dma source(%dma_start3A_915 : memref<100000x32xf32, #tpu.memory_space<hbm>>) target(%dma_start3A_906 : memref<64x32xf32, #tpu.memory_space<vmem>>) offsets(%dma_start3A_908 : memref<64xi32, #tpu.memory_space<vmem>>) semaphore(%arg9 : memref<!tpu.dma_semaphore, #tpu.memory_space<semaphore_mem>>)
    %dma_start3A_916 = arith.constant 16 : i32
    %dma_start3A_917 = arith.constant 1024 : i32
    %dma_start3A_918 = arith.constant 0 : i32
    %dma_start3A_919 = tpu.memref_slice %arg7[%dma_start3A_917, %dma_start3A_918] : memref<1664x32xf32, #tpu.memory_space<vmem>> -> memref<64x32xf32, #tpu.memory_space<vmem>>
    %dma_start3A_920 = arith.constant 1024 : i32
    %dma_start3A_921 = tpu.memref_slice %arg6[%dma_start3A_920] : memref<1664xi32, #tpu.memory_space<vmem>> -> memref<64xi32, #tpu.memory_space<vmem>>
    %dma_start3A_922 = arith.constant 0 : i32
    %dma_start3A_923 = arith.constant 0 : i32
    %dma_start3A_924 = tpu.memref_slice %arg3[%dma_start3A_916, %dma_start3A_922, %dma_start3A_923] : memref<26x100000x32xf32, #tpu.memory_space<hbm>> -> memref<1x100000x32xf32, #tpu.memory_space<hbm>>
    %dma_start3A_925 = tpu.memref_squeeze %dma_start3A_924 : memref<1x100000x32xf32, #tpu.memory_space<hbm>> -> memref<100000x32xf32, #tpu.memory_space<hbm>>
    %dma_start3A_926 = arith.constant 0 : i32
    %dma_start3A_927 = arith.constant 0 : i32
    %dma_start3A_928 = tpu.memref_slice %dma_start3A_925[%dma_start3A_926, %dma_start3A_927] : memref<100000x32xf32, #tpu.memory_space<hbm>> -> memref<100000x32xf32, #tpu.memory_space<hbm>>
    tpu.enqueue_indirect_dma source(%dma_start3A_928 : memref<100000x32xf32, #tpu.memory_space<hbm>>) target(%dma_start3A_919 : memref<64x32xf32, #tpu.memory_space<vmem>>) offsets(%dma_start3A_921 : memref<64xi32, #tpu.memory_space<vmem>>) semaphore(%arg9 : memref<!tpu.dma_semaphore, #tpu.memory_space<semaphore_mem>>)
    %dma_start3A_929 = arith.constant 17 : i32
    %dma_start3A_930 = arith.constant 1088 : i32
    %dma_start3A_931 = arith.constant 0 : i32
    %dma_start3A_932 = tpu.memref_slice %arg7[%dma_start3A_930, %dma_start3A_931] : memref<1664x32xf32, #tpu.memory_space<vmem>> -> memref<64x32xf32, #tpu.memory_space<vmem>>
    %dma_start3A_933 = arith.constant 1088 : i32
    %dma_start3A_934 = tpu.memref_slice %arg6[%dma_start3A_933] : memref<1664xi32, #tpu.memory_space<vmem>> -> memref<64xi32, #tpu.memory_space<vmem>>
    %dma_start3A_935 = arith.constant 0 : i32
    %dma_start3A_936 = arith.constant 0 : i32
    %dma_start3A_937 = tpu.memref_slice %arg3[%dma_start3A_929, %dma_start3A_935, %dma_start3A_936] : memref<26x100000x32xf32, #tpu.memory_space<hbm>> -> memref<1x100000x32xf32, #tpu.memory_space<hbm>>
    %dma_start3A_938 = tpu.memref_squeeze %dma_start3A_937 : memref<1x100000x32xf32, #tpu.memory_space<hbm>> -> memref<100000x32xf32, #tpu.memory_space<hbm>>
    %dma_start3A_939 = arith.constant 0 : i32
    %dma_start3A_940 = arith.constant 0 : i32
    %dma_start3A_941 = tpu.memref_slice %dma_start3A_938[%dma_start3A_939, %dma_start3A_940] : memref<100000x32xf32, #tpu.memory_space<hbm>> -> memref<100000x32xf32, #tpu.memory_space<hbm>>
    tpu.enqueue_indirect_dma source(%dma_start3A_941 : memref<100000x32xf32, #tpu.memory_space<hbm>>) target(%dma_start3A_932 : memref<64x32xf32, #tpu.memory_space<vmem>>) offsets(%dma_start3A_934 : memref<64xi32, #tpu.memory_space<vmem>>) semaphore(%arg9 : memref<!tpu.dma_semaphore, #tpu.memory_space<semaphore_mem>>)
    %dma_start3A_942 = arith.constant 18 : i32
    %dma_start3A_943 = arith.constant 1152 : i32
    %dma_start3A_944 = arith.constant 0 : i32
    %dma_start3A_945 = tpu.memref_slice %arg7[%dma_start3A_943, %dma_start3A_944] : memref<1664x32xf32, #tpu.memory_space<vmem>> -> memref<64x32xf32, #tpu.memory_space<vmem>>
    %dma_start3A_946 = arith.constant 1152 : i32
    %dma_start3A_947 = tpu.memref_slice %arg6[%dma_start3A_946] : memref<1664xi32, #tpu.memory_space<vmem>> -> memref<64xi32, #tpu.memory_space<vmem>>
    %dma_start3A_948 = arith.constant 0 : i32
    %dma_start3A_949 = arith.constant 0 : i32
    %dma_start3A_950 = tpu.memref_slice %arg3[%dma_start3A_942, %dma_start3A_948, %dma_start3A_949] : memref<26x100000x32xf32, #tpu.memory_space<hbm>> -> memref<1x100000x32xf32, #tpu.memory_space<hbm>>
    %dma_start3A_951 = tpu.memref_squeeze %dma_start3A_950 : memref<1x100000x32xf32, #tpu.memory_space<hbm>> -> memref<100000x32xf32, #tpu.memory_space<hbm>>
    %dma_start3A_952 = arith.constant 0 : i32
    %dma_start3A_953 = arith.constant 0 : i32
    %dma_start3A_954 = tpu.memref_slice %dma_start3A_951[%dma_start3A_952, %dma_start3A_953] : memref<100000x32xf32, #tpu.memory_space<hbm>> -> memref<100000x32xf32, #tpu.memory_space<hbm>>
    tpu.enqueue_indirect_dma source(%dma_start3A_954 : memref<100000x32xf32, #tpu.memory_space<hbm>>) target(%dma_start3A_945 : memref<64x32xf32, #tpu.memory_space<vmem>>) offsets(%dma_start3A_947 : memref<64xi32, #tpu.memory_space<vmem>>) semaphore(%arg9 : memref<!tpu.dma_semaphore, #tpu.memory_space<semaphore_mem>>)
    %dma_start3A_955 = arith.constant 19 : i32
    %dma_start3A_956 = arith.constant 1216 : i32
    %dma_start3A_957 = arith.constant 0 : i32
    %dma_start3A_958 = tpu.memref_slice %arg7[%dma_start3A_956, %dma_start3A_957] : memref<1664x32xf32, #tpu.memory_space<vmem>> -> memref<64x32xf32, #tpu.memory_space<vmem>>
    %dma_start3A_959 = arith.constant 1216 : i32
    %dma_start3A_960 = tpu.memref_slice %arg6[%dma_start3A_959] : memref<1664xi32, #tpu.memory_space<vmem>> -> memref<64xi32, #tpu.memory_space<vmem>>
    %dma_start3A_961 = arith.constant 0 : i32
    %dma_start3A_962 = arith.constant 0 : i32
    %dma_start3A_963 = tpu.memref_slice %arg3[%dma_start3A_955, %dma_start3A_961, %dma_start3A_962] : memref<26x100000x32xf32, #tpu.memory_space<hbm>> -> memref<1x100000x32xf32, #tpu.memory_space<hbm>>
    %dma_start3A_964 = tpu.memref_squeeze %dma_start3A_963 : memref<1x100000x32xf32, #tpu.memory_space<hbm>> -> memref<100000x32xf32, #tpu.memory_space<hbm>>
    %dma_start3A_965 = arith.constant 0 : i32
    %dma_start3A_966 = arith.constant 0 : i32
    %dma_start3A_967 = tpu.memref_slice %dma_start3A_964[%dma_start3A_965, %dma_start3A_966] : memref<100000x32xf32, #tpu.memory_space<hbm>> -> memref<100000x32xf32, #tpu.memory_space<hbm>>
    tpu.enqueue_indirect_dma source(%dma_start3A_967 : memref<100000x32xf32, #tpu.memory_space<hbm>>) target(%dma_start3A_958 : memref<64x32xf32, #tpu.memory_space<vmem>>) offsets(%dma_start3A_960 : memref<64xi32, #tpu.memory_space<vmem>>) semaphore(%arg9 : memref<!tpu.dma_semaphore, #tpu.memory_space<semaphore_mem>>)
    %dma_start3A_968 = arith.constant 20 : i32
    %dma_start3A_969 = arith.constant 1280 : i32
    %dma_start3A_970 = arith.constant 0 : i32
    %dma_start3A_971 = tpu.memref_slice %arg7[%dma_start3A_969, %dma_start3A_970] : memref<1664x32xf32, #tpu.memory_space<vmem>> -> memref<64x32xf32, #tpu.memory_space<vmem>>
    %dma_start3A_972 = arith.constant 1280 : i32
    %dma_start3A_973 = tpu.memref_slice %arg6[%dma_start3A_972] : memref<1664xi32, #tpu.memory_space<vmem>> -> memref<64xi32, #tpu.memory_space<vmem>>
    %dma_start3A_974 = arith.constant 0 : i32
    %dma_start3A_975 = arith.constant 0 : i32
    %dma_start3A_976 = tpu.memref_slice %arg3[%dma_start3A_968, %dma_start3A_974, %dma_start3A_975] : memref<26x100000x32xf32, #tpu.memory_space<hbm>> -> memref<1x100000x32xf32, #tpu.memory_space<hbm>>
    %dma_start3A_977 = tpu.memref_squeeze %dma_start3A_976 : memref<1x100000x32xf32, #tpu.memory_space<hbm>> -> memref<100000x32xf32, #tpu.memory_space<hbm>>
    %dma_start3A_978 = arith.constant 0 : i32
    %dma_start3A_979 = arith.constant 0 : i32
    %dma_start3A_980 = tpu.memref_slice %dma_start3A_977[%dma_start3A_978, %dma_start3A_979] : memref<100000x32xf32, #tpu.memory_space<hbm>> -> memref<100000x32xf32, #tpu.memory_space<hbm>>
    tpu.enqueue_indirect_dma source(%dma_start3A_980 : memref<100000x32xf32, #tpu.memory_space<hbm>>) target(%dma_start3A_971 : memref<64x32xf32, #tpu.memory_space<vmem>>) offsets(%dma_start3A_973 : memref<64xi32, #tpu.memory_space<vmem>>) semaphore(%arg9 : memref<!tpu.dma_semaphore, #tpu.memory_space<semaphore_mem>>)
    %dma_start3A_981 = arith.constant 21 : i32
    %dma_start3A_982 = arith.constant 1344 : i32
    %dma_start3A_983 = arith.constant 0 : i32
    %dma_start3A_984 = tpu.memref_slice %arg7[%dma_start3A_982, %dma_start3A_983] : memref<1664x32xf32, #tpu.memory_space<vmem>> -> memref<64x32xf32, #tpu.memory_space<vmem>>
    %dma_start3A_985 = arith.constant 1344 : i32
    %dma_start3A_986 = tpu.memref_slice %arg6[%dma_start3A_985] : memref<1664xi32, #tpu.memory_space<vmem>> -> memref<64xi32, #tpu.memory_space<vmem>>
    %dma_start3A_987 = arith.constant 0 : i32
    %dma_start3A_988 = arith.constant 0 : i32
    %dma_start3A_989 = tpu.memref_slice %arg3[%dma_start3A_981, %dma_start3A_987, %dma_start3A_988] : memref<26x100000x32xf32, #tpu.memory_space<hbm>> -> memref<1x100000x32xf32, #tpu.memory_space<hbm>>
    %dma_start3A_990 = tpu.memref_squeeze %dma_start3A_989 : memref<1x100000x32xf32, #tpu.memory_space<hbm>> -> memref<100000x32xf32, #tpu.memory_space<hbm>>
    %dma_start3A_991 = arith.constant 0 : i32
    %dma_start3A_992 = arith.constant 0 : i32
    %dma_start3A_993 = tpu.memref_slice %dma_start3A_990[%dma_start3A_991, %dma_start3A_992] : memref<100000x32xf32, #tpu.memory_space<hbm>> -> memref<100000x32xf32, #tpu.memory_space<hbm>>
    tpu.enqueue_indirect_dma source(%dma_start3A_993 : memref<100000x32xf32, #tpu.memory_space<hbm>>) target(%dma_start3A_984 : memref<64x32xf32, #tpu.memory_space<vmem>>) offsets(%dma_start3A_986 : memref<64xi32, #tpu.memory_space<vmem>>) semaphore(%arg9 : memref<!tpu.dma_semaphore, #tpu.memory_space<semaphore_mem>>)
    %dma_start3A_994 = arith.constant 22 : i32
    %dma_start3A_995 = arith.constant 1408 : i32
    %dma_start3A_996 = arith.constant 0 : i32
    %dma_start3A_997 = tpu.memref_slice %arg7[%dma_start3A_995, %dma_start3A_996] : memref<1664x32xf32, #tpu.memory_space<vmem>> -> memref<64x32xf32, #tpu.memory_space<vmem>>
    %dma_start3A_998 = arith.constant 1408 : i32
    %dma_start3A_999 = tpu.memref_slice %arg6[%dma_start3A_998] : memref<1664xi32, #tpu.memory_space<vmem>> -> memref<64xi32, #tpu.memory_space<vmem>>
    %dma_start3A_1000 = arith.constant 0 : i32
    %dma_start3A_1001 = arith.constant 0 : i32
    %dma_start3A_1002 = tpu.memref_slice %arg3[%dma_start3A_994, %dma_start3A_1000, %dma_start3A_1001] : memref<26x100000x32xf32, #tpu.memory_space<hbm>> -> memref<1x100000x32xf32, #tpu.memory_space<hbm>>
    %dma_start3A_1003 = tpu.memref_squeeze %dma_start3A_1002 : memref<1x100000x32xf32, #tpu.memory_space<hbm>> -> memref<100000x32xf32, #tpu.memory_space<hbm>>
    %dma_start3A_1004 = arith.constant 0 : i32
    %dma_start3A_1005 = arith.constant 0 : i32
    %dma_start3A_1006 = tpu.memref_slice %dma_start3A_1003[%dma_start3A_1004, %dma_start3A_1005] : memref<100000x32xf32, #tpu.memory_space<hbm>> -> memref<100000x32xf32, #tpu.memory_space<hbm>>
    tpu.enqueue_indirect_dma source(%dma_start3A_1006 : memref<100000x32xf32, #tpu.memory_space<hbm>>) target(%dma_start3A_997 : memref<64x32xf32, #tpu.memory_space<vmem>>) offsets(%dma_start3A_999 : memref<64xi32, #tpu.memory_space<vmem>>) semaphore(%arg9 : memref<!tpu.dma_semaphore, #tpu.memory_space<semaphore_mem>>)
    %dma_start3A_1007 = arith.constant 23 : i32
    %dma_start3A_1008 = arith.constant 1472 : i32
    %dma_start3A_1009 = arith.constant 0 : i32
    %dma_start3A_1010 = tpu.memref_slice %arg7[%dma_start3A_1008, %dma_start3A_1009] : memref<1664x32xf32, #tpu.memory_space<vmem>> -> memref<64x32xf32, #tpu.memory_space<vmem>>
    %dma_start3A_1011 = arith.constant 1472 : i32
    %dma_start3A_1012 = tpu.memref_slice %arg6[%dma_start3A_1011] : memref<1664xi32, #tpu.memory_space<vmem>> -> memref<64xi32, #tpu.memory_space<vmem>>
    %dma_start3A_1013 = arith.constant 0 : i32
    %dma_start3A_1014 = arith.constant 0 : i32
    %dma_start3A_1015 = tpu.memref_slice %arg3[%dma_start3A_1007, %dma_start3A_1013, %dma_start3A_1014] : memref<26x100000x32xf32, #tpu.memory_space<hbm>> -> memref<1x100000x32xf32, #tpu.memory_space<hbm>>
    %dma_start3A_1016 = tpu.memref_squeeze %dma_start3A_1015 : memref<1x100000x32xf32, #tpu.memory_space<hbm>> -> memref<100000x32xf32, #tpu.memory_space<hbm>>
    %dma_start3A_1017 = arith.constant 0 : i32
    %dma_start3A_1018 = arith.constant 0 : i32
    %dma_start3A_1019 = tpu.memref_slice %dma_start3A_1016[%dma_start3A_1017, %dma_start3A_1018] : memref<100000x32xf32, #tpu.memory_space<hbm>> -> memref<100000x32xf32, #tpu.memory_space<hbm>>
    tpu.enqueue_indirect_dma source(%dma_start3A_1019 : memref<100000x32xf32, #tpu.memory_space<hbm>>) target(%dma_start3A_1010 : memref<64x32xf32, #tpu.memory_space<vmem>>) offsets(%dma_start3A_1012 : memref<64xi32, #tpu.memory_space<vmem>>) semaphore(%arg9 : memref<!tpu.dma_semaphore, #tpu.memory_space<semaphore_mem>>)
    %dma_start3A_1020 = arith.constant 24 : i32
    %dma_start3A_1021 = arith.constant 1536 : i32
    %dma_start3A_1022 = arith.constant 0 : i32
    %dma_start3A_1023 = tpu.memref_slice %arg7[%dma_start3A_1021, %dma_start3A_1022] : memref<1664x32xf32, #tpu.memory_space<vmem>> -> memref<64x32xf32, #tpu.memory_space<vmem>>
    %dma_start3A_1024 = arith.constant 1536 : i32
    %dma_start3A_1025 = tpu.memref_slice %arg6[%dma_start3A_1024] : memref<1664xi32, #tpu.memory_space<vmem>> -> memref<64xi32, #tpu.memory_space<vmem>>
    %dma_start3A_1026 = arith.constant 0 : i32
    %dma_start3A_1027 = arith.constant 0 : i32
    %dma_start3A_1028 = tpu.memref_slice %arg3[%dma_start3A_1020, %dma_start3A_1026, %dma_start3A_1027] : memref<26x100000x32xf32, #tpu.memory_space<hbm>> -> memref<1x100000x32xf32, #tpu.memory_space<hbm>>
    %dma_start3A_1029 = tpu.memref_squeeze %dma_start3A_1028 : memref<1x100000x32xf32, #tpu.memory_space<hbm>> -> memref<100000x32xf32, #tpu.memory_space<hbm>>
    %dma_start3A_1030 = arith.constant 0 : i32
    %dma_start3A_1031 = arith.constant 0 : i32
    %dma_start3A_1032 = tpu.memref_slice %dma_start3A_1029[%dma_start3A_1030, %dma_start3A_1031] : memref<100000x32xf32, #tpu.memory_space<hbm>> -> memref<100000x32xf32, #tpu.memory_space<hbm>>
    tpu.enqueue_indirect_dma source(%dma_start3A_1032 : memref<100000x32xf32, #tpu.memory_space<hbm>>) target(%dma_start3A_1023 : memref<64x32xf32, #tpu.memory_space<vmem>>) offsets(%dma_start3A_1025 : memref<64xi32, #tpu.memory_space<vmem>>) semaphore(%arg9 : memref<!tpu.dma_semaphore, #tpu.memory_space<semaphore_mem>>)
    %dma_start3A_1033 = arith.constant 25 : i32
    %dma_start3A_1034 = arith.constant 1600 : i32
    %dma_start3A_1035 = arith.constant 0 : i32
    %dma_start3A_1036 = tpu.memref_slice %arg7[%dma_start3A_1034, %dma_start3A_1035] : memref<1664x32xf32, #tpu.memory_space<vmem>> -> memref<64x32xf32, #tpu.memory_space<vmem>>
    %dma_start3A_1037 = arith.constant 1600 : i32
    %dma_start3A_1038 = tpu.memref_slice %arg6[%dma_start3A_1037] : memref<1664xi32, #tpu.memory_space<vmem>> -> memref<64xi32, #tpu.memory_space<vmem>>
    %dma_start3A_1039 = arith.constant 0 : i32
    %dma_start3A_1040 = arith.constant 0 : i32
    %dma_start3A_1041 = tpu.memref_slice %arg3[%dma_start3A_1033, %dma_start3A_1039, %dma_start3A_1040] : memref<26x100000x32xf32, #tpu.memory_space<hbm>> -> memref<1x100000x32xf32, #tpu.memory_space<hbm>>
    %dma_start3A_1042 = tpu.memref_squeeze %dma_start3A_1041 : memref<1x100000x32xf32, #tpu.memory_space<hbm>> -> memref<100000x32xf32, #tpu.memory_space<hbm>>
    %dma_start3A_1043 = arith.constant 0 : i32
    %dma_start3A_1044 = arith.constant 0 : i32
    %dma_start3A_1045 = tpu.memref_slice %dma_start3A_1042[%dma_start3A_1043, %dma_start3A_1044] : memref<100000x32xf32, #tpu.memory_space<hbm>> -> memref<100000x32xf32, #tpu.memory_space<hbm>>
    tpu.enqueue_indirect_dma source(%dma_start3A_1045 : memref<100000x32xf32, #tpu.memory_space<hbm>>) target(%dma_start3A_1036 : memref<64x32xf32, #tpu.memory_space<vmem>>) offsets(%dma_start3A_1038 : memref<64xi32, #tpu.memory_space<vmem>>) semaphore(%arg9 : memref<!tpu.dma_semaphore, #tpu.memory_space<semaphore_mem>>)
    %dma_wait3A_1046 = arith.constant 0 : i32
    %dma_wait3A_1047 = arith.constant 0 : i32
    %dma_wait3A_1048 = arith.constant 0 : i32
    %dma_wait3A_1049 = tpu.memref_slice %arg7[%dma_wait3A_1047, %dma_wait3A_1048] : memref<1664x32xf32, #tpu.memory_space<vmem>> -> memref<64x32xf32, #tpu.memory_space<vmem>>
    %dma_wait3A_1050 = arith.constant 0 : i32
    %dma_wait3A_1051 = tpu.memref_slice %arg6[%dma_wait3A_1050] : memref<1664xi32, #tpu.memory_space<vmem>> -> memref<64xi32, #tpu.memory_space<vmem>>
    %dma_wait3A_1052 = arith.constant 0 : i32
    %dma_wait3A_1053 = arith.constant 0 : i32
    %dma_wait3A_1054 = tpu.memref_slice %arg3[%dma_wait3A_1046, %dma_wait3A_1052, %dma_wait3A_1053] : memref<26x100000x32xf32, #tpu.memory_space<hbm>> -> memref<1x100000x32xf32, #tpu.memory_space<hbm>>
    %dma_wait3A_1055 = tpu.memref_squeeze %dma_wait3A_1054 : memref<1x100000x32xf32, #tpu.memory_space<hbm>> -> memref<100000x32xf32, #tpu.memory_space<hbm>>
    %dma_wait3A_1056 = arith.constant 0 : i32
    %dma_wait3A_1057 = arith.constant 0 : i32
    %dma_wait3A_1058 = tpu.memref_slice %dma_wait3A_1055[%dma_wait3A_1056, %dma_wait3A_1057] : memref<100000x32xf32, #tpu.memory_space<hbm>> -> memref<100000x32xf32, #tpu.memory_space<hbm>>
    tpu.wait_indirect_dma semaphore(%arg9 : memref<!tpu.dma_semaphore, #tpu.memory_space<semaphore_mem>>) src(%dma_wait3A_1058 : memref<100000x32xf32, #tpu.memory_space<hbm>>) dst(%dma_wait3A_1049 : memref<64x32xf32, #tpu.memory_space<vmem>>)
    %dma_wait3A_1059 = arith.constant 1 : i32
    %dma_wait3A_1060 = arith.constant 64 : i32
    %dma_wait3A_1061 = arith.constant 0 : i32
    %dma_wait3A_1062 = tpu.memref_slice %arg7[%dma_wait3A_1060, %dma_wait3A_1061] : memref<1664x32xf32, #tpu.memory_space<vmem>> -> memref<64x32xf32, #tpu.memory_space<vmem>>
    %dma_wait3A_1063 = arith.constant 64 : i32
    %dma_wait3A_1064 = tpu.memref_slice %arg6[%dma_wait3A_1063] : memref<1664xi32, #tpu.memory_space<vmem>> -> memref<64xi32, #tpu.memory_space<vmem>>
    %dma_wait3A_1065 = arith.constant 0 : i32
    %dma_wait3A_1066 = arith.constant 0 : i32
    %dma_wait3A_1067 = tpu.memref_slice %arg3[%dma_wait3A_1059, %dma_wait3A_1065, %dma_wait3A_1066] : memref<26x100000x32xf32, #tpu.memory_space<hbm>> -> memref<1x100000x32xf32, #tpu.memory_space<hbm>>
    %dma_wait3A_1068 = tpu.memref_squeeze %dma_wait3A_1067 : memref<1x100000x32xf32, #tpu.memory_space<hbm>> -> memref<100000x32xf32, #tpu.memory_space<hbm>>
    %dma_wait3A_1069 = arith.constant 0 : i32
    %dma_wait3A_1070 = arith.constant 0 : i32
    %dma_wait3A_1071 = tpu.memref_slice %dma_wait3A_1068[%dma_wait3A_1069, %dma_wait3A_1070] : memref<100000x32xf32, #tpu.memory_space<hbm>> -> memref<100000x32xf32, #tpu.memory_space<hbm>>
    tpu.wait_indirect_dma semaphore(%arg9 : memref<!tpu.dma_semaphore, #tpu.memory_space<semaphore_mem>>) src(%dma_wait3A_1071 : memref<100000x32xf32, #tpu.memory_space<hbm>>) dst(%dma_wait3A_1062 : memref<64x32xf32, #tpu.memory_space<vmem>>)
    %dma_wait3A_1072 = arith.constant 2 : i32
    %dma_wait3A_1073 = arith.constant 128 : i32
    %dma_wait3A_1074 = arith.constant 0 : i32
    %dma_wait3A_1075 = tpu.memref_slice %arg7[%dma_wait3A_1073, %dma_wait3A_1074] : memref<1664x32xf32, #tpu.memory_space<vmem>> -> memref<64x32xf32, #tpu.memory_space<vmem>>
    %dma_wait3A_1076 = arith.constant 128 : i32
    %dma_wait3A_1077 = tpu.memref_slice %arg6[%dma_wait3A_1076] : memref<1664xi32, #tpu.memory_space<vmem>> -> memref<64xi32, #tpu.memory_space<vmem>>
    %dma_wait3A_1078 = arith.constant 0 : i32
    %dma_wait3A_1079 = arith.constant 0 : i32
    %dma_wait3A_1080 = tpu.memref_slice %arg3[%dma_wait3A_1072, %dma_wait3A_1078, %dma_wait3A_1079] : memref<26x100000x32xf32, #tpu.memory_space<hbm>> -> memref<1x100000x32xf32, #tpu.memory_space<hbm>>
    %dma_wait3A_1081 = tpu.memref_squeeze %dma_wait3A_1080 : memref<1x100000x32xf32, #tpu.memory_space<hbm>> -> memref<100000x32xf32, #tpu.memory_space<hbm>>
    %dma_wait3A_1082 = arith.constant 0 : i32
    %dma_wait3A_1083 = arith.constant 0 : i32
    %dma_wait3A_1084 = tpu.memref_slice %dma_wait3A_1081[%dma_wait3A_1082, %dma_wait3A_1083] : memref<100000x32xf32, #tpu.memory_space<hbm>> -> memref<100000x32xf32, #tpu.memory_space<hbm>>
    tpu.wait_indirect_dma semaphore(%arg9 : memref<!tpu.dma_semaphore, #tpu.memory_space<semaphore_mem>>) src(%dma_wait3A_1084 : memref<100000x32xf32, #tpu.memory_space<hbm>>) dst(%dma_wait3A_1075 : memref<64x32xf32, #tpu.memory_space<vmem>>)
    %dma_wait3A_1085 = arith.constant 3 : i32
    %dma_wait3A_1086 = arith.constant 192 : i32
    %dma_wait3A_1087 = arith.constant 0 : i32
    %dma_wait3A_1088 = tpu.memref_slice %arg7[%dma_wait3A_1086, %dma_wait3A_1087] : memref<1664x32xf32, #tpu.memory_space<vmem>> -> memref<64x32xf32, #tpu.memory_space<vmem>>
    %dma_wait3A_1089 = arith.constant 192 : i32
    %dma_wait3A_1090 = tpu.memref_slice %arg6[%dma_wait3A_1089] : memref<1664xi32, #tpu.memory_space<vmem>> -> memref<64xi32, #tpu.memory_space<vmem>>
    %dma_wait3A_1091 = arith.constant 0 : i32
    %dma_wait3A_1092 = arith.constant 0 : i32
    %dma_wait3A_1093 = tpu.memref_slice %arg3[%dma_wait3A_1085, %dma_wait3A_1091, %dma_wait3A_1092] : memref<26x100000x32xf32, #tpu.memory_space<hbm>> -> memref<1x100000x32xf32, #tpu.memory_space<hbm>>
    %dma_wait3A_1094 = tpu.memref_squeeze %dma_wait3A_1093 : memref<1x100000x32xf32, #tpu.memory_space<hbm>> -> memref<100000x32xf32, #tpu.memory_space<hbm>>
    %dma_wait3A_1095 = arith.constant 0 : i32
    %dma_wait3A_1096 = arith.constant 0 : i32
    %dma_wait3A_1097 = tpu.memref_slice %dma_wait3A_1094[%dma_wait3A_1095, %dma_wait3A_1096] : memref<100000x32xf32, #tpu.memory_space<hbm>> -> memref<100000x32xf32, #tpu.memory_space<hbm>>
    tpu.wait_indirect_dma semaphore(%arg9 : memref<!tpu.dma_semaphore, #tpu.memory_space<semaphore_mem>>) src(%dma_wait3A_1097 : memref<100000x32xf32, #tpu.memory_space<hbm>>) dst(%dma_wait3A_1088 : memref<64x32xf32, #tpu.memory_space<vmem>>)
    %dma_wait3A_1098 = arith.constant 4 : i32
    %dma_wait3A_1099 = arith.constant 256 : i32
    %dma_wait3A_1100 = arith.constant 0 : i32
    %dma_wait3A_1101 = tpu.memref_slice %arg7[%dma_wait3A_1099, %dma_wait3A_1100] : memref<1664x32xf32, #tpu.memory_space<vmem>> -> memref<64x32xf32, #tpu.memory_space<vmem>>
    %dma_wait3A_1102 = arith.constant 256 : i32
    %dma_wait3A_1103 = tpu.memref_slice %arg6[%dma_wait3A_1102] : memref<1664xi32, #tpu.memory_space<vmem>> -> memref<64xi32, #tpu.memory_space<vmem>>
    %dma_wait3A_1104 = arith.constant 0 : i32
    %dma_wait3A_1105 = arith.constant 0 : i32
    %dma_wait3A_1106 = tpu.memref_slice %arg3[%dma_wait3A_1098, %dma_wait3A_1104, %dma_wait3A_1105] : memref<26x100000x32xf32, #tpu.memory_space<hbm>> -> memref<1x100000x32xf32, #tpu.memory_space<hbm>>
    %dma_wait3A_1107 = tpu.memref_squeeze %dma_wait3A_1106 : memref<1x100000x32xf32, #tpu.memory_space<hbm>> -> memref<100000x32xf32, #tpu.memory_space<hbm>>
    %dma_wait3A_1108 = arith.constant 0 : i32
    %dma_wait3A_1109 = arith.constant 0 : i32
    %dma_wait3A_1110 = tpu.memref_slice %dma_wait3A_1107[%dma_wait3A_1108, %dma_wait3A_1109] : memref<100000x32xf32, #tpu.memory_space<hbm>> -> memref<100000x32xf32, #tpu.memory_space<hbm>>
    tpu.wait_indirect_dma semaphore(%arg9 : memref<!tpu.dma_semaphore, #tpu.memory_space<semaphore_mem>>) src(%dma_wait3A_1110 : memref<100000x32xf32, #tpu.memory_space<hbm>>) dst(%dma_wait3A_1101 : memref<64x32xf32, #tpu.memory_space<vmem>>)
    %dma_wait3A_1111 = arith.constant 5 : i32
    %dma_wait3A_1112 = arith.constant 320 : i32
    %dma_wait3A_1113 = arith.constant 0 : i32
    %dma_wait3A_1114 = tpu.memref_slice %arg7[%dma_wait3A_1112, %dma_wait3A_1113] : memref<1664x32xf32, #tpu.memory_space<vmem>> -> memref<64x32xf32, #tpu.memory_space<vmem>>
    %dma_wait3A_1115 = arith.constant 320 : i32
    %dma_wait3A_1116 = tpu.memref_slice %arg6[%dma_wait3A_1115] : memref<1664xi32, #tpu.memory_space<vmem>> -> memref<64xi32, #tpu.memory_space<vmem>>
    %dma_wait3A_1117 = arith.constant 0 : i32
    %dma_wait3A_1118 = arith.constant 0 : i32
    %dma_wait3A_1119 = tpu.memref_slice %arg3[%dma_wait3A_1111, %dma_wait3A_1117, %dma_wait3A_1118] : memref<26x100000x32xf32, #tpu.memory_space<hbm>> -> memref<1x100000x32xf32, #tpu.memory_space<hbm>>
    %dma_wait3A_1120 = tpu.memref_squeeze %dma_wait3A_1119 : memref<1x100000x32xf32, #tpu.memory_space<hbm>> -> memref<100000x32xf32, #tpu.memory_space<hbm>>
    %dma_wait3A_1121 = arith.constant 0 : i32
    %dma_wait3A_1122 = arith.constant 0 : i32
    %dma_wait3A_1123 = tpu.memref_slice %dma_wait3A_1120[%dma_wait3A_1121, %dma_wait3A_1122] : memref<100000x32xf32, #tpu.memory_space<hbm>> -> memref<100000x32xf32, #tpu.memory_space<hbm>>
    tpu.wait_indirect_dma semaphore(%arg9 : memref<!tpu.dma_semaphore, #tpu.memory_space<semaphore_mem>>) src(%dma_wait3A_1123 : memref<100000x32xf32, #tpu.memory_space<hbm>>) dst(%dma_wait3A_1114 : memref<64x32xf32, #tpu.memory_space<vmem>>)
    %dma_wait3A_1124 = arith.constant 6 : i32
    %dma_wait3A_1125 = arith.constant 384 : i32
    %dma_wait3A_1126 = arith.constant 0 : i32
    %dma_wait3A_1127 = tpu.memref_slice %arg7[%dma_wait3A_1125, %dma_wait3A_1126] : memref<1664x32xf32, #tpu.memory_space<vmem>> -> memref<64x32xf32, #tpu.memory_space<vmem>>
    %dma_wait3A_1128 = arith.constant 384 : i32
    %dma_wait3A_1129 = tpu.memref_slice %arg6[%dma_wait3A_1128] : memref<1664xi32, #tpu.memory_space<vmem>> -> memref<64xi32, #tpu.memory_space<vmem>>
    %dma_wait3A_1130 = arith.constant 0 : i32
    %dma_wait3A_1131 = arith.constant 0 : i32
    %dma_wait3A_1132 = tpu.memref_slice %arg3[%dma_wait3A_1124, %dma_wait3A_1130, %dma_wait3A_1131] : memref<26x100000x32xf32, #tpu.memory_space<hbm>> -> memref<1x100000x32xf32, #tpu.memory_space<hbm>>
    %dma_wait3A_1133 = tpu.memref_squeeze %dma_wait3A_1132 : memref<1x100000x32xf32, #tpu.memory_space<hbm>> -> memref<100000x32xf32, #tpu.memory_space<hbm>>
    %dma_wait3A_1134 = arith.constant 0 : i32
    %dma_wait3A_1135 = arith.constant 0 : i32
    %dma_wait3A_1136 = tpu.memref_slice %dma_wait3A_1133[%dma_wait3A_1134, %dma_wait3A_1135] : memref<100000x32xf32, #tpu.memory_space<hbm>> -> memref<100000x32xf32, #tpu.memory_space<hbm>>
    tpu.wait_indirect_dma semaphore(%arg9 : memref<!tpu.dma_semaphore, #tpu.memory_space<semaphore_mem>>) src(%dma_wait3A_1136 : memref<100000x32xf32, #tpu.memory_space<hbm>>) dst(%dma_wait3A_1127 : memref<64x32xf32, #tpu.memory_space<vmem>>)
    %dma_wait3A_1137 = arith.constant 7 : i32
    %dma_wait3A_1138 = arith.constant 448 : i32
    %dma_wait3A_1139 = arith.constant 0 : i32
    %dma_wait3A_1140 = tpu.memref_slice %arg7[%dma_wait3A_1138, %dma_wait3A_1139] : memref<1664x32xf32, #tpu.memory_space<vmem>> -> memref<64x32xf32, #tpu.memory_space<vmem>>
    %dma_wait3A_1141 = arith.constant 448 : i32
    %dma_wait3A_1142 = tpu.memref_slice %arg6[%dma_wait3A_1141] : memref<1664xi32, #tpu.memory_space<vmem>> -> memref<64xi32, #tpu.memory_space<vmem>>
    %dma_wait3A_1143 = arith.constant 0 : i32
    %dma_wait3A_1144 = arith.constant 0 : i32
    %dma_wait3A_1145 = tpu.memref_slice %arg3[%dma_wait3A_1137, %dma_wait3A_1143, %dma_wait3A_1144] : memref<26x100000x32xf32, #tpu.memory_space<hbm>> -> memref<1x100000x32xf32, #tpu.memory_space<hbm>>
    %dma_wait3A_1146 = tpu.memref_squeeze %dma_wait3A_1145 : memref<1x100000x32xf32, #tpu.memory_space<hbm>> -> memref<100000x32xf32, #tpu.memory_space<hbm>>
    %dma_wait3A_1147 = arith.constant 0 : i32
    %dma_wait3A_1148 = arith.constant 0 : i32
    %dma_wait3A_1149 = tpu.memref_slice %dma_wait3A_1146[%dma_wait3A_1147, %dma_wait3A_1148] : memref<100000x32xf32, #tpu.memory_space<hbm>> -> memref<100000x32xf32, #tpu.memory_space<hbm>>
    tpu.wait_indirect_dma semaphore(%arg9 : memref<!tpu.dma_semaphore, #tpu.memory_space<semaphore_mem>>) src(%dma_wait3A_1149 : memref<100000x32xf32, #tpu.memory_space<hbm>>) dst(%dma_wait3A_1140 : memref<64x32xf32, #tpu.memory_space<vmem>>)
    %dma_wait3A_1150 = arith.constant 8 : i32
    %dma_wait3A_1151 = arith.constant 512 : i32
    %dma_wait3A_1152 = arith.constant 0 : i32
    %dma_wait3A_1153 = tpu.memref_slice %arg7[%dma_wait3A_1151, %dma_wait3A_1152] : memref<1664x32xf32, #tpu.memory_space<vmem>> -> memref<64x32xf32, #tpu.memory_space<vmem>>
    %dma_wait3A_1154 = arith.constant 512 : i32
    %dma_wait3A_1155 = tpu.memref_slice %arg6[%dma_wait3A_1154] : memref<1664xi32, #tpu.memory_space<vmem>> -> memref<64xi32, #tpu.memory_space<vmem>>
    %dma_wait3A_1156 = arith.constant 0 : i32
    %dma_wait3A_1157 = arith.constant 0 : i32
    %dma_wait3A_1158 = tpu.memref_slice %arg3[%dma_wait3A_1150, %dma_wait3A_1156, %dma_wait3A_1157] : memref<26x100000x32xf32, #tpu.memory_space<hbm>> -> memref<1x100000x32xf32, #tpu.memory_space<hbm>>
    %dma_wait3A_1159 = tpu.memref_squeeze %dma_wait3A_1158 : memref<1x100000x32xf32, #tpu.memory_space<hbm>> -> memref<100000x32xf32, #tpu.memory_space<hbm>>
    %dma_wait3A_1160 = arith.constant 0 : i32
    %dma_wait3A_1161 = arith.constant 0 : i32
    %dma_wait3A_1162 = tpu.memref_slice %dma_wait3A_1159[%dma_wait3A_1160, %dma_wait3A_1161] : memref<100000x32xf32, #tpu.memory_space<hbm>> -> memref<100000x32xf32, #tpu.memory_space<hbm>>
    tpu.wait_indirect_dma semaphore(%arg9 : memref<!tpu.dma_semaphore, #tpu.memory_space<semaphore_mem>>) src(%dma_wait3A_1162 : memref<100000x32xf32, #tpu.memory_space<hbm>>) dst(%dma_wait3A_1153 : memref<64x32xf32, #tpu.memory_space<vmem>>)
    %dma_wait3A_1163 = arith.constant 9 : i32
    %dma_wait3A_1164 = arith.constant 576 : i32
    %dma_wait3A_1165 = arith.constant 0 : i32
    %dma_wait3A_1166 = tpu.memref_slice %arg7[%dma_wait3A_1164, %dma_wait3A_1165] : memref<1664x32xf32, #tpu.memory_space<vmem>> -> memref<64x32xf32, #tpu.memory_space<vmem>>
    %dma_wait3A_1167 = arith.constant 576 : i32
    %dma_wait3A_1168 = tpu.memref_slice %arg6[%dma_wait3A_1167] : memref<1664xi32, #tpu.memory_space<vmem>> -> memref<64xi32, #tpu.memory_space<vmem>>
    %dma_wait3A_1169 = arith.constant 0 : i32
    %dma_wait3A_1170 = arith.constant 0 : i32
    %dma_wait3A_1171 = tpu.memref_slice %arg3[%dma_wait3A_1163, %dma_wait3A_1169, %dma_wait3A_1170] : memref<26x100000x32xf32, #tpu.memory_space<hbm>> -> memref<1x100000x32xf32, #tpu.memory_space<hbm>>
    %dma_wait3A_1172 = tpu.memref_squeeze %dma_wait3A_1171 : memref<1x100000x32xf32, #tpu.memory_space<hbm>> -> memref<100000x32xf32, #tpu.memory_space<hbm>>
    %dma_wait3A_1173 = arith.constant 0 : i32
    %dma_wait3A_1174 = arith.constant 0 : i32
    %dma_wait3A_1175 = tpu.memref_slice %dma_wait3A_1172[%dma_wait3A_1173, %dma_wait3A_1174] : memref<100000x32xf32, #tpu.memory_space<hbm>> -> memref<100000x32xf32, #tpu.memory_space<hbm>>
    tpu.wait_indirect_dma semaphore(%arg9 : memref<!tpu.dma_semaphore, #tpu.memory_space<semaphore_mem>>) src(%dma_wait3A_1175 : memref<100000x32xf32, #tpu.memory_space<hbm>>) dst(%dma_wait3A_1166 : memref<64x32xf32, #tpu.memory_space<vmem>>)
    %dma_wait3A_1176 = arith.constant 10 : i32
    %dma_wait3A_1177 = arith.constant 640 : i32
    %dma_wait3A_1178 = arith.constant 0 : i32
    %dma_wait3A_1179 = tpu.memref_slice %arg7[%dma_wait3A_1177, %dma_wait3A_1178] : memref<1664x32xf32, #tpu.memory_space<vmem>> -> memref<64x32xf32, #tpu.memory_space<vmem>>
    %dma_wait3A_1180 = arith.constant 640 : i32
    %dma_wait3A_1181 = tpu.memref_slice %arg6[%dma_wait3A_1180] : memref<1664xi32, #tpu.memory_space<vmem>> -> memref<64xi32, #tpu.memory_space<vmem>>
    %dma_wait3A_1182 = arith.constant 0 : i32
    %dma_wait3A_1183 = arith.constant 0 : i32
    %dma_wait3A_1184 = tpu.memref_slice %arg3[%dma_wait3A_1176, %dma_wait3A_1182, %dma_wait3A_1183] : memref<26x100000x32xf32, #tpu.memory_space<hbm>> -> memref<1x100000x32xf32, #tpu.memory_space<hbm>>
    %dma_wait3A_1185 = tpu.memref_squeeze %dma_wait3A_1184 : memref<1x100000x32xf32, #tpu.memory_space<hbm>> -> memref<100000x32xf32, #tpu.memory_space<hbm>>
    %dma_wait3A_1186 = arith.constant 0 : i32
    %dma_wait3A_1187 = arith.constant 0 : i32
    %dma_wait3A_1188 = tpu.memref_slice %dma_wait3A_1185[%dma_wait3A_1186, %dma_wait3A_1187] : memref<100000x32xf32, #tpu.memory_space<hbm>> -> memref<100000x32xf32, #tpu.memory_space<hbm>>
    tpu.wait_indirect_dma semaphore(%arg9 : memref<!tpu.dma_semaphore, #tpu.memory_space<semaphore_mem>>) src(%dma_wait3A_1188 : memref<100000x32xf32, #tpu.memory_space<hbm>>) dst(%dma_wait3A_1179 : memref<64x32xf32, #tpu.memory_space<vmem>>)
    %dma_wait3A_1189 = arith.constant 11 : i32
    %dma_wait3A_1190 = arith.constant 704 : i32
    %dma_wait3A_1191 = arith.constant 0 : i32
    %dma_wait3A_1192 = tpu.memref_slice %arg7[%dma_wait3A_1190, %dma_wait3A_1191] : memref<1664x32xf32, #tpu.memory_space<vmem>> -> memref<64x32xf32, #tpu.memory_space<vmem>>
    %dma_wait3A_1193 = arith.constant 704 : i32
    %dma_wait3A_1194 = tpu.memref_slice %arg6[%dma_wait3A_1193] : memref<1664xi32, #tpu.memory_space<vmem>> -> memref<64xi32, #tpu.memory_space<vmem>>
    %dma_wait3A_1195 = arith.constant 0 : i32
    %dma_wait3A_1196 = arith.constant 0 : i32
    %dma_wait3A_1197 = tpu.memref_slice %arg3[%dma_wait3A_1189, %dma_wait3A_1195, %dma_wait3A_1196] : memref<26x100000x32xf32, #tpu.memory_space<hbm>> -> memref<1x100000x32xf32, #tpu.memory_space<hbm>>
    %dma_wait3A_1198 = tpu.memref_squeeze %dma_wait3A_1197 : memref<1x100000x32xf32, #tpu.memory_space<hbm>> -> memref<100000x32xf32, #tpu.memory_space<hbm>>
    %dma_wait3A_1199 = arith.constant 0 : i32
    %dma_wait3A_1200 = arith.constant 0 : i32
    %dma_wait3A_1201 = tpu.memref_slice %dma_wait3A_1198[%dma_wait3A_1199, %dma_wait3A_1200] : memref<100000x32xf32, #tpu.memory_space<hbm>> -> memref<100000x32xf32, #tpu.memory_space<hbm>>
    tpu.wait_indirect_dma semaphore(%arg9 : memref<!tpu.dma_semaphore, #tpu.memory_space<semaphore_mem>>) src(%dma_wait3A_1201 : memref<100000x32xf32, #tpu.memory_space<hbm>>) dst(%dma_wait3A_1192 : memref<64x32xf32, #tpu.memory_space<vmem>>)
    %dma_wait3A_1202 = arith.constant 12 : i32
    %dma_wait3A_1203 = arith.constant 768 : i32
    %dma_wait3A_1204 = arith.constant 0 : i32
    %dma_wait3A_1205 = tpu.memref_slice %arg7[%dma_wait3A_1203, %dma_wait3A_1204] : memref<1664x32xf32, #tpu.memory_space<vmem>> -> memref<64x32xf32, #tpu.memory_space<vmem>>
    %dma_wait3A_1206 = arith.constant 768 : i32
    %dma_wait3A_1207 = tpu.memref_slice %arg6[%dma_wait3A_1206] : memref<1664xi32, #tpu.memory_space<vmem>> -> memref<64xi32, #tpu.memory_space<vmem>>
    %dma_wait3A_1208 = arith.constant 0 : i32
    %dma_wait3A_1209 = arith.constant 0 : i32
    %dma_wait3A_1210 = tpu.memref_slice %arg3[%dma_wait3A_1202, %dma_wait3A_1208, %dma_wait3A_1209] : memref<26x100000x32xf32, #tpu.memory_space<hbm>> -> memref<1x100000x32xf32, #tpu.memory_space<hbm>>
    %dma_wait3A_1211 = tpu.memref_squeeze %dma_wait3A_1210 : memref<1x100000x32xf32, #tpu.memory_space<hbm>> -> memref<100000x32xf32, #tpu.memory_space<hbm>>
    %dma_wait3A_1212 = arith.constant 0 : i32
    %dma_wait3A_1213 = arith.constant 0 : i32
    %dma_wait3A_1214 = tpu.memref_slice %dma_wait3A_1211[%dma_wait3A_1212, %dma_wait3A_1213] : memref<100000x32xf32, #tpu.memory_space<hbm>> -> memref<100000x32xf32, #tpu.memory_space<hbm>>
    tpu.wait_indirect_dma semaphore(%arg9 : memref<!tpu.dma_semaphore, #tpu.memory_space<semaphore_mem>>) src(%dma_wait3A_1214 : memref<100000x32xf32, #tpu.memory_space<hbm>>) dst(%dma_wait3A_1205 : memref<64x32xf32, #tpu.memory_space<vmem>>)
    %dma_wait3A_1215 = arith.constant 13 : i32
    %dma_wait3A_1216 = arith.constant 832 : i32
    %dma_wait3A_1217 = arith.constant 0 : i32
    %dma_wait3A_1218 = tpu.memref_slice %arg7[%dma_wait3A_1216, %dma_wait3A_1217] : memref<1664x32xf32, #tpu.memory_space<vmem>> -> memref<64x32xf32, #tpu.memory_space<vmem>>
    %dma_wait3A_1219 = arith.constant 832 : i32
    %dma_wait3A_1220 = tpu.memref_slice %arg6[%dma_wait3A_1219] : memref<1664xi32, #tpu.memory_space<vmem>> -> memref<64xi32, #tpu.memory_space<vmem>>
    %dma_wait3A_1221 = arith.constant 0 : i32
    %dma_wait3A_1222 = arith.constant 0 : i32
    %dma_wait3A_1223 = tpu.memref_slice %arg3[%dma_wait3A_1215, %dma_wait3A_1221, %dma_wait3A_1222] : memref<26x100000x32xf32, #tpu.memory_space<hbm>> -> memref<1x100000x32xf32, #tpu.memory_space<hbm>>
    %dma_wait3A_1224 = tpu.memref_squeeze %dma_wait3A_1223 : memref<1x100000x32xf32, #tpu.memory_space<hbm>> -> memref<100000x32xf32, #tpu.memory_space<hbm>>
    %dma_wait3A_1225 = arith.constant 0 : i32
    %dma_wait3A_1226 = arith.constant 0 : i32
    %dma_wait3A_1227 = tpu.memref_slice %dma_wait3A_1224[%dma_wait3A_1225, %dma_wait3A_1226] : memref<100000x32xf32, #tpu.memory_space<hbm>> -> memref<100000x32xf32, #tpu.memory_space<hbm>>
    tpu.wait_indirect_dma semaphore(%arg9 : memref<!tpu.dma_semaphore, #tpu.memory_space<semaphore_mem>>) src(%dma_wait3A_1227 : memref<100000x32xf32, #tpu.memory_space<hbm>>) dst(%dma_wait3A_1218 : memref<64x32xf32, #tpu.memory_space<vmem>>)
    %dma_wait3A_1228 = arith.constant 14 : i32
    %dma_wait3A_1229 = arith.constant 896 : i32
    %dma_wait3A_1230 = arith.constant 0 : i32
    %dma_wait3A_1231 = tpu.memref_slice %arg7[%dma_wait3A_1229, %dma_wait3A_1230] : memref<1664x32xf32, #tpu.memory_space<vmem>> -> memref<64x32xf32, #tpu.memory_space<vmem>>
    %dma_wait3A_1232 = arith.constant 896 : i32
    %dma_wait3A_1233 = tpu.memref_slice %arg6[%dma_wait3A_1232] : memref<1664xi32, #tpu.memory_space<vmem>> -> memref<64xi32, #tpu.memory_space<vmem>>
    %dma_wait3A_1234 = arith.constant 0 : i32
    %dma_wait3A_1235 = arith.constant 0 : i32
    %dma_wait3A_1236 = tpu.memref_slice %arg3[%dma_wait3A_1228, %dma_wait3A_1234, %dma_wait3A_1235] : memref<26x100000x32xf32, #tpu.memory_space<hbm>> -> memref<1x100000x32xf32, #tpu.memory_space<hbm>>
    %dma_wait3A_1237 = tpu.memref_squeeze %dma_wait3A_1236 : memref<1x100000x32xf32, #tpu.memory_space<hbm>> -> memref<100000x32xf32, #tpu.memory_space<hbm>>
    %dma_wait3A_1238 = arith.constant 0 : i32
    %dma_wait3A_1239 = arith.constant 0 : i32
    %dma_wait3A_1240 = tpu.memref_slice %dma_wait3A_1237[%dma_wait3A_1238, %dma_wait3A_1239] : memref<100000x32xf32, #tpu.memory_space<hbm>> -> memref<100000x32xf32, #tpu.memory_space<hbm>>
    tpu.wait_indirect_dma semaphore(%arg9 : memref<!tpu.dma_semaphore, #tpu.memory_space<semaphore_mem>>) src(%dma_wait3A_1240 : memref<100000x32xf32, #tpu.memory_space<hbm>>) dst(%dma_wait3A_1231 : memref<64x32xf32, #tpu.memory_space<vmem>>)
    %dma_wait3A_1241 = arith.constant 15 : i32
    %dma_wait3A_1242 = arith.constant 960 : i32
    %dma_wait3A_1243 = arith.constant 0 : i32
    %dma_wait3A_1244 = tpu.memref_slice %arg7[%dma_wait3A_1242, %dma_wait3A_1243] : memref<1664x32xf32, #tpu.memory_space<vmem>> -> memref<64x32xf32, #tpu.memory_space<vmem>>
    %dma_wait3A_1245 = arith.constant 960 : i32
    %dma_wait3A_1246 = tpu.memref_slice %arg6[%dma_wait3A_1245] : memref<1664xi32, #tpu.memory_space<vmem>> -> memref<64xi32, #tpu.memory_space<vmem>>
    %dma_wait3A_1247 = arith.constant 0 : i32
    %dma_wait3A_1248 = arith.constant 0 : i32
    %dma_wait3A_1249 = tpu.memref_slice %arg3[%dma_wait3A_1241, %dma_wait3A_1247, %dma_wait3A_1248] : memref<26x100000x32xf32, #tpu.memory_space<hbm>> -> memref<1x100000x32xf32, #tpu.memory_space<hbm>>
    %dma_wait3A_1250 = tpu.memref_squeeze %dma_wait3A_1249 : memref<1x100000x32xf32, #tpu.memory_space<hbm>> -> memref<100000x32xf32, #tpu.memory_space<hbm>>
    %dma_wait3A_1251 = arith.constant 0 : i32
    %dma_wait3A_1252 = arith.constant 0 : i32
    %dma_wait3A_1253 = tpu.memref_slice %dma_wait3A_1250[%dma_wait3A_1251, %dma_wait3A_1252] : memref<100000x32xf32, #tpu.memory_space<hbm>> -> memref<100000x32xf32, #tpu.memory_space<hbm>>
    tpu.wait_indirect_dma semaphore(%arg9 : memref<!tpu.dma_semaphore, #tpu.memory_space<semaphore_mem>>) src(%dma_wait3A_1253 : memref<100000x32xf32, #tpu.memory_space<hbm>>) dst(%dma_wait3A_1244 : memref<64x32xf32, #tpu.memory_space<vmem>>)
    %dma_wait3A_1254 = arith.constant 16 : i32
    %dma_wait3A_1255 = arith.constant 1024 : i32
    %dma_wait3A_1256 = arith.constant 0 : i32
    %dma_wait3A_1257 = tpu.memref_slice %arg7[%dma_wait3A_1255, %dma_wait3A_1256] : memref<1664x32xf32, #tpu.memory_space<vmem>> -> memref<64x32xf32, #tpu.memory_space<vmem>>
    %dma_wait3A_1258 = arith.constant 1024 : i32
    %dma_wait3A_1259 = tpu.memref_slice %arg6[%dma_wait3A_1258] : memref<1664xi32, #tpu.memory_space<vmem>> -> memref<64xi32, #tpu.memory_space<vmem>>
    %dma_wait3A_1260 = arith.constant 0 : i32
    %dma_wait3A_1261 = arith.constant 0 : i32
    %dma_wait3A_1262 = tpu.memref_slice %arg3[%dma_wait3A_1254, %dma_wait3A_1260, %dma_wait3A_1261] : memref<26x100000x32xf32, #tpu.memory_space<hbm>> -> memref<1x100000x32xf32, #tpu.memory_space<hbm>>
    %dma_wait3A_1263 = tpu.memref_squeeze %dma_wait3A_1262 : memref<1x100000x32xf32, #tpu.memory_space<hbm>> -> memref<100000x32xf32, #tpu.memory_space<hbm>>
    %dma_wait3A_1264 = arith.constant 0 : i32
    %dma_wait3A_1265 = arith.constant 0 : i32
    %dma_wait3A_1266 = tpu.memref_slice %dma_wait3A_1263[%dma_wait3A_1264, %dma_wait3A_1265] : memref<100000x32xf32, #tpu.memory_space<hbm>> -> memref<100000x32xf32, #tpu.memory_space<hbm>>
    tpu.wait_indirect_dma semaphore(%arg9 : memref<!tpu.dma_semaphore, #tpu.memory_space<semaphore_mem>>) src(%dma_wait3A_1266 : memref<100000x32xf32, #tpu.memory_space<hbm>>) dst(%dma_wait3A_1257 : memref<64x32xf32, #tpu.memory_space<vmem>>)
    %dma_wait3A_1267 = arith.constant 17 : i32
    %dma_wait3A_1268 = arith.constant 1088 : i32
    %dma_wait3A_1269 = arith.constant 0 : i32
    %dma_wait3A_1270 = tpu.memref_slice %arg7[%dma_wait3A_1268, %dma_wait3A_1269] : memref<1664x32xf32, #tpu.memory_space<vmem>> -> memref<64x32xf32, #tpu.memory_space<vmem>>
    %dma_wait3A_1271 = arith.constant 1088 : i32
    %dma_wait3A_1272 = tpu.memref_slice %arg6[%dma_wait3A_1271] : memref<1664xi32, #tpu.memory_space<vmem>> -> memref<64xi32, #tpu.memory_space<vmem>>
    %dma_wait3A_1273 = arith.constant 0 : i32
    %dma_wait3A_1274 = arith.constant 0 : i32
    %dma_wait3A_1275 = tpu.memref_slice %arg3[%dma_wait3A_1267, %dma_wait3A_1273, %dma_wait3A_1274] : memref<26x100000x32xf32, #tpu.memory_space<hbm>> -> memref<1x100000x32xf32, #tpu.memory_space<hbm>>
    %dma_wait3A_1276 = tpu.memref_squeeze %dma_wait3A_1275 : memref<1x100000x32xf32, #tpu.memory_space<hbm>> -> memref<100000x32xf32, #tpu.memory_space<hbm>>
    %dma_wait3A_1277 = arith.constant 0 : i32
    %dma_wait3A_1278 = arith.constant 0 : i32
    %dma_wait3A_1279 = tpu.memref_slice %dma_wait3A_1276[%dma_wait3A_1277, %dma_wait3A_1278] : memref<100000x32xf32, #tpu.memory_space<hbm>> -> memref<100000x32xf32, #tpu.memory_space<hbm>>
    tpu.wait_indirect_dma semaphore(%arg9 : memref<!tpu.dma_semaphore, #tpu.memory_space<semaphore_mem>>) src(%dma_wait3A_1279 : memref<100000x32xf32, #tpu.memory_space<hbm>>) dst(%dma_wait3A_1270 : memref<64x32xf32, #tpu.memory_space<vmem>>)
    %dma_wait3A_1280 = arith.constant 18 : i32
    %dma_wait3A_1281 = arith.constant 1152 : i32
    %dma_wait3A_1282 = arith.constant 0 : i32
    %dma_wait3A_1283 = tpu.memref_slice %arg7[%dma_wait3A_1281, %dma_wait3A_1282] : memref<1664x32xf32, #tpu.memory_space<vmem>> -> memref<64x32xf32, #tpu.memory_space<vmem>>
    %dma_wait3A_1284 = arith.constant 1152 : i32
    %dma_wait3A_1285 = tpu.memref_slice %arg6[%dma_wait3A_1284] : memref<1664xi32, #tpu.memory_space<vmem>> -> memref<64xi32, #tpu.memory_space<vmem>>
    %dma_wait3A_1286 = arith.constant 0 : i32
    %dma_wait3A_1287 = arith.constant 0 : i32
    %dma_wait3A_1288 = tpu.memref_slice %arg3[%dma_wait3A_1280, %dma_wait3A_1286, %dma_wait3A_1287] : memref<26x100000x32xf32, #tpu.memory_space<hbm>> -> memref<1x100000x32xf32, #tpu.memory_space<hbm>>
    %dma_wait3A_1289 = tpu.memref_squeeze %dma_wait3A_1288 : memref<1x100000x32xf32, #tpu.memory_space<hbm>> -> memref<100000x32xf32, #tpu.memory_space<hbm>>
    %dma_wait3A_1290 = arith.constant 0 : i32
    %dma_wait3A_1291 = arith.constant 0 : i32
    %dma_wait3A_1292 = tpu.memref_slice %dma_wait3A_1289[%dma_wait3A_1290, %dma_wait3A_1291] : memref<100000x32xf32, #tpu.memory_space<hbm>> -> memref<100000x32xf32, #tpu.memory_space<hbm>>
    tpu.wait_indirect_dma semaphore(%arg9 : memref<!tpu.dma_semaphore, #tpu.memory_space<semaphore_mem>>) src(%dma_wait3A_1292 : memref<100000x32xf32, #tpu.memory_space<hbm>>) dst(%dma_wait3A_1283 : memref<64x32xf32, #tpu.memory_space<vmem>>)
    %dma_wait3A_1293 = arith.constant 19 : i32
    %dma_wait3A_1294 = arith.constant 1216 : i32
    %dma_wait3A_1295 = arith.constant 0 : i32
    %dma_wait3A_1296 = tpu.memref_slice %arg7[%dma_wait3A_1294, %dma_wait3A_1295] : memref<1664x32xf32, #tpu.memory_space<vmem>> -> memref<64x32xf32, #tpu.memory_space<vmem>>
    %dma_wait3A_1297 = arith.constant 1216 : i32
    %dma_wait3A_1298 = tpu.memref_slice %arg6[%dma_wait3A_1297] : memref<1664xi32, #tpu.memory_space<vmem>> -> memref<64xi32, #tpu.memory_space<vmem>>
    %dma_wait3A_1299 = arith.constant 0 : i32
    %dma_wait3A_1300 = arith.constant 0 : i32
    %dma_wait3A_1301 = tpu.memref_slice %arg3[%dma_wait3A_1293, %dma_wait3A_1299, %dma_wait3A_1300] : memref<26x100000x32xf32, #tpu.memory_space<hbm>> -> memref<1x100000x32xf32, #tpu.memory_space<hbm>>
    %dma_wait3A_1302 = tpu.memref_squeeze %dma_wait3A_1301 : memref<1x100000x32xf32, #tpu.memory_space<hbm>> -> memref<100000x32xf32, #tpu.memory_space<hbm>>
    %dma_wait3A_1303 = arith.constant 0 : i32
    %dma_wait3A_1304 = arith.constant 0 : i32
    %dma_wait3A_1305 = tpu.memref_slice %dma_wait3A_1302[%dma_wait3A_1303, %dma_wait3A_1304] : memref<100000x32xf32, #tpu.memory_space<hbm>> -> memref<100000x32xf32, #tpu.memory_space<hbm>>
    tpu.wait_indirect_dma semaphore(%arg9 : memref<!tpu.dma_semaphore, #tpu.memory_space<semaphore_mem>>) src(%dma_wait3A_1305 : memref<100000x32xf32, #tpu.memory_space<hbm>>) dst(%dma_wait3A_1296 : memref<64x32xf32, #tpu.memory_space<vmem>>)
    %dma_wait3A_1306 = arith.constant 20 : i32
    %dma_wait3A_1307 = arith.constant 1280 : i32
    %dma_wait3A_1308 = arith.constant 0 : i32
    %dma_wait3A_1309 = tpu.memref_slice %arg7[%dma_wait3A_1307, %dma_wait3A_1308] : memref<1664x32xf32, #tpu.memory_space<vmem>> -> memref<64x32xf32, #tpu.memory_space<vmem>>
    %dma_wait3A_1310 = arith.constant 1280 : i32
    %dma_wait3A_1311 = tpu.memref_slice %arg6[%dma_wait3A_1310] : memref<1664xi32, #tpu.memory_space<vmem>> -> memref<64xi32, #tpu.memory_space<vmem>>
    %dma_wait3A_1312 = arith.constant 0 : i32
    %dma_wait3A_1313 = arith.constant 0 : i32
    %dma_wait3A_1314 = tpu.memref_slice %arg3[%dma_wait3A_1306, %dma_wait3A_1312, %dma_wait3A_1313] : memref<26x100000x32xf32, #tpu.memory_space<hbm>> -> memref<1x100000x32xf32, #tpu.memory_space<hbm>>
    %dma_wait3A_1315 = tpu.memref_squeeze %dma_wait3A_1314 : memref<1x100000x32xf32, #tpu.memory_space<hbm>> -> memref<100000x32xf32, #tpu.memory_space<hbm>>
    %dma_wait3A_1316 = arith.constant 0 : i32
    %dma_wait3A_1317 = arith.constant 0 : i32
    %dma_wait3A_1318 = tpu.memref_slice %dma_wait3A_1315[%dma_wait3A_1316, %dma_wait3A_1317] : memref<100000x32xf32, #tpu.memory_space<hbm>> -> memref<100000x32xf32, #tpu.memory_space<hbm>>
    tpu.wait_indirect_dma semaphore(%arg9 : memref<!tpu.dma_semaphore, #tpu.memory_space<semaphore_mem>>) src(%dma_wait3A_1318 : memref<100000x32xf32, #tpu.memory_space<hbm>>) dst(%dma_wait3A_1309 : memref<64x32xf32, #tpu.memory_space<vmem>>)
    %dma_wait3A_1319 = arith.constant 21 : i32
    %dma_wait3A_1320 = arith.constant 1344 : i32
    %dma_wait3A_1321 = arith.constant 0 : i32
    %dma_wait3A_1322 = tpu.memref_slice %arg7[%dma_wait3A_1320, %dma_wait3A_1321] : memref<1664x32xf32, #tpu.memory_space<vmem>> -> memref<64x32xf32, #tpu.memory_space<vmem>>
    %dma_wait3A_1323 = arith.constant 1344 : i32
    %dma_wait3A_1324 = tpu.memref_slice %arg6[%dma_wait3A_1323] : memref<1664xi32, #tpu.memory_space<vmem>> -> memref<64xi32, #tpu.memory_space<vmem>>
    %dma_wait3A_1325 = arith.constant 0 : i32
    %dma_wait3A_1326 = arith.constant 0 : i32
    %dma_wait3A_1327 = tpu.memref_slice %arg3[%dma_wait3A_1319, %dma_wait3A_1325, %dma_wait3A_1326] : memref<26x100000x32xf32, #tpu.memory_space<hbm>> -> memref<1x100000x32xf32, #tpu.memory_space<hbm>>
    %dma_wait3A_1328 = tpu.memref_squeeze %dma_wait3A_1327 : memref<1x100000x32xf32, #tpu.memory_space<hbm>> -> memref<100000x32xf32, #tpu.memory_space<hbm>>
    %dma_wait3A_1329 = arith.constant 0 : i32
    %dma_wait3A_1330 = arith.constant 0 : i32
    %dma_wait3A_1331 = tpu.memref_slice %dma_wait3A_1328[%dma_wait3A_1329, %dma_wait3A_1330] : memref<100000x32xf32, #tpu.memory_space<hbm>> -> memref<100000x32xf32, #tpu.memory_space<hbm>>
    tpu.wait_indirect_dma semaphore(%arg9 : memref<!tpu.dma_semaphore, #tpu.memory_space<semaphore_mem>>) src(%dma_wait3A_1331 : memref<100000x32xf32, #tpu.memory_space<hbm>>) dst(%dma_wait3A_1322 : memref<64x32xf32, #tpu.memory_space<vmem>>)
    %dma_wait3A_1332 = arith.constant 22 : i32
    %dma_wait3A_1333 = arith.constant 1408 : i32
    %dma_wait3A_1334 = arith.constant 0 : i32
    %dma_wait3A_1335 = tpu.memref_slice %arg7[%dma_wait3A_1333, %dma_wait3A_1334] : memref<1664x32xf32, #tpu.memory_space<vmem>> -> memref<64x32xf32, #tpu.memory_space<vmem>>
    %dma_wait3A_1336 = arith.constant 1408 : i32
    %dma_wait3A_1337 = tpu.memref_slice %arg6[%dma_wait3A_1336] : memref<1664xi32, #tpu.memory_space<vmem>> -> memref<64xi32, #tpu.memory_space<vmem>>
    %dma_wait3A_1338 = arith.constant 0 : i32
    %dma_wait3A_1339 = arith.constant 0 : i32
    %dma_wait3A_1340 = tpu.memref_slice %arg3[%dma_wait3A_1332, %dma_wait3A_1338, %dma_wait3A_1339] : memref<26x100000x32xf32, #tpu.memory_space<hbm>> -> memref<1x100000x32xf32, #tpu.memory_space<hbm>>
    %dma_wait3A_1341 = tpu.memref_squeeze %dma_wait3A_1340 : memref<1x100000x32xf32, #tpu.memory_space<hbm>> -> memref<100000x32xf32, #tpu.memory_space<hbm>>
    %dma_wait3A_1342 = arith.constant 0 : i32
    %dma_wait3A_1343 = arith.constant 0 : i32
    %dma_wait3A_1344 = tpu.memref_slice %dma_wait3A_1341[%dma_wait3A_1342, %dma_wait3A_1343] : memref<100000x32xf32, #tpu.memory_space<hbm>> -> memref<100000x32xf32, #tpu.memory_space<hbm>>
    tpu.wait_indirect_dma semaphore(%arg9 : memref<!tpu.dma_semaphore, #tpu.memory_space<semaphore_mem>>) src(%dma_wait3A_1344 : memref<100000x32xf32, #tpu.memory_space<hbm>>) dst(%dma_wait3A_1335 : memref<64x32xf32, #tpu.memory_space<vmem>>)
    %dma_wait3A_1345 = arith.constant 23 : i32
    %dma_wait3A_1346 = arith.constant 1472 : i32
    %dma_wait3A_1347 = arith.constant 0 : i32
    %dma_wait3A_1348 = tpu.memref_slice %arg7[%dma_wait3A_1346, %dma_wait3A_1347] : memref<1664x32xf32, #tpu.memory_space<vmem>> -> memref<64x32xf32, #tpu.memory_space<vmem>>
    %dma_wait3A_1349 = arith.constant 1472 : i32
    %dma_wait3A_1350 = tpu.memref_slice %arg6[%dma_wait3A_1349] : memref<1664xi32, #tpu.memory_space<vmem>> -> memref<64xi32, #tpu.memory_space<vmem>>
    %dma_wait3A_1351 = arith.constant 0 : i32
    %dma_wait3A_1352 = arith.constant 0 : i32
    %dma_wait3A_1353 = tpu.memref_slice %arg3[%dma_wait3A_1345, %dma_wait3A_1351, %dma_wait3A_1352] : memref<26x100000x32xf32, #tpu.memory_space<hbm>> -> memref<1x100000x32xf32, #tpu.memory_space<hbm>>
    %dma_wait3A_1354 = tpu.memref_squeeze %dma_wait3A_1353 : memref<1x100000x32xf32, #tpu.memory_space<hbm>> -> memref<100000x32xf32, #tpu.memory_space<hbm>>
    %dma_wait3A_1355 = arith.constant 0 : i32
    %dma_wait3A_1356 = arith.constant 0 : i32
    %dma_wait3A_1357 = tpu.memref_slice %dma_wait3A_1354[%dma_wait3A_1355, %dma_wait3A_1356] : memref<100000x32xf32, #tpu.memory_space<hbm>> -> memref<100000x32xf32, #tpu.memory_space<hbm>>
    tpu.wait_indirect_dma semaphore(%arg9 : memref<!tpu.dma_semaphore, #tpu.memory_space<semaphore_mem>>) src(%dma_wait3A_1357 : memref<100000x32xf32, #tpu.memory_space<hbm>>) dst(%dma_wait3A_1348 : memref<64x32xf32, #tpu.memory_space<vmem>>)
    %dma_wait3A_1358 = arith.constant 24 : i32
    %dma_wait3A_1359 = arith.constant 1536 : i32
    %dma_wait3A_1360 = arith.constant 0 : i32
    %dma_wait3A_1361 = tpu.memref_slice %arg7[%dma_wait3A_1359, %dma_wait3A_1360] : memref<1664x32xf32, #tpu.memory_space<vmem>> -> memref<64x32xf32, #tpu.memory_space<vmem>>
    %dma_wait3A_1362 = arith.constant 1536 : i32
    %dma_wait3A_1363 = tpu.memref_slice %arg6[%dma_wait3A_1362] : memref<1664xi32, #tpu.memory_space<vmem>> -> memref<64xi32, #tpu.memory_space<vmem>>
    %dma_wait3A_1364 = arith.constant 0 : i32
    %dma_wait3A_1365 = arith.constant 0 : i32
    %dma_wait3A_1366 = tpu.memref_slice %arg3[%dma_wait3A_1358, %dma_wait3A_1364, %dma_wait3A_1365] : memref<26x100000x32xf32, #tpu.memory_space<hbm>> -> memref<1x100000x32xf32, #tpu.memory_space<hbm>>
    %dma_wait3A_1367 = tpu.memref_squeeze %dma_wait3A_1366 : memref<1x100000x32xf32, #tpu.memory_space<hbm>> -> memref<100000x32xf32, #tpu.memory_space<hbm>>
    %dma_wait3A_1368 = arith.constant 0 : i32
    %dma_wait3A_1369 = arith.constant 0 : i32
    %dma_wait3A_1370 = tpu.memref_slice %dma_wait3A_1367[%dma_wait3A_1368, %dma_wait3A_1369] : memref<100000x32xf32, #tpu.memory_space<hbm>> -> memref<100000x32xf32, #tpu.memory_space<hbm>>
    tpu.wait_indirect_dma semaphore(%arg9 : memref<!tpu.dma_semaphore, #tpu.memory_space<semaphore_mem>>) src(%dma_wait3A_1370 : memref<100000x32xf32, #tpu.memory_space<hbm>>) dst(%dma_wait3A_1361 : memref<64x32xf32, #tpu.memory_space<vmem>>)
    %dma_wait3A_1371 = arith.constant 25 : i32
    %dma_wait3A_1372 = arith.constant 1600 : i32
    %dma_wait3A_1373 = arith.constant 0 : i32
    %dma_wait3A_1374 = tpu.memref_slice %arg7[%dma_wait3A_1372, %dma_wait3A_1373] : memref<1664x32xf32, #tpu.memory_space<vmem>> -> memref<64x32xf32, #tpu.memory_space<vmem>>
    %dma_wait3A_1375 = arith.constant 1600 : i32
    %dma_wait3A_1376 = tpu.memref_slice %arg6[%dma_wait3A_1375] : memref<1664xi32, #tpu.memory_space<vmem>> -> memref<64xi32, #tpu.memory_space<vmem>>
    %dma_wait3A_1377 = arith.constant 0 : i32
    %dma_wait3A_1378 = arith.constant 0 : i32
    %dma_wait3A_1379 = tpu.memref_slice %arg3[%dma_wait3A_1371, %dma_wait3A_1377, %dma_wait3A_1378] : memref<26x100000x32xf32, #tpu.memory_space<hbm>> -> memref<1x100000x32xf32, #tpu.memory_space<hbm>>
    %dma_wait3A_1380 = tpu.memref_squeeze %dma_wait3A_1379 : memref<1x100000x32xf32, #tpu.memory_space<hbm>> -> memref<100000x32xf32, #tpu.memory_space<hbm>>
    %dma_wait3A_1381 = arith.constant 0 : i32
    %dma_wait3A_1382 = arith.constant 0 : i32
    %dma_wait3A_1383 = tpu.memref_slice %dma_wait3A_1380[%dma_wait3A_1381, %dma_wait3A_1382] : memref<100000x32xf32, #tpu.memory_space<hbm>> -> memref<100000x32xf32, #tpu.memory_space<hbm>>
    tpu.wait_indirect_dma semaphore(%arg9 : memref<!tpu.dma_semaphore, #tpu.memory_space<semaphore_mem>>) src(%dma_wait3A_1383 : memref<100000x32xf32, #tpu.memory_space<hbm>>) dst(%dma_wait3A_1374 : memref<64x32xf32, #tpu.memory_space<vmem>>)
    %lt3A_1384 = arith.constant 13 : i32
    %lt3A_1385 = vector.broadcast %lt3A_1384 : i32 to vector<16xi32>
    %lt3A_1386 = arith.cmpi slt, %iota3A, %lt3A_1385 : vector<16xi32>
    %jit3A_1387 = arith.constant 38 : i32
    %broadcast_in_dim3A_1388 = vector.broadcast %jit3A_1387 : i32 to vector<16xi32>
    %select_n3A_1389 = arith.select %lt3A_1386, %iota3A, %broadcast_in_dim3A_1388 : vector<16xi1>, vector<16xi32>
    %lt3A_1390 = arith.constant 13 : i32
    %lt3A_1391 = vector.broadcast %lt3A_1390 : i32 to vector<16xi32>
    %lt3A_1392 = arith.cmpi slt, %iota3A, %lt3A_1391 : vector<16xi32>
    %jit3A_1393 = arith.constant 845 : i32
    %broadcast_in_dim3A_1394 = vector.broadcast %jit3A_1393 : i32 to vector<16xi32>
    %select_n3A_1395 = arith.select %lt3A_1392, %iota3A, %broadcast_in_dim3A_1394 : vector<16xi1>, vector<16xi32>
    %lt3A_1396 = arith.constant 14 : i32
    %lt3A_1397 = vector.broadcast %lt3A_1396 : i32 to vector<16xi32>
    %lt3A_1398 = arith.cmpi slt, %iota3A, %lt3A_1397 : vector<16xi32>
    %scan3A_1399 = arith.constant 0 : i32
    %scan3A_1400 = arith.constant 64 : i32
    %scan3A_1401 = arith.addi %scan3A_1399, %scan3A_1400 : i32
    %scan3A_1402 = arith.constant 1 : i32
    scf.for %scan3A_1404 = %scan3A_1399 to %scan3A_1401 step %scan3A_1402  : i32 {
      %broadcast_in_dim3A_1405 = vector.broadcast %scan3A_1404 : i32 to vector<16xi32>
      %gather3A = tpu.vector_load_idx %arg5[%broadcast_in_dim3A_1405, %select_n3A_1389] : memref<64x39xf32, #tpu.memory_space<vmem>>[vector<16xi32>, vector<16xi32>], vector<16xf32>,
      tpu.vector_store_idx %arg8[%broadcast_in_dim3A_1405, %select_n3A_1395], %gather3A masked %lt3A_1398 : memref<64x846xf32, #tpu.memory_space<vmem>>[vector<16xi32>, vector<16xi32>], vector<16xf32>, vector<16xi1>
      %add3A_1406 = arith.constant 0 : i32
      %add3A_1407 = arith.addi %add3A_1406, %scan3A_1404 : i32
      %broadcast_in_dim3A_1408 = vector.broadcast %add3A_1407 : i32 to vector<16xi32>
      %add3A_1409 = arith.constant 0 : i32
      %add3A_1410 = vector.broadcast %add3A_1409 : i32 to vector<16xi32>
      %add3A_1411 = arith.addi %iota3A, %add3A_1410 : vector<16xi32>
      %gather3A_1412 = tpu.vector_load_idx %arg7[%broadcast_in_dim3A_1408, %add3A_1411] : memref<1664x32xf32, #tpu.memory_space<vmem>>[vector<16xi32>, vector<16xi32>], vector<16xf32>,
      %add3A_1413 = arith.constant 13 : i32
      %add3A_1414 = vector.broadcast %add3A_1413 : i32 to vector<16xi32>
      %add3A_1415 = arith.addi %iota3A, %add3A_1414 : vector<16xi32>
      tpu.vector_store_idx %arg8[%broadcast_in_dim3A_1405, %add3A_1415], %gather3A_1412 : memref<64x846xf32, #tpu.memory_space<vmem>>[vector<16xi32>, vector<16xi32>], vector<16xf32>,
      %add3A_1416 = arith.constant 16 : i32
      %add3A_1417 = vector.broadcast %add3A_1416 : i32 to vector<16xi32>
      %add3A_1418 = arith.addi %iota3A, %add3A_1417 : vector<16xi32>
      %gather3A_1419 = tpu.vector_load_idx %arg7[%broadcast_in_dim3A_1408, %add3A_1418] : memref<1664x32xf32, #tpu.memory_space<vmem>>[vector<16xi32>, vector<16xi32>], vector<16xf32>,
      %add3A_1420 = arith.constant 29 : i32
      %add3A_1421 = vector.broadcast %add3A_1420 : i32 to vector<16xi32>
      %add3A_1422 = arith.addi %iota3A, %add3A_1421 : vector<16xi32>
      tpu.vector_store_idx %arg8[%broadcast_in_dim3A_1405, %add3A_1422], %gather3A_1419 : memref<64x846xf32, #tpu.memory_space<vmem>>[vector<16xi32>, vector<16xi32>], vector<16xf32>,
      %add3A_1423 = arith.constant 64 : i32
      %add3A_1424 = arith.addi %add3A_1423, %scan3A_1404 : i32
      %broadcast_in_dim3A_1425 = vector.broadcast %add3A_1424 : i32 to vector<16xi32>
      %add3A_1426 = arith.constant 0 : i32
      %add3A_1427 = vector.broadcast %add3A_1426 : i32 to vector<16xi32>
      %add3A_1428 = arith.addi %iota3A, %add3A_1427 : vector<16xi32>
      %gather3A_1429 = tpu.vector_load_idx %arg7[%broadcast_in_dim3A_1425, %add3A_1428] : memref<1664x32xf32, #tpu.memory_space<vmem>>[vector<16xi32>, vector<16xi32>], vector<16xf32>,
      %add3A_1430 = arith.constant 45 : i32
      %add3A_1431 = vector.broadcast %add3A_1430 : i32 to vector<16xi32>
      %add3A_1432 = arith.addi %iota3A, %add3A_1431 : vector<16xi32>
      tpu.vector_store_idx %arg8[%broadcast_in_dim3A_1405, %add3A_1432], %gather3A_1429 : memref<64x846xf32, #tpu.memory_space<vmem>>[vector<16xi32>, vector<16xi32>], vector<16xf32>,
      %add3A_1433 = arith.constant 16 : i32
      %add3A_1434 = vector.broadcast %add3A_1433 : i32 to vector<16xi32>
      %add3A_1435 = arith.addi %iota3A, %add3A_1434 : vector<16xi32>
      %gather3A_1436 = tpu.vector_load_idx %arg7[%broadcast_in_dim3A_1425, %add3A_1435] : memref<1664x32xf32, #tpu.memory_space<vmem>>[vector<16xi32>, vector<16xi32>], vector<16xf32>,
      %add3A_1437 = arith.constant 61 : i32
      %add3A_1438 = vector.broadcast %add3A_1437 : i32 to vector<16xi32>
      %add3A_1439 = arith.addi %iota3A, %add3A_1438 : vector<16xi32>
      tpu.vector_store_idx %arg8[%broadcast_in_dim3A_1405, %add3A_1439], %gather3A_1436 : memref<64x846xf32, #tpu.memory_space<vmem>>[vector<16xi32>, vector<16xi32>], vector<16xf32>,
      %add3A_1440 = arith.constant 128 : i32
      %add3A_1441 = arith.addi %add3A_1440, %scan3A_1404 : i32
      %broadcast_in_dim3A_1442 = vector.broadcast %add3A_1441 : i32 to vector<16xi32>
      %add3A_1443 = arith.constant 0 : i32
      %add3A_1444 = vector.broadcast %add3A_1443 : i32 to vector<16xi32>
      %add3A_1445 = arith.addi %iota3A, %add3A_1444 : vector<16xi32>
      %gather3A_1446 = tpu.vector_load_idx %arg7[%broadcast_in_dim3A_1442, %add3A_1445] : memref<1664x32xf32, #tpu.memory_space<vmem>>[vector<16xi32>, vector<16xi32>], vector<16xf32>,
      %add3A_1447 = arith.constant 77 : i32
      %add3A_1448 = vector.broadcast %add3A_1447 : i32 to vector<16xi32>
      %add3A_1449 = arith.addi %iota3A, %add3A_1448 : vector<16xi32>
      tpu.vector_store_idx %arg8[%broadcast_in_dim3A_1405, %add3A_1449], %gather3A_1446 : memref<64x846xf32, #tpu.memory_space<vmem>>[vector<16xi32>, vector<16xi32>], vector<16xf32>,
      %add3A_1450 = arith.constant 16 : i32
      %add3A_1451 = vector.broadcast %add3A_1450 : i32 to vector<16xi32>
      %add3A_1452 = arith.addi %iota3A, %add3A_1451 : vector<16xi32>
      %gather3A_1453 = tpu.vector_load_idx %arg7[%broadcast_in_dim3A_1442, %add3A_1452] : memref<1664x32xf32, #tpu.memory_space<vmem>>[vector<16xi32>, vector<16xi32>], vector<16xf32>,
      %add3A_1454 = arith.constant 93 : i32
      %add3A_1455 = vector.broadcast %add3A_1454 : i32 to vector<16xi32>
      %add3A_1456 = arith.addi %iota3A, %add3A_1455 : vector<16xi32>
      tpu.vector_store_idx %arg8[%broadcast_in_dim3A_1405, %add3A_1456], %gather3A_1453 : memref<64x846xf32, #tpu.memory_space<vmem>>[vector<16xi32>, vector<16xi32>], vector<16xf32>,
      %add3A_1457 = arith.constant 192 : i32
      %add3A_1458 = arith.addi %add3A_1457, %scan3A_1404 : i32
      %broadcast_in_dim3A_1459 = vector.broadcast %add3A_1458 : i32 to vector<16xi32>
      %add3A_1460 = arith.constant 0 : i32
      %add3A_1461 = vector.broadcast %add3A_1460 : i32 to vector<16xi32>
      %add3A_1462 = arith.addi %iota3A, %add3A_1461 : vector<16xi32>
      %gather3A_1463 = tpu.vector_load_idx %arg7[%broadcast_in_dim3A_1459, %add3A_1462] : memref<1664x32xf32, #tpu.memory_space<vmem>>[vector<16xi32>, vector<16xi32>], vector<16xf32>,
      %add3A_1464 = arith.constant 109 : i32
      %add3A_1465 = vector.broadcast %add3A_1464 : i32 to vector<16xi32>
      %add3A_1466 = arith.addi %iota3A, %add3A_1465 : vector<16xi32>
      tpu.vector_store_idx %arg8[%broadcast_in_dim3A_1405, %add3A_1466], %gather3A_1463 : memref<64x846xf32, #tpu.memory_space<vmem>>[vector<16xi32>, vector<16xi32>], vector<16xf32>,
      %add3A_1467 = arith.constant 16 : i32
      %add3A_1468 = vector.broadcast %add3A_1467 : i32 to vector<16xi32>
      %add3A_1469 = arith.addi %iota3A, %add3A_1468 : vector<16xi32>
      %gather3A_1470 = tpu.vector_load_idx %arg7[%broadcast_in_dim3A_1459, %add3A_1469] : memref<1664x32xf32, #tpu.memory_space<vmem>>[vector<16xi32>, vector<16xi32>], vector<16xf32>,
      %add3A_1471 = arith.constant 125 : i32
      %add3A_1472 = vector.broadcast %add3A_1471 : i32 to vector<16xi32>
      %add3A_1473 = arith.addi %iota3A, %add3A_1472 : vector<16xi32>
      tpu.vector_store_idx %arg8[%broadcast_in_dim3A_1405, %add3A_1473], %gather3A_1470 : memref<64x846xf32, #tpu.memory_space<vmem>>[vector<16xi32>, vector<16xi32>], vector<16xf32>,
      %add3A_1474 = arith.constant 256 : i32
      %add3A_1475 = arith.addi %add3A_1474, %scan3A_1404 : i32
      %broadcast_in_dim3A_1476 = vector.broadcast %add3A_1475 : i32 to vector<16xi32>
      %add3A_1477 = arith.constant 0 : i32
      %add3A_1478 = vector.broadcast %add3A_1477 : i32 to vector<16xi32>
      %add3A_1479 = arith.addi %iota3A, %add3A_1478 : vector<16xi32>
      %gather3A_1480 = tpu.vector_load_idx %arg7[%broadcast_in_dim3A_1476, %add3A_1479] : memref<1664x32xf32, #tpu.memory_space<vmem>>[vector<16xi32>, vector<16xi32>], vector<16xf32>,
      %add3A_1481 = arith.constant 141 : i32
      %add3A_1482 = vector.broadcast %add3A_1481 : i32 to vector<16xi32>
      %add3A_1483 = arith.addi %iota3A, %add3A_1482 : vector<16xi32>
      tpu.vector_store_idx %arg8[%broadcast_in_dim3A_1405, %add3A_1483], %gather3A_1480 : memref<64x846xf32, #tpu.memory_space<vmem>>[vector<16xi32>, vector<16xi32>], vector<16xf32>,
      %add3A_1484 = arith.constant 16 : i32
      %add3A_1485 = vector.broadcast %add3A_1484 : i32 to vector<16xi32>
      %add3A_1486 = arith.addi %iota3A, %add3A_1485 : vector<16xi32>
      %gather3A_1487 = tpu.vector_load_idx %arg7[%broadcast_in_dim3A_1476, %add3A_1486] : memref<1664x32xf32, #tpu.memory_space<vmem>>[vector<16xi32>, vector<16xi32>], vector<16xf32>,
      %add3A_1488 = arith.constant 157 : i32
      %add3A_1489 = vector.broadcast %add3A_1488 : i32 to vector<16xi32>
      %add3A_1490 = arith.addi %iota3A, %add3A_1489 : vector<16xi32>
      tpu.vector_store_idx %arg8[%broadcast_in_dim3A_1405, %add3A_1490], %gather3A_1487 : memref<64x846xf32, #tpu.memory_space<vmem>>[vector<16xi32>, vector<16xi32>], vector<16xf32>,
      %add3A_1491 = arith.constant 320 : i32
      %add3A_1492 = arith.addi %add3A_1491, %scan3A_1404 : i32
      %broadcast_in_dim3A_1493 = vector.broadcast %add3A_1492 : i32 to vector<16xi32>
      %add3A_1494 = arith.constant 0 : i32
      %add3A_1495 = vector.broadcast %add3A_1494 : i32 to vector<16xi32>
      %add3A_1496 = arith.addi %iota3A, %add3A_1495 : vector<16xi32>
      %gather3A_1497 = tpu.vector_load_idx %arg7[%broadcast_in_dim3A_1493, %add3A_1496] : memref<1664x32xf32, #tpu.memory_space<vmem>>[vector<16xi32>, vector<16xi32>], vector<16xf32>,
      %add3A_1498 = arith.constant 173 : i32
      %add3A_1499 = vector.broadcast %add3A_1498 : i32 to vector<16xi32>
      %add3A_1500 = arith.addi %iota3A, %add3A_1499 : vector<16xi32>
      tpu.vector_store_idx %arg8[%broadcast_in_dim3A_1405, %add3A_1500], %gather3A_1497 : memref<64x846xf32, #tpu.memory_space<vmem>>[vector<16xi32>, vector<16xi32>], vector<16xf32>,
      %add3A_1501 = arith.constant 16 : i32
      %add3A_1502 = vector.broadcast %add3A_1501 : i32 to vector<16xi32>
      %add3A_1503 = arith.addi %iota3A, %add3A_1502 : vector<16xi32>
      %gather3A_1504 = tpu.vector_load_idx %arg7[%broadcast_in_dim3A_1493, %add3A_1503] : memref<1664x32xf32, #tpu.memory_space<vmem>>[vector<16xi32>, vector<16xi32>], vector<16xf32>,
      %add3A_1505 = arith.constant 189 : i32
      %add3A_1506 = vector.broadcast %add3A_1505 : i32 to vector<16xi32>
      %add3A_1507 = arith.addi %iota3A, %add3A_1506 : vector<16xi32>
      tpu.vector_store_idx %arg8[%broadcast_in_dim3A_1405, %add3A_1507], %gather3A_1504 : memref<64x846xf32, #tpu.memory_space<vmem>>[vector<16xi32>, vector<16xi32>], vector<16xf32>,
      %add3A_1508 = arith.constant 384 : i32
      %add3A_1509 = arith.addi %add3A_1508, %scan3A_1404 : i32
      %broadcast_in_dim3A_1510 = vector.broadcast %add3A_1509 : i32 to vector<16xi32>
      %add3A_1511 = arith.constant 0 : i32
      %add3A_1512 = vector.broadcast %add3A_1511 : i32 to vector<16xi32>
      %add3A_1513 = arith.addi %iota3A, %add3A_1512 : vector<16xi32>
      %gather3A_1514 = tpu.vector_load_idx %arg7[%broadcast_in_dim3A_1510, %add3A_1513] : memref<1664x32xf32, #tpu.memory_space<vmem>>[vector<16xi32>, vector<16xi32>], vector<16xf32>,
      %add3A_1515 = arith.constant 205 : i32
      %add3A_1516 = vector.broadcast %add3A_1515 : i32 to vector<16xi32>
      %add3A_1517 = arith.addi %iota3A, %add3A_1516 : vector<16xi32>
      tpu.vector_store_idx %arg8[%broadcast_in_dim3A_1405, %add3A_1517], %gather3A_1514 : memref<64x846xf32, #tpu.memory_space<vmem>>[vector<16xi32>, vector<16xi32>], vector<16xf32>,
      %add3A_1518 = arith.constant 16 : i32
      %add3A_1519 = vector.broadcast %add3A_1518 : i32 to vector<16xi32>
      %add3A_1520 = arith.addi %iota3A, %add3A_1519 : vector<16xi32>
      %gather3A_1521 = tpu.vector_load_idx %arg7[%broadcast_in_dim3A_1510, %add3A_1520] : memref<1664x32xf32, #tpu.memory_space<vmem>>[vector<16xi32>, vector<16xi32>], vector<16xf32>,
      %add3A_1522 = arith.constant 221 : i32
      %add3A_1523 = vector.broadcast %add3A_1522 : i32 to vector<16xi32>
      %add3A_1524 = arith.addi %iota3A, %add3A_1523 : vector<16xi32>
      tpu.vector_store_idx %arg8[%broadcast_in_dim3A_1405, %add3A_1524], %gather3A_1521 : memref<64x846xf32, #tpu.memory_space<vmem>>[vector<16xi32>, vector<16xi32>], vector<16xf32>,
      %add3A_1525 = arith.constant 448 : i32
      %add3A_1526 = arith.addi %add3A_1525, %scan3A_1404 : i32
      %broadcast_in_dim3A_1527 = vector.broadcast %add3A_1526 : i32 to vector<16xi32>
      %add3A_1528 = arith.constant 0 : i32
      %add3A_1529 = vector.broadcast %add3A_1528 : i32 to vector<16xi32>
      %add3A_1530 = arith.addi %iota3A, %add3A_1529 : vector<16xi32>
      %gather3A_1531 = tpu.vector_load_idx %arg7[%broadcast_in_dim3A_1527, %add3A_1530] : memref<1664x32xf32, #tpu.memory_space<vmem>>[vector<16xi32>, vector<16xi32>], vector<16xf32>,
      %add3A_1532 = arith.constant 237 : i32
      %add3A_1533 = vector.broadcast %add3A_1532 : i32 to vector<16xi32>
      %add3A_1534 = arith.addi %iota3A, %add3A_1533 : vector<16xi32>
      tpu.vector_store_idx %arg8[%broadcast_in_dim3A_1405, %add3A_1534], %gather3A_1531 : memref<64x846xf32, #tpu.memory_space<vmem>>[vector<16xi32>, vector<16xi32>], vector<16xf32>,
      %add3A_1535 = arith.constant 16 : i32
      %add3A_1536 = vector.broadcast %add3A_1535 : i32 to vector<16xi32>
      %add3A_1537 = arith.addi %iota3A, %add3A_1536 : vector<16xi32>
      %gather3A_1538 = tpu.vector_load_idx %arg7[%broadcast_in_dim3A_1527, %add3A_1537] : memref<1664x32xf32, #tpu.memory_space<vmem>>[vector<16xi32>, vector<16xi32>], vector<16xf32>,
      %add3A_1539 = arith.constant 253 : i32
      %add3A_1540 = vector.broadcast %add3A_1539 : i32 to vector<16xi32>
      %add3A_1541 = arith.addi %iota3A, %add3A_1540 : vector<16xi32>
      tpu.vector_store_idx %arg8[%broadcast_in_dim3A_1405, %add3A_1541], %gather3A_1538 : memref<64x846xf32, #tpu.memory_space<vmem>>[vector<16xi32>, vector<16xi32>], vector<16xf32>,
      %add3A_1542 = arith.constant 512 : i32
      %add3A_1543 = arith.addi %add3A_1542, %scan3A_1404 : i32
      %broadcast_in_dim3A_1544 = vector.broadcast %add3A_1543 : i32 to vector<16xi32>
      %add3A_1545 = arith.constant 0 : i32
      %add3A_1546 = vector.broadcast %add3A_1545 : i32 to vector<16xi32>
      %add3A_1547 = arith.addi %iota3A, %add3A_1546 : vector<16xi32>
      %gather3A_1548 = tpu.vector_load_idx %arg7[%broadcast_in_dim3A_1544, %add3A_1547] : memref<1664x32xf32, #tpu.memory_space<vmem>>[vector<16xi32>, vector<16xi32>], vector<16xf32>,
      %add3A_1549 = arith.constant 269 : i32
      %add3A_1550 = vector.broadcast %add3A_1549 : i32 to vector<16xi32>
      %add3A_1551 = arith.addi %iota3A, %add3A_1550 : vector<16xi32>
      tpu.vector_store_idx %arg8[%broadcast_in_dim3A_1405, %add3A_1551], %gather3A_1548 : memref<64x846xf32, #tpu.memory_space<vmem>>[vector<16xi32>, vector<16xi32>], vector<16xf32>,
      %add3A_1552 = arith.constant 16 : i32
      %add3A_1553 = vector.broadcast %add3A_1552 : i32 to vector<16xi32>
      %add3A_1554 = arith.addi %iota3A, %add3A_1553 : vector<16xi32>
      %gather3A_1555 = tpu.vector_load_idx %arg7[%broadcast_in_dim3A_1544, %add3A_1554] : memref<1664x32xf32, #tpu.memory_space<vmem>>[vector<16xi32>, vector<16xi32>], vector<16xf32>,
      %add3A_1556 = arith.constant 285 : i32
      %add3A_1557 = vector.broadcast %add3A_1556 : i32 to vector<16xi32>
      %add3A_1558 = arith.addi %iota3A, %add3A_1557 : vector<16xi32>
      tpu.vector_store_idx %arg8[%broadcast_in_dim3A_1405, %add3A_1558], %gather3A_1555 : memref<64x846xf32, #tpu.memory_space<vmem>>[vector<16xi32>, vector<16xi32>], vector<16xf32>,
      %add3A_1559 = arith.constant 576 : i32
      %add3A_1560 = arith.addi %add3A_1559, %scan3A_1404 : i32
      %broadcast_in_dim3A_1561 = vector.broadcast %add3A_1560 : i32 to vector<16xi32>
      %add3A_1562 = arith.constant 0 : i32
      %add3A_1563 = vector.broadcast %add3A_1562 : i32 to vector<16xi32>
      %add3A_1564 = arith.addi %iota3A, %add3A_1563 : vector<16xi32>
      %gather3A_1565 = tpu.vector_load_idx %arg7[%broadcast_in_dim3A_1561, %add3A_1564] : memref<1664x32xf32, #tpu.memory_space<vmem>>[vector<16xi32>, vector<16xi32>], vector<16xf32>,
      %add3A_1566 = arith.constant 301 : i32
      %add3A_1567 = vector.broadcast %add3A_1566 : i32 to vector<16xi32>
      %add3A_1568 = arith.addi %iota3A, %add3A_1567 : vector<16xi32>
      tpu.vector_store_idx %arg8[%broadcast_in_dim3A_1405, %add3A_1568], %gather3A_1565 : memref<64x846xf32, #tpu.memory_space<vmem>>[vector<16xi32>, vector<16xi32>], vector<16xf32>,
      %add3A_1569 = arith.constant 16 : i32
      %add3A_1570 = vector.broadcast %add3A_1569 : i32 to vector<16xi32>
      %add3A_1571 = arith.addi %iota3A, %add3A_1570 : vector<16xi32>
      %gather3A_1572 = tpu.vector_load_idx %arg7[%broadcast_in_dim3A_1561, %add3A_1571] : memref<1664x32xf32, #tpu.memory_space<vmem>>[vector<16xi32>, vector<16xi32>], vector<16xf32>,
      %add3A_1573 = arith.constant 317 : i32
      %add3A_1574 = vector.broadcast %add3A_1573 : i32 to vector<16xi32>
      %add3A_1575 = arith.addi %iota3A, %add3A_1574 : vector<16xi32>
      tpu.vector_store_idx %arg8[%broadcast_in_dim3A_1405, %add3A_1575], %gather3A_1572 : memref<64x846xf32, #tpu.memory_space<vmem>>[vector<16xi32>, vector<16xi32>], vector<16xf32>,
      %add3A_1576 = arith.constant 640 : i32
      %add3A_1577 = arith.addi %add3A_1576, %scan3A_1404 : i32
      %broadcast_in_dim3A_1578 = vector.broadcast %add3A_1577 : i32 to vector<16xi32>
      %add3A_1579 = arith.constant 0 : i32
      %add3A_1580 = vector.broadcast %add3A_1579 : i32 to vector<16xi32>
      %add3A_1581 = arith.addi %iota3A, %add3A_1580 : vector<16xi32>
      %gather3A_1582 = tpu.vector_load_idx %arg7[%broadcast_in_dim3A_1578, %add3A_1581] : memref<1664x32xf32, #tpu.memory_space<vmem>>[vector<16xi32>, vector<16xi32>], vector<16xf32>,
      %add3A_1583 = arith.constant 333 : i32
      %add3A_1584 = vector.broadcast %add3A_1583 : i32 to vector<16xi32>
      %add3A_1585 = arith.addi %iota3A, %add3A_1584 : vector<16xi32>
      tpu.vector_store_idx %arg8[%broadcast_in_dim3A_1405, %add3A_1585], %gather3A_1582 : memref<64x846xf32, #tpu.memory_space<vmem>>[vector<16xi32>, vector<16xi32>], vector<16xf32>,
      %add3A_1586 = arith.constant 16 : i32
      %add3A_1587 = vector.broadcast %add3A_1586 : i32 to vector<16xi32>
      %add3A_1588 = arith.addi %iota3A, %add3A_1587 : vector<16xi32>
      %gather3A_1589 = tpu.vector_load_idx %arg7[%broadcast_in_dim3A_1578, %add3A_1588] : memref<1664x32xf32, #tpu.memory_space<vmem>>[vector<16xi32>, vector<16xi32>], vector<16xf32>,
      %add3A_1590 = arith.constant 349 : i32
      %add3A_1591 = vector.broadcast %add3A_1590 : i32 to vector<16xi32>
      %add3A_1592 = arith.addi %iota3A, %add3A_1591 : vector<16xi32>
      tpu.vector_store_idx %arg8[%broadcast_in_dim3A_1405, %add3A_1592], %gather3A_1589 : memref<64x846xf32, #tpu.memory_space<vmem>>[vector<16xi32>, vector<16xi32>], vector<16xf32>,
      %add3A_1593 = arith.constant 704 : i32
      %add3A_1594 = arith.addi %add3A_1593, %scan3A_1404 : i32
      %broadcast_in_dim3A_1595 = vector.broadcast %add3A_1594 : i32 to vector<16xi32>
      %add3A_1596 = arith.constant 0 : i32
      %add3A_1597 = vector.broadcast %add3A_1596 : i32 to vector<16xi32>
      %add3A_1598 = arith.addi %iota3A, %add3A_1597 : vector<16xi32>
      %gather3A_1599 = tpu.vector_load_idx %arg7[%broadcast_in_dim3A_1595, %add3A_1598] : memref<1664x32xf32, #tpu.memory_space<vmem>>[vector<16xi32>, vector<16xi32>], vector<16xf32>,
      %add3A_1600 = arith.constant 365 : i32
      %add3A_1601 = vector.broadcast %add3A_1600 : i32 to vector<16xi32>
      %add3A_1602 = arith.addi %iota3A, %add3A_1601 : vector<16xi32>
      tpu.vector_store_idx %arg8[%broadcast_in_dim3A_1405, %add3A_1602], %gather3A_1599 : memref<64x846xf32, #tpu.memory_space<vmem>>[vector<16xi32>, vector<16xi32>], vector<16xf32>,
      %add3A_1603 = arith.constant 16 : i32
      %add3A_1604 = vector.broadcast %add3A_1603 : i32 to vector<16xi32>
      %add3A_1605 = arith.addi %iota3A, %add3A_1604 : vector<16xi32>
      %gather3A_1606 = tpu.vector_load_idx %arg7[%broadcast_in_dim3A_1595, %add3A_1605] : memref<1664x32xf32, #tpu.memory_space<vmem>>[vector<16xi32>, vector<16xi32>], vector<16xf32>,
      %add3A_1607 = arith.constant 381 : i32
      %add3A_1608 = vector.broadcast %add3A_1607 : i32 to vector<16xi32>
      %add3A_1609 = arith.addi %iota3A, %add3A_1608 : vector<16xi32>
      tpu.vector_store_idx %arg8[%broadcast_in_dim3A_1405, %add3A_1609], %gather3A_1606 : memref<64x846xf32, #tpu.memory_space<vmem>>[vector<16xi32>, vector<16xi32>], vector<16xf32>,
      %add3A_1610 = arith.constant 768 : i32
      %add3A_1611 = arith.addi %add3A_1610, %scan3A_1404 : i32
      %broadcast_in_dim3A_1612 = vector.broadcast %add3A_1611 : i32 to vector<16xi32>
      %add3A_1613 = arith.constant 0 : i32
      %add3A_1614 = vector.broadcast %add3A_1613 : i32 to vector<16xi32>
      %add3A_1615 = arith.addi %iota3A, %add3A_1614 : vector<16xi32>
      %gather3A_1616 = tpu.vector_load_idx %arg7[%broadcast_in_dim3A_1612, %add3A_1615] : memref<1664x32xf32, #tpu.memory_space<vmem>>[vector<16xi32>, vector<16xi32>], vector<16xf32>,
      %add3A_1617 = arith.constant 397 : i32
      %add3A_1618 = vector.broadcast %add3A_1617 : i32 to vector<16xi32>
      %add3A_1619 = arith.addi %iota3A, %add3A_1618 : vector<16xi32>
      tpu.vector_store_idx %arg8[%broadcast_in_dim3A_1405, %add3A_1619], %gather3A_1616 : memref<64x846xf32, #tpu.memory_space<vmem>>[vector<16xi32>, vector<16xi32>], vector<16xf32>,
      %add3A_1620 = arith.constant 16 : i32
      %add3A_1621 = vector.broadcast %add3A_1620 : i32 to vector<16xi32>
      %add3A_1622 = arith.addi %iota3A, %add3A_1621 : vector<16xi32>
      %gather3A_1623 = tpu.vector_load_idx %arg7[%broadcast_in_dim3A_1612, %add3A_1622] : memref<1664x32xf32, #tpu.memory_space<vmem>>[vector<16xi32>, vector<16xi32>], vector<16xf32>,
      %add3A_1624 = arith.constant 413 : i32
      %add3A_1625 = vector.broadcast %add3A_1624 : i32 to vector<16xi32>
      %add3A_1626 = arith.addi %iota3A, %add3A_1625 : vector<16xi32>
      tpu.vector_store_idx %arg8[%broadcast_in_dim3A_1405, %add3A_1626], %gather3A_1623 : memref<64x846xf32, #tpu.memory_space<vmem>>[vector<16xi32>, vector<16xi32>], vector<16xf32>,
      %add3A_1627 = arith.constant 832 : i32
      %add3A_1628 = arith.addi %add3A_1627, %scan3A_1404 : i32
      %broadcast_in_dim3A_1629 = vector.broadcast %add3A_1628 : i32 to vector<16xi32>
      %add3A_1630 = arith.constant 0 : i32
      %add3A_1631 = vector.broadcast %add3A_1630 : i32 to vector<16xi32>
      %add3A_1632 = arith.addi %iota3A, %add3A_1631 : vector<16xi32>
      %gather3A_1633 = tpu.vector_load_idx %arg7[%broadcast_in_dim3A_1629, %add3A_1632] : memref<1664x32xf32, #tpu.memory_space<vmem>>[vector<16xi32>, vector<16xi32>], vector<16xf32>,
      %add3A_1634 = arith.constant 429 : i32
      %add3A_1635 = vector.broadcast %add3A_1634 : i32 to vector<16xi32>
      %add3A_1636 = arith.addi %iota3A, %add3A_1635 : vector<16xi32>
      tpu.vector_store_idx %arg8[%broadcast_in_dim3A_1405, %add3A_1636], %gather3A_1633 : memref<64x846xf32, #tpu.memory_space<vmem>>[vector<16xi32>, vector<16xi32>], vector<16xf32>,
      %add3A_1637 = arith.constant 16 : i32
      %add3A_1638 = vector.broadcast %add3A_1637 : i32 to vector<16xi32>
      %add3A_1639 = arith.addi %iota3A, %add3A_1638 : vector<16xi32>
      %gather3A_1640 = tpu.vector_load_idx %arg7[%broadcast_in_dim3A_1629, %add3A_1639] : memref<1664x32xf32, #tpu.memory_space<vmem>>[vector<16xi32>, vector<16xi32>], vector<16xf32>,
      %add3A_1641 = arith.constant 445 : i32
      %add3A_1642 = vector.broadcast %add3A_1641 : i32 to vector<16xi32>
      %add3A_1643 = arith.addi %iota3A, %add3A_1642 : vector<16xi32>
      tpu.vector_store_idx %arg8[%broadcast_in_dim3A_1405, %add3A_1643], %gather3A_1640 : memref<64x846xf32, #tpu.memory_space<vmem>>[vector<16xi32>, vector<16xi32>], vector<16xf32>,
      %add3A_1644 = arith.constant 896 : i32
      %add3A_1645 = arith.addi %add3A_1644, %scan3A_1404 : i32
      %broadcast_in_dim3A_1646 = vector.broadcast %add3A_1645 : i32 to vector<16xi32>
      %add3A_1647 = arith.constant 0 : i32
      %add3A_1648 = vector.broadcast %add3A_1647 : i32 to vector<16xi32>
      %add3A_1649 = arith.addi %iota3A, %add3A_1648 : vector<16xi32>
      %gather3A_1650 = tpu.vector_load_idx %arg7[%broadcast_in_dim3A_1646, %add3A_1649] : memref<1664x32xf32, #tpu.memory_space<vmem>>[vector<16xi32>, vector<16xi32>], vector<16xf32>,
      %add3A_1651 = arith.constant 461 : i32
      %add3A_1652 = vector.broadcast %add3A_1651 : i32 to vector<16xi32>
      %add3A_1653 = arith.addi %iota3A, %add3A_1652 : vector<16xi32>
      tpu.vector_store_idx %arg8[%broadcast_in_dim3A_1405, %add3A_1653], %gather3A_1650 : memref<64x846xf32, #tpu.memory_space<vmem>>[vector<16xi32>, vector<16xi32>], vector<16xf32>,
      %add3A_1654 = arith.constant 16 : i32
      %add3A_1655 = vector.broadcast %add3A_1654 : i32 to vector<16xi32>
      %add3A_1656 = arith.addi %iota3A, %add3A_1655 : vector<16xi32>
      %gather3A_1657 = tpu.vector_load_idx %arg7[%broadcast_in_dim3A_1646, %add3A_1656] : memref<1664x32xf32, #tpu.memory_space<vmem>>[vector<16xi32>, vector<16xi32>], vector<16xf32>,
      %add3A_1658 = arith.constant 477 : i32
      %add3A_1659 = vector.broadcast %add3A_1658 : i32 to vector<16xi32>
      %add3A_1660 = arith.addi %iota3A, %add3A_1659 : vector<16xi32>
      tpu.vector_store_idx %arg8[%broadcast_in_dim3A_1405, %add3A_1660], %gather3A_1657 : memref<64x846xf32, #tpu.memory_space<vmem>>[vector<16xi32>, vector<16xi32>], vector<16xf32>,
      %add3A_1661 = arith.constant 960 : i32
      %add3A_1662 = arith.addi %add3A_1661, %scan3A_1404 : i32
      %broadcast_in_dim3A_1663 = vector.broadcast %add3A_1662 : i32 to vector<16xi32>
      %add3A_1664 = arith.constant 0 : i32
      %add3A_1665 = vector.broadcast %add3A_1664 : i32 to vector<16xi32>
      %add3A_1666 = arith.addi %iota3A, %add3A_1665 : vector<16xi32>
      %gather3A_1667 = tpu.vector_load_idx %arg7[%broadcast_in_dim3A_1663, %add3A_1666] : memref<1664x32xf32, #tpu.memory_space<vmem>>[vector<16xi32>, vector<16xi32>], vector<16xf32>,
      %add3A_1668 = arith.constant 493 : i32
      %add3A_1669 = vector.broadcast %add3A_1668 : i32 to vector<16xi32>
      %add3A_1670 = arith.addi %iota3A, %add3A_1669 : vector<16xi32>
      tpu.vector_store_idx %arg8[%broadcast_in_dim3A_1405, %add3A_1670], %gather3A_1667 : memref<64x846xf32, #tpu.memory_space<vmem>>[vector<16xi32>, vector<16xi32>], vector<16xf32>,
      %add3A_1671 = arith.constant 16 : i32
      %add3A_1672 = vector.broadcast %add3A_1671 : i32 to vector<16xi32>
      %add3A_1673 = arith.addi %iota3A, %add3A_1672 : vector<16xi32>
      %gather3A_1674 = tpu.vector_load_idx %arg7[%broadcast_in_dim3A_1663, %add3A_1673] : memref<1664x32xf32, #tpu.memory_space<vmem>>[vector<16xi32>, vector<16xi32>], vector<16xf32>,
      %add3A_1675 = arith.constant 509 : i32
      %add3A_1676 = vector.broadcast %add3A_1675 : i32 to vector<16xi32>
      %add3A_1677 = arith.addi %iota3A, %add3A_1676 : vector<16xi32>
      tpu.vector_store_idx %arg8[%broadcast_in_dim3A_1405, %add3A_1677], %gather3A_1674 : memref<64x846xf32, #tpu.memory_space<vmem>>[vector<16xi32>, vector<16xi32>], vector<16xf32>,
      %add3A_1678 = arith.constant 1024 : i32
      %add3A_1679 = arith.addi %add3A_1678, %scan3A_1404 : i32
      %broadcast_in_dim3A_1680 = vector.broadcast %add3A_1679 : i32 to vector<16xi32>
      %add3A_1681 = arith.constant 0 : i32
      %add3A_1682 = vector.broadcast %add3A_1681 : i32 to vector<16xi32>
      %add3A_1683 = arith.addi %iota3A, %add3A_1682 : vector<16xi32>
      %gather3A_1684 = tpu.vector_load_idx %arg7[%broadcast_in_dim3A_1680, %add3A_1683] : memref<1664x32xf32, #tpu.memory_space<vmem>>[vector<16xi32>, vector<16xi32>], vector<16xf32>,
      %add3A_1685 = arith.constant 525 : i32
      %add3A_1686 = vector.broadcast %add3A_1685 : i32 to vector<16xi32>
      %add3A_1687 = arith.addi %iota3A, %add3A_1686 : vector<16xi32>
      tpu.vector_store_idx %arg8[%broadcast_in_dim3A_1405, %add3A_1687], %gather3A_1684 : memref<64x846xf32, #tpu.memory_space<vmem>>[vector<16xi32>, vector<16xi32>], vector<16xf32>,
      %add3A_1688 = arith.constant 16 : i32
      %add3A_1689 = vector.broadcast %add3A_1688 : i32 to vector<16xi32>
      %add3A_1690 = arith.addi %iota3A, %add3A_1689 : vector<16xi32>
      %gather3A_1691 = tpu.vector_load_idx %arg7[%broadcast_in_dim3A_1680, %add3A_1690] : memref<1664x32xf32, #tpu.memory_space<vmem>>[vector<16xi32>, vector<16xi32>], vector<16xf32>,
      %add3A_1692 = arith.constant 541 : i32
      %add3A_1693 = vector.broadcast %add3A_1692 : i32 to vector<16xi32>
      %add3A_1694 = arith.addi %iota3A, %add3A_1693 : vector<16xi32>
      tpu.vector_store_idx %arg8[%broadcast_in_dim3A_1405, %add3A_1694], %gather3A_1691 : memref<64x846xf32, #tpu.memory_space<vmem>>[vector<16xi32>, vector<16xi32>], vector<16xf32>,
      %add3A_1695 = arith.constant 1088 : i32
      %add3A_1696 = arith.addi %add3A_1695, %scan3A_1404 : i32
      %broadcast_in_dim3A_1697 = vector.broadcast %add3A_1696 : i32 to vector<16xi32>
      %add3A_1698 = arith.constant 0 : i32
      %add3A_1699 = vector.broadcast %add3A_1698 : i32 to vector<16xi32>
      %add3A_1700 = arith.addi %iota3A, %add3A_1699 : vector<16xi32>
      %gather3A_1701 = tpu.vector_load_idx %arg7[%broadcast_in_dim3A_1697, %add3A_1700] : memref<1664x32xf32, #tpu.memory_space<vmem>>[vector<16xi32>, vector<16xi32>], vector<16xf32>,
      %add3A_1702 = arith.constant 557 : i32
      %add3A_1703 = vector.broadcast %add3A_1702 : i32 to vector<16xi32>
      %add3A_1704 = arith.addi %iota3A, %add3A_1703 : vector<16xi32>
      tpu.vector_store_idx %arg8[%broadcast_in_dim3A_1405, %add3A_1704], %gather3A_1701 : memref<64x846xf32, #tpu.memory_space<vmem>>[vector<16xi32>, vector<16xi32>], vector<16xf32>,
      %add3A_1705 = arith.constant 16 : i32
      %add3A_1706 = vector.broadcast %add3A_1705 : i32 to vector<16xi32>
      %add3A_1707 = arith.addi %iota3A, %add3A_1706 : vector<16xi32>
      %gather3A_1708 = tpu.vector_load_idx %arg7[%broadcast_in_dim3A_1697, %add3A_1707] : memref<1664x32xf32, #tpu.memory_space<vmem>>[vector<16xi32>, vector<16xi32>], vector<16xf32>,
      %add3A_1709 = arith.constant 573 : i32
      %add3A_1710 = vector.broadcast %add3A_1709 : i32 to vector<16xi32>
      %add3A_1711 = arith.addi %iota3A, %add3A_1710 : vector<16xi32>
      tpu.vector_store_idx %arg8[%broadcast_in_dim3A_1405, %add3A_1711], %gather3A_1708 : memref<64x846xf32, #tpu.memory_space<vmem>>[vector<16xi32>, vector<16xi32>], vector<16xf32>,
      %add3A_1712 = arith.constant 1152 : i32
      %add3A_1713 = arith.addi %add3A_1712, %scan3A_1404 : i32
      %broadcast_in_dim3A_1714 = vector.broadcast %add3A_1713 : i32 to vector<16xi32>
      %add3A_1715 = arith.constant 0 : i32
      %add3A_1716 = vector.broadcast %add3A_1715 : i32 to vector<16xi32>
      %add3A_1717 = arith.addi %iota3A, %add3A_1716 : vector<16xi32>
      %gather3A_1718 = tpu.vector_load_idx %arg7[%broadcast_in_dim3A_1714, %add3A_1717] : memref<1664x32xf32, #tpu.memory_space<vmem>>[vector<16xi32>, vector<16xi32>], vector<16xf32>,
      %add3A_1719 = arith.constant 589 : i32
      %add3A_1720 = vector.broadcast %add3A_1719 : i32 to vector<16xi32>
      %add3A_1721 = arith.addi %iota3A, %add3A_1720 : vector<16xi32>
      tpu.vector_store_idx %arg8[%broadcast_in_dim3A_1405, %add3A_1721], %gather3A_1718 : memref<64x846xf32, #tpu.memory_space<vmem>>[vector<16xi32>, vector<16xi32>], vector<16xf32>,
      %add3A_1722 = arith.constant 16 : i32
      %add3A_1723 = vector.broadcast %add3A_1722 : i32 to vector<16xi32>
      %add3A_1724 = arith.addi %iota3A, %add3A_1723 : vector<16xi32>
      %gather3A_1725 = tpu.vector_load_idx %arg7[%broadcast_in_dim3A_1714, %add3A_1724] : memref<1664x32xf32, #tpu.memory_space<vmem>>[vector<16xi32>, vector<16xi32>], vector<16xf32>,
      %add3A_1726 = arith.constant 605 : i32
      %add3A_1727 = vector.broadcast %add3A_1726 : i32 to vector<16xi32>
      %add3A_1728 = arith.addi %iota3A, %add3A_1727 : vector<16xi32>
      tpu.vector_store_idx %arg8[%broadcast_in_dim3A_1405, %add3A_1728], %gather3A_1725 : memref<64x846xf32, #tpu.memory_space<vmem>>[vector<16xi32>, vector<16xi32>], vector<16xf32>,
      %add3A_1729 = arith.constant 1216 : i32
      %add3A_1730 = arith.addi %add3A_1729, %scan3A_1404 : i32
      %broadcast_in_dim3A_1731 = vector.broadcast %add3A_1730 : i32 to vector<16xi32>
      %add3A_1732 = arith.constant 0 : i32
      %add3A_1733 = vector.broadcast %add3A_1732 : i32 to vector<16xi32>
      %add3A_1734 = arith.addi %iota3A, %add3A_1733 : vector<16xi32>
      %gather3A_1735 = tpu.vector_load_idx %arg7[%broadcast_in_dim3A_1731, %add3A_1734] : memref<1664x32xf32, #tpu.memory_space<vmem>>[vector<16xi32>, vector<16xi32>], vector<16xf32>,
      %add3A_1736 = arith.constant 621 : i32
      %add3A_1737 = vector.broadcast %add3A_1736 : i32 to vector<16xi32>
      %add3A_1738 = arith.addi %iota3A, %add3A_1737 : vector<16xi32>
      tpu.vector_store_idx %arg8[%broadcast_in_dim3A_1405, %add3A_1738], %gather3A_1735 : memref<64x846xf32, #tpu.memory_space<vmem>>[vector<16xi32>, vector<16xi32>], vector<16xf32>,
      %add3A_1739 = arith.constant 16 : i32
      %add3A_1740 = vector.broadcast %add3A_1739 : i32 to vector<16xi32>
      %add3A_1741 = arith.addi %iota3A, %add3A_1740 : vector<16xi32>
      %gather3A_1742 = tpu.vector_load_idx %arg7[%broadcast_in_dim3A_1731, %add3A_1741] : memref<1664x32xf32, #tpu.memory_space<vmem>>[vector<16xi32>, vector<16xi32>], vector<16xf32>,
      %add3A_1743 = arith.constant 637 : i32
      %add3A_1744 = vector.broadcast %add3A_1743 : i32 to vector<16xi32>
      %add3A_1745 = arith.addi %iota3A, %add3A_1744 : vector<16xi32>
      tpu.vector_store_idx %arg8[%broadcast_in_dim3A_1405, %add3A_1745], %gather3A_1742 : memref<64x846xf32, #tpu.memory_space<vmem>>[vector<16xi32>, vector<16xi32>], vector<16xf32>,
      %add3A_1746 = arith.constant 1280 : i32
      %add3A_1747 = arith.addi %add3A_1746, %scan3A_1404 : i32
      %broadcast_in_dim3A_1748 = vector.broadcast %add3A_1747 : i32 to vector<16xi32>
      %add3A_1749 = arith.constant 0 : i32
      %add3A_1750 = vector.broadcast %add3A_1749 : i32 to vector<16xi32>
      %add3A_1751 = arith.addi %iota3A, %add3A_1750 : vector<16xi32>
      %gather3A_1752 = tpu.vector_load_idx %arg7[%broadcast_in_dim3A_1748, %add3A_1751] : memref<1664x32xf32, #tpu.memory_space<vmem>>[vector<16xi32>, vector<16xi32>], vector<16xf32>,
      %add3A_1753 = arith.constant 653 : i32
      %add3A_1754 = vector.broadcast %add3A_1753 : i32 to vector<16xi32>
      %add3A_1755 = arith.addi %iota3A, %add3A_1754 : vector<16xi32>
      tpu.vector_store_idx %arg8[%broadcast_in_dim3A_1405, %add3A_1755], %gather3A_1752 : memref<64x846xf32, #tpu.memory_space<vmem>>[vector<16xi32>, vector<16xi32>], vector<16xf32>,
      %add3A_1756 = arith.constant 16 : i32
      %add3A_1757 = vector.broadcast %add3A_1756 : i32 to vector<16xi32>
      %add3A_1758 = arith.addi %iota3A, %add3A_1757 : vector<16xi32>
      %gather3A_1759 = tpu.vector_load_idx %arg7[%broadcast_in_dim3A_1748, %add3A_1758] : memref<1664x32xf32, #tpu.memory_space<vmem>>[vector<16xi32>, vector<16xi32>], vector<16xf32>,
      %add3A_1760 = arith.constant 669 : i32
      %add3A_1761 = vector.broadcast %add3A_1760 : i32 to vector<16xi32>
      %add3A_1762 = arith.addi %iota3A, %add3A_1761 : vector<16xi32>
      tpu.vector_store_idx %arg8[%broadcast_in_dim3A_1405, %add3A_1762], %gather3A_1759 : memref<64x846xf32, #tpu.memory_space<vmem>>[vector<16xi32>, vector<16xi32>], vector<16xf32>,
      %add3A_1763 = arith.constant 1344 : i32
      %add3A_1764 = arith.addi %add3A_1763, %scan3A_1404 : i32
      %broadcast_in_dim3A_1765 = vector.broadcast %add3A_1764 : i32 to vector<16xi32>
      %add3A_1766 = arith.constant 0 : i32
      %add3A_1767 = vector.broadcast %add3A_1766 : i32 to vector<16xi32>
      %add3A_1768 = arith.addi %iota3A, %add3A_1767 : vector<16xi32>
      %gather3A_1769 = tpu.vector_load_idx %arg7[%broadcast_in_dim3A_1765, %add3A_1768] : memref<1664x32xf32, #tpu.memory_space<vmem>>[vector<16xi32>, vector<16xi32>], vector<16xf32>,
      %add3A_1770 = arith.constant 685 : i32
      %add3A_1771 = vector.broadcast %add3A_1770 : i32 to vector<16xi32>
      %add3A_1772 = arith.addi %iota3A, %add3A_1771 : vector<16xi32>
      tpu.vector_store_idx %arg8[%broadcast_in_dim3A_1405, %add3A_1772], %gather3A_1769 : memref<64x846xf32, #tpu.memory_space<vmem>>[vector<16xi32>, vector<16xi32>], vector<16xf32>,
      %add3A_1773 = arith.constant 16 : i32
      %add3A_1774 = vector.broadcast %add3A_1773 : i32 to vector<16xi32>
      %add3A_1775 = arith.addi %iota3A, %add3A_1774 : vector<16xi32>
      %gather3A_1776 = tpu.vector_load_idx %arg7[%broadcast_in_dim3A_1765, %add3A_1775] : memref<1664x32xf32, #tpu.memory_space<vmem>>[vector<16xi32>, vector<16xi32>], vector<16xf32>,
      %add3A_1777 = arith.constant 701 : i32
      %add3A_1778 = vector.broadcast %add3A_1777 : i32 to vector<16xi32>
      %add3A_1779 = arith.addi %iota3A, %add3A_1778 : vector<16xi32>
      tpu.vector_store_idx %arg8[%broadcast_in_dim3A_1405, %add3A_1779], %gather3A_1776 : memref<64x846xf32, #tpu.memory_space<vmem>>[vector<16xi32>, vector<16xi32>], vector<16xf32>,
      %add3A_1780 = arith.constant 1408 : i32
      %add3A_1781 = arith.addi %add3A_1780, %scan3A_1404 : i32
      %broadcast_in_dim3A_1782 = vector.broadcast %add3A_1781 : i32 to vector<16xi32>
      %add3A_1783 = arith.constant 0 : i32
      %add3A_1784 = vector.broadcast %add3A_1783 : i32 to vector<16xi32>
      %add3A_1785 = arith.addi %iota3A, %add3A_1784 : vector<16xi32>
      %gather3A_1786 = tpu.vector_load_idx %arg7[%broadcast_in_dim3A_1782, %add3A_1785] : memref<1664x32xf32, #tpu.memory_space<vmem>>[vector<16xi32>, vector<16xi32>], vector<16xf32>,
      %add3A_1787 = arith.constant 717 : i32
      %add3A_1788 = vector.broadcast %add3A_1787 : i32 to vector<16xi32>
      %add3A_1789 = arith.addi %iota3A, %add3A_1788 : vector<16xi32>
      tpu.vector_store_idx %arg8[%broadcast_in_dim3A_1405, %add3A_1789], %gather3A_1786 : memref<64x846xf32, #tpu.memory_space<vmem>>[vector<16xi32>, vector<16xi32>], vector<16xf32>,
      %add3A_1790 = arith.constant 16 : i32
      %add3A_1791 = vector.broadcast %add3A_1790 : i32 to vector<16xi32>
      %add3A_1792 = arith.addi %iota3A, %add3A_1791 : vector<16xi32>
      %gather3A_1793 = tpu.vector_load_idx %arg7[%broadcast_in_dim3A_1782, %add3A_1792] : memref<1664x32xf32, #tpu.memory_space<vmem>>[vector<16xi32>, vector<16xi32>], vector<16xf32>,
      %add3A_1794 = arith.constant 733 : i32
      %add3A_1795 = vector.broadcast %add3A_1794 : i32 to vector<16xi32>
      %add3A_1796 = arith.addi %iota3A, %add3A_1795 : vector<16xi32>
      tpu.vector_store_idx %arg8[%broadcast_in_dim3A_1405, %add3A_1796], %gather3A_1793 : memref<64x846xf32, #tpu.memory_space<vmem>>[vector<16xi32>, vector<16xi32>], vector<16xf32>,
      %add3A_1797 = arith.constant 1472 : i32
      %add3A_1798 = arith.addi %add3A_1797, %scan3A_1404 : i32
      %broadcast_in_dim3A_1799 = vector.broadcast %add3A_1798 : i32 to vector<16xi32>
      %add3A_1800 = arith.constant 0 : i32
      %add3A_1801 = vector.broadcast %add3A_1800 : i32 to vector<16xi32>
      %add3A_1802 = arith.addi %iota3A, %add3A_1801 : vector<16xi32>
      %gather3A_1803 = tpu.vector_load_idx %arg7[%broadcast_in_dim3A_1799, %add3A_1802] : memref<1664x32xf32, #tpu.memory_space<vmem>>[vector<16xi32>, vector<16xi32>], vector<16xf32>,
      %add3A_1804 = arith.constant 749 : i32
      %add3A_1805 = vector.broadcast %add3A_1804 : i32 to vector<16xi32>
      %add3A_1806 = arith.addi %iota3A, %add3A_1805 : vector<16xi32>
      tpu.vector_store_idx %arg8[%broadcast_in_dim3A_1405, %add3A_1806], %gather3A_1803 : memref<64x846xf32, #tpu.memory_space<vmem>>[vector<16xi32>, vector<16xi32>], vector<16xf32>,
      %add3A_1807 = arith.constant 16 : i32
      %add3A_1808 = vector.broadcast %add3A_1807 : i32 to vector<16xi32>
      %add3A_1809 = arith.addi %iota3A, %add3A_1808 : vector<16xi32>
      %gather3A_1810 = tpu.vector_load_idx %arg7[%broadcast_in_dim3A_1799, %add3A_1809] : memref<1664x32xf32, #tpu.memory_space<vmem>>[vector<16xi32>, vector<16xi32>], vector<16xf32>,
      %add3A_1811 = arith.constant 765 : i32
      %add3A_1812 = vector.broadcast %add3A_1811 : i32 to vector<16xi32>
      %add3A_1813 = arith.addi %iota3A, %add3A_1812 : vector<16xi32>
      tpu.vector_store_idx %arg8[%broadcast_in_dim3A_1405, %add3A_1813], %gather3A_1810 : memref<64x846xf32, #tpu.memory_space<vmem>>[vector<16xi32>, vector<16xi32>], vector<16xf32>,
      %add3A_1814 = arith.constant 1536 : i32
      %add3A_1815 = arith.addi %add3A_1814, %scan3A_1404 : i32
      %broadcast_in_dim3A_1816 = vector.broadcast %add3A_1815 : i32 to vector<16xi32>
      %add3A_1817 = arith.constant 0 : i32
      %add3A_1818 = vector.broadcast %add3A_1817 : i32 to vector<16xi32>
      %add3A_1819 = arith.addi %iota3A, %add3A_1818 : vector<16xi32>
      %gather3A_1820 = tpu.vector_load_idx %arg7[%broadcast_in_dim3A_1816, %add3A_1819] : memref<1664x32xf32, #tpu.memory_space<vmem>>[vector<16xi32>, vector<16xi32>], vector<16xf32>,
      %add3A_1821 = arith.constant 781 : i32
      %add3A_1822 = vector.broadcast %add3A_1821 : i32 to vector<16xi32>
      %add3A_1823 = arith.addi %iota3A, %add3A_1822 : vector<16xi32>
      tpu.vector_store_idx %arg8[%broadcast_in_dim3A_1405, %add3A_1823], %gather3A_1820 : memref<64x846xf32, #tpu.memory_space<vmem>>[vector<16xi32>, vector<16xi32>], vector<16xf32>,
      %add3A_1824 = arith.constant 16 : i32
      %add3A_1825 = vector.broadcast %add3A_1824 : i32 to vector<16xi32>
      %add3A_1826 = arith.addi %iota3A, %add3A_1825 : vector<16xi32>
      %gather3A_1827 = tpu.vector_load_idx %arg7[%broadcast_in_dim3A_1816, %add3A_1826] : memref<1664x32xf32, #tpu.memory_space<vmem>>[vector<16xi32>, vector<16xi32>], vector<16xf32>,
      %add3A_1828 = arith.constant 797 : i32
      %add3A_1829 = vector.broadcast %add3A_1828 : i32 to vector<16xi32>
      %add3A_1830 = arith.addi %iota3A, %add3A_1829 : vector<16xi32>
      tpu.vector_store_idx %arg8[%broadcast_in_dim3A_1405, %add3A_1830], %gather3A_1827 : memref<64x846xf32, #tpu.memory_space<vmem>>[vector<16xi32>, vector<16xi32>], vector<16xf32>,
      %add3A_1831 = arith.constant 1600 : i32
      %add3A_1832 = arith.addi %add3A_1831, %scan3A_1404 : i32
      %broadcast_in_dim3A_1833 = vector.broadcast %add3A_1832 : i32 to vector<16xi32>
      %add3A_1834 = arith.constant 0 : i32
      %add3A_1835 = vector.broadcast %add3A_1834 : i32 to vector<16xi32>
      %add3A_1836 = arith.addi %iota3A, %add3A_1835 : vector<16xi32>
      %gather3A_1837 = tpu.vector_load_idx %arg7[%broadcast_in_dim3A_1833, %add3A_1836] : memref<1664x32xf32, #tpu.memory_space<vmem>>[vector<16xi32>, vector<16xi32>], vector<16xf32>,
      %add3A_1838 = arith.constant 813 : i32
      %add3A_1839 = vector.broadcast %add3A_1838 : i32 to vector<16xi32>
      %add3A_1840 = arith.addi %iota3A, %add3A_1839 : vector<16xi32>
      tpu.vector_store_idx %arg8[%broadcast_in_dim3A_1405, %add3A_1840], %gather3A_1837 : memref<64x846xf32, #tpu.memory_space<vmem>>[vector<16xi32>, vector<16xi32>], vector<16xf32>,
      %add3A_1841 = arith.constant 16 : i32
      %add3A_1842 = vector.broadcast %add3A_1841 : i32 to vector<16xi32>
      %add3A_1843 = arith.addi %iota3A, %add3A_1842 : vector<16xi32>
      %gather3A_1844 = tpu.vector_load_idx %arg7[%broadcast_in_dim3A_1833, %add3A_1843] : memref<1664x32xf32, #tpu.memory_space<vmem>>[vector<16xi32>, vector<16xi32>], vector<16xf32>,
      %add3A_1845 = arith.constant 829 : i32
      %add3A_1846 = vector.broadcast %add3A_1845 : i32 to vector<16xi32>
      %add3A_1847 = arith.addi %iota3A, %add3A_1846 : vector<16xi32>
      tpu.vector_store_idx %arg8[%broadcast_in_dim3A_1405, %add3A_1847], %gather3A_1844 : memref<64x846xf32, #tpu.memory_space<vmem>>[vector<16xi32>, vector<16xi32>], vector<16xf32>,
    }
    %scan3A_1403 = arith.constant 64 : i32
    "tpu.region"() ({
      %run_scoped3A = tpu.sem_alloc : memref<!tpu.dma_semaphore, #tpu.memory_space<semaphore_mem>>
      %dma_start3A_1404 = arith.constant 0 : i32
      %dma_start3A_1405 = tpu.memref_slice %arg4[%add3A_702, %dma_start3A_1404] : memref<4096x846xf32, #tpu.memory_space<hbm>> -> memref<64x846xf32, #tpu.memory_space<hbm>>
      %dma_start3A_1406 = arith.constant 0 : i32
      %dma_start3A_1407 = tpu.memref_slice %arg4[%add3A_702, %dma_start3A_1406] : memref<4096x846xf32, #tpu.memory_space<hbm>> -> memref<64x846xf32, #tpu.memory_space<hbm>>
      tpu.enqueue_dma source(%arg8 : memref<64x846xf32, #tpu.memory_space<vmem>>) target(%dma_start3A_1407 : memref<64x846xf32, #tpu.memory_space<hbm>>) target_semaphore(%run_scoped3A : memref<!tpu.dma_semaphore, #tpu.memory_space<semaphore_mem>>)
      %dma_wait3A_1408 = arith.constant 0 : i32
      %dma_wait3A_1409 = tpu.memref_slice %arg4[%add3A_702, %dma_wait3A_1408] : memref<4096x846xf32, #tpu.memory_space<hbm>> -> memref<64x846xf32, #tpu.memory_space<hbm>>
      %dma_wait3A_1410 = arith.constant 0 : i32
      %dma_wait3A_1411 = tpu.memref_slice %arg4[%add3A_702, %dma_wait3A_1410] : memref<4096x846xf32, #tpu.memory_space<hbm>> -> memref<64x846xf32, #tpu.memory_space<hbm>>
      tpu.wait_dma2 semaphore(%run_scoped3A : memref<!tpu.dma_semaphore, #tpu.memory_space<semaphore_mem>>) src(%arg8 : memref<64x846xf32, #tpu.memory_space<vmem>>) dst(%dma_wait3A_1411 : memref<64x846xf32, #tpu.memory_space<hbm>>)
      tpu.yield
    }) : () -> ()
    return
  }
}

</mosaic_0001>

<sc_bundles>
// kernel: kernel.3.cloned.1.call-start
scs
__scs_entry_jumppad:
0x0: {  	(pc) =	sbr.rel $0x88, $3  }
0x1: {  	(tag) =	ssettag $0x0;
	lr =	simm.s32 $0x1  }
0x2: {  	[smem:$0x3F9F] =	sst lr;
	_ =	strace $0xD0000000  }
0x3: {  	_ = 	snop  }
0x4: {  	_ = 	snop  }
0x5: {  	_ = 	snop  }
0x6: {  	_ = 	snop  }
0x7: {  	_ = 	snop  }
__scs_overlays_trampoline_lowered:
0x8: {  	[smem:$0x3FAE] =	sst s0  }
0x9: {  	[smem:$0x3FAF] =	sst s1  }
0xa: {  	[smem:$0x3FB0] =	sst s2  }
0xb: {  	[smem:$0x3FB1] =	sst s3  }
0xc: {  	[smem:$0x3FB2] =	sst s4  }
0xd: {  	[smem:$0x3FB3] =	sst s5  }
0xe: {  	[smem:$0x3FB4] =	sst s6  }
0xf: {  	[smem:$0x3FB5] =	sst s7  }
0x10: {  	[smem:$0x3FB6] =	sst s8  }
0x11: {  	[smem:$0x3FB7] =	sst s9;
	s0 =	simm.s32 @!p0 $0x0  }
0x12: {  	s1 =	sld [smem:$0x3F9D];
	s0 =	simm.s32 @p0 $0x1  }
0x13: {  	[smem:$0x3FB8] =	sst s0;
	s0 =	simm.s32 @!p1 $0x0  }
0x14: {  	s2 =	sld [smem:$0x3F9C];
	s0 =	simm.s32 @p1 $0x1  }
0x15: {  	[smem:$0x3FB9] =	sst s0;
	s0 =	simm.s32 @!p2 $0x0  }
0x16: {  	s3 =	sld [smem:$0x3FDB];
	s0 =	simm.s32 @p2 $0x1  }
0x17: {  	s4 =	simm.s32 $0x1BF5;
	[smem:$0x3FBB] =	sst s0  }
0x18: {  	s0 =	sld [smem:$0x3F9E];
	_ =	swait.ge [sflag:s4], $0x0  }
0x19: {  	s7 =	sld [smem:$0x3F9F]  }
0x1a: {  	s8 =	sadd.s32 $0xFFFFE003, lr  }
0x1b: {  	s9 =	sadd.s32 $0xFFFFFEF7, lr;
	s5 =	simm.s32 $0xFFFFFFFF;
	p2 =	slt.u32 s8, $0xFFFFF086  }
0x1c: {  	p1 =	slt.u32 s9, $0xF7A;
	s5 =	simm.s32 @!p2 $0x0  }
0x1d: {  	s5 =	simm.s32 @p1 $0x1;
	p0 =	seq.s32 s7, s2  }
0x1e: {  	s7 =	smul.u32 @!p0 $0xF7A, s2;
	p2 =	seq.s32 @!p0 s5, $0x0  }
0x1f: {  	s9 =	smul.u32 $0xF7A, s1;
	s8 =	simm.s32 @!p0 $0x1BF5;
	p2 =	por !p2, p0  }
0x20: {  	[sflag:s8] =	ssyncset.s32 @!p0 $0xFFFFF086;
	s6 =	sadd.s32 @!p0 s3, s7;
	s7 =	simm.s32 @!p0 $0x108  }
0x21: {  	s3 =	sadd.s32 s3, s9;
	s6 =	sadd.s32 @!p0 $0x88, s6;
	s7 =	simm.s32 @p2 $0x1082  }
0x22: {  	[simem:s7], [sflag:s8] =	dma.local @!p0 [hbm:s6], $0xF7A  }
0x23: {  	s9 =	sor.u32 $0xD0000000, s2;
	s6 =	simm.s32 $0x108;
	_ =	swait.ge @!p0 [sflag:s8], $0x0  }
0x24: {  	s3 =	sadd.s32 $0x88, s3;
	s6 =	simm.s32 @!p1 $0x1082;
	[sflag:s4] =	ssyncset.s32 $0xFFFFF086  }
0x25: {  	[simem:s6], [sflag:s4] =	dma.local [hbm:s3], $0xF7A  }
0x26: {  	[smem:$0x3F9F] =	sst s1;
	(tag) =	ssettag s2;
	_ =	strace s9  }
0x27: {  	s1 =	sld [smem:$0x3FAF]  }
0x28: {  	s2 =	sld [smem:$0x3FB0]  }
0x29: {  	s4 =	sld [smem:$0x3FB2]  }
0x2a: {  	p0 =	seq.s32 s5, $0x0;
	s5 =	sld [smem:$0x3FB3]  }
0x2b: {  	s6 =	sld [smem:$0x3FB4]  }
0x2c: {  	s7 =	sld [smem:$0x3FB5]  }
0x2d: {  	s3 =	simm.s32 $0x108;
	s8 =	sld [smem:$0x3FB6]  }
0x2e: {  	s3 =	simm.s32 @!p0 $0x1082;
	s9 =	sld [smem:$0x3FB7]  }
0x2f: {  	lr =	sadd.s32 s0, s3;
	s0 =	sld [smem:$0x3FAE]  }
0x30: {  	s3 =	sld [smem:$0x3FB1]  }
0x31: {  	[smem:$0x3FBA] =	sst s10  }
0x32: {  	s10 =	sld [smem:$0x3FB8];
	_ =	sdelay $0x3  }
0x33: {  	p0 =	seq.s32 s10, $0x1;
	s10 =	sld [smem:$0x3FBA];
	_ =	sdelay $0x3  }
0x34: {  	[smem:$0x3FBA] =	sst s10  }
0x35: {  	s10 =	sld [smem:$0x3FB9];
	_ =	sdelay $0x3  }
0x36: {  	p1 =	seq.s32 s10, $0x1;
	s10 =	sld [smem:$0x3FBA];
	_ =	sdelay $0x3  }
0x37: {  	[smem:$0x3FBA] =	sst s10  }
0x38: {  	s10 =	sld [smem:$0x3FBB]  }
0x39: {  	_ = 	snop;
	(pc) =	sbr.ind lr, $3  }
0x3a: {  	_ = 	snop  }
0x3b: {  	_ = 	snop  }
0x3c: {  	p2 =	seq.s32 s10, $0x1;
	s10 =	sld [smem:$0x3FBA]  }
0x3d: {  	_ =	shalt  }
0x3e: {  	_ =	shalt  }
0x3f: {  	_ =	shalt  }
0x40: {  	_ =	shalt  }
0x41: {  	_ =	shalt  }
0x42: {  	_ =	shalt  }
0x43: {  	_ =	shalt  }
0x44: {  	_ =	shalt  }
0x45: {  	_ =	shalt  }
0x46: {  	_ =	shalt  }
0x47: {  	_ =	shalt  }
0x48: {  	_ =	shalt  }
0x49: {  	_ =	shalt  }
0x4a: {  	_ =	shalt  }
0x4b: {  	_ =	shalt  }
0x4c: {  	_ =	shalt  }
0x4d: {  	_ =	shalt  }
0x4e: {  	_ =	shalt  }
0x4f: {  	_ =	shalt  }
0x50: {  	_ =	shalt  }
0x51: {  	_ =	shalt  }
0x52: {  	_ =	shalt  }
0x53: {  	_ =	shalt  }
0x54: {  	_ =	shalt  }
0x55: {  	_ =	shalt  }
0x56: {  	_ =	shalt  }
0x57: {  	_ =	shalt  }
0x58: {  	_ =	shalt  }
0x59: {  	_ =	shalt  }
0x5a: {  	_ =	shalt  }
0x5b: {  	_ =	shalt  }
0x5c: {  	_ =	shalt  }
0x5d: {  	_ =	shalt  }
0x5e: {  	_ =	shalt  }
0x5f: {  	_ =	shalt  }
0x60: {  	_ =	shalt  }
0x61: {  	_ =	shalt  }
0x62: {  	_ =	shalt  }
0x63: {  	_ =	shalt  }
0x64: {  	_ =	shalt  }
0x65: {  	_ =	shalt  }
0x66: {  	_ =	shalt  }
0x67: {  	_ =	shalt  }
0x68: {  	_ =	shalt  }
0x69: {  	_ =	shalt  }
0x6a: {  	_ =	shalt  }
0x6b: {  	_ =	shalt  }
0x6c: {  	_ =	shalt  }
0x6d: {  	_ =	shalt  }
0x6e: {  	_ =	shalt  }
0x6f: {  	_ =	shalt  }
0x70: {  	_ =	shalt  }
0x71: {  	_ =	shalt  }
0x72: {  	_ =	shalt  }
0x73: {  	_ =	shalt  }
0x74: {  	_ =	shalt  }
0x75: {  	_ =	shalt  }
0x76: {  	_ =	shalt  }
0x77: {  	_ =	shalt  }
0x78: {  	_ =	shalt  }
0x79: {  	_ =	shalt  }
0x7a: {  	_ =	shalt  }
0x7b: {  	_ =	shalt  }
0x7c: {  	_ =	shalt  }
0x7d: {  	_ =	shalt  }
0x7e: {  	_ =	shalt  }
0x7f: {  	_ =	shalt  }
0x80: {  	_ =	shalt  }
0x81: {  	_ =	shalt  }
0x82: {  	_ =	shalt  }
0x83: {  	_ =	shalt  }
0x84: {  	_ =	shalt  }
0x85: {  	_ =	shalt  }
0x86: {  	_ =	shalt  }
0x87: {  	_ =	shalt  }
.Lfunc_end0:
.L_simem_size_0:
called_computation_lowered:
.L_overlay_start_0:
0x88: {  	s2 =	sld [smem:$0x3FD9]  }
0x89: {  	s3 =	sld [smem:$0x3FFE];
	_ =	sdelay $0x1  }
0x8a: {  	s1 =	srdreg.scid  }
0x8b: {  	s0 =	sand.u32 $0x1, s1  }
0x8c: {  	s17 =	sshll.u32 s0, $0xA;
	s2 =	sadd.s32 s3, s2  }
0x8d: {  	s2 =	sadd.s32 s2, s17  }
0x8e: {  	[smem:$0x3FC6] =	sst s2  }
0x8f: {  	_ = 	snop  }
0x90: {  	s2 =	sld [smem:$0x3FD0];
	(tm) =	ssettm $0x1  }
0x91: {  	s18 =	sld [smem:$0x3FFB];
	_ =	sdelay $0x3  }
0x92: {  	_ =	strace s18  }
0x93: {  	s3 =	sld [smem:$0x3FFC];
	_ =	sdelay $0x3  }
0x94: {  	_ =	strace s3  }
0x95: {  	s3 =	sld [smem:$0x3FFD];
	_ =	sdelay $0x3  }
0x96: {  	_ =	strace s3  }
0x97: {  	_ =	strace $0x8FFFFFFF  }
0x98: {  	s19 =	sld [smem:$0x3FDB];
	_ =	sdelay $0x1  }
0x99: {  	s4 =	simm.s32 $_scs_section_size  }
0x9a: {  	s5 =	simm.s32 $_size__tile_overlayer_lowered;
	s6 =	simm.s32 $_tile_overlayer_lowered  }
0x9b: {  	s22 =	simm.s32 $0x1BFF;
	s21 =	sshll.u32 s6, $0x1;
	s3 =	sadd.s32 s4, s19  }
0x9c: {  	s7 =	simm.s32 $0x0;
	s20 =	sshll.u32 s5, $0x1;
	s5 =	sadd.s32 s21, s3  }
0x9d: {  	[timem:s7], [sflag:s22] =	dma.local [hbm:s5], s20  }
0x9e: {  	_ =	swait.ge [sflag:s22], s20  }
0x9f: {  	s4 =	ssub.s32 $0x0, s20;
	[sflag:s22] =	ssyncset.done $0x0  }
0xa0: {  	[sflag:s22] =	ssyncadd.s32 s4;
	_ =	sdelay $0x1  }
0xa1: {  	s23 =	simm.s32 $0x1B8B  }
0xa2: {  	_ =	swait.ge [sflag:s23], $0x1  }
0xa3: {  	[sflag:s23] =	ssyncset.done $0x0  }
0xa4: {  	s25 =	simm.s32 $0x1B8E;
	s24 =	sld [smem:$0x3FFE];
	[sflag:s23] =	ssyncadd.s32 $0xFFFFFFFF  }
0xa5: {  	s26 =	simm.s32 $execute0_lowered;
	[smem:$0x3FD2] =	sst s25  }
0xa6: {  	s5 =	sshll.u32 s26, $0x1;
	_ =	strace $0x80000046;
	[dreg:$0x1] =	wrdreg $0xFFFFFFFF  }
0xa7: {  	s28 =	simm.s32 $_size_execute0_lowered;
	s3 =	sadd.s32 s3, s5;
	[dreg:$0x0] =	wrdreg $0x0  }
0xa8: {  	s5 =	sshll.u32 s28, $0x1;
	[dreg:$0x2] =	wrdreg s3  }
0xa9: {  	[dreg:$0x3] =	wrdreg s5  }
0xaa: {  	[dreg:$0x4] =	wrdreg $0xC0  }
0xab: {  	_ =	task [dreg:s7], $0x5FFFF  }
0xac: {  	[dreg:$0x1] =	wrdreg $0xFFFFFFFF  }
0xad: {  	[dreg:$0x0] =	wrdreg $0x60  }
0xae: {  	[dreg:$0x2] =	wrdreg s24  }
0xaf: {  	[dreg:$0x3] =	wrdreg s2  }
0xb0: {  	[dreg:$0x4] =	wrdreg $0x9  }
0xb1: {  	_ =	task.clear_ibuf [dreg:s7], $0x5FFFF;
	_ =	strace $0x90000046  }
0xb2: {  	s29 =	simm.s32 $0x9;
	_ =	strace $0x80000048  }
0xb3: {  	_ =	swait.ge [sflag:s29], $0x1  }
0xb4: {  	[sflag:s29] =	ssyncadd.s32 $0xFFFFFFFF  }
0xb5: {  	_ =	strace $0x90000048  }
0xb6: {  	_ =	sfence  }
0xb7: {  	s30 =	sld [smem:$0x0];
	_ =	sdelay $0x2  }
0xb8: {  	s31 =	sshll.u32 s1, $0xD;
	s1 =	sshrl.u32 s1, $0x2  }
0xb9: {  	s3 =	sand.u32 $0x4000, s31;
	s1 =	sadd.s32 s1, s30  }
0xba: {  	s0 =	sor.u32 s3, s0;
	s1 =	sshll.u32 s1, $0x11  }
0xbb: {  	s0 =	sor.u32 s1, s0  }
0xbc: {  	s0 =	sadd.s32 $0x8F2B, s0  }
0xbd: {  	[sflag:s0] =	ssyncadd.remote.s32 $0x1  }
0xbe: {  	_ =	sfence.sel $0xFFFF  }
0xbf: {  	[dreg:$0x0] =	wrdreg $0xFFFFFFFF;
	(pc) =	sbr.abs _section_cstart, $3  }
0xc0: {  	[dreg:$0x1] =	wrdreg $0xFFFFFFFF  }
0xc1: {  	_ =	task.clear_ibuf [dreg:s7], $0x2FFFF;
	_ =	strace $0x9FFFFFFF  }
0xc2: {  	(tm) =	ssettm $0x7FFFFFFF  }
0xc3: {  	_ =	shalt  }
tec
execute0_lowered:
.L_overlay_start_1:
0x0: {  	(tag) =	ssettag $0x1  }
0x1: {  	s0 =	rddreg [dreg:$0x0]  }
0x2: {  	s4 =	sadd.s32 $0x27ACA00, s0  }
0x3: {  	s5 =	sadd.s32 $0x280E480, s0;
	s19 =	sadd.s32 $0x286FF00, s0  }
0x4: {  	v0 =	vimm.s32 $0x76543210;
	s7 =	sadd.s32 $0x28D1980, s0;
	s21 =	sadd.s32 $0x2933400, s0  }
0x5: {  	v2 =	vimm.s32 $0xCBA98;
	s22 =	sadd.s32 $0x2994E80, s0;
	s23 =	sadd.s32 $0x29F6900, s0  }
0x6: {  	vm0 =	vcmask $0x1F00;
	vm1 =	vcmask $0x3320;
	s10 =	sadd.s32 $0x2A58380, s0;
	s11 =	sadd.s32 $0x2AB9E00, s0  }
0x7: {  	s12 =	sadd.s32 $0x2B1B880, s0;
	s13 =	sadd.s32 $0x2B7D300, s0;
	v1 =	vunpack.c.l.s4.s8 v0;
	v0 =	vlaneseq.u32;
	v2 =	vunpack.c.l.s4.s8 v2  }
0x8: {  	s14 =	sadd.s32 $0x2BDED80, s0;
	v9 =	vadd.s32 $0x3D, v0;
	v10 =	vadd.s32 $0x4D, v0;
	v11 =	vadd.s32 $0x5D, v0  }
0x9: {  	s15 =	sadd.s32 $0x2C40800, s0;
	v12 =	vadd.s32 $0x6D, v0;
	v13 =	vadd.s32 $0x7D, v0;
	v14 =	vadd.s32 $0x8D, v0  }
0xa: {  	s2 =	rddreg [dreg:$0x1];
	s16 =	sadd.s32 $0x2CA2280, s0;
	v15 =	vadd.s32 $0x9D, v0;
	v16 =	vadd.s32 $0xAD, v0;
	v17 =	vadd.s32 $0xBD, v0  }
0xb: {  	s1 =	simm.s32 $0x0;
	s3 =	srdreg.scid;
	s17 =	sadd.s32 $0x2D03D00, s0;
	v18 =	vadd.s32 $0xCD, v0;
	v19 =	vadd.s32 $0xDD, v0;
	v20 =	vadd.s32 $0xED, v0  }
0xc: {  	s6 =	stileid.u32;
	[smem:$0x7FF] =	sst s1;
	s26 =	sadd.s32 $0x2FAF680, s0;
	v21 =	vadd.s32 $0xFD, v0;
	v22 =	vadd.s32 $0x10D, v0;
	v23 =	vadd.s32 $0x11D, v0  }
0xd: {  	s29 =	simm.s32 $0xA00;
	_ =	strace $0x80000047;
	[dreg:$0x3] =	wrdreg s4;
	v24 =	vadd.s32 $0x12D, v0;
	v25 =	vadd.s32 $0x13D, v0;
	v26 =	vadd.s32 $0x14D, v0  }
0xe: {  	s3 =	sand.u32 $0x1, s3;
	s28 =	sadd.s32 $0x3011100, s0;
	[dreg:$0x4] =	wrdreg s5;
	v27 =	vadd.s32 $0x15D, v0;
	v28 =	vadd.s32 $0x16D, v0;
	v29 =	vadd.s32 $0x17D, v0  }
0xf: {  	s24 =	sshll.u32 s6, $0x8;
	s30 =	sadd.s32 $0x3072B80, s0;
	[dreg:$0x5] =	wrdreg s19;
	v30 =	vadd.s32 $0x18D, v0;
	v31 =	vadd.s32 $0x19D, v0;
	v32 =	vadd.s32 $0x1AD, v0  }
0x10: {  	s9 =	sadd.s32 $0x600, s0;
	s31 =	sadd.s32 $0x30D4600, s0;
	[dreg:$0x6] =	wrdreg s7;
	v33 =	vadd.s32 $0x1BD, v0;
	v34 =	vadd.s32 $0x1CD, v0;
	v35 =	vadd.s32 $0x1DD, v0  }
0x11: {  	s18 =	ssub.s32 $0x2, s3;
	[dreg:$0x7] =	wrdreg s21;
	s19 =	sadd.s32 $0x2DC7200, s0;
	v36 =	vadd.s32 $0x1ED, v0;
	v37 =	vadd.s32 $0x1FD, v0;
	v38 =	vadd.s32 $0x20D, v0  }
0x12: {  	[dreg:$0x8] =	wrdreg s22;
	s3 =	sshll.u32 s3, $0x7;
	s21 =	sadd.s32 $0x2E8A700, s0;
	v39 =	vadd.s32 $0x21D, v0;
	v40 =	vadd.s32 $0x22D, v0;
	v41 =	vadd.s32 $0x23D, v0  }
0x13: {  	[dreg:$0x9] =	wrdreg s23;
	s23 =	sadd.s32 $0x2EEC180, s0;
	v42 =	vadd.s32 $0x24D, v0;
	v43 =	vadd.s32 $0x25D, v0;
	v44 =	vadd.s32 $0x26D, v0;
	s3 =	sor.u32 s3, s24  }
0x14: {  	v45 =	vadd.s32 $0x27D, v0;
	v46 =	vadd.s32 $0x28D, v0;
	v47 =	vadd.s32 $0x29D, v0;
	s20 =	sshrl.u32 s18, $0x1;
	s24 =	sadd.s32 $0x2F4DC00, s0;
	s5 =	smul.u32 $0x5, s3  }
0x15: {  	v48 =	vadd.s32 $0x2AD, v0;
	v49 =	vadd.s32 $0x2BD, v0;
	v50 =	vadd.s32 $0x2CD, v0;
	s4 =	ssub.s32 s18, s20;
	s25 =	smul.u32 $0x6A, s3;
	s3 =	sor.u32 $0x40, s3  }
0x16: {  	v51 =	vadd.s32 $0x2DD, v0;
	v52 =	vadd.s32 $0x2ED, v0;
	v53 =	vadd.s32 $0x2FD, v0;
	s18 =	sadd.s32 $0x2D65780, s0;
	s8 =	smul.u32 $0x6A, s3;
	s5 =	sadd.s32 s9, s5  }
0x17: {  	v54 =	vadd.s32 $0x30D, v0;
	v55 =	vadd.s32 $0x31D, v0;
	v3 =	vunpack.c.0.s8.s32 v1;
	s3 =	smul.u32 $0x5, s3;
	s22 =	sadd.s32 s2, s25;
	[dreg:$0xa] =	wrdreg s5  }
0x18: {  	v56 =	vadd.s32 $0x32D, v0;
	v57 =	vadd.s32 $0x33D, v0;
	v5 =	vunpack.c.0.s8.s32 v2;
	s20 =	sadd.s32 $0x2E28C80, s0;
	s25 =	smax.u32 s4, $0x1;
	[dreg:$0xc] =	wrdreg s22  }
0x19: {  	v1 =	vadd.s32 $0xD, v0;
	v2 =	vmul.u32 $0x40, v0;
	v4 =	vand.u32 $0xF, v3;
	s4 =	simm.s32 $0xE080;
	s3 =	sadd.s32 s9, s3;
	[dreg:$0xe] =	wrdreg s25  }
0x1a: {  	v3 =	vadd.s32 $0x1D, v0;
	v7 =	vand.u32 $0xF, v5;
	v6 =	vnsel vm0, $0x26, v4;
	s2 =	sadd.s32 s2, s8;
	s25 =	simm.s32 $0x2;
	[dreg:$0xb] =	wrdreg s3  }
0x1b: {  	v8 =	vnsel vm0, $0x34D, v4;
	v4 =	vor.u32 $0x400, v2;
	v5 =	vsel vm1, v7, v6;
	s22 =	simm.s32 $0x1080;
	s5 =	simm.s32 $0x0;
	[dreg:$0xd] =	wrdreg s2  }
0x1c: {  	v6 =	vsel vm1, v7, v8;
	v7 =	vor.u32 $0x10, v0;
	v8 =	vadd.s32 $0x2D, v0;
	s2 =	sadd.s32 $0x3136080, s0;
	s0 =	simm.s32 $0x40;
	s3 =	simm.s32 $0x1  }
.LBB2_1:
0x1d: {  	v58 =	vmov s1  }
0x1e: {  	v58 =	vmul.u32 $0x28, v58;
	_ =	sdelay $0x1  }
0x1f: {  	s6 =	rddreg [dreg:$0xa];
	v59 =	vadd.s32 v1, v58  }
0x20: {  	[tilespmem:s1], [sflag:$0x2] =	stream.linear.gather [hbm4b:s6+s1], $0xA00, $0x38;
	[tilespmem:$0x1B480] =	vst v63  }
0x21: {  	_ =	swait.ge [sflag:s25], $0xA00  }
0x22: {  	[sflag:s25] =	ssyncset.done $0x0  }
0x23: {  	[sflag:s25] =	ssyncadd.s32 $0xFFFFF600  }
0x24: {  	v59 =	vld.idx.msk [tilespmem:v59+s1+$0x0], $0xffff;
	_ =	sdelay $0x2  }
0x25: {  	v60 =	vor.u32 s1, v2  }
0x26: {  	v58 =	vadd.s32 v3, v58  }
0x27: {  	v59 =	vtrunc.f32 v59  }
0x28: {  	v59 =	vcvt.f32.s32 v59;
	_ =	sdelay $0x1  }
0x29: {  	[tilespmem:v60+s29+$0x0] =	vst.idx.msk $0xffff, v59  }
0x2a: {  	v59 =	vld.idx.msk [tilespmem:v58+s1+$0x0], $0x3ff  }
0x2b: {  	s6 =	simm.s32 $0x1  }
0x2c: {  	v63 =	vmov s6  }
0x2d: {  	v58 =	vmul.u32 $0x28, v63  }
0x2e: {  	v60 =	vor.u32 s1, v4  }
0x2f: {  	v61 =	vtrunc.f32 v59;
	v59 =	vadd.s32 v1, v58;
	_ =	sdelay $0x1  }
0x30: {  	s7 =	simm.s32 $0x2;
	v61 =	vcvt.f32.s32 v61  }
.LBB2_2:
0x31: {  	_ = 	snop  }
0x32: {  	p0 =	sne.s32 s7, $0x3F;
	s8 =	smov.u32 s7;
	s7 =	sadd.s32 $0x1, s7;
	[tilespmem:v60+s29+$0x0] =	vst.idx.msk $0x3ff, v61  }
0x33: {  	v59 =	vld.idx.msk [tilespmem:v59+s1+$0x0], $0xffff;
	_ =	sdelay $0x3  }
0x34: {  	v60 =	vor.u32 s6, v2  }
0x35: {  	v58 =	vadd.s32 v3, v58  }
0x36: {  	v59 =	vtrunc.f32 v59  }
0x37: {  	v59 =	vcvt.f32.s32 v59;
	_ =	sdelay $0x1  }
0x38: {  	[tilespmem:v60+s29+$0x0] =	vst.idx.msk $0xffff, v59  }
0x39: {  	v61 =	vld.idx.msk [tilespmem:v58+s1+$0x0], $0x3ff;
	_ =	sdelay $0x1  }
0x3a: {  	v58 =	vmov s8  }
.Ltmp0:
0x3b: {  	v58 =	vmul.u32 $0x28, v58;
	(pc) =	sbr.rel @p0 .LBB2_2-.Ltmp0, $4  }
0x3c: {  	v60 =	vor.u32 s6, v4;
	s6 =	smov.u32 s8  }
0x3d: {  	v59 =	vadd.s32 v1, v58  }
0x3e: {  	v61 =	vtrunc.f32 v61  }
0x3f: {  	v61 =	vcvt.f32.s32 v61  }
0x40: {  	_ =	sdelay $0x3  }
0x41: {  	[tilespmem:v60+s29+$0x0] =	vst.idx.msk $0x3ff, v61  }
0x42: {  	v59 =	vld.idx.msk [tilespmem:v59+s1+$0x0], $0xffff;
	_ =	sdelay $0x2  }
0x43: {  	v60 =	vor.u32 s6, v2  }
0x44: {  	v58 =	vadd.s32 v3, v58  }
0x45: {  	v59 =	vtrunc.f32 v59  }
0x46: {  	v59 =	vcvt.f32.s32 v59;
	_ =	sdelay $0x1  }
0x47: {  	[tilespmem:v60+s29+$0x0] =	vst.idx.msk $0xffff, v59  }
0x48: {  	v58 =	vld.idx.msk [tilespmem:v58+s1+$0x0], $0x3ff;
	_ =	sdelay $0x2  }
0x49: {  	v62 =	vor.u32 s6, v4;
	_ =	sdelay $0x1  }
0x4a: {  	v58 =	vtrunc.f32 v58  }
0x4b: {  	v58 =	vcvt.f32.s32 v58;
	_ =	sdelay $0x1  }
0x4c: {  	s8 =	rddreg [dreg:$0x3];
	[tilespmem:v62+s29+$0x0] =	vst.idx.msk $0x3ff, v58  }
0x4d: {  	[tilespmem:s22], [sflag:$0x1] =	stream.indirect.gather [hbm4b:s8+s0], $0x20, s29, s0, $0xb8;
	[tilespmem:$0x1B480] =	vst v63  }
0x4e: {  	s9 =	rddreg [dreg:$0x4];
	s7 =	simm.s32 $0xA40;
	s8 =	simm.s32 $0x1880  }
0x4f: {  	[tilespmem:s8], [sflag:$0x1] =	stream.indirect.gather [hbm4b:s9+s0], $0x20, s7, s0, $0xb8;
	[tilespmem:$0x1B480] =	vst v63  }
0x50: {  	s7 =	rddreg [dreg:$0x5];
	s8 =	simm.s32 $0xA80;
	s9 =	simm.s32 $0x2080  }
0x51: {  	[tilespmem:s9], [sflag:$0x1] =	stream.indirect.gather [hbm4b:s7+s0], $0x20, s8, s0, $0xb8;
	[tilespmem:$0x1B480] =	vst v63  }
0x52: {  	s7 =	rddreg [dreg:$0x6];
	s8 =	simm.s32 $0xAC0;
	s9 =	simm.s32 $0x2880  }
0x53: {  	[tilespmem:s9], [sflag:$0x1] =	stream.indirect.gather [hbm4b:s7+s0], $0x20, s8, s0, $0xb8;
	[tilespmem:$0x1B480] =	vst v63  }
0x54: {  	s7 =	rddreg [dreg:$0x7];
	s8 =	simm.s32 $0xB00;
	s9 =	simm.s32 $0x3080  }
0x55: {  	[tilespmem:s9], [sflag:$0x1] =	stream.indirect.gather [hbm4b:s7+s0], $0x20, s8, s0, $0xb8;
	[tilespmem:$0x1B480] =	vst v63  }
0x56: {  	s7 =	rddreg [dreg:$0x8];
	s8 =	simm.s32 $0xB40;
	s9 =	simm.s32 $0x3880  }
0x57: {  	[tilespmem:s9], [sflag:$0x1] =	stream.indirect.gather [hbm4b:s7+s0], $0x20, s8, s0, $0xb8;
	[tilespmem:$0x1B480] =	vst v63  }
0x58: {  	s7 =	rddreg [dreg:$0x9];
	s8 =	simm.s32 $0xB80;
	s9 =	simm.s32 $0x4080  }
0x59: {  	[tilespmem:s9], [sflag:$0x1] =	stream.indirect.gather [hbm4b:s7+s0], $0x20, s8, s0, $0xb8;
	[tilespmem:$0x1B480] =	vst v63  }
0x5a: {  	s8 =	simm.s32 $0xBC0;
	s9 =	simm.s32 $0x4880  }
0x5b: {  	[tilespmem:s9], [sflag:$0x1] =	stream.indirect.gather [hbm4b:s10+s0], $0x20, s8, s0, $0xb8;
	[tilespmem:$0x1B480] =	vst v63  }
0x5c: {  	s8 =	simm.s32 $0xC00;
	s9 =	simm.s32 $0x5080  }
0x5d: {  	[tilespmem:s9], [sflag:$0x1] =	stream.indirect.gather [hbm4b:s11+s0], $0x20, s8, s0, $0xb8;
	[tilespmem:$0x1B480] =	vst v63  }
0x5e: {  	s8 =	simm.s32 $0xC40;
	s9 =	simm.s32 $0x5880  }
0x5f: {  	[tilespmem:s9], [sflag:$0x1] =	stream.indirect.gather [hbm4b:s12+s0], $0x20, s8, s0, $0xb8;
	[tilespmem:$0x1B480] =	vst v63  }
0x60: {  	s8 =	simm.s32 $0xC80;
	s9 =	simm.s32 $0x6080  }
0x61: {  	[tilespmem:s9], [sflag:$0x1] =	stream.indirect.gather [hbm4b:s13+s0], $0x20, s8, s0, $0xb8;
	[tilespmem:$0x1B480] =	vst v63  }
0x62: {  	s8 =	simm.s32 $0xCC0;
	s9 =	simm.s32 $0x6880  }
0x63: {  	[tilespmem:s9], [sflag:$0x1] =	stream.indirect.gather [hbm4b:s14+s0], $0x20, s8, s0, $0xb8;
	[tilespmem:$0x1B480] =	vst v63  }
0x64: {  	s8 =	simm.s32 $0xD00;
	s9 =	simm.s32 $0x7080  }
0x65: {  	[tilespmem:s9], [sflag:$0x1] =	stream.indirect.gather [hbm4b:s15+s0], $0x20, s8, s0, $0xb8;
	[tilespmem:$0x1B480] =	vst v63  }
0x66: {  	s8 =	simm.s32 $0xD40;
	s9 =	simm.s32 $0x7880  }
0x67: {  	[tilespmem:s9], [sflag:$0x1] =	stream.indirect.gather [hbm4b:s16+s0], $0x20, s8, s0, $0xb8;
	[tilespmem:$0x1B480] =	vst v63  }
0x68: {  	s8 =	simm.s32 $0xD80;
	s9 =	simm.s32 $0x8080  }
0x69: {  	[tilespmem:s9], [sflag:$0x1] =	stream.indirect.gather [hbm4b:s17+s0], $0x20, s8, s0, $0xb8;
	[tilespmem:$0x1B480] =	vst v63  }
0x6a: {  	s8 =	simm.s32 $0xDC0;
	s9 =	simm.s32 $0x8880  }
0x6b: {  	[tilespmem:s9], [sflag:$0x1] =	stream.indirect.gather [hbm4b:s18+s0], $0x20, s8, s0, $0xb8;
	[tilespmem:$0x1B480] =	vst v63  }
0x6c: {  	s8 =	simm.s32 $0xE00;
	s9 =	simm.s32 $0x9080  }
0x6d: {  	[tilespmem:s9], [sflag:$0x1] =	stream.indirect.gather [hbm4b:s19+s0], $0x20, s8, s0, $0xb8;
	[tilespmem:$0x1B480] =	vst v63  }
0x6e: {  	s8 =	simm.s32 $0xE40;
	s9 =	simm.s32 $0x9880  }
0x6f: {  	[tilespmem:s9], [sflag:$0x1] =	stream.indirect.gather [hbm4b:s20+s0], $0x20, s8, s0, $0xb8;
	[tilespmem:$0x1B480] =	vst v63  }
0x70: {  	s8 =	simm.s32 $0xE80;
	s9 =	simm.s32 $0xA080  }
0x71: {  	[tilespmem:s9], [sflag:$0x1] =	stream.indirect.gather [hbm4b:s21+s0], $0x20, s8, s0, $0xb8;
	[tilespmem:$0x1B480] =	vst v63  }
0x72: {  	s8 =	simm.s32 $0xEC0;
	s9 =	simm.s32 $0xA880  }
0x73: {  	[tilespmem:s9], [sflag:$0x1] =	stream.indirect.gather [hbm4b:s23+s0], $0x20, s8, s0, $0xb8;
	[tilespmem:$0x1B480] =	vst v63  }
0x74: {  	s8 =	simm.s32 $0xF00;
	s9 =	simm.s32 $0xB080  }
0x75: {  	[tilespmem:s9], [sflag:$0x1] =	stream.indirect.gather [hbm4b:s24+s0], $0x20, s8, s0, $0xb8;
	[tilespmem:$0x1B480] =	vst v63  }
0x76: {  	s8 =	simm.s32 $0xF40;
	s9 =	simm.s32 $0xB880  }
0x77: {  	[tilespmem:s9], [sflag:$0x1] =	stream.indirect.gather [hbm4b:s26+s0], $0x20, s8, s0, $0xb8;
	[tilespmem:$0x1B480] =	vst v63  }
0x78: {  	s8 =	simm.s32 $0xF80;
	s9 =	simm.s32 $0xC080  }
0x79: {  	[tilespmem:s9], [sflag:$0x1] =	stream.indirect.gather [hbm4b:s28+s0], $0x20, s8, s0, $0xb8;
	[tilespmem:$0x1B480] =	vst v63  }
0x7a: {  	s8 =	simm.s32 $0xFC0;
	s9 =	simm.s32 $0xC880  }
0x7b: {  	[tilespmem:s9], [sflag:$0x1] =	stream.indirect.gather [hbm4b:s30+s0], $0x20, s8, s0, $0xb8;
	[tilespmem:$0x1B480] =	vst v63  }
0x7c: {  	s8 =	simm.s32 $0x1000;
	s9 =	simm.s32 $0xD080  }
0x7d: {  	[tilespmem:s9], [sflag:$0x1] =	stream.indirect.gather [hbm4b:s31+s0], $0x20, s8, s0, $0xb8;
	[tilespmem:$0x1B480] =	vst v63  }
0x7e: {  	s8 =	simm.s32 $0x1040;
	s9 =	simm.s32 $0xD880  }
0x7f: {  	[tilespmem:s9], [sflag:$0x1] =	stream.indirect.gather [hbm4b:s2+s0], $0x20, s8, s0, $0xb8;
	[tilespmem:$0x1B480] =	vst v63  }
0x80: {  	_ =	swait.ge [sflag:s3], $0x800  }
0x81: {  	[sflag:s3] =	ssyncset.done $0x0  }
0x82: {  	[sflag:s3] =	ssyncadd.s32 $0xFFFFF800  }
0x83: {  	_ =	swait.ge [sflag:s3], $0x800  }
0x84: {  	[sflag:s3] =	ssyncset.done $0x0  }
0x85: {  	[sflag:s3] =	ssyncadd.s32 $0xFFFFF800  }
0x86: {  	_ =	swait.ge [sflag:s3], $0x800  }
0x87: {  	[sflag:s3] =	ssyncset.done $0x0  }
0x88: {  	[sflag:s3] =	ssyncadd.s32 $0xFFFFF800  }
0x89: {  	_ =	swait.ge [sflag:s3], $0x800  }
0x8a: {  	[sflag:s3] =	ssyncset.done $0x0  }
0x8b: {  	[sflag:s3] =	ssyncadd.s32 $0xFFFFF800  }
0x8c: {  	_ =	swait.ge [sflag:s3], $0x800  }
0x8d: {  	[sflag:s3] =	ssyncset.done $0x0  }
0x8e: {  	[sflag:s3] =	ssyncadd.s32 $0xFFFFF800  }
0x8f: {  	_ =	swait.ge [sflag:s3], $0x800  }
0x90: {  	[sflag:s3] =	ssyncset.done $0x0  }
0x91: {  	[sflag:s3] =	ssyncadd.s32 $0xFFFFF800  }
0x92: {  	_ =	swait.ge [sflag:s3], $0x800  }
0x93: {  	[sflag:s3] =	ssyncset.done $0x0  }
0x94: {  	[sflag:s3] =	ssyncadd.s32 $0xFFFFF800  }
0x95: {  	_ =	swait.ge [sflag:s3], $0x800  }
0x96: {  	[sflag:s3] =	ssyncset.done $0x0  }
0x97: {  	[sflag:s3] =	ssyncadd.s32 $0xFFFFF800  }
0x98: {  	_ =	swait.ge [sflag:s3], $0x800  }
0x99: {  	[sflag:s3] =	ssyncset.done $0x0  }
0x9a: {  	[sflag:s3] =	ssyncadd.s32 $0xFFFFF800  }
0x9b: {  	_ =	swait.ge [sflag:s3], $0x800  }
0x9c: {  	[sflag:s3] =	ssyncset.done $0x0  }
0x9d: {  	[sflag:s3] =	ssyncadd.s32 $0xFFFFF800  }
0x9e: {  	_ =	swait.ge [sflag:s3], $0x800  }
0x9f: {  	[sflag:s3] =	ssyncset.done $0x0  }
0xa0: {  	[sflag:s3] =	ssyncadd.s32 $0xFFFFF800  }
0xa1: {  	_ =	swait.ge [sflag:s3], $0x800  }
0xa2: {  	[sflag:s3] =	ssyncset.done $0x0  }
0xa3: {  	[sflag:s3] =	ssyncadd.s32 $0xFFFFF800  }
0xa4: {  	_ =	swait.ge [sflag:s3], $0x800  }
0xa5: {  	[sflag:s3] =	ssyncset.done $0x0  }
0xa6: {  	[sflag:s3] =	ssyncadd.s32 $0xFFFFF800  }
0xa7: {  	_ =	swait.ge [sflag:s3], $0x800  }
0xa8: {  	[sflag:s3] =	ssyncset.done $0x0  }
0xa9: {  	[sflag:s3] =	ssyncadd.s32 $0xFFFFF800  }
0xaa: {  	_ =	swait.ge [sflag:s3], $0x800  }
0xab: {  	[sflag:s3] =	ssyncset.done $0x0  }
0xac: {  	[sflag:s3] =	ssyncadd.s32 $0xFFFFF800  }
0xad: {  	_ =	swait.ge [sflag:s3], $0x800  }
0xae: {  	[sflag:s3] =	ssyncset.done $0x0  }
0xaf: {  	[sflag:s3] =	ssyncadd.s32 $0xFFFFF800  }
0xb0: {  	_ =	swait.ge [sflag:s3], $0x800  }
0xb1: {  	[sflag:s3] =	ssyncset.done $0x0  }
0xb2: {  	[sflag:s3] =	ssyncadd.s32 $0xFFFFF800  }
0xb3: {  	_ =	swait.ge [sflag:s3], $0x800  }
0xb4: {  	[sflag:s3] =	ssyncset.done $0x0  }
0xb5: {  	[sflag:s3] =	ssyncadd.s32 $0xFFFFF800  }
0xb6: {  	_ =	swait.ge [sflag:s3], $0x800  }
0xb7: {  	[sflag:s3] =	ssyncset.done $0x0  }
0xb8: {  	[sflag:s3] =	ssyncadd.s32 $0xFFFFF800  }
0xb9: {  	_ =	swait.ge [sflag:s3], $0x800  }
0xba: {  	[sflag:s3] =	ssyncset.done $0x0  }
0xbb: {  	[sflag:s3] =	ssyncadd.s32 $0xFFFFF800  }
0xbc: {  	_ =	swait.ge [sflag:s3], $0x800  }
0xbd: {  	[sflag:s3] =	ssyncset.done $0x0  }
0xbe: {  	[sflag:s3] =	ssyncadd.s32 $0xFFFFF800  }
0xbf: {  	_ =	swait.ge [sflag:s3], $0x800  }
0xc0: {  	[sflag:s3] =	ssyncset.done $0x0  }
0xc1: {  	[sflag:s3] =	ssyncadd.s32 $0xFFFFF800  }
0xc2: {  	_ =	swait.ge [sflag:s3], $0x800  }
0xc3: {  	[sflag:s3] =	ssyncset.done $0x0  }
0xc4: {  	[sflag:s3] =	ssyncadd.s32 $0xFFFFF800  }
0xc5: {  	s8 =	simm.s32 $0x0;
	_ =	swait.ge [sflag:s3], $0x800  }
0xc6: {  	v59 =	vmov s8;
	[sflag:s3] =	ssyncset.done $0x0  }
0xc7: {  	v63 =	vmul.u32 $0x28, v59;
	[sflag:s3] =	ssyncadd.s32 $0xFFFFF800  }
0xc8: {  	_ =	swait.ge [sflag:s3], $0x800  }
0xc9: {  	v60 =	vadd.s32 v5, v63;
	[sflag:s3] =	ssyncset.done $0x0  }
0xca: {  	[sflag:s3] =	ssyncadd.s32 $0xFFFFF800  }
0xcb: {  	_ =	swait.ge [sflag:s3], $0x800  }
0xcc: {  	v58 =	vmul.u32 $0x350, v59;
	[sflag:s3] =	ssyncset.done $0x0  }
0xcd: {  	[sflag:s3] =	ssyncadd.s32 $0xFFFFF800  }
0xce: {  	v59 =	vshll.u32 v59, $0x5;
	v61 =	vadd.s32 v6, v58;
	v60 =	vld.idx.msk [tilespmem:v60+s1+$0x0], $0xffff  }
0xcf: {  	v62 =	vor.u32 v0, v59;
	_ =	sdelay $0x3  }
0xd0: {  	[tilespmem:v61+s4+$0x0] =	vst.idx.msk $0x3fff, v60  }
0xd1: {  	v61 =	vadd.s32 v1, v58;
	v60 =	vld.idx.msk [tilespmem:v62+s22+$0x0], $0xffff  }
0xd2: {  	v59 =	vor.u32 v7, v59;
	_ =	sdelay $0x3  }
0xd3: {  	[tilespmem:v61+s4+$0x0] =	vst.idx.msk $0xffff, v60  }
0xd4: {  	s9 =	simm.s32 $0x800;
	v60 =	vadd.s32 v3, v58;
	v59 =	vld.idx.msk [tilespmem:v59+s22+$0x0], $0xffff  }
0xd5: {  	v61 =	vor.u32 s9, v0;
	_ =	sdelay $0x3  }
0xd6: {  	[tilespmem:v60+s4+$0x0] =	vst.idx.msk $0xffff, v59  }
0xd7: {  	v60 =	vadd.s32 v8, v58;
	v59 =	vld.idx.msk [tilespmem:v61+s22+$0x0], $0xffff  }
0xd8: {  	v61 =	vor.u32 s9, v7;
	_ =	sdelay $0x3  }
0xd9: {  	[tilespmem:v60+s4+$0x0] =	vst.idx.msk $0xffff, v59  }
0xda: {  	s7 =	simm.s32 $0x1000;
	v60 =	vadd.s32 v9, v58;
	v59 =	vld.idx.msk [tilespmem:v61+s22+$0x0], $0xffff  }
0xdb: {  	v61 =	vor.u32 s7, v0;
	_ =	sdelay $0x3  }
0xdc: {  	[tilespmem:v60+s4+$0x0] =	vst.idx.msk $0xffff, v59  }
0xdd: {  	v60 =	vadd.s32 v10, v58;
	v59 =	vld.idx.msk [tilespmem:v61+s22+$0x0], $0xffff  }
0xde: {  	v61 =	vor.u32 s7, v7;
	_ =	sdelay $0x3  }
0xdf: {  	[tilespmem:v60+s4+$0x0] =	vst.idx.msk $0xffff, v59  }
0xe0: {  	s8 =	simm.s32 $0x1800;
	v60 =	vadd.s32 v11, v58;
	v59 =	vld.idx.msk [tilespmem:v61+s22+$0x0], $0xffff  }
0xe1: {  	v61 =	vor.u32 s8, v0;
	_ =	sdelay $0x3  }
0xe2: {  	[tilespmem:v60+s4+$0x0] =	vst.idx.msk $0xffff, v59  }
0xe3: {  	v60 =	vadd.s32 v12, v58;
	v59 =	vld.idx.msk [tilespmem:v61+s22+$0x0], $0xffff  }
0xe4: {  	v61 =	vor.u32 s8, v7;
	_ =	sdelay $0x3  }
0xe5: {  	[tilespmem:v60+s4+$0x0] =	vst.idx.msk $0xffff, v59  }
0xe6: {  	s9 =	simm.s32 $0x2000;
	v60 =	vadd.s32 v13, v58;
	v59 =	vld.idx.msk [tilespmem:v61+s22+$0x0], $0xffff  }
0xe7: {  	v61 =	vor.u32 s9, v0;
	_ =	sdelay $0x3  }
0xe8: {  	[tilespmem:v60+s4+$0x0] =	vst.idx.msk $0xffff, v59  }
0xe9: {  	v60 =	vadd.s32 v14, v58;
	v59 =	vld.idx.msk [tilespmem:v61+s22+$0x0], $0xffff  }
0xea: {  	v61 =	vor.u32 s9, v7;
	_ =	sdelay $0x3  }
0xeb: {  	[tilespmem:v60+s4+$0x0] =	vst.idx.msk $0xffff, v59  }
0xec: {  	s7 =	simm.s32 $0x2800;
	v60 =	vadd.s32 v15, v58;
	v59 =	vld.idx.msk [tilespmem:v61+s22+$0x0], $0xffff  }
0xed: {  	v61 =	vor.u32 s7, v0;
	_ =	sdelay $0x3  }
0xee: {  	[tilespmem:v60+s4+$0x0] =	vst.idx.msk $0xffff, v59  }
0xef: {  	v60 =	vadd.s32 v16, v58;
	v59 =	vld.idx.msk [tilespmem:v61+s22+$0x0], $0xffff  }
0xf0: {  	v61 =	vor.u32 s7, v7;
	_ =	sdelay $0x3  }
0xf1: {  	[tilespmem:v60+s4+$0x0] =	vst.idx.msk $0xffff, v59  }
0xf2: {  	s8 =	simm.s32 $0x3000;
	v60 =	vadd.s32 v17, v58;
	v59 =	vld.idx.msk [tilespmem:v61+s22+$0x0], $0xffff  }
0xf3: {  	v61 =	vor.u32 s8, v0;
	_ =	sdelay $0x3  }
0xf4: {  	[tilespmem:v60+s4+$0x0] =	vst.idx.msk $0xffff, v59  }
0xf5: {  	v60 =	vadd.s32 v18, v58;
	v59 =	vld.idx.msk [tilespmem:v61+s22+$0x0], $0xffff  }
0xf6: {  	v61 =	vor.u32 s8, v7;
	_ =	sdelay $0x3  }
0xf7: {  	[tilespmem:v60+s4+$0x0] =	vst.idx.msk $0xffff, v59  }
0xf8: {  	s9 =	simm.s32 $0x3800;
	v60 =	vadd.s32 v19, v58;
	v59 =	vld.idx.msk [tilespmem:v61+s22+$0x0], $0xffff  }
0xf9: {  	v61 =	vor.u32 s9, v0;
	_ =	sdelay $0x3  }
0xfa: {  	[tilespmem:v60+s4+$0x0] =	vst.idx.msk $0xffff, v59  }
0xfb: {  	v60 =	vadd.s32 v20, v58;
	v59 =	vld.idx.msk [tilespmem:v61+s22+$0x0], $0xffff  }
0xfc: {  	v61 =	vor.u32 s9, v7;
	_ =	sdelay $0x3  }
0xfd: {  	[tilespmem:v60+s4+$0x0] =	vst.idx.msk $0xffff, v59  }
0xfe: {  	s7 =	simm.s32 $0x4000;
	v60 =	vadd.s32 v21, v58;
	v59 =	vld.idx.msk [tilespmem:v61+s22+$0x0], $0xffff  }
0xff: {  	v61 =	vor.u32 s7, v0;
	_ =	sdelay $0x3  }
0x100: {  	[tilespmem:v60+s4+$0x0] =	vst.idx.msk $0xffff, v59  }
0x101: {  	v60 =	vadd.s32 v22, v58;
	v59 =	vld.idx.msk [tilespmem:v61+s22+$0x0], $0xffff  }
0x102: {  	v61 =	vor.u32 s7, v7;
	_ =	sdelay $0x3  }
0x103: {  	[tilespmem:v60+s4+$0x0] =	vst.idx.msk $0xffff, v59  }
0x104: {  	s8 =	simm.s32 $0x4800;
	v60 =	vadd.s32 v23, v58;
	v59 =	vld.idx.msk [tilespmem:v61+s22+$0x0], $0xffff  }
0x105: {  	v61 =	vor.u32 s8, v0;
	_ =	sdelay $0x3  }
0x106: {  	[tilespmem:v60+s4+$0x0] =	vst.idx.msk $0xffff, v59  }
0x107: {  	v60 =	vadd.s32 v24, v58;
	v59 =	vld.idx.msk [tilespmem:v61+s22+$0x0], $0xffff  }
0x108: {  	v61 =	vor.u32 s8, v7;
	_ =	sdelay $0x3  }
0x109: {  	[tilespmem:v60+s4+$0x0] =	vst.idx.msk $0xffff, v59  }
0x10a: {  	s9 =	simm.s32 $0x5000;
	v60 =	vadd.s32 v25, v58;
	v59 =	vld.idx.msk [tilespmem:v61+s22+$0x0], $0xffff  }
0x10b: {  	v61 =	vor.u32 s9, v0;
	_ =	sdelay $0x3  }
0x10c: {  	[tilespmem:v60+s4+$0x0] =	vst.idx.msk $0xffff, v59  }
0x10d: {  	v60 =	vadd.s32 v26, v58;
	v59 =	vld.idx.msk [tilespmem:v61+s22+$0x0], $0xffff  }
0x10e: {  	v61 =	vor.u32 s9, v7;
	_ =	sdelay $0x3  }
0x10f: {  	[tilespmem:v60+s4+$0x0] =	vst.idx.msk $0xffff, v59  }
0x110: {  	s7 =	simm.s32 $0x5800;
	v60 =	vadd.s32 v27, v58;
	v59 =	vld.idx.msk [tilespmem:v61+s22+$0x0], $0xffff  }
0x111: {  	v61 =	vor.u32 s7, v0;
	_ =	sdelay $0x3  }
0x112: {  	[tilespmem:v60+s4+$0x0] =	vst.idx.msk $0xffff, v59  }
0x113: {  	v60 =	vadd.s32 v28, v58;
	v59 =	vld.idx.msk [tilespmem:v61+s22+$0x0], $0xffff  }
0x114: {  	v61 =	vor.u32 s7, v7;
	_ =	sdelay $0x3  }
0x115: {  	[tilespmem:v60+s4+$0x0] =	vst.idx.msk $0xffff, v59  }
0x116: {  	s8 =	simm.s32 $0x6000;
	v60 =	vadd.s32 v29, v58;
	v59 =	vld.idx.msk [tilespmem:v61+s22+$0x0], $0xffff  }
0x117: {  	v61 =	vor.u32 s8, v0;
	_ =	sdelay $0x3  }
0x118: {  	[tilespmem:v60+s4+$0x0] =	vst.idx.msk $0xffff, v59  }
0x119: {  	v60 =	vadd.s32 v30, v58;
	v59 =	vld.idx.msk [tilespmem:v61+s22+$0x0], $0xffff  }
0x11a: {  	v61 =	vor.u32 s8, v7;
	_ =	sdelay $0x3  }
0x11b: {  	[tilespmem:v60+s4+$0x0] =	vst.idx.msk $0xffff, v59  }
0x11c: {  	s9 =	simm.s32 $0x6800;
	v60 =	vadd.s32 v31, v58;
	v59 =	vld.idx.msk [tilespmem:v61+s22+$0x0], $0xffff  }
0x11d: {  	v61 =	vor.u32 s9, v0;
	_ =	sdelay $0x3  }
0x11e: {  	[tilespmem:v60+s4+$0x0] =	vst.idx.msk $0xffff, v59  }
0x11f: {  	v60 =	vadd.s32 v32, v58;
	v59 =	vld.idx.msk [tilespmem:v61+s22+$0x0], $0xffff  }
0x120: {  	v61 =	vor.u32 s9, v7;
	_ =	sdelay $0x3  }
0x121: {  	[tilespmem:v60+s4+$0x0] =	vst.idx.msk $0xffff, v59  }
0x122: {  	s7 =	simm.s32 $0x7000;
	v60 =	vadd.s32 v33, v58;
	v59 =	vld.idx.msk [tilespmem:v61+s22+$0x0], $0xffff  }
0x123: {  	v61 =	vor.u32 s7, v0;
	_ =	sdelay $0x3  }
0x124: {  	[tilespmem:v60+s4+$0x0] =	vst.idx.msk $0xffff, v59  }
0x125: {  	v60 =	vadd.s32 v34, v58;
	v59 =	vld.idx.msk [tilespmem:v61+s22+$0x0], $0xffff  }
0x126: {  	v61 =	vor.u32 s7, v7;
	_ =	sdelay $0x3  }
0x127: {  	[tilespmem:v60+s4+$0x0] =	vst.idx.msk $0xffff, v59  }
0x128: {  	s8 =	simm.s32 $0x7800;
	v60 =	vadd.s32 v35, v58;
	v59 =	vld.idx.msk [tilespmem:v61+s22+$0x0], $0xffff  }
0x129: {  	v61 =	vor.u32 s8, v0;
	_ =	sdelay $0x3  }
0x12a: {  	[tilespmem:v60+s4+$0x0] =	vst.idx.msk $0xffff, v59  }
0x12b: {  	v60 =	vadd.s32 v36, v58;
	v59 =	vld.idx.msk [tilespmem:v61+s22+$0x0], $0xffff  }
0x12c: {  	v61 =	vor.u32 s8, v7;
	_ =	sdelay $0x3  }
0x12d: {  	[tilespmem:v60+s4+$0x0] =	vst.idx.msk $0xffff, v59  }
0x12e: {  	s9 =	simm.s32 $0x8000;
	v60 =	vadd.s32 v37, v58;
	v59 =	vld.idx.msk [tilespmem:v61+s22+$0x0], $0xffff  }
0x12f: {  	v61 =	vor.u32 s9, v0;
	_ =	sdelay $0x3  }
0x130: {  	[tilespmem:v60+s4+$0x0] =	vst.idx.msk $0xffff, v59  }
0x131: {  	v60 =	vadd.s32 v38, v58;
	v59 =	vld.idx.msk [tilespmem:v61+s22+$0x0], $0xffff  }
0x132: {  	v61 =	vor.u32 s9, v7;
	_ =	sdelay $0x3  }
0x133: {  	[tilespmem:v60+s4+$0x0] =	vst.idx.msk $0xffff, v59  }
0x134: {  	s7 =	simm.s32 $0x8800;
	v60 =	vadd.s32 v39, v58;
	v59 =	vld.idx.msk [tilespmem:v61+s22+$0x0], $0xffff  }
0x135: {  	v61 =	vor.u32 s7, v0;
	_ =	sdelay $0x3  }
0x136: {  	[tilespmem:v60+s4+$0x0] =	vst.idx.msk $0xffff, v59  }
0x137: {  	v60 =	vadd.s32 v40, v58;
	v59 =	vld.idx.msk [tilespmem:v61+s22+$0x0], $0xffff  }
0x138: {  	v61 =	vor.u32 s7, v7;
	_ =	sdelay $0x3  }
0x139: {  	[tilespmem:v60+s4+$0x0] =	vst.idx.msk $0xffff, v59  }
0x13a: {  	s8 =	simm.s32 $0x9000;
	v60 =	vadd.s32 v41, v58;
	v59 =	vld.idx.msk [tilespmem:v61+s22+$0x0], $0xffff  }
0x13b: {  	v61 =	vor.u32 s8, v0;
	_ =	sdelay $0x3  }
0x13c: {  	[tilespmem:v60+s4+$0x0] =	vst.idx.msk $0xffff, v59  }
0x13d: {  	v60 =	vadd.s32 v42, v58;
	v59 =	vld.idx.msk [tilespmem:v61+s22+$0x0], $0xffff  }
0x13e: {  	v61 =	vor.u32 s8, v7;
	_ =	sdelay $0x3  }
0x13f: {  	[tilespmem:v60+s4+$0x0] =	vst.idx.msk $0xffff, v59  }
0x140: {  	s9 =	simm.s32 $0x9800;
	v60 =	vadd.s32 v43, v58;
	v59 =	vld.idx.msk [tilespmem:v61+s22+$0x0], $0xffff  }
0x141: {  	v61 =	vor.u32 s9, v0;
	_ =	sdelay $0x3  }
0x142: {  	[tilespmem:v60+s4+$0x0] =	vst.idx.msk $0xffff, v59  }
0x143: {  	v60 =	vadd.s32 v44, v58;
	v59 =	vld.idx.msk [tilespmem:v61+s22+$0x0], $0xffff  }
0x144: {  	v61 =	vor.u32 s9, v7;
	_ =	sdelay $0x3  }
0x145: {  	[tilespmem:v60+s4+$0x0] =	vst.idx.msk $0xffff, v59  }
0x146: {  	s7 =	simm.s32 $0xA000;
	v60 =	vadd.s32 v45, v58;
	v59 =	vld.idx.msk [tilespmem:v61+s22+$0x0], $0xffff  }
0x147: {  	v61 =	vor.u32 s7, v0;
	_ =	sdelay $0x3  }
0x148: {  	[tilespmem:v60+s4+$0x0] =	vst.idx.msk $0xffff, v59  }
0x149: {  	v60 =	vadd.s32 v46, v58;
	v59 =	vld.idx.msk [tilespmem:v61+s22+$0x0], $0xffff  }
0x14a: {  	v61 =	vor.u32 s7, v7;
	_ =	sdelay $0x3  }
0x14b: {  	[tilespmem:v60+s4+$0x0] =	vst.idx.msk $0xffff, v59  }
0x14c: {  	s8 =	simm.s32 $0xA800;
	v60 =	vadd.s32 v47, v58;
	v59 =	vld.idx.msk [tilespmem:v61+s22+$0x0], $0xffff  }
0x14d: {  	v61 =	vor.u32 s8, v0;
	_ =	sdelay $0x3  }
0x14e: {  	[tilespmem:v60+s4+$0x0] =	vst.idx.msk $0xffff, v59  }
0x14f: {  	v60 =	vadd.s32 v48, v58;
	v59 =	vld.idx.msk [tilespmem:v61+s22+$0x0], $0xffff  }
0x150: {  	v61 =	vor.u32 s8, v7;
	_ =	sdelay $0x3  }
0x151: {  	[tilespmem:v60+s4+$0x0] =	vst.idx.msk $0xffff, v59  }
0x152: {  	s9 =	simm.s32 $0xB000;
	v60 =	vadd.s32 v49, v58;
	v59 =	vld.idx.msk [tilespmem:v61+s22+$0x0], $0xffff  }
0x153: {  	v61 =	vor.u32 s9, v0;
	_ =	sdelay $0x3  }
0x154: {  	[tilespmem:v60+s4+$0x0] =	vst.idx.msk $0xffff, v59  }
0x155: {  	v60 =	vadd.s32 v50, v58;
	v59 =	vld.idx.msk [tilespmem:v61+s22+$0x0], $0xffff  }
0x156: {  	v61 =	vor.u32 s9, v7;
	_ =	sdelay $0x3  }
0x157: {  	[tilespmem:v60+s4+$0x0] =	vst.idx.msk $0xffff, v59  }
0x158: {  	s7 =	simm.s32 $0xB800;
	v60 =	vadd.s32 v51, v58;
	v59 =	vld.idx.msk [tilespmem:v61+s22+$0x0], $0xffff  }
0x159: {  	v61 =	vor.u32 s7, v0;
	_ =	sdelay $0x3  }
0x15a: {  	[tilespmem:v60+s4+$0x0] =	vst.idx.msk $0xffff, v59  }
0x15b: {  	v60 =	vadd.s32 v52, v58;
	v59 =	vld.idx.msk [tilespmem:v61+s22+$0x0], $0xffff  }
0x15c: {  	v61 =	vor.u32 s7, v7;
	_ =	sdelay $0x3  }
0x15d: {  	[tilespmem:v60+s4+$0x0] =	vst.idx.msk $0xffff, v59  }
0x15e: {  	s8 =	simm.s32 $0xC000;
	v60 =	vadd.s32 v53, v58;
	v59 =	vld.idx.msk [tilespmem:v61+s22+$0x0], $0xffff  }
0x15f: {  	v61 =	vor.u32 s8, v0;
	_ =	sdelay $0x3  }
0x160: {  	[tilespmem:v60+s4+$0x0] =	vst.idx.msk $0xffff, v59  }
0x161: {  	v60 =	vadd.s32 v54, v58;
	v59 =	vld.idx.msk [tilespmem:v61+s22+$0x0], $0xffff  }
0x162: {  	v61 =	vor.u32 s8, v7;
	_ =	sdelay $0x3  }
0x163: {  	[tilespmem:v60+s4+$0x0] =	vst.idx.msk $0xffff, v59  }
0x164: {  	s9 =	simm.s32 $0xC800;
	v60 =	vadd.s32 v55, v58;
	v59 =	vld.idx.msk [tilespmem:v61+s22+$0x0], $0xffff  }
0x165: {  	v61 =	vor.u32 s9, v0;
	_ =	sdelay $0x3  }
0x166: {  	[tilespmem:v60+s4+$0x0] =	vst.idx.msk $0xffff, v59  }
0x167: {  	v62 =	vadd.s32 v56, v58;
	v61 =	vld.idx.msk [tilespmem:v61+s22+$0x0], $0xffff  }
0x168: {  	v60 =	vor.u32 s9, v7;
	_ =	sdelay $0x2  }
0x169: {  	s6 =	simm.s32 $0x1  }
0x16a: {  	s7 =	simm.s32 $0x2;
	v59 =	vmov s6;
	[tilespmem:v62+s4+$0x0] =	vst.idx.msk $0xffff, v61  }
.LBB2_4:
0x16b: {  	p0 =	sne.s32 s7, $0x3F;
	v61 =	vmul.u32 $0x28, v59;
	v60 =	vld.idx.msk [tilespmem:v60+s22+$0x0], $0xffff  }
0x16c: {  	v62 =	vadd.s32 v57, v58  }
0x16d: {  	v61 =	vadd.s32 v5, v61;
	_ =	sdelay $0x3  }
0x16e: {  	v58 =	vmul.u32 $0x350, v59;
	[tilespmem:v62+s4+$0x0] =	vst.idx.msk $0xffff, v60  }
0x16f: {  	v60 =	vld.idx.msk [tilespmem:v61+s1+$0x0], $0xffff  }
0x170: {  	v59 =	vshll.u32 v59, $0x5;
	v61 =	vadd.s32 v6, v58  }
0x171: {  	v62 =	vor.u32 v0, v59;
	_ =	sdelay $0x3  }
0x172: {  	[tilespmem:v61+s4+$0x0] =	vst.idx.msk $0x3fff, v60  }
0x173: {  	v60 =	vld.idx.msk [tilespmem:v62+s22+$0x0], $0xffff  }
0x174: {  	v61 =	vadd.s32 v1, v58  }
0x175: {  	v59 =	vor.u32 v7, v59;
	_ =	sdelay $0x3  }
0x176: {  	[tilespmem:v61+s4+$0x0] =	vst.idx.msk $0xffff, v60  }
0x177: {  	s8 =	sshll.u32 s6, $0x5;
	s6 =	smov.u32 s7;
	v59 =	vld.idx.msk [tilespmem:v59+s22+$0x0], $0xffff  }
0x178: {  	s9 =	sadd.s32 $0x800, s8;
	v60 =	vadd.s32 v3, v58  }
0x179: {  	v61 =	vor.u32 s9, v0;
	_ =	sdelay $0x3  }
0x17a: {  	[tilespmem:v60+s4+$0x0] =	vst.idx.msk $0xffff, v59  }
0x17b: {  	v59 =	vld.idx.msk [tilespmem:v61+s22+$0x0], $0xffff  }
0x17c: {  	v60 =	vadd.s32 v8, v58  }
0x17d: {  	v61 =	vor.u32 s9, v7;
	_ =	sdelay $0x3  }
0x17e: {  	[tilespmem:v60+s4+$0x0] =	vst.idx.msk $0xffff, v59  }
0x17f: {  	v59 =	vld.idx.msk [tilespmem:v61+s22+$0x0], $0xffff  }
0x180: {  	s9 =	sadd.s32 $0x1000, s8;
	v60 =	vadd.s32 v9, v58  }
0x181: {  	v61 =	vor.u32 s9, v0;
	_ =	sdelay $0x3  }
0x182: {  	[tilespmem:v60+s4+$0x0] =	vst.idx.msk $0xffff, v59  }
0x183: {  	v59 =	vld.idx.msk [tilespmem:v61+s22+$0x0], $0xffff  }
0x184: {  	v60 =	vadd.s32 v10, v58  }
0x185: {  	v61 =	vor.u32 s9, v7;
	_ =	sdelay $0x3  }
0x186: {  	[tilespmem:v60+s4+$0x0] =	vst.idx.msk $0xffff, v59  }
0x187: {  	v59 =	vld.idx.msk [tilespmem:v61+s22+$0x0], $0xffff  }
0x188: {  	s9 =	sadd.s32 $0x1800, s8;
	v60 =	vadd.s32 v11, v58  }
0x189: {  	v61 =	vor.u32 s9, v0;
	_ =	sdelay $0x3  }
0x18a: {  	[tilespmem:v60+s4+$0x0] =	vst.idx.msk $0xffff, v59  }
0x18b: {  	v59 =	vld.idx.msk [tilespmem:v61+s22+$0x0], $0xffff  }
0x18c: {  	v60 =	vadd.s32 v12, v58  }
0x18d: {  	v61 =	vor.u32 s9, v7;
	_ =	sdelay $0x3  }
0x18e: {  	[tilespmem:v60+s4+$0x0] =	vst.idx.msk $0xffff, v59  }
0x18f: {  	v59 =	vld.idx.msk [tilespmem:v61+s22+$0x0], $0xffff  }
0x190: {  	s9 =	sadd.s32 $0x2000, s8;
	v60 =	vadd.s32 v13, v58  }
0x191: {  	v61 =	vor.u32 s9, v0;
	_ =	sdelay $0x3  }
0x192: {  	[tilespmem:v60+s4+$0x0] =	vst.idx.msk $0xffff, v59  }
0x193: {  	v59 =	vld.idx.msk [tilespmem:v61+s22+$0x0], $0xffff  }
0x194: {  	v60 =	vadd.s32 v14, v58  }
0x195: {  	v61 =	vor.u32 s9, v7;
	_ =	sdelay $0x3  }
0x196: {  	[tilespmem:v60+s4+$0x0] =	vst.idx.msk $0xffff, v59  }
0x197: {  	v59 =	vld.idx.msk [tilespmem:v61+s22+$0x0], $0xffff  }
0x198: {  	s9 =	sadd.s32 $0x2800, s8;
	v60 =	vadd.s32 v15, v58  }
0x199: {  	v61 =	vor.u32 s9, v0;
	_ =	sdelay $0x3  }
0x19a: {  	[tilespmem:v60+s4+$0x0] =	vst.idx.msk $0xffff, v59  }
0x19b: {  	v59 =	vld.idx.msk [tilespmem:v61+s22+$0x0], $0xffff  }
0x19c: {  	v60 =	vadd.s32 v16, v58  }
0x19d: {  	v61 =	vor.u32 s9, v7;
	_ =	sdelay $0x3  }
0x19e: {  	[tilespmem:v60+s4+$0x0] =	vst.idx.msk $0xffff, v59  }
0x19f: {  	v59 =	vld.idx.msk [tilespmem:v61+s22+$0x0], $0xffff  }
0x1a0: {  	s9 =	sadd.s32 $0x3000, s8;
	v60 =	vadd.s32 v17, v58  }
0x1a1: {  	v61 =	vor.u32 s9, v0;
	_ =	sdelay $0x3  }
0x1a2: {  	[tilespmem:v60+s4+$0x0] =	vst.idx.msk $0xffff, v59  }
0x1a3: {  	v59 =	vld.idx.msk [tilespmem:v61+s22+$0x0], $0xffff  }
0x1a4: {  	v60 =	vadd.s32 v18, v58  }
0x1a5: {  	v61 =	vor.u32 s9, v7;
	_ =	sdelay $0x3  }
0x1a6: {  	[tilespmem:v60+s4+$0x0] =	vst.idx.msk $0xffff, v59  }
0x1a7: {  	v59 =	vld.idx.msk [tilespmem:v61+s22+$0x0], $0xffff  }
0x1a8: {  	s9 =	sadd.s32 $0x3800, s8;
	v60 =	vadd.s32 v19, v58  }
0x1a9: {  	v61 =	vor.u32 s9, v0;
	_ =	sdelay $0x3  }
0x1aa: {  	[tilespmem:v60+s4+$0x0] =	vst.idx.msk $0xffff, v59  }
0x1ab: {  	v59 =	vld.idx.msk [tilespmem:v61+s22+$0x0], $0xffff  }
0x1ac: {  	v60 =	vadd.s32 v20, v58  }
0x1ad: {  	v61 =	vor.u32 s9, v7;
	_ =	sdelay $0x3  }
0x1ae: {  	[tilespmem:v60+s4+$0x0] =	vst.idx.msk $0xffff, v59  }
0x1af: {  	v59 =	vld.idx.msk [tilespmem:v61+s22+$0x0], $0xffff  }
0x1b0: {  	s9 =	sadd.s32 $0x4000, s8;
	v60 =	vadd.s32 v21, v58  }
0x1b1: {  	v61 =	vor.u32 s9, v0;
	_ =	sdelay $0x3  }
0x1b2: {  	[tilespmem:v60+s4+$0x0] =	vst.idx.msk $0xffff, v59  }
0x1b3: {  	v59 =	vld.idx.msk [tilespmem:v61+s22+$0x0], $0xffff  }
0x1b4: {  	v60 =	vadd.s32 v22, v58  }
0x1b5: {  	v61 =	vor.u32 s9, v7;
	_ =	sdelay $0x3  }
0x1b6: {  	[tilespmem:v60+s4+$0x0] =	vst.idx.msk $0xffff, v59  }
0x1b7: {  	v59 =	vld.idx.msk [tilespmem:v61+s22+$0x0], $0xffff  }
0x1b8: {  	s9 =	sadd.s32 $0x4800, s8;
	v60 =	vadd.s32 v23, v58  }
0x1b9: {  	v61 =	vor.u32 s9, v0;
	_ =	sdelay $0x3  }
0x1ba: {  	[tilespmem:v60+s4+$0x0] =	vst.idx.msk $0xffff, v59  }
0x1bb: {  	v59 =	vld.idx.msk [tilespmem:v61+s22+$0x0], $0xffff  }
0x1bc: {  	v60 =	vadd.s32 v24, v58  }
0x1bd: {  	v61 =	vor.u32 s9, v7;
	_ =	sdelay $0x3  }
0x1be: {  	[tilespmem:v60+s4+$0x0] =	vst.idx.msk $0xffff, v59  }
0x1bf: {  	v59 =	vld.idx.msk [tilespmem:v61+s22+$0x0], $0xffff  }
0x1c0: {  	s9 =	sadd.s32 $0x5000, s8;
	v60 =	vadd.s32 v25, v58  }
0x1c1: {  	v61 =	vor.u32 s9, v0;
	_ =	sdelay $0x3  }
0x1c2: {  	[tilespmem:v60+s4+$0x0] =	vst.idx.msk $0xffff, v59  }
0x1c3: {  	v59 =	vld.idx.msk [tilespmem:v61+s22+$0x0], $0xffff  }
0x1c4: {  	v60 =	vadd.s32 v26, v58  }
0x1c5: {  	v61 =	vor.u32 s9, v7;
	_ =	sdelay $0x3  }
0x1c6: {  	[tilespmem:v60+s4+$0x0] =	vst.idx.msk $0xffff, v59  }
0x1c7: {  	v59 =	vld.idx.msk [tilespmem:v61+s22+$0x0], $0xffff  }
0x1c8: {  	s9 =	sadd.s32 $0x5800, s8;
	v60 =	vadd.s32 v27, v58  }
0x1c9: {  	v61 =	vor.u32 s9, v0;
	_ =	sdelay $0x3  }
0x1ca: {  	[tilespmem:v60+s4+$0x0] =	vst.idx.msk $0xffff, v59  }
0x1cb: {  	v59 =	vld.idx.msk [tilespmem:v61+s22+$0x0], $0xffff  }
0x1cc: {  	v60 =	vadd.s32 v28, v58  }
0x1cd: {  	v61 =	vor.u32 s9, v7;
	_ =	sdelay $0x3  }
0x1ce: {  	[tilespmem:v60+s4+$0x0] =	vst.idx.msk $0xffff, v59  }
0x1cf: {  	v59 =	vld.idx.msk [tilespmem:v61+s22+$0x0], $0xffff  }
0x1d0: {  	s9 =	sadd.s32 $0x6000, s8;
	v60 =	vadd.s32 v29, v58  }
0x1d1: {  	v61 =	vor.u32 s9, v0;
	_ =	sdelay $0x3  }
0x1d2: {  	[tilespmem:v60+s4+$0x0] =	vst.idx.msk $0xffff, v59  }
0x1d3: {  	v59 =	vld.idx.msk [tilespmem:v61+s22+$0x0], $0xffff  }
0x1d4: {  	v60 =	vadd.s32 v30, v58  }
0x1d5: {  	v61 =	vor.u32 s9, v7;
	_ =	sdelay $0x3  }
0x1d6: {  	[tilespmem:v60+s4+$0x0] =	vst.idx.msk $0xffff, v59  }
0x1d7: {  	v59 =	vld.idx.msk [tilespmem:v61+s22+$0x0], $0xffff  }
0x1d8: {  	s9 =	sadd.s32 $0x6800, s8;
	v60 =	vadd.s32 v31, v58  }
0x1d9: {  	v61 =	vor.u32 s9, v0;
	_ =	sdelay $0x3  }
0x1da: {  	[tilespmem:v60+s4+$0x0] =	vst.idx.msk $0xffff, v59  }
0x1db: {  	v59 =	vld.idx.msk [tilespmem:v61+s22+$0x0], $0xffff  }
0x1dc: {  	v60 =	vadd.s32 v32, v58  }
0x1dd: {  	v61 =	vor.u32 s9, v7;
	_ =	sdelay $0x3  }
0x1de: {  	[tilespmem:v60+s4+$0x0] =	vst.idx.msk $0xffff, v59  }
0x1df: {  	v59 =	vld.idx.msk [tilespmem:v61+s22+$0x0], $0xffff  }
0x1e0: {  	s9 =	sadd.s32 $0x7000, s8;
	v60 =	vadd.s32 v33, v58  }
0x1e1: {  	v61 =	vor.u32 s9, v0;
	_ =	sdelay $0x3  }
0x1e2: {  	[tilespmem:v60+s4+$0x0] =	vst.idx.msk $0xffff, v59  }
0x1e3: {  	v59 =	vld.idx.msk [tilespmem:v61+s22+$0x0], $0xffff  }
0x1e4: {  	v60 =	vadd.s32 v34, v58  }
0x1e5: {  	v61 =	vor.u32 s9, v7;
	_ =	sdelay $0x3  }
0x1e6: {  	[tilespmem:v60+s4+$0x0] =	vst.idx.msk $0xffff, v59  }
0x1e7: {  	v59 =	vld.idx.msk [tilespmem:v61+s22+$0x0], $0xffff  }
0x1e8: {  	s9 =	sadd.s32 $0x7800, s8;
	v60 =	vadd.s32 v35, v58  }
0x1e9: {  	v61 =	vor.u32 s9, v0;
	_ =	sdelay $0x3  }
0x1ea: {  	[tilespmem:v60+s4+$0x0] =	vst.idx.msk $0xffff, v59  }
0x1eb: {  	v59 =	vld.idx.msk [tilespmem:v61+s22+$0x0], $0xffff  }
0x1ec: {  	v60 =	vadd.s32 v36, v58  }
0x1ed: {  	v61 =	vor.u32 s9, v7;
	_ =	sdelay $0x3  }
0x1ee: {  	[tilespmem:v60+s4+$0x0] =	vst.idx.msk $0xffff, v59  }
0x1ef: {  	v59 =	vld.idx.msk [tilespmem:v61+s22+$0x0], $0xffff  }
0x1f0: {  	s9 =	sadd.s32 $0x8000, s8;
	v60 =	vadd.s32 v37, v58  }
0x1f1: {  	v61 =	vor.u32 s9, v0;
	_ =	sdelay $0x3  }
0x1f2: {  	[tilespmem:v60+s4+$0x0] =	vst.idx.msk $0xffff, v59  }
0x1f3: {  	v59 =	vld.idx.msk [tilespmem:v61+s22+$0x0], $0xffff  }
0x1f4: {  	v60 =	vadd.s32 v38, v58  }
0x1f5: {  	v61 =	vor.u32 s9, v7;
	_ =	sdelay $0x3  }
0x1f6: {  	[tilespmem:v60+s4+$0x0] =	vst.idx.msk $0xffff, v59  }
0x1f7: {  	v59 =	vld.idx.msk [tilespmem:v61+s22+$0x0], $0xffff  }
0x1f8: {  	s9 =	sadd.s32 $0x8800, s8;
	v60 =	vadd.s32 v39, v58  }
0x1f9: {  	v61 =	vor.u32 s9, v0;
	_ =	sdelay $0x3  }
0x1fa: {  	[tilespmem:v60+s4+$0x0] =	vst.idx.msk $0xffff, v59  }
0x1fb: {  	v59 =	vld.idx.msk [tilespmem:v61+s22+$0x0], $0xffff  }
0x1fc: {  	v60 =	vadd.s32 v40, v58  }
0x1fd: {  	v61 =	vor.u32 s9, v7;
	_ =	sdelay $0x3  }
0x1fe: {  	[tilespmem:v60+s4+$0x0] =	vst.idx.msk $0xffff, v59  }
0x1ff: {  	v59 =	vld.idx.msk [tilespmem:v61+s22+$0x0], $0xffff  }
0x200: {  	s9 =	sadd.s32 $0x9000, s8;
	v60 =	vadd.s32 v41, v58  }
0x201: {  	v61 =	vor.u32 s9, v0;
	_ =	sdelay $0x3  }
0x202: {  	[tilespmem:v60+s4+$0x0] =	vst.idx.msk $0xffff, v59  }
0x203: {  	v59 =	vld.idx.msk [tilespmem:v61+s22+$0x0], $0xffff  }
0x204: {  	v60 =	vadd.s32 v42, v58  }
0x205: {  	v61 =	vor.u32 s9, v7;
	_ =	sdelay $0x3  }
0x206: {  	[tilespmem:v60+s4+$0x0] =	vst.idx.msk $0xffff, v59  }
0x207: {  	v59 =	vld.idx.msk [tilespmem:v61+s22+$0x0], $0xffff  }
0x208: {  	s9 =	sadd.s32 $0x9800, s8;
	v60 =	vadd.s32 v43, v58  }
0x209: {  	v61 =	vor.u32 s9, v0;
	_ =	sdelay $0x3  }
0x20a: {  	[tilespmem:v60+s4+$0x0] =	vst.idx.msk $0xffff, v59  }
0x20b: {  	v59 =	vld.idx.msk [tilespmem:v61+s22+$0x0], $0xffff  }
0x20c: {  	v60 =	vadd.s32 v44, v58  }
0x20d: {  	v61 =	vor.u32 s9, v7;
	_ =	sdelay $0x3  }
0x20e: {  	[tilespmem:v60+s4+$0x0] =	vst.idx.msk $0xffff, v59  }
0x20f: {  	v59 =	vld.idx.msk [tilespmem:v61+s22+$0x0], $0xffff  }
0x210: {  	s9 =	sadd.s32 $0xA000, s8;
	v60 =	vadd.s32 v45, v58  }
0x211: {  	v61 =	vor.u32 s9, v0;
	_ =	sdelay $0x3  }
0x212: {  	[tilespmem:v60+s4+$0x0] =	vst.idx.msk $0xffff, v59  }
0x213: {  	v59 =	vld.idx.msk [tilespmem:v61+s22+$0x0], $0xffff  }
0x214: {  	v60 =	vadd.s32 v46, v58  }
0x215: {  	v61 =	vor.u32 s9, v7;
	_ =	sdelay $0x3  }
0x216: {  	[tilespmem:v60+s4+$0x0] =	vst.idx.msk $0xffff, v59  }
0x217: {  	v59 =	vld.idx.msk [tilespmem:v61+s22+$0x0], $0xffff  }
0x218: {  	s9 =	sadd.s32 $0xA800, s8;
	v60 =	vadd.s32 v47, v58  }
0x219: {  	v61 =	vor.u32 s9, v0;
	_ =	sdelay $0x3  }
0x21a: {  	[tilespmem:v60+s4+$0x0] =	vst.idx.msk $0xffff, v59  }
0x21b: {  	v59 =	vld.idx.msk [tilespmem:v61+s22+$0x0], $0xffff  }
0x21c: {  	v60 =	vadd.s32 v48, v58  }
0x21d: {  	v61 =	vor.u32 s9, v7;
	_ =	sdelay $0x3  }
0x21e: {  	[tilespmem:v60+s4+$0x0] =	vst.idx.msk $0xffff, v59  }
0x21f: {  	v59 =	vld.idx.msk [tilespmem:v61+s22+$0x0], $0xffff  }
0x220: {  	s9 =	sadd.s32 $0xB000, s8;
	v60 =	vadd.s32 v49, v58  }
0x221: {  	v61 =	vor.u32 s9, v0;
	_ =	sdelay $0x3  }
0x222: {  	[tilespmem:v60+s4+$0x0] =	vst.idx.msk $0xffff, v59  }
0x223: {  	v59 =	vld.idx.msk [tilespmem:v61+s22+$0x0], $0xffff  }
0x224: {  	v60 =	vadd.s32 v50, v58  }
0x225: {  	v61 =	vor.u32 s9, v7;
	_ =	sdelay $0x3  }
0x226: {  	[tilespmem:v60+s4+$0x0] =	vst.idx.msk $0xffff, v59  }
0x227: {  	v59 =	vld.idx.msk [tilespmem:v61+s22+$0x0], $0xffff  }
0x228: {  	s9 =	sadd.s32 $0xB800, s8;
	v60 =	vadd.s32 v51, v58  }
0x229: {  	v61 =	vor.u32 s9, v0;
	_ =	sdelay $0x3  }
0x22a: {  	[tilespmem:v60+s4+$0x0] =	vst.idx.msk $0xffff, v59  }
0x22b: {  	v59 =	vld.idx.msk [tilespmem:v61+s22+$0x0], $0xffff  }
0x22c: {  	v60 =	vadd.s32 v52, v58  }
0x22d: {  	v61 =	vor.u32 s9, v7;
	_ =	sdelay $0x3  }
0x22e: {  	[tilespmem:v60+s4+$0x0] =	vst.idx.msk $0xffff, v59  }
0x22f: {  	v59 =	vld.idx.msk [tilespmem:v61+s22+$0x0], $0xffff  }
0x230: {  	s9 =	sadd.s32 $0xC000, s8;
	v60 =	vadd.s32 v53, v58  }
0x231: {  	v61 =	vor.u32 s9, v0;
	_ =	sdelay $0x3  }
0x232: {  	[tilespmem:v60+s4+$0x0] =	vst.idx.msk $0xffff, v59  }
0x233: {  	v59 =	vld.idx.msk [tilespmem:v61+s22+$0x0], $0xffff  }
0x234: {  	v60 =	vadd.s32 v54, v58  }
0x235: {  	v61 =	vor.u32 s9, v7;
	_ =	sdelay $0x3  }
0x236: {  	[tilespmem:v60+s4+$0x0] =	vst.idx.msk $0xffff, v59  }
0x237: {  	v59 =	vld.idx.msk [tilespmem:v61+s22+$0x0], $0xffff  }
0x238: {  	s8 =	sadd.s32 $0xC800, s8;
	v60 =	vadd.s32 v55, v58  }
0x239: {  	v61 =	vor.u32 s8, v0;
	_ =	sdelay $0x3  }
0x23a: {  	[tilespmem:v60+s4+$0x0] =	vst.idx.msk $0xffff, v59  }
0x23b: {  	v61 =	vld.idx.msk [tilespmem:v61+s22+$0x0], $0xffff  }
0x23c: {  	v62 =	vadd.s32 v56, v58  }
.Ltmp1:
0x23d: {  	v60 =	vor.u32 s8, v7;
	(pc) =	sbr.rel @p0 .LBB2_4-.Ltmp1, $2  }
0x23e: {  	_ =	sdelay $0x2  }
0x23f: {  	s7 =	sadd.s32 $0x1, s7;
	v59 =	vmov s6;
	[tilespmem:v62+s4+$0x0] =	vst.idx.msk $0xffff, v61  }
0x240: {  	_ =	sdelay $0x2  }
0x241: {  	v61 =	vmul.u32 $0x28, v59  }
0x242: {  	v60 =	vld.idx.msk [tilespmem:v60+s22+$0x0], $0xffff;
	v62 =	vadd.s32 v57, v58  }
0x243: {  	v61 =	vadd.s32 v5, v61;
	_ =	sdelay $0x2  }
0x244: {  	v58 =	vmul.u32 $0x350, v59  }
0x245: {  	[tilespmem:v62+s4+$0x0] =	vst.idx.msk $0xffff, v60  }
0x246: {  	v59 =	vshll.u32 v59, $0x5;
	v60 =	vld.idx.msk [tilespmem:v61+s1+$0x0], $0xffff;
	v61 =	vadd.s32 v6, v58  }
0x247: {  	v62 =	vor.u32 v0, v59;
	_ =	sdelay $0x3  }
0x248: {  	[tilespmem:v61+s4+$0x0] =	vst.idx.msk $0x3fff, v60  }
0x249: {  	v61 =	vadd.s32 v1, v58;
	v60 =	vld.idx.msk [tilespmem:v62+s22+$0x0], $0xffff  }
0x24a: {  	v59 =	vor.u32 v7, v59;
	_ =	sdelay $0x3  }
0x24b: {  	s6 =	sshll.u32 s6, $0x5;
	[tilespmem:v61+s4+$0x0] =	vst.idx.msk $0xffff, v60  }
0x24c: {  	s7 =	sadd.s32 $0x800, s6;
	v60 =	vadd.s32 v3, v58;
	v59 =	vld.idx.msk [tilespmem:v59+s22+$0x0], $0xffff  }
0x24d: {  	v61 =	vor.u32 s7, v0;
	_ =	sdelay $0x3  }
0x24e: {  	[tilespmem:v60+s4+$0x0] =	vst.idx.msk $0xffff, v59  }
0x24f: {  	v60 =	vadd.s32 v8, v58;
	v59 =	vld.idx.msk [tilespmem:v61+s22+$0x0], $0xffff  }
0x250: {  	v61 =	vor.u32 s7, v7;
	_ =	sdelay $0x3  }
0x251: {  	[tilespmem:v60+s4+$0x0] =	vst.idx.msk $0xffff, v59  }
0x252: {  	s9 =	sadd.s32 $0x1000, s6;
	v60 =	vadd.s32 v9, v58;
	v59 =	vld.idx.msk [tilespmem:v61+s22+$0x0], $0xffff  }
0x253: {  	v61 =	vor.u32 s9, v0;
	_ =	sdelay $0x3  }
0x254: {  	[tilespmem:v60+s4+$0x0] =	vst.idx.msk $0xffff, v59  }
0x255: {  	v60 =	vadd.s32 v10, v58;
	v59 =	vld.idx.msk [tilespmem:v61+s22+$0x0], $0xffff  }
0x256: {  	v61 =	vor.u32 s9, v7;
	_ =	sdelay $0x3  }
0x257: {  	[tilespmem:v60+s4+$0x0] =	vst.idx.msk $0xffff, v59  }
0x258: {  	s8 =	sadd.s32 $0x1800, s6;
	v60 =	vadd.s32 v11, v58;
	v59 =	vld.idx.msk [tilespmem:v61+s22+$0x0], $0xffff  }
0x259: {  	v61 =	vor.u32 s8, v0;
	_ =	sdelay $0x3  }
0x25a: {  	[tilespmem:v60+s4+$0x0] =	vst.idx.msk $0xffff, v59  }
0x25b: {  	v60 =	vadd.s32 v12, v58;
	v59 =	vld.idx.msk [tilespmem:v61+s22+$0x0], $0xffff  }
0x25c: {  	v61 =	vor.u32 s8, v7;
	_ =	sdelay $0x3  }
0x25d: {  	[tilespmem:v60+s4+$0x0] =	vst.idx.msk $0xffff, v59  }
0x25e: {  	s9 =	sadd.s32 $0x2000, s6;
	v60 =	vadd.s32 v13, v58;
	v59 =	vld.idx.msk [tilespmem:v61+s22+$0x0], $0xffff  }
0x25f: {  	v61 =	vor.u32 s9, v0;
	_ =	sdelay $0x3  }
0x260: {  	[tilespmem:v60+s4+$0x0] =	vst.idx.msk $0xffff, v59  }
0x261: {  	v60 =	vadd.s32 v14, v58;
	v59 =	vld.idx.msk [tilespmem:v61+s22+$0x0], $0xffff  }
0x262: {  	v61 =	vor.u32 s9, v7;
	_ =	sdelay $0x3  }
0x263: {  	[tilespmem:v60+s4+$0x0] =	vst.idx.msk $0xffff, v59  }
0x264: {  	s8 =	sadd.s32 $0x2800, s6;
	v60 =	vadd.s32 v15, v58;
	v59 =	vld.idx.msk [tilespmem:v61+s22+$0x0], $0xffff  }
0x265: {  	v61 =	vor.u32 s8, v0;
	_ =	sdelay $0x3  }
0x266: {  	[tilespmem:v60+s4+$0x0] =	vst.idx.msk $0xffff, v59  }
0x267: {  	v60 =	vadd.s32 v16, v58;
	v59 =	vld.idx.msk [tilespmem:v61+s22+$0x0], $0xffff  }
0x268: {  	v61 =	vor.u32 s8, v7;
	_ =	sdelay $0x3  }
0x269: {  	[tilespmem:v60+s4+$0x0] =	vst.idx.msk $0xffff, v59  }
0x26a: {  	s9 =	sadd.s32 $0x3000, s6;
	v60 =	vadd.s32 v17, v58;
	v59 =	vld.idx.msk [tilespmem:v61+s22+$0x0], $0xffff  }
0x26b: {  	v61 =	vor.u32 s9, v0;
	_ =	sdelay $0x3  }
0x26c: {  	[tilespmem:v60+s4+$0x0] =	vst.idx.msk $0xffff, v59  }
0x26d: {  	v60 =	vadd.s32 v18, v58;
	v59 =	vld.idx.msk [tilespmem:v61+s22+$0x0], $0xffff  }
0x26e: {  	v61 =	vor.u32 s9, v7;
	_ =	sdelay $0x3  }
0x26f: {  	[tilespmem:v60+s4+$0x0] =	vst.idx.msk $0xffff, v59  }
0x270: {  	s8 =	sadd.s32 $0x3800, s6;
	v60 =	vadd.s32 v19, v58;
	v59 =	vld.idx.msk [tilespmem:v61+s22+$0x0], $0xffff  }
0x271: {  	v61 =	vor.u32 s8, v0;
	_ =	sdelay $0x3  }
0x272: {  	[tilespmem:v60+s4+$0x0] =	vst.idx.msk $0xffff, v59  }
0x273: {  	v60 =	vadd.s32 v20, v58;
	v59 =	vld.idx.msk [tilespmem:v61+s22+$0x0], $0xffff  }
0x274: {  	v61 =	vor.u32 s8, v7;
	_ =	sdelay $0x3  }
0x275: {  	[tilespmem:v60+s4+$0x0] =	vst.idx.msk $0xffff, v59  }
0x276: {  	s9 =	sadd.s32 $0x4000, s6;
	v60 =	vadd.s32 v21, v58;
	v59 =	vld.idx.msk [tilespmem:v61+s22+$0x0], $0xffff  }
0x277: {  	v61 =	vor.u32 s9, v0;
	_ =	sdelay $0x3  }
0x278: {  	[tilespmem:v60+s4+$0x0] =	vst.idx.msk $0xffff, v59  }
0x279: {  	v60 =	vadd.s32 v22, v58;
	v59 =	vld.idx.msk [tilespmem:v61+s22+$0x0], $0xffff  }
0x27a: {  	v61 =	vor.u32 s9, v7;
	_ =	sdelay $0x3  }
0x27b: {  	[tilespmem:v60+s4+$0x0] =	vst.idx.msk $0xffff, v59  }
0x27c: {  	s8 =	sadd.s32 $0x4800, s6;
	v60 =	vadd.s32 v23, v58;
	v59 =	vld.idx.msk [tilespmem:v61+s22+$0x0], $0xffff  }
0x27d: {  	v61 =	vor.u32 s8, v0;
	_ =	sdelay $0x3  }
0x27e: {  	[tilespmem:v60+s4+$0x0] =	vst.idx.msk $0xffff, v59  }
0x27f: {  	v60 =	vadd.s32 v24, v58;
	v59 =	vld.idx.msk [tilespmem:v61+s22+$0x0], $0xffff  }
0x280: {  	v61 =	vor.u32 s8, v7;
	_ =	sdelay $0x3  }
0x281: {  	[tilespmem:v60+s4+$0x0] =	vst.idx.msk $0xffff, v59  }
0x282: {  	s9 =	sadd.s32 $0x5000, s6;
	v60 =	vadd.s32 v25, v58;
	v59 =	vld.idx.msk [tilespmem:v61+s22+$0x0], $0xffff  }
0x283: {  	v61 =	vor.u32 s9, v0;
	_ =	sdelay $0x3  }
0x284: {  	[tilespmem:v60+s4+$0x0] =	vst.idx.msk $0xffff, v59  }
0x285: {  	v60 =	vadd.s32 v26, v58;
	v59 =	vld.idx.msk [tilespmem:v61+s22+$0x0], $0xffff  }
0x286: {  	v61 =	vor.u32 s9, v7;
	_ =	sdelay $0x3  }
0x287: {  	[tilespmem:v60+s4+$0x0] =	vst.idx.msk $0xffff, v59  }
0x288: {  	s8 =	sadd.s32 $0x5800, s6;
	v60 =	vadd.s32 v27, v58;
	v59 =	vld.idx.msk [tilespmem:v61+s22+$0x0], $0xffff  }
0x289: {  	v61 =	vor.u32 s8, v0;
	_ =	sdelay $0x3  }
0x28a: {  	[tilespmem:v60+s4+$0x0] =	vst.idx.msk $0xffff, v59  }
0x28b: {  	v60 =	vadd.s32 v28, v58;
	v59 =	vld.idx.msk [tilespmem:v61+s22+$0x0], $0xffff  }
0x28c: {  	v61 =	vor.u32 s8, v7;
	_ =	sdelay $0x3  }
0x28d: {  	[tilespmem:v60+s4+$0x0] =	vst.idx.msk $0xffff, v59  }
0x28e: {  	s9 =	sadd.s32 $0x6000, s6;
	v60 =	vadd.s32 v29, v58;
	v59 =	vld.idx.msk [tilespmem:v61+s22+$0x0], $0xffff  }
0x28f: {  	v61 =	vor.u32 s9, v0;
	_ =	sdelay $0x3  }
0x290: {  	[tilespmem:v60+s4+$0x0] =	vst.idx.msk $0xffff, v59  }
0x291: {  	v60 =	vadd.s32 v30, v58;
	v59 =	vld.idx.msk [tilespmem:v61+s22+$0x0], $0xffff  }
0x292: {  	v61 =	vor.u32 s9, v7;
	_ =	sdelay $0x3  }
0x293: {  	[tilespmem:v60+s4+$0x0] =	vst.idx.msk $0xffff, v59  }
0x294: {  	s8 =	sadd.s32 $0x6800, s6;
	v60 =	vadd.s32 v31, v58;
	v59 =	vld.idx.msk [tilespmem:v61+s22+$0x0], $0xffff  }
0x295: {  	v61 =	vor.u32 s8, v0;
	_ =	sdelay $0x3  }
0x296: {  	[tilespmem:v60+s4+$0x0] =	vst.idx.msk $0xffff, v59  }
0x297: {  	v60 =	vadd.s32 v32, v58;
	v59 =	vld.idx.msk [tilespmem:v61+s22+$0x0], $0xffff  }
0x298: {  	v61 =	vor.u32 s8, v7;
	_ =	sdelay $0x3  }
0x299: {  	[tilespmem:v60+s4+$0x0] =	vst.idx.msk $0xffff, v59  }
0x29a: {  	s9 =	sadd.s32 $0x7000, s6;
	v60 =	vadd.s32 v33, v58;
	v59 =	vld.idx.msk [tilespmem:v61+s22+$0x0], $0xffff  }
0x29b: {  	v61 =	vor.u32 s9, v0;
	_ =	sdelay $0x3  }
0x29c: {  	[tilespmem:v60+s4+$0x0] =	vst.idx.msk $0xffff, v59  }
0x29d: {  	v60 =	vadd.s32 v34, v58;
	v59 =	vld.idx.msk [tilespmem:v61+s22+$0x0], $0xffff  }
0x29e: {  	v61 =	vor.u32 s9, v7;
	_ =	sdelay $0x3  }
0x29f: {  	[tilespmem:v60+s4+$0x0] =	vst.idx.msk $0xffff, v59  }
0x2a0: {  	s8 =	sadd.s32 $0x7800, s6;
	v60 =	vadd.s32 v35, v58;
	v59 =	vld.idx.msk [tilespmem:v61+s22+$0x0], $0xffff  }
0x2a1: {  	v61 =	vor.u32 s8, v0;
	_ =	sdelay $0x3  }
0x2a2: {  	[tilespmem:v60+s4+$0x0] =	vst.idx.msk $0xffff, v59  }
0x2a3: {  	v60 =	vadd.s32 v36, v58;
	v59 =	vld.idx.msk [tilespmem:v61+s22+$0x0], $0xffff  }
0x2a4: {  	v61 =	vor.u32 s8, v7;
	_ =	sdelay $0x3  }
0x2a5: {  	[tilespmem:v60+s4+$0x0] =	vst.idx.msk $0xffff, v59  }
0x2a6: {  	s9 =	sadd.s32 $0x8000, s6;
	v60 =	vadd.s32 v37, v58;
	v59 =	vld.idx.msk [tilespmem:v61+s22+$0x0], $0xffff  }
0x2a7: {  	v61 =	vor.u32 s9, v0;
	_ =	sdelay $0x3  }
0x2a8: {  	[tilespmem:v60+s4+$0x0] =	vst.idx.msk $0xffff, v59  }
0x2a9: {  	v60 =	vadd.s32 v38, v58;
	v59 =	vld.idx.msk [tilespmem:v61+s22+$0x0], $0xffff  }
0x2aa: {  	v61 =	vor.u32 s9, v7;
	_ =	sdelay $0x3  }
0x2ab: {  	[tilespmem:v60+s4+$0x0] =	vst.idx.msk $0xffff, v59  }
0x2ac: {  	s8 =	sadd.s32 $0x8800, s6;
	v60 =	vadd.s32 v39, v58;
	v59 =	vld.idx.msk [tilespmem:v61+s22+$0x0], $0xffff  }
0x2ad: {  	v61 =	vor.u32 s8, v0;
	_ =	sdelay $0x3  }
0x2ae: {  	[tilespmem:v60+s4+$0x0] =	vst.idx.msk $0xffff, v59  }
0x2af: {  	v60 =	vadd.s32 v40, v58;
	v59 =	vld.idx.msk [tilespmem:v61+s22+$0x0], $0xffff  }
0x2b0: {  	v61 =	vor.u32 s8, v7;
	_ =	sdelay $0x3  }
0x2b1: {  	[tilespmem:v60+s4+$0x0] =	vst.idx.msk $0xffff, v59  }
0x2b2: {  	s9 =	sadd.s32 $0x9000, s6;
	v60 =	vadd.s32 v41, v58;
	v59 =	vld.idx.msk [tilespmem:v61+s22+$0x0], $0xffff  }
0x2b3: {  	v61 =	vor.u32 s9, v0;
	_ =	sdelay $0x3  }
0x2b4: {  	[tilespmem:v60+s4+$0x0] =	vst.idx.msk $0xffff, v59  }
0x2b5: {  	v60 =	vadd.s32 v42, v58;
	v59 =	vld.idx.msk [tilespmem:v61+s22+$0x0], $0xffff  }
0x2b6: {  	v61 =	vor.u32 s9, v7;
	_ =	sdelay $0x3  }
0x2b7: {  	[tilespmem:v60+s4+$0x0] =	vst.idx.msk $0xffff, v59  }
0x2b8: {  	s8 =	sadd.s32 $0x9800, s6;
	v60 =	vadd.s32 v43, v58;
	v59 =	vld.idx.msk [tilespmem:v61+s22+$0x0], $0xffff  }
0x2b9: {  	v61 =	vor.u32 s8, v0;
	_ =	sdelay $0x3  }
0x2ba: {  	[tilespmem:v60+s4+$0x0] =	vst.idx.msk $0xffff, v59  }
0x2bb: {  	v60 =	vadd.s32 v44, v58;
	v59 =	vld.idx.msk [tilespmem:v61+s22+$0x0], $0xffff  }
0x2bc: {  	v61 =	vor.u32 s8, v7;
	_ =	sdelay $0x3  }
0x2bd: {  	[tilespmem:v60+s4+$0x0] =	vst.idx.msk $0xffff, v59  }
0x2be: {  	s9 =	sadd.s32 $0xA000, s6;
	v60 =	vadd.s32 v45, v58;
	v59 =	vld.idx.msk [tilespmem:v61+s22+$0x0], $0xffff  }
0x2bf: {  	v61 =	vor.u32 s9, v0;
	_ =	sdelay $0x3  }
0x2c0: {  	[tilespmem:v60+s4+$0x0] =	vst.idx.msk $0xffff, v59  }
0x2c1: {  	v60 =	vadd.s32 v46, v58;
	v59 =	vld.idx.msk [tilespmem:v61+s22+$0x0], $0xffff  }
0x2c2: {  	v61 =	vor.u32 s9, v7;
	_ =	sdelay $0x3  }
0x2c3: {  	[tilespmem:v60+s4+$0x0] =	vst.idx.msk $0xffff, v59  }
0x2c4: {  	s8 =	sadd.s32 $0xA800, s6;
	v60 =	vadd.s32 v47, v58;
	v59 =	vld.idx.msk [tilespmem:v61+s22+$0x0], $0xffff  }
0x2c5: {  	v61 =	vor.u32 s8, v0;
	_ =	sdelay $0x3  }
0x2c6: {  	[tilespmem:v60+s4+$0x0] =	vst.idx.msk $0xffff, v59  }
0x2c7: {  	v60 =	vadd.s32 v48, v58;
	v59 =	vld.idx.msk [tilespmem:v61+s22+$0x0], $0xffff  }
0x2c8: {  	v61 =	vor.u32 s8, v7;
	_ =	sdelay $0x3  }
0x2c9: {  	[tilespmem:v60+s4+$0x0] =	vst.idx.msk $0xffff, v59  }
0x2ca: {  	s9 =	sadd.s32 $0xB000, s6;
	v60 =	vadd.s32 v49, v58;
	v59 =	vld.idx.msk [tilespmem:v61+s22+$0x0], $0xffff  }
0x2cb: {  	v61 =	vor.u32 s9, v0;
	_ =	sdelay $0x3  }
0x2cc: {  	[tilespmem:v60+s4+$0x0] =	vst.idx.msk $0xffff, v59  }
0x2cd: {  	v60 =	vadd.s32 v50, v58;
	v59 =	vld.idx.msk [tilespmem:v61+s22+$0x0], $0xffff  }
0x2ce: {  	v61 =	vor.u32 s9, v7;
	_ =	sdelay $0x3  }
0x2cf: {  	[tilespmem:v60+s4+$0x0] =	vst.idx.msk $0xffff, v59  }
0x2d0: {  	s8 =	sadd.s32 $0xB800, s6;
	v60 =	vadd.s32 v51, v58;
	v59 =	vld.idx.msk [tilespmem:v61+s22+$0x0], $0xffff  }
0x2d1: {  	v61 =	vor.u32 s8, v0;
	_ =	sdelay $0x3  }
0x2d2: {  	[tilespmem:v60+s4+$0x0] =	vst.idx.msk $0xffff, v59  }
0x2d3: {  	v60 =	vadd.s32 v52, v58;
	v59 =	vld.idx.msk [tilespmem:v61+s22+$0x0], $0xffff  }
0x2d4: {  	v61 =	vor.u32 s8, v7;
	_ =	sdelay $0x3  }
0x2d5: {  	[tilespmem:v60+s4+$0x0] =	vst.idx.msk $0xffff, v59  }
0x2d6: {  	s9 =	sadd.s32 $0xC000, s6;
	v60 =	vadd.s32 v53, v58;
	v59 =	vld.idx.msk [tilespmem:v61+s22+$0x0], $0xffff  }
0x2d7: {  	v61 =	vor.u32 s9, v0;
	_ =	sdelay $0x3  }
0x2d8: {  	[tilespmem:v60+s4+$0x0] =	vst.idx.msk $0xffff, v59  }
0x2d9: {  	v60 =	vadd.s32 v54, v58;
	v59 =	vld.idx.msk [tilespmem:v61+s22+$0x0], $0xffff  }
0x2da: {  	v61 =	vor.u32 s9, v7;
	_ =	sdelay $0x3  }
0x2db: {  	[tilespmem:v60+s4+$0x0] =	vst.idx.msk $0xffff, v59  }
0x2dc: {  	s6 =	sadd.s32 $0xC800, s6;
	v60 =	vadd.s32 v55, v58;
	v59 =	vld.idx.msk [tilespmem:v61+s22+$0x0], $0xffff  }
0x2dd: {  	v61 =	vor.u32 s6, v0;
	_ =	sdelay $0x3  }
0x2de: {  	[tilespmem:v60+s4+$0x0] =	vst.idx.msk $0xffff, v59  }
0x2df: {  	v60 =	vadd.s32 v56, v58;
	v59 =	vld.idx.msk [tilespmem:v61+s22+$0x0], $0xffff  }
0x2e0: {  	v61 =	vor.u32 s6, v7;
	_ =	sdelay $0x3  }
0x2e1: {  	[tilespmem:v60+s4+$0x0] =	vst.idx.msk $0xffff, v59  }
0x2e2: {  	v58 =	vadd.s32 v57, v58;
	v59 =	vld.idx.msk [tilespmem:v61+s22+$0x0], $0xffff;
	_ =	sdelay $0x4  }
0x2e3: {  	s7 =	rddreg [dreg:$0xc];
	s8 =	simm.s32 $0x0;
	[tilespmem:v58+s4+$0x0] =	vst.idx.msk $0xffff, v59  }
0x2e4: {  	v61 =	vmov s8;
	[hbm4b:s7+s8] =	stream.linear.scatter [tilespmem:s4], [sflag:$0x2], $0xD400, $0x38;
	[tilespmem:$0x1B480] =	vst v63  }
0x2e5: {  	v58 =	vmul.u32 $0x28, v61;
	_ =	swait.ge [sflag:s25], $0xD400  }
0x2e6: {  	[sflag:s25] =	ssyncset.done $0x0  }
0x2e7: {  	v62 =	vadd.s32 v1, v58;
	s9 =	rddreg [dreg:$0xb];
	[sflag:s25] =	ssyncadd.s32 $0xFFFF2C00  }
0x2e8: {  	[tilespmem:s8], [sflag:$0x2] =	stream.linear.gather [hbm4b:s9+s8], $0xA00, $0x38;
	[tilespmem:$0x1B480] =	vst v63  }
0x2e9: {  	_ =	swait.ge [sflag:s25], $0xA00  }
0x2ea: {  	[sflag:s25] =	ssyncset.done $0x0  }
0x2eb: {  	[sflag:s25] =	ssyncadd.s32 $0xFFFFF600  }
0x2ec: {  	v59 =	vld.idx.msk [tilespmem:v62+s1+$0x0], $0xffff;
	_ =	sdelay $0x2  }
0x2ed: {  	v60 =	vor.u32 s8, v2  }
0x2ee: {  	v58 =	vadd.s32 v3, v58  }
0x2ef: {  	v59 =	vtrunc.f32 v59  }
0x2f0: {  	v59 =	vcvt.f32.s32 v59;
	_ =	sdelay $0x1  }
0x2f1: {  	[tilespmem:v60+s29+$0x0] =	vst.idx.msk $0xffff, v59  }
0x2f2: {  	v59 =	vld.idx.msk [tilespmem:v58+s1+$0x0], $0x3ff  }
0x2f3: {  	s6 =	simm.s32 $0x1  }
0x2f4: {  	v63 =	vmov s6  }
0x2f5: {  	v58 =	vmul.u32 $0x28, v63  }
0x2f6: {  	v60 =	vor.u32 s8, v4  }
0x2f7: {  	v61 =	vtrunc.f32 v59;
	v59 =	vadd.s32 v1, v58;
	_ =	sdelay $0x1  }
0x2f8: {  	s7 =	simm.s32 $0x2;
	v61 =	vcvt.f32.s32 v61  }
.LBB2_6:
0x2f9: {  	_ = 	snop  }
0x2fa: {  	p0 =	sne.s32 s7, $0x3F;
	s8 =	smov.u32 s7;
	s7 =	sadd.s32 $0x1, s7;
	[tilespmem:v60+s29+$0x0] =	vst.idx.msk $0x3ff, v61  }
0x2fb: {  	v59 =	vld.idx.msk [tilespmem:v59+s1+$0x0], $0xffff;
	_ =	sdelay $0x3  }
0x2fc: {  	v60 =	vor.u32 s6, v2  }
0x2fd: {  	v58 =	vadd.s32 v3, v58  }
0x2fe: {  	v59 =	vtrunc.f32 v59  }
0x2ff: {  	v59 =	vcvt.f32.s32 v59;
	_ =	sdelay $0x1  }
0x300: {  	[tilespmem:v60+s29+$0x0] =	vst.idx.msk $0xffff, v59  }
0x301: {  	v61 =	vld.idx.msk [tilespmem:v58+s1+$0x0], $0x3ff;
	_ =	sdelay $0x1  }
0x302: {  	v58 =	vmov s8  }
.Ltmp2:
0x303: {  	v58 =	vmul.u32 $0x28, v58;
	(pc) =	sbr.rel @p0 .LBB2_6-.Ltmp2, $4  }
0x304: {  	v60 =	vor.u32 s6, v4;
	s6 =	smov.u32 s8  }
0x305: {  	v59 =	vadd.s32 v1, v58  }
0x306: {  	v61 =	vtrunc.f32 v61  }
0x307: {  	v61 =	vcvt.f32.s32 v61  }
0x308: {  	_ =	sdelay $0x3  }
0x309: {  	[tilespmem:v60+s29+$0x0] =	vst.idx.msk $0x3ff, v61  }
0x30a: {  	v59 =	vld.idx.msk [tilespmem:v59+s1+$0x0], $0xffff;
	_ =	sdelay $0x2  }
0x30b: {  	v60 =	vor.u32 s6, v2  }
0x30c: {  	v58 =	vadd.s32 v3, v58  }
0x30d: {  	v59 =	vtrunc.f32 v59  }
0x30e: {  	v59 =	vcvt.f32.s32 v59;
	_ =	sdelay $0x1  }
0x30f: {  	[tilespmem:v60+s29+$0x0] =	vst.idx.msk $0xffff, v59  }
0x310: {  	v58 =	vld.idx.msk [tilespmem:v58+s1+$0x0], $0x3ff;
	_ =	sdelay $0x2  }
0x311: {  	v62 =	vor.u32 s6, v4;
	_ =	sdelay $0x1  }
0x312: {  	v58 =	vtrunc.f32 v58  }
0x313: {  	v58 =	vcvt.f32.s32 v58;
	_ =	sdelay $0x1  }
0x314: {  	s8 =	rddreg [dreg:$0x3];
	[tilespmem:v62+s29+$0x0] =	vst.idx.msk $0x3ff, v58  }
0x315: {  	[tilespmem:s22], [sflag:$0x1] =	stream.indirect.gather [hbm4b:s8+s0], $0x20, s29, s0, $0xb8;
	[tilespmem:$0x1B480] =	vst v63  }
0x316: {  	s9 =	rddreg [dreg:$0x4];
	s7 =	simm.s32 $0xA40;
	s8 =	simm.s32 $0x1880  }
0x317: {  	[tilespmem:s8], [sflag:$0x1] =	stream.indirect.gather [hbm4b:s9+s0], $0x20, s7, s0, $0xb8;
	[tilespmem:$0x1B480] =	vst v63  }
0x318: {  	s7 =	rddreg [dreg:$0x5];
	s8 =	simm.s32 $0xA80;
	s9 =	simm.s32 $0x2080  }
0x319: {  	[tilespmem:s9], [sflag:$0x1] =	stream.indirect.gather [hbm4b:s7+s0], $0x20, s8, s0, $0xb8;
	[tilespmem:$0x1B480] =	vst v63  }
0x31a: {  	s7 =	rddreg [dreg:$0x6];
	s8 =	simm.s32 $0xAC0;
	s9 =	simm.s32 $0x2880  }
0x31b: {  	[tilespmem:s9], [sflag:$0x1] =	stream.indirect.gather [hbm4b:s7+s0], $0x20, s8, s0, $0xb8;
	[tilespmem:$0x1B480] =	vst v63  }
0x31c: {  	s7 =	rddreg [dreg:$0x7];
	s8 =	simm.s32 $0xB00;
	s9 =	simm.s32 $0x3080  }
0x31d: {  	[tilespmem:s9], [sflag:$0x1] =	stream.indirect.gather [hbm4b:s7+s0], $0x20, s8, s0, $0xb8;
	[tilespmem:$0x1B480] =	vst v63  }
0x31e: {  	s7 =	rddreg [dreg:$0x8];
	s8 =	simm.s32 $0xB40;
	s9 =	simm.s32 $0x3880  }
0x31f: {  	[tilespmem:s9], [sflag:$0x1] =	stream.indirect.gather [hbm4b:s7+s0], $0x20, s8, s0, $0xb8;
	[tilespmem:$0x1B480] =	vst v63  }
0x320: {  	s7 =	rddreg [dreg:$0x9];
	s8 =	simm.s32 $0xB80;
	s9 =	simm.s32 $0x4080  }
0x321: {  	[tilespmem:s9], [sflag:$0x1] =	stream.indirect.gather [hbm4b:s7+s0], $0x20, s8, s0, $0xb8;
	[tilespmem:$0x1B480] =	vst v63  }
0x322: {  	s8 =	simm.s32 $0xBC0;
	s9 =	simm.s32 $0x4880  }
0x323: {  	[tilespmem:s9], [sflag:$0x1] =	stream.indirect.gather [hbm4b:s10+s0], $0x20, s8, s0, $0xb8;
	[tilespmem:$0x1B480] =	vst v63  }
0x324: {  	s8 =	simm.s32 $0xC00;
	s9 =	simm.s32 $0x5080  }
0x325: {  	[tilespmem:s9], [sflag:$0x1] =	stream.indirect.gather [hbm4b:s11+s0], $0x20, s8, s0, $0xb8;
	[tilespmem:$0x1B480] =	vst v63  }
0x326: {  	s8 =	simm.s32 $0xC40;
	s9 =	simm.s32 $0x5880  }
0x327: {  	[tilespmem:s9], [sflag:$0x1] =	stream.indirect.gather [hbm4b:s12+s0], $0x20, s8, s0, $0xb8;
	[tilespmem:$0x1B480] =	vst v63  }
0x328: {  	s8 =	simm.s32 $0xC80;
	s9 =	simm.s32 $0x6080  }
0x329: {  	[tilespmem:s9], [sflag:$0x1] =	stream.indirect.gather [hbm4b:s13+s0], $0x20, s8, s0, $0xb8;
	[tilespmem:$0x1B480] =	vst v63  }
0x32a: {  	s8 =	simm.s32 $0xCC0;
	s9 =	simm.s32 $0x6880  }
0x32b: {  	[tilespmem:s9], [sflag:$0x1] =	stream.indirect.gather [hbm4b:s14+s0], $0x20, s8, s0, $0xb8;
	[tilespmem:$0x1B480] =	vst v63  }
0x32c: {  	s8 =	simm.s32 $0xD00;
	s9 =	simm.s32 $0x7080  }
0x32d: {  	[tilespmem:s9], [sflag:$0x1] =	stream.indirect.gather [hbm4b:s15+s0], $0x20, s8, s0, $0xb8;
	[tilespmem:$0x1B480] =	vst v63  }
0x32e: {  	s8 =	simm.s32 $0xD40;
	s9 =	simm.s32 $0x7880  }
0x32f: {  	[tilespmem:s9], [sflag:$0x1] =	stream.indirect.gather [hbm4b:s16+s0], $0x20, s8, s0, $0xb8;
	[tilespmem:$0x1B480] =	vst v63  }
0x330: {  	s8 =	simm.s32 $0xD80;
	s9 =	simm.s32 $0x8080  }
0x331: {  	[tilespmem:s9], [sflag:$0x1] =	stream.indirect.gather [hbm4b:s17+s0], $0x20, s8, s0, $0xb8;
	[tilespmem:$0x1B480] =	vst v63  }
0x332: {  	s8 =	simm.s32 $0xDC0;
	s9 =	simm.s32 $0x8880  }
0x333: {  	[tilespmem:s9], [sflag:$0x1] =	stream.indirect.gather [hbm4b:s18+s0], $0x20, s8, s0, $0xb8;
	[tilespmem:$0x1B480] =	vst v63  }
0x334: {  	s8 =	simm.s32 $0xE00;
	s9 =	simm.s32 $0x9080  }
0x335: {  	[tilespmem:s9], [sflag:$0x1] =	stream.indirect.gather [hbm4b:s19+s0], $0x20, s8, s0, $0xb8;
	[tilespmem:$0x1B480] =	vst v63  }
0x336: {  	s8 =	simm.s32 $0xE40;
	s9 =	simm.s32 $0x9880  }
0x337: {  	[tilespmem:s9], [sflag:$0x1] =	stream.indirect.gather [hbm4b:s20+s0], $0x20, s8, s0, $0xb8;
	[tilespmem:$0x1B480] =	vst v63  }
0x338: {  	s8 =	simm.s32 $0xE80;
	s9 =	simm.s32 $0xA080  }
0x339: {  	[tilespmem:s9], [sflag:$0x1] =	stream.indirect.gather [hbm4b:s21+s0], $0x20, s8, s0, $0xb8;
	[tilespmem:$0x1B480] =	vst v63  }
0x33a: {  	s8 =	simm.s32 $0xEC0;
	s9 =	simm.s32 $0xA880  }
0x33b: {  	[tilespmem:s9], [sflag:$0x1] =	stream.indirect.gather [hbm4b:s23+s0], $0x20, s8, s0, $0xb8;
	[tilespmem:$0x1B480] =	vst v63  }
0x33c: {  	s8 =	simm.s32 $0xF00;
	s9 =	simm.s32 $0xB080  }
0x33d: {  	[tilespmem:s9], [sflag:$0x1] =	stream.indirect.gather [hbm4b:s24+s0], $0x20, s8, s0, $0xb8;
	[tilespmem:$0x1B480] =	vst v63  }
0x33e: {  	s8 =	simm.s32 $0xF40;
	s9 =	simm.s32 $0xB880  }
0x33f: {  	[tilespmem:s9], [sflag:$0x1] =	stream.indirect.gather [hbm4b:s26+s0], $0x20, s8, s0, $0xb8;
	[tilespmem:$0x1B480] =	vst v63  }
0x340: {  	s8 =	simm.s32 $0xF80;
	s9 =	simm.s32 $0xC080  }
0x341: {  	[tilespmem:s9], [sflag:$0x1] =	stream.indirect.gather [hbm4b:s28+s0], $0x20, s8, s0, $0xb8;
	[tilespmem:$0x1B480] =	vst v63  }
0x342: {  	s8 =	simm.s32 $0xFC0;
	s9 =	simm.s32 $0xC880  }
0x343: {  	[tilespmem:s9], [sflag:$0x1] =	stream.indirect.gather [hbm4b:s30+s0], $0x20, s8, s0, $0xb8;
	[tilespmem:$0x1B480] =	vst v63  }
0x344: {  	s8 =	simm.s32 $0x1000;
	s9 =	simm.s32 $0xD080  }
0x345: {  	[tilespmem:s9], [sflag:$0x1] =	stream.indirect.gather [hbm4b:s31+s0], $0x20, s8, s0, $0xb8;
	[tilespmem:$0x1B480] =	vst v63  }
0x346: {  	s8 =	simm.s32 $0x1040;
	s9 =	simm.s32 $0xD880  }
0x347: {  	[tilespmem:s9], [sflag:$0x1] =	stream.indirect.gather [hbm4b:s2+s0], $0x20, s8, s0, $0xb8;
	[tilespmem:$0x1B480] =	vst v63  }
0x348: {  	_ =	swait.ge [sflag:s3], $0x800  }
0x349: {  	[sflag:s3] =	ssyncset.done $0x0  }
0x34a: {  	[sflag:s3] =	ssyncadd.s32 $0xFFFFF800  }
0x34b: {  	_ =	swait.ge [sflag:s3], $0x800  }
0x34c: {  	[sflag:s3] =	ssyncset.done $0x0  }
0x34d: {  	[sflag:s3] =	ssyncadd.s32 $0xFFFFF800  }
0x34e: {  	_ =	swait.ge [sflag:s3], $0x800  }
0x34f: {  	[sflag:s3] =	ssyncset.done $0x0  }
0x350: {  	[sflag:s3] =	ssyncadd.s32 $0xFFFFF800  }
0x351: {  	_ =	swait.ge [sflag:s3], $0x800  }
0x352: {  	[sflag:s3] =	ssyncset.done $0x0  }
0x353: {  	[sflag:s3] =	ssyncadd.s32 $0xFFFFF800  }
0x354: {  	_ =	swait.ge [sflag:s3], $0x800  }
0x355: {  	[sflag:s3] =	ssyncset.done $0x0  }
0x356: {  	[sflag:s3] =	ssyncadd.s32 $0xFFFFF800  }
0x357: {  	_ =	swait.ge [sflag:s3], $0x800  }
0x358: {  	[sflag:s3] =	ssyncset.done $0x0  }
0x359: {  	[sflag:s3] =	ssyncadd.s32 $0xFFFFF800  }
0x35a: {  	_ =	swait.ge [sflag:s3], $0x800  }
0x35b: {  	[sflag:s3] =	ssyncset.done $0x0  }
0x35c: {  	[sflag:s3] =	ssyncadd.s32 $0xFFFFF800  }
0x35d: {  	_ =	swait.ge [sflag:s3], $0x800  }
0x35e: {  	[sflag:s3] =	ssyncset.done $0x0  }
0x35f: {  	[sflag:s3] =	ssyncadd.s32 $0xFFFFF800  }
0x360: {  	_ =	swait.ge [sflag:s3], $0x800  }
0x361: {  	[sflag:s3] =	ssyncset.done $0x0  }
0x362: {  	[sflag:s3] =	ssyncadd.s32 $0xFFFFF800  }
0x363: {  	_ =	swait.ge [sflag:s3], $0x800  }
0x364: {  	[sflag:s3] =	ssyncset.done $0x0  }
0x365: {  	[sflag:s3] =	ssyncadd.s32 $0xFFFFF800  }
0x366: {  	_ =	swait.ge [sflag:s3], $0x800  }
0x367: {  	[sflag:s3] =	ssyncset.done $0x0  }
0x368: {  	[sflag:s3] =	ssyncadd.s32 $0xFFFFF800  }
0x369: {  	_ =	swait.ge [sflag:s3], $0x800  }
0x36a: {  	[sflag:s3] =	ssyncset.done $0x0  }
0x36b: {  	[sflag:s3] =	ssyncadd.s32 $0xFFFFF800  }
0x36c: {  	_ =	swait.ge [sflag:s3], $0x800  }
0x36d: {  	[sflag:s3] =	ssyncset.done $0x0  }
0x36e: {  	[sflag:s3] =	ssyncadd.s32 $0xFFFFF800  }
0x36f: {  	_ =	swait.ge [sflag:s3], $0x800  }
0x370: {  	[sflag:s3] =	ssyncset.done $0x0  }
0x371: {  	[sflag:s3] =	ssyncadd.s32 $0xFFFFF800  }
0x372: {  	_ =	swait.ge [sflag:s3], $0x800  }
0x373: {  	[sflag:s3] =	ssyncset.done $0x0  }
0x374: {  	[sflag:s3] =	ssyncadd.s32 $0xFFFFF800  }
0x375: {  	_ =	swait.ge [sflag:s3], $0x800  }
0x376: {  	[sflag:s3] =	ssyncset.done $0x0  }
0x377: {  	[sflag:s3] =	ssyncadd.s32 $0xFFFFF800  }
0x378: {  	_ =	swait.ge [sflag:s3], $0x800  }
0x379: {  	[sflag:s3] =	ssyncset.done $0x0  }
0x37a: {  	[sflag:s3] =	ssyncadd.s32 $0xFFFFF800  }
0x37b: {  	_ =	swait.ge [sflag:s3], $0x800  }
0x37c: {  	[sflag:s3] =	ssyncset.done $0x0  }
0x37d: {  	[sflag:s3] =	ssyncadd.s32 $0xFFFFF800  }
0x37e: {  	_ =	swait.ge [sflag:s3], $0x800  }
0x37f: {  	[sflag:s3] =	ssyncset.done $0x0  }
0x380: {  	[sflag:s3] =	ssyncadd.s32 $0xFFFFF800  }
0x381: {  	_ =	swait.ge [sflag:s3], $0x800  }
0x382: {  	[sflag:s3] =	ssyncset.done $0x0  }
0x383: {  	[sflag:s3] =	ssyncadd.s32 $0xFFFFF800  }
0x384: {  	_ =	swait.ge [sflag:s3], $0x800  }
0x385: {  	[sflag:s3] =	ssyncset.done $0x0  }
0x386: {  	[sflag:s3] =	ssyncadd.s32 $0xFFFFF800  }
0x387: {  	_ =	swait.ge [sflag:s3], $0x800  }
0x388: {  	[sflag:s3] =	ssyncset.done $0x0  }
0x389: {  	[sflag:s3] =	ssyncadd.s32 $0xFFFFF800  }
0x38a: {  	_ =	swait.ge [sflag:s3], $0x800  }
0x38b: {  	[sflag:s3] =	ssyncset.done $0x0  }
0x38c: {  	[sflag:s3] =	ssyncadd.s32 $0xFFFFF800  }
0x38d: {  	s8 =	simm.s32 $0x0;
	_ =	swait.ge [sflag:s3], $0x800  }
0x38e: {  	v59 =	vmov s8;
	[sflag:s3] =	ssyncset.done $0x0  }
0x38f: {  	v63 =	vmul.u32 $0x28, v59;
	[sflag:s3] =	ssyncadd.s32 $0xFFFFF800  }
0x390: {  	_ =	swait.ge [sflag:s3], $0x800  }
0x391: {  	v60 =	vadd.s32 v5, v63;
	[sflag:s3] =	ssyncset.done $0x0  }
0x392: {  	[sflag:s3] =	ssyncadd.s32 $0xFFFFF800  }
0x393: {  	_ =	swait.ge [sflag:s3], $0x800  }
0x394: {  	v58 =	vmul.u32 $0x350, v59;
	[sflag:s3] =	ssyncset.done $0x0  }
0x395: {  	[sflag:s3] =	ssyncadd.s32 $0xFFFFF800  }
0x396: {  	v59 =	vshll.u32 v59, $0x5;
	v61 =	vadd.s32 v6, v58;
	v60 =	vld.idx.msk [tilespmem:v60+s1+$0x0], $0xffff  }
0x397: {  	v62 =	vor.u32 v0, v59;
	_ =	sdelay $0x3  }
0x398: {  	[tilespmem:v61+s4+$0x0] =	vst.idx.msk $0x3fff, v60  }
0x399: {  	v61 =	vadd.s32 v1, v58;
	v60 =	vld.idx.msk [tilespmem:v62+s22+$0x0], $0xffff  }
0x39a: {  	v59 =	vor.u32 v7, v59;
	_ =	sdelay $0x3  }
0x39b: {  	[tilespmem:v61+s4+$0x0] =	vst.idx.msk $0xffff, v60  }
0x39c: {  	s9 =	simm.s32 $0x800;
	v60 =	vadd.s32 v3, v58;
	v59 =	vld.idx.msk [tilespmem:v59+s22+$0x0], $0xffff  }
0x39d: {  	v61 =	vor.u32 s9, v0;
	_ =	sdelay $0x3  }
0x39e: {  	[tilespmem:v60+s4+$0x0] =	vst.idx.msk $0xffff, v59  }
0x39f: {  	v60 =	vadd.s32 v8, v58;
	v59 =	vld.idx.msk [tilespmem:v61+s22+$0x0], $0xffff  }
0x3a0: {  	v61 =	vor.u32 s9, v7;
	_ =	sdelay $0x3  }
0x3a1: {  	[tilespmem:v60+s4+$0x0] =	vst.idx.msk $0xffff, v59  }
0x3a2: {  	s7 =	simm.s32 $0x1000;
	v60 =	vadd.s32 v9, v58;
	v59 =	vld.idx.msk [tilespmem:v61+s22+$0x0], $0xffff  }
0x3a3: {  	v61 =	vor.u32 s7, v0;
	_ =	sdelay $0x3  }
0x3a4: {  	[tilespmem:v60+s4+$0x0] =	vst.idx.msk $0xffff, v59  }
0x3a5: {  	v60 =	vadd.s32 v10, v58;
	v59 =	vld.idx.msk [tilespmem:v61+s22+$0x0], $0xffff  }
0x3a6: {  	v61 =	vor.u32 s7, v7;
	_ =	sdelay $0x3  }
0x3a7: {  	[tilespmem:v60+s4+$0x0] =	vst.idx.msk $0xffff, v59  }
0x3a8: {  	s8 =	simm.s32 $0x1800;
	v60 =	vadd.s32 v11, v58;
	v59 =	vld.idx.msk [tilespmem:v61+s22+$0x0], $0xffff  }
0x3a9: {  	v61 =	vor.u32 s8, v0;
	_ =	sdelay $0x3  }
0x3aa: {  	[tilespmem:v60+s4+$0x0] =	vst.idx.msk $0xffff, v59  }
0x3ab: {  	v60 =	vadd.s32 v12, v58;
	v59 =	vld.idx.msk [tilespmem:v61+s22+$0x0], $0xffff  }
0x3ac: {  	v61 =	vor.u32 s8, v7;
	_ =	sdelay $0x3  }
0x3ad: {  	[tilespmem:v60+s4+$0x0] =	vst.idx.msk $0xffff, v59  }
0x3ae: {  	s9 =	simm.s32 $0x2000;
	v60 =	vadd.s32 v13, v58;
	v59 =	vld.idx.msk [tilespmem:v61+s22+$0x0], $0xffff  }
0x3af: {  	v61 =	vor.u32 s9, v0;
	_ =	sdelay $0x3  }
0x3b0: {  	[tilespmem:v60+s4+$0x0] =	vst.idx.msk $0xffff, v59  }
0x3b1: {  	v60 =	vadd.s32 v14, v58;
	v59 =	vld.idx.msk [tilespmem:v61+s22+$0x0], $0xffff  }
0x3b2: {  	v61 =	vor.u32 s9, v7;
	_ =	sdelay $0x3  }
0x3b3: {  	[tilespmem:v60+s4+$0x0] =	vst.idx.msk $0xffff, v59  }
0x3b4: {  	s7 =	simm.s32 $0x2800;
	v60 =	vadd.s32 v15, v58;
	v59 =	vld.idx.msk [tilespmem:v61+s22+$0x0], $0xffff  }
0x3b5: {  	v61 =	vor.u32 s7, v0;
	_ =	sdelay $0x3  }
0x3b6: {  	[tilespmem:v60+s4+$0x0] =	vst.idx.msk $0xffff, v59  }
0x3b7: {  	v60 =	vadd.s32 v16, v58;
	v59 =	vld.idx.msk [tilespmem:v61+s22+$0x0], $0xffff  }
0x3b8: {  	v61 =	vor.u32 s7, v7;
	_ =	sdelay $0x3  }
0x3b9: {  	[tilespmem:v60+s4+$0x0] =	vst.idx.msk $0xffff, v59  }
0x3ba: {  	s8 =	simm.s32 $0x3000;
	v60 =	vadd.s32 v17, v58;
	v59 =	vld.idx.msk [tilespmem:v61+s22+$0x0], $0xffff  }
0x3bb: {  	v61 =	vor.u32 s8, v0;
	_ =	sdelay $0x3  }
0x3bc: {  	[tilespmem:v60+s4+$0x0] =	vst.idx.msk $0xffff, v59  }
0x3bd: {  	v60 =	vadd.s32 v18, v58;
	v59 =	vld.idx.msk [tilespmem:v61+s22+$0x0], $0xffff  }
0x3be: {  	v61 =	vor.u32 s8, v7;
	_ =	sdelay $0x3  }
0x3bf: {  	[tilespmem:v60+s4+$0x0] =	vst.idx.msk $0xffff, v59  }
0x3c0: {  	s9 =	simm.s32 $0x3800;
	v60 =	vadd.s32 v19, v58;
	v59 =	vld.idx.msk [tilespmem:v61+s22+$0x0], $0xffff  }
0x3c1: {  	v61 =	vor.u32 s9, v0;
	_ =	sdelay $0x3  }
0x3c2: {  	[tilespmem:v60+s4+$0x0] =	vst.idx.msk $0xffff, v59  }
0x3c3: {  	v60 =	vadd.s32 v20, v58;
	v59 =	vld.idx.msk [tilespmem:v61+s22+$0x0], $0xffff  }
0x3c4: {  	v61 =	vor.u32 s9, v7;
	_ =	sdelay $0x3  }
0x3c5: {  	[tilespmem:v60+s4+$0x0] =	vst.idx.msk $0xffff, v59  }
0x3c6: {  	s7 =	simm.s32 $0x4000;
	v60 =	vadd.s32 v21, v58;
	v59 =	vld.idx.msk [tilespmem:v61+s22+$0x0], $0xffff  }
0x3c7: {  	v61 =	vor.u32 s7, v0;
	_ =	sdelay $0x3  }
0x3c8: {  	[tilespmem:v60+s4+$0x0] =	vst.idx.msk $0xffff, v59  }
0x3c9: {  	v60 =	vadd.s32 v22, v58;
	v59 =	vld.idx.msk [tilespmem:v61+s22+$0x0], $0xffff  }
0x3ca: {  	v61 =	vor.u32 s7, v7;
	_ =	sdelay $0x3  }
0x3cb: {  	[tilespmem:v60+s4+$0x0] =	vst.idx.msk $0xffff, v59  }
0x3cc: {  	s8 =	simm.s32 $0x4800;
	v60 =	vadd.s32 v23, v58;
	v59 =	vld.idx.msk [tilespmem:v61+s22+$0x0], $0xffff  }
0x3cd: {  	v61 =	vor.u32 s8, v0;
	_ =	sdelay $0x3  }
0x3ce: {  	[tilespmem:v60+s4+$0x0] =	vst.idx.msk $0xffff, v59  }
0x3cf: {  	v60 =	vadd.s32 v24, v58;
	v59 =	vld.idx.msk [tilespmem:v61+s22+$0x0], $0xffff  }
0x3d0: {  	v61 =	vor.u32 s8, v7;
	_ =	sdelay $0x3  }
0x3d1: {  	[tilespmem:v60+s4+$0x0] =	vst.idx.msk $0xffff, v59  }
0x3d2: {  	s9 =	simm.s32 $0x5000;
	v60 =	vadd.s32 v25, v58;
	v59 =	vld.idx.msk [tilespmem:v61+s22+$0x0], $0xffff  }
0x3d3: {  	v61 =	vor.u32 s9, v0;
	_ =	sdelay $0x3  }
0x3d4: {  	[tilespmem:v60+s4+$0x0] =	vst.idx.msk $0xffff, v59  }
0x3d5: {  	v60 =	vadd.s32 v26, v58;
	v59 =	vld.idx.msk [tilespmem:v61+s22+$0x0], $0xffff  }
0x3d6: {  	v61 =	vor.u32 s9, v7;
	_ =	sdelay $0x3  }
0x3d7: {  	[tilespmem:v60+s4+$0x0] =	vst.idx.msk $0xffff, v59  }
0x3d8: {  	s7 =	simm.s32 $0x5800;
	v60 =	vadd.s32 v27, v58;
	v59 =	vld.idx.msk [tilespmem:v61+s22+$0x0], $0xffff  }
0x3d9: {  	v61 =	vor.u32 s7, v0;
	_ =	sdelay $0x3  }
0x3da: {  	[tilespmem:v60+s4+$0x0] =	vst.idx.msk $0xffff, v59  }
0x3db: {  	v60 =	vadd.s32 v28, v58;
	v59 =	vld.idx.msk [tilespmem:v61+s22+$0x0], $0xffff  }
0x3dc: {  	v61 =	vor.u32 s7, v7;
	_ =	sdelay $0x3  }
0x3dd: {  	[tilespmem:v60+s4+$0x0] =	vst.idx.msk $0xffff, v59  }
0x3de: {  	s8 =	simm.s32 $0x6000;
	v60 =	vadd.s32 v29, v58;
	v59 =	vld.idx.msk [tilespmem:v61+s22+$0x0], $0xffff  }
0x3df: {  	v61 =	vor.u32 s8, v0;
	_ =	sdelay $0x3  }
0x3e0: {  	[tilespmem:v60+s4+$0x0] =	vst.idx.msk $0xffff, v59  }
0x3e1: {  	v60 =	vadd.s32 v30, v58;
	v59 =	vld.idx.msk [tilespmem:v61+s22+$0x0], $0xffff  }
0x3e2: {  	v61 =	vor.u32 s8, v7;
	_ =	sdelay $0x3  }
0x3e3: {  	[tilespmem:v60+s4+$0x0] =	vst.idx.msk $0xffff, v59  }
0x3e4: {  	s9 =	simm.s32 $0x6800;
	v60 =	vadd.s32 v31, v58;
	v59 =	vld.idx.msk [tilespmem:v61+s22+$0x0], $0xffff  }
0x3e5: {  	v61 =	vor.u32 s9, v0;
	_ =	sdelay $0x3  }
0x3e6: {  	[tilespmem:v60+s4+$0x0] =	vst.idx.msk $0xffff, v59  }
0x3e7: {  	v60 =	vadd.s32 v32, v58;
	v59 =	vld.idx.msk [tilespmem:v61+s22+$0x0], $0xffff  }
0x3e8: {  	v61 =	vor.u32 s9, v7;
	_ =	sdelay $0x3  }
0x3e9: {  	[tilespmem:v60+s4+$0x0] =	vst.idx.msk $0xffff, v59  }
0x3ea: {  	s7 =	simm.s32 $0x7000;
	v60 =	vadd.s32 v33, v58;
	v59 =	vld.idx.msk [tilespmem:v61+s22+$0x0], $0xffff  }
0x3eb: {  	v61 =	vor.u32 s7, v0;
	_ =	sdelay $0x3  }
0x3ec: {  	[tilespmem:v60+s4+$0x0] =	vst.idx.msk $0xffff, v59  }
0x3ed: {  	v60 =	vadd.s32 v34, v58;
	v59 =	vld.idx.msk [tilespmem:v61+s22+$0x0], $0xffff  }
0x3ee: {  	v61 =	vor.u32 s7, v7;
	_ =	sdelay $0x3  }
0x3ef: {  	[tilespmem:v60+s4+$0x0] =	vst.idx.msk $0xffff, v59  }
0x3f0: {  	s8 =	simm.s32 $0x7800;
	v60 =	vadd.s32 v35, v58;
	v59 =	vld.idx.msk [tilespmem:v61+s22+$0x0], $0xffff  }
0x3f1: {  	v61 =	vor.u32 s8, v0;
	_ =	sdelay $0x3  }
0x3f2: {  	[tilespmem:v60+s4+$0x0] =	vst.idx.msk $0xffff, v59  }
0x3f3: {  	v60 =	vadd.s32 v36, v58;
	v59 =	vld.idx.msk [tilespmem:v61+s22+$0x0], $0xffff  }
0x3f4: {  	v61 =	vor.u32 s8, v7;
	_ =	sdelay $0x3  }
0x3f5: {  	[tilespmem:v60+s4+$0x0] =	vst.idx.msk $0xffff, v59  }
0x3f6: {  	s9 =	simm.s32 $0x8000;
	v60 =	vadd.s32 v37, v58;
	v59 =	vld.idx.msk [tilespmem:v61+s22+$0x0], $0xffff  }
0x3f7: {  	v61 =	vor.u32 s9, v0;
	_ =	sdelay $0x3  }
0x3f8: {  	[tilespmem:v60+s4+$0x0] =	vst.idx.msk $0xffff, v59  }
0x3f9: {  	v60 =	vadd.s32 v38, v58;
	v59 =	vld.idx.msk [tilespmem:v61+s22+$0x0], $0xffff  }
0x3fa: {  	v61 =	vor.u32 s9, v7;
	_ =	sdelay $0x3  }
0x3fb: {  	[tilespmem:v60+s4+$0x0] =	vst.idx.msk $0xffff, v59  }
0x3fc: {  	s7 =	simm.s32 $0x8800;
	v60 =	vadd.s32 v39, v58;
	v59 =	vld.idx.msk [tilespmem:v61+s22+$0x0], $0xffff  }
0x3fd: {  	v61 =	vor.u32 s7, v0;
	_ =	sdelay $0x3  }
0x3fe: {  	[tilespmem:v60+s4+$0x0] =	vst.idx.msk $0xffff, v59  }
0x3ff: {  	v60 =	vadd.s32 v40, v58;
	v59 =	vld.idx.msk [tilespmem:v61+s22+$0x0], $0xffff  }
0x400: {  	v61 =	vor.u32 s7, v7;
	_ =	sdelay $0x3  }
0x401: {  	[tilespmem:v60+s4+$0x0] =	vst.idx.msk $0xffff, v59  }
0x402: {  	s8 =	simm.s32 $0x9000;
	v60 =	vadd.s32 v41, v58;
	v59 =	vld.idx.msk [tilespmem:v61+s22+$0x0], $0xffff  }
0x403: {  	v61 =	vor.u32 s8, v0;
	_ =	sdelay $0x3  }
0x404: {  	[tilespmem:v60+s4+$0x0] =	vst.idx.msk $0xffff, v59  }
0x405: {  	v60 =	vadd.s32 v42, v58;
	v59 =	vld.idx.msk [tilespmem:v61+s22+$0x0], $0xffff  }
0x406: {  	v61 =	vor.u32 s8, v7;
	_ =	sdelay $0x3  }
0x407: {  	[tilespmem:v60+s4+$0x0] =	vst.idx.msk $0xffff, v59  }
0x408: {  	s9 =	simm.s32 $0x9800;
	v60 =	vadd.s32 v43, v58;
	v59 =	vld.idx.msk [tilespmem:v61+s22+$0x0], $0xffff  }
0x409: {  	v61 =	vor.u32 s9, v0;
	_ =	sdelay $0x3  }
0x40a: {  	[tilespmem:v60+s4+$0x0] =	vst.idx.msk $0xffff, v59  }
0x40b: {  	v60 =	vadd.s32 v44, v58;
	v59 =	vld.idx.msk [tilespmem:v61+s22+$0x0], $0xffff  }
0x40c: {  	v61 =	vor.u32 s9, v7;
	_ =	sdelay $0x3  }
0x40d: {  	[tilespmem:v60+s4+$0x0] =	vst.idx.msk $0xffff, v59  }
0x40e: {  	s7 =	simm.s32 $0xA000;
	v60 =	vadd.s32 v45, v58;
	v59 =	vld.idx.msk [tilespmem:v61+s22+$0x0], $0xffff  }
0x40f: {  	v61 =	vor.u32 s7, v0;
	_ =	sdelay $0x3  }
0x410: {  	[tilespmem:v60+s4+$0x0] =	vst.idx.msk $0xffff, v59  }
0x411: {  	v60 =	vadd.s32 v46, v58;
	v59 =	vld.idx.msk [tilespmem:v61+s22+$0x0], $0xffff  }
0x412: {  	v61 =	vor.u32 s7, v7;
	_ =	sdelay $0x3  }
0x413: {  	[tilespmem:v60+s4+$0x0] =	vst.idx.msk $0xffff, v59  }
0x414: {  	s8 =	simm.s32 $0xA800;
	v60 =	vadd.s32 v47, v58;
	v59 =	vld.idx.msk [tilespmem:v61+s22+$0x0], $0xffff  }
0x415: {  	v61 =	vor.u32 s8, v0;
	_ =	sdelay $0x3  }
0x416: {  	[tilespmem:v60+s4+$0x0] =	vst.idx.msk $0xffff, v59  }
0x417: {  	v60 =	vadd.s32 v48, v58;
	v59 =	vld.idx.msk [tilespmem:v61+s22+$0x0], $0xffff  }
0x418: {  	v61 =	vor.u32 s8, v7;
	_ =	sdelay $0x3  }
0x419: {  	[tilespmem:v60+s4+$0x0] =	vst.idx.msk $0xffff, v59  }
0x41a: {  	s9 =	simm.s32 $0xB000;
	v60 =	vadd.s32 v49, v58;
	v59 =	vld.idx.msk [tilespmem:v61+s22+$0x0], $0xffff  }
0x41b: {  	v61 =	vor.u32 s9, v0;
	_ =	sdelay $0x3  }
0x41c: {  	[tilespmem:v60+s4+$0x0] =	vst.idx.msk $0xffff, v59  }
0x41d: {  	v60 =	vadd.s32 v50, v58;
	v59 =	vld.idx.msk [tilespmem:v61+s22+$0x0], $0xffff  }
0x41e: {  	v61 =	vor.u32 s9, v7;
	_ =	sdelay $0x3  }
0x41f: {  	[tilespmem:v60+s4+$0x0] =	vst.idx.msk $0xffff, v59  }
0x420: {  	s7 =	simm.s32 $0xB800;
	v60 =	vadd.s32 v51, v58;
	v59 =	vld.idx.msk [tilespmem:v61+s22+$0x0], $0xffff  }
0x421: {  	v61 =	vor.u32 s7, v0;
	_ =	sdelay $0x3  }
0x422: {  	[tilespmem:v60+s4+$0x0] =	vst.idx.msk $0xffff, v59  }
0x423: {  	v60 =	vadd.s32 v52, v58;
	v59 =	vld.idx.msk [tilespmem:v61+s22+$0x0], $0xffff  }
0x424: {  	v61 =	vor.u32 s7, v7;
	_ =	sdelay $0x3  }
0x425: {  	[tilespmem:v60+s4+$0x0] =	vst.idx.msk $0xffff, v59  }
0x426: {  	s8 =	simm.s32 $0xC000;
	v60 =	vadd.s32 v53, v58;
	v59 =	vld.idx.msk [tilespmem:v61+s22+$0x0], $0xffff  }
0x427: {  	v61 =	vor.u32 s8, v0;
	_ =	sdelay $0x3  }
0x428: {  	[tilespmem:v60+s4+$0x0] =	vst.idx.msk $0xffff, v59  }
0x429: {  	v60 =	vadd.s32 v54, v58;
	v59 =	vld.idx.msk [tilespmem:v61+s22+$0x0], $0xffff  }
0x42a: {  	v61 =	vor.u32 s8, v7;
	_ =	sdelay $0x3  }
0x42b: {  	[tilespmem:v60+s4+$0x0] =	vst.idx.msk $0xffff, v59  }
0x42c: {  	s9 =	simm.s32 $0xC800;
	v60 =	vadd.s32 v55, v58;
	v59 =	vld.idx.msk [tilespmem:v61+s22+$0x0], $0xffff  }
0x42d: {  	v61 =	vor.u32 s9, v0;
	_ =	sdelay $0x3  }
0x42e: {  	[tilespmem:v60+s4+$0x0] =	vst.idx.msk $0xffff, v59  }
0x42f: {  	v62 =	vadd.s32 v56, v58;
	v61 =	vld.idx.msk [tilespmem:v61+s22+$0x0], $0xffff  }
0x430: {  	v60 =	vor.u32 s9, v7;
	_ =	sdelay $0x2  }
0x431: {  	s6 =	simm.s32 $0x1  }
0x432: {  	s7 =	simm.s32 $0x2;
	v59 =	vmov s6;
	[tilespmem:v62+s4+$0x0] =	vst.idx.msk $0xffff, v61  }
.LBB2_8:
0x433: {  	p0 =	sne.s32 s7, $0x3F;
	v61 =	vmul.u32 $0x28, v59;
	v60 =	vld.idx.msk [tilespmem:v60+s22+$0x0], $0xffff  }
0x434: {  	v62 =	vadd.s32 v57, v58  }
0x435: {  	v61 =	vadd.s32 v5, v61;
	_ =	sdelay $0x3  }
0x436: {  	v58 =	vmul.u32 $0x350, v59;
	[tilespmem:v62+s4+$0x0] =	vst.idx.msk $0xffff, v60  }
0x437: {  	v60 =	vld.idx.msk [tilespmem:v61+s1+$0x0], $0xffff  }
0x438: {  	v59 =	vshll.u32 v59, $0x5;
	v61 =	vadd.s32 v6, v58  }
0x439: {  	v62 =	vor.u32 v0, v59;
	_ =	sdelay $0x3  }
0x43a: {  	[tilespmem:v61+s4+$0x0] =	vst.idx.msk $0x3fff, v60  }
0x43b: {  	v60 =	vld.idx.msk [tilespmem:v62+s22+$0x0], $0xffff  }
0x43c: {  	v61 =	vadd.s32 v1, v58  }
0x43d: {  	v59 =	vor.u32 v7, v59;
	_ =	sdelay $0x3  }
0x43e: {  	[tilespmem:v61+s4+$0x0] =	vst.idx.msk $0xffff, v60  }
0x43f: {  	s8 =	sshll.u32 s6, $0x5;
	s6 =	smov.u32 s7;
	v59 =	vld.idx.msk [tilespmem:v59+s22+$0x0], $0xffff  }
0x440: {  	s9 =	sadd.s32 $0x800, s8;
	v60 =	vadd.s32 v3, v58  }
0x441: {  	v61 =	vor.u32 s9, v0;
	_ =	sdelay $0x3  }
0x442: {  	[tilespmem:v60+s4+$0x0] =	vst.idx.msk $0xffff, v59  }
0x443: {  	v59 =	vld.idx.msk [tilespmem:v61+s22+$0x0], $0xffff  }
0x444: {  	v60 =	vadd.s32 v8, v58  }
0x445: {  	v61 =	vor.u32 s9, v7;
	_ =	sdelay $0x3  }
0x446: {  	[tilespmem:v60+s4+$0x0] =	vst.idx.msk $0xffff, v59  }
0x447: {  	v59 =	vld.idx.msk [tilespmem:v61+s22+$0x0], $0xffff  }
0x448: {  	s9 =	sadd.s32 $0x1000, s8;
	v60 =	vadd.s32 v9, v58  }
0x449: {  	v61 =	vor.u32 s9, v0;
	_ =	sdelay $0x3  }
0x44a: {  	[tilespmem:v60+s4+$0x0] =	vst.idx.msk $0xffff, v59  }
0x44b: {  	v59 =	vld.idx.msk [tilespmem:v61+s22+$0x0], $0xffff  }
0x44c: {  	v60 =	vadd.s32 v10, v58  }
0x44d: {  	v61 =	vor.u32 s9, v7;
	_ =	sdelay $0x3  }
0x44e: {  	[tilespmem:v60+s4+$0x0] =	vst.idx.msk $0xffff, v59  }
0x44f: {  	v59 =	vld.idx.msk [tilespmem:v61+s22+$0x0], $0xffff  }
0x450: {  	s9 =	sadd.s32 $0x1800, s8;
	v60 =	vadd.s32 v11, v58  }
0x451: {  	v61 =	vor.u32 s9, v0;
	_ =	sdelay $0x3  }
0x452: {  	[tilespmem:v60+s4+$0x0] =	vst.idx.msk $0xffff, v59  }
0x453: {  	v59 =	vld.idx.msk [tilespmem:v61+s22+$0x0], $0xffff  }
0x454: {  	v60 =	vadd.s32 v12, v58  }
0x455: {  	v61 =	vor.u32 s9, v7;
	_ =	sdelay $0x3  }
0x456: {  	[tilespmem:v60+s4+$0x0] =	vst.idx.msk $0xffff, v59  }
0x457: {  	v59 =	vld.idx.msk [tilespmem:v61+s22+$0x0], $0xffff  }
0x458: {  	s9 =	sadd.s32 $0x2000, s8;
	v60 =	vadd.s32 v13, v58  }
0x459: {  	v61 =	vor.u32 s9, v0;
	_ =	sdelay $0x3  }
0x45a: {  	[tilespmem:v60+s4+$0x0] =	vst.idx.msk $0xffff, v59  }
0x45b: {  	v59 =	vld.idx.msk [tilespmem:v61+s22+$0x0], $0xffff  }
0x45c: {  	v60 =	vadd.s32 v14, v58  }
0x45d: {  	v61 =	vor.u32 s9, v7;
	_ =	sdelay $0x3  }
0x45e: {  	[tilespmem:v60+s4+$0x0] =	vst.idx.msk $0xffff, v59  }
0x45f: {  	v59 =	vld.idx.msk [tilespmem:v61+s22+$0x0], $0xffff  }
0x460: {  	s9 =	sadd.s32 $0x2800, s8;
	v60 =	vadd.s32 v15, v58  }
0x461: {  	v61 =	vor.u32 s9, v0;
	_ =	sdelay $0x3  }
0x462: {  	[tilespmem:v60+s4+$0x0] =	vst.idx.msk $0xffff, v59  }
0x463: {  	v59 =	vld.idx.msk [tilespmem:v61+s22+$0x0], $0xffff  }
0x464: {  	v60 =	vadd.s32 v16, v58  }
0x465: {  	v61 =	vor.u32 s9, v7;
	_ =	sdelay $0x3  }
0x466: {  	[tilespmem:v60+s4+$0x0] =	vst.idx.msk $0xffff, v59  }
0x467: {  	v59 =	vld.idx.msk [tilespmem:v61+s22+$0x0], $0xffff  }
0x468: {  	s9 =	sadd.s32 $0x3000, s8;
	v60 =	vadd.s32 v17, v58  }
0x469: {  	v61 =	vor.u32 s9, v0;
	_ =	sdelay $0x3  }
0x46a: {  	[tilespmem:v60+s4+$0x0] =	vst.idx.msk $0xffff, v59  }
0x46b: {  	v59 =	vld.idx.msk [tilespmem:v61+s22+$0x0], $0xffff  }
0x46c: {  	v60 =	vadd.s32 v18, v58  }
0x46d: {  	v61 =	vor.u32 s9, v7;
	_ =	sdelay $0x3  }
0x46e: {  	[tilespmem:v60+s4+$0x0] =	vst.idx.msk $0xffff, v59  }
0x46f: {  	v59 =	vld.idx.msk [tilespmem:v61+s22+$0x0], $0xffff  }
0x470: {  	s9 =	sadd.s32 $0x3800, s8;
	v60 =	vadd.s32 v19, v58  }
0x471: {  	v61 =	vor.u32 s9, v0;
	_ =	sdelay $0x3  }
0x472: {  	[tilespmem:v60+s4+$0x0] =	vst.idx.msk $0xffff, v59  }
0x473: {  	v59 =	vld.idx.msk [tilespmem:v61+s22+$0x0], $0xffff  }
0x474: {  	v60 =	vadd.s32 v20, v58  }
0x475: {  	v61 =	vor.u32 s9, v7;
	_ =	sdelay $0x3  }
0x476: {  	[tilespmem:v60+s4+$0x0] =	vst.idx.msk $0xffff, v59  }
0x477: {  	v59 =	vld.idx.msk [tilespmem:v61+s22+$0x0], $0xffff  }
0x478: {  	s9 =	sadd.s32 $0x4000, s8;
	v60 =	vadd.s32 v21, v58  }
0x479: {  	v61 =	vor.u32 s9, v0;
	_ =	sdelay $0x3  }
0x47a: {  	[tilespmem:v60+s4+$0x0] =	vst.idx.msk $0xffff, v59  }
0x47b: {  	v59 =	vld.idx.msk [tilespmem:v61+s22+$0x0], $0xffff  }
0x47c: {  	v60 =	vadd.s32 v22, v58  }
0x47d: {  	v61 =	vor.u32 s9, v7;
	_ =	sdelay $0x3  }
0x47e: {  	[tilespmem:v60+s4+$0x0] =	vst.idx.msk $0xffff, v59  }
0x47f: {  	v59 =	vld.idx.msk [tilespmem:v61+s22+$0x0], $0xffff  }
0x480: {  	s9 =	sadd.s32 $0x4800, s8;
	v60 =	vadd.s32 v23, v58  }
0x481: {  	v61 =	vor.u32 s9, v0;
	_ =	sdelay $0x3  }
0x482: {  	[tilespmem:v60+s4+$0x0] =	vst.idx.msk $0xffff, v59  }
0x483: {  	v59 =	vld.idx.msk [tilespmem:v61+s22+$0x0], $0xffff  }
0x484: {  	v60 =	vadd.s32 v24, v58  }
0x485: {  	v61 =	vor.u32 s9, v7;
	_ =	sdelay $0x3  }
0x486: {  	[tilespmem:v60+s4+$0x0] =	vst.idx.msk $0xffff, v59  }
0x487: {  	v59 =	vld.idx.msk [tilespmem:v61+s22+$0x0], $0xffff  }
0x488: {  	s9 =	sadd.s32 $0x5000, s8;
	v60 =	vadd.s32 v25, v58  }
0x489: {  	v61 =	vor.u32 s9, v0;
	_ =	sdelay $0x3  }
0x48a: {  	[tilespmem:v60+s4+$0x0] =	vst.idx.msk $0xffff, v59  }
0x48b: {  	v59 =	vld.idx.msk [tilespmem:v61+s22+$0x0], $0xffff  }
0x48c: {  	v60 =	vadd.s32 v26, v58  }
0x48d: {  	v61 =	vor.u32 s9, v7;
	_ =	sdelay $0x3  }
0x48e: {  	[tilespmem:v60+s4+$0x0] =	vst.idx.msk $0xffff, v59  }
0x48f: {  	v59 =	vld.idx.msk [tilespmem:v61+s22+$0x0], $0xffff  }
0x490: {  	s9 =	sadd.s32 $0x5800, s8;
	v60 =	vadd.s32 v27, v58  }
0x491: {  	v61 =	vor.u32 s9, v0;
	_ =	sdelay $0x3  }
0x492: {  	[tilespmem:v60+s4+$0x0] =	vst.idx.msk $0xffff, v59  }
0x493: {  	v59 =	vld.idx.msk [tilespmem:v61+s22+$0x0], $0xffff  }
0x494: {  	v60 =	vadd.s32 v28, v58  }
0x495: {  	v61 =	vor.u32 s9, v7;
	_ =	sdelay $0x3  }
0x496: {  	[tilespmem:v60+s4+$0x0] =	vst.idx.msk $0xffff, v59  }
0x497: {  	v59 =	vld.idx.msk [tilespmem:v61+s22+$0x0], $0xffff  }
0x498: {  	s9 =	sadd.s32 $0x6000, s8;
	v60 =	vadd.s32 v29, v58  }
0x499: {  	v61 =	vor.u32 s9, v0;
	_ =	sdelay $0x3  }
0x49a: {  	[tilespmem:v60+s4+$0x0] =	vst.idx.msk $0xffff, v59  }
0x49b: {  	v59 =	vld.idx.msk [tilespmem:v61+s22+$0x0], $0xffff  }
0x49c: {  	v60 =	vadd.s32 v30, v58  }
0x49d: {  	v61 =	vor.u32 s9, v7;
	_ =	sdelay $0x3  }
0x49e: {  	[tilespmem:v60+s4+$0x0] =	vst.idx.msk $0xffff, v59  }
0x49f: {  	v59 =	vld.idx.msk [tilespmem:v61+s22+$0x0], $0xffff  }
0x4a0: {  	s9 =	sadd.s32 $0x6800, s8;
	v60 =	vadd.s32 v31, v58  }
0x4a1: {  	v61 =	vor.u32 s9, v0;
	_ =	sdelay $0x3  }
0x4a2: {  	[tilespmem:v60+s4+$0x0] =	vst.idx.msk $0xffff, v59  }
0x4a3: {  	v59 =	vld.idx.msk [tilespmem:v61+s22+$0x0], $0xffff  }
0x4a4: {  	v60 =	vadd.s32 v32, v58  }
0x4a5: {  	v61 =	vor.u32 s9, v7;
	_ =	sdelay $0x3  }
0x4a6: {  	[tilespmem:v60+s4+$0x0] =	vst.idx.msk $0xffff, v59  }
0x4a7: {  	v59 =	vld.idx.msk [tilespmem:v61+s22+$0x0], $0xffff  }
0x4a8: {  	s9 =	sadd.s32 $0x7000, s8;
	v60 =	vadd.s32 v33, v58  }
0x4a9: {  	v61 =	vor.u32 s9, v0;
	_ =	sdelay $0x3  }
0x4aa: {  	[tilespmem:v60+s4+$0x0] =	vst.idx.msk $0xffff, v59  }
0x4ab: {  	v59 =	vld.idx.msk [tilespmem:v61+s22+$0x0], $0xffff  }
0x4ac: {  	v60 =	vadd.s32 v34, v58  }
0x4ad: {  	v61 =	vor.u32 s9, v7;
	_ =	sdelay $0x3  }
0x4ae: {  	[tilespmem:v60+s4+$0x0] =	vst.idx.msk $0xffff, v59  }
0x4af: {  	v59 =	vld.idx.msk [tilespmem:v61+s22+$0x0], $0xffff  }
0x4b0: {  	s9 =	sadd.s32 $0x7800, s8;
	v60 =	vadd.s32 v35, v58  }
0x4b1: {  	v61 =	vor.u32 s9, v0;
	_ =	sdelay $0x3  }
0x4b2: {  	[tilespmem:v60+s4+$0x0] =	vst.idx.msk $0xffff, v59  }
0x4b3: {  	v59 =	vld.idx.msk [tilespmem:v61+s22+$0x0], $0xffff  }
0x4b4: {  	v60 =	vadd.s32 v36, v58  }
0x4b5: {  	v61 =	vor.u32 s9, v7;
	_ =	sdelay $0x3  }
0x4b6: {  	[tilespmem:v60+s4+$0x0] =	vst.idx.msk $0xffff, v59  }
0x4b7: {  	v59 =	vld.idx.msk [tilespmem:v61+s22+$0x0], $0xffff  }
0x4b8: {  	s9 =	sadd.s32 $0x8000, s8;
	v60 =	vadd.s32 v37, v58  }
0x4b9: {  	v61 =	vor.u32 s9, v0;
	_ =	sdelay $0x3  }
0x4ba: {  	[tilespmem:v60+s4+$0x0] =	vst.idx.msk $0xffff, v59  }
0x4bb: {  	v59 =	vld.idx.msk [tilespmem:v61+s22+$0x0], $0xffff  }
0x4bc: {  	v60 =	vadd.s32 v38, v58  }
0x4bd: {  	v61 =	vor.u32 s9, v7;
	_ =	sdelay $0x3  }
0x4be: {  	[tilespmem:v60+s4+$0x0] =	vst.idx.msk $0xffff, v59  }
0x4bf: {  	v59 =	vld.idx.msk [tilespmem:v61+s22+$0x0], $0xffff  }
0x4c0: {  	s9 =	sadd.s32 $0x8800, s8;
	v60 =	vadd.s32 v39, v58  }
0x4c1: {  	v61 =	vor.u32 s9, v0;
	_ =	sdelay $0x3  }
0x4c2: {  	[tilespmem:v60+s4+$0x0] =	vst.idx.msk $0xffff, v59  }
0x4c3: {  	v59 =	vld.idx.msk [tilespmem:v61+s22+$0x0], $0xffff  }
0x4c4: {  	v60 =	vadd.s32 v40, v58  }
0x4c5: {  	v61 =	vor.u32 s9, v7;
	_ =	sdelay $0x3  }
0x4c6: {  	[tilespmem:v60+s4+$0x0] =	vst.idx.msk $0xffff, v59  }
0x4c7: {  	v59 =	vld.idx.msk [tilespmem:v61+s22+$0x0], $0xffff  }
0x4c8: {  	s9 =	sadd.s32 $0x9000, s8;
	v60 =	vadd.s32 v41, v58  }
0x4c9: {  	v61 =	vor.u32 s9, v0;
	_ =	sdelay $0x3  }
0x4ca: {  	[tilespmem:v60+s4+$0x0] =	vst.idx.msk $0xffff, v59  }
0x4cb: {  	v59 =	vld.idx.msk [tilespmem:v61+s22+$0x0], $0xffff  }
0x4cc: {  	v60 =	vadd.s32 v42, v58  }
0x4cd: {  	v61 =	vor.u32 s9, v7;
	_ =	sdelay $0x3  }
0x4ce: {  	[tilespmem:v60+s4+$0x0] =	vst.idx.msk $0xffff, v59  }
0x4cf: {  	v59 =	vld.idx.msk [tilespmem:v61+s22+$0x0], $0xffff  }
0x4d0: {  	s9 =	sadd.s32 $0x9800, s8;
	v60 =	vadd.s32 v43, v58  }
0x4d1: {  	v61 =	vor.u32 s9, v0;
	_ =	sdelay $0x3  }
0x4d2: {  	[tilespmem:v60+s4+$0x0] =	vst.idx.msk $0xffff, v59  }
0x4d3: {  	v59 =	vld.idx.msk [tilespmem:v61+s22+$0x0], $0xffff  }
0x4d4: {  	v60 =	vadd.s32 v44, v58  }
0x4d5: {  	v61 =	vor.u32 s9, v7;
	_ =	sdelay $0x3  }
0x4d6: {  	[tilespmem:v60+s4+$0x0] =	vst.idx.msk $0xffff, v59  }
0x4d7: {  	v59 =	vld.idx.msk [tilespmem:v61+s22+$0x0], $0xffff  }
0x4d8: {  	s9 =	sadd.s32 $0xA000, s8;
	v60 =	vadd.s32 v45, v58  }
0x4d9: {  	v61 =	vor.u32 s9, v0;
	_ =	sdelay $0x3  }
0x4da: {  	[tilespmem:v60+s4+$0x0] =	vst.idx.msk $0xffff, v59  }
0x4db: {  	v59 =	vld.idx.msk [tilespmem:v61+s22+$0x0], $0xffff  }
0x4dc: {  	v60 =	vadd.s32 v46, v58  }
0x4dd: {  	v61 =	vor.u32 s9, v7;
	_ =	sdelay $0x3  }
0x4de: {  	[tilespmem:v60+s4+$0x0] =	vst.idx.msk $0xffff, v59  }
0x4df: {  	v59 =	vld.idx.msk [tilespmem:v61+s22+$0x0], $0xffff  }
0x4e0: {  	s9 =	sadd.s32 $0xA800, s8;
	v60 =	vadd.s32 v47, v58  }
0x4e1: {  	v61 =	vor.u32 s9, v0;
	_ =	sdelay $0x3  }
0x4e2: {  	[tilespmem:v60+s4+$0x0] =	vst.idx.msk $0xffff, v59  }
0x4e3: {  	v59 =	vld.idx.msk [tilespmem:v61+s22+$0x0], $0xffff  }
0x4e4: {  	v60 =	vadd.s32 v48, v58  }
0x4e5: {  	v61 =	vor.u32 s9, v7;
	_ =	sdelay $0x3  }
0x4e6: {  	[tilespmem:v60+s4+$0x0] =	vst.idx.msk $0xffff, v59  }
0x4e7: {  	v59 =	vld.idx.msk [tilespmem:v61+s22+$0x0], $0xffff  }
0x4e8: {  	s9 =	sadd.s32 $0xB000, s8;
	v60 =	vadd.s32 v49, v58  }
0x4e9: {  	v61 =	vor.u32 s9, v0;
	_ =	sdelay $0x3  }
0x4ea: {  	[tilespmem:v60+s4+$0x0] =	vst.idx.msk $0xffff, v59  }
0x4eb: {  	v59 =	vld.idx.msk [tilespmem:v61+s22+$0x0], $0xffff  }
0x4ec: {  	v60 =	vadd.s32 v50, v58  }
0x4ed: {  	v61 =	vor.u32 s9, v7;
	_ =	sdelay $0x3  }
0x4ee: {  	[tilespmem:v60+s4+$0x0] =	vst.idx.msk $0xffff, v59  }
0x4ef: {  	v59 =	vld.idx.msk [tilespmem:v61+s22+$0x0], $0xffff  }
0x4f0: {  	s9 =	sadd.s32 $0xB800, s8;
	v60 =	vadd.s32 v51, v58  }
0x4f1: {  	v61 =	vor.u32 s9, v0;
	_ =	sdelay $0x3  }
0x4f2: {  	[tilespmem:v60+s4+$0x0] =	vst.idx.msk $0xffff, v59  }
0x4f3: {  	v59 =	vld.idx.msk [tilespmem:v61+s22+$0x0], $0xffff  }
0x4f4: {  	v60 =	vadd.s32 v52, v58  }
0x4f5: {  	v61 =	vor.u32 s9, v7;
	_ =	sdelay $0x3  }
0x4f6: {  	[tilespmem:v60+s4+$0x0] =	vst.idx.msk $0xffff, v59  }
0x4f7: {  	v59 =	vld.idx.msk [tilespmem:v61+s22+$0x0], $0xffff  }
0x4f8: {  	s9 =	sadd.s32 $0xC000, s8;
	v60 =	vadd.s32 v53, v58  }
0x4f9: {  	v61 =	vor.u32 s9, v0;
	_ =	sdelay $0x3  }
0x4fa: {  	[tilespmem:v60+s4+$0x0] =	vst.idx.msk $0xffff, v59  }
0x4fb: {  	v59 =	vld.idx.msk [tilespmem:v61+s22+$0x0], $0xffff  }
0x4fc: {  	v60 =	vadd.s32 v54, v58  }
0x4fd: {  	v61 =	vor.u32 s9, v7;
	_ =	sdelay $0x3  }
0x4fe: {  	[tilespmem:v60+s4+$0x0] =	vst.idx.msk $0xffff, v59  }
0x4ff: {  	v59 =	vld.idx.msk [tilespmem:v61+s22+$0x0], $0xffff  }
0x500: {  	s8 =	sadd.s32 $0xC800, s8;
	v60 =	vadd.s32 v55, v58  }
0x501: {  	v61 =	vor.u32 s8, v0;
	_ =	sdelay $0x3  }
0x502: {  	[tilespmem:v60+s4+$0x0] =	vst.idx.msk $0xffff, v59  }
0x503: {  	v61 =	vld.idx.msk [tilespmem:v61+s22+$0x0], $0xffff  }
0x504: {  	v62 =	vadd.s32 v56, v58  }
.Ltmp3:
0x505: {  	v60 =	vor.u32 s8, v7;
	(pc) =	sbr.rel @p0 .LBB2_8-.Ltmp3, $2  }
0x506: {  	_ =	sdelay $0x2  }
0x507: {  	s7 =	sadd.s32 $0x1, s7;
	v59 =	vmov s6;
	[tilespmem:v62+s4+$0x0] =	vst.idx.msk $0xffff, v61  }
0x508: {  	_ =	sdelay $0x2  }
0x509: {  	v61 =	vmul.u32 $0x28, v59  }
0x50a: {  	v60 =	vld.idx.msk [tilespmem:v60+s22+$0x0], $0xffff;
	v62 =	vadd.s32 v57, v58  }
0x50b: {  	v61 =	vadd.s32 v5, v61;
	_ =	sdelay $0x2  }
0x50c: {  	v58 =	vmul.u32 $0x350, v59  }
0x50d: {  	[tilespmem:v62+s4+$0x0] =	vst.idx.msk $0xffff, v60  }
0x50e: {  	v59 =	vshll.u32 v59, $0x5;
	v60 =	vld.idx.msk [tilespmem:v61+s1+$0x0], $0xffff;
	v61 =	vadd.s32 v6, v58  }
0x50f: {  	v62 =	vor.u32 v0, v59;
	_ =	sdelay $0x3  }
0x510: {  	[tilespmem:v61+s4+$0x0] =	vst.idx.msk $0x3fff, v60  }
0x511: {  	v61 =	vadd.s32 v1, v58;
	v60 =	vld.idx.msk [tilespmem:v62+s22+$0x0], $0xffff  }
0x512: {  	v59 =	vor.u32 v7, v59;
	_ =	sdelay $0x3  }
0x513: {  	s6 =	sshll.u32 s6, $0x5;
	[tilespmem:v61+s4+$0x0] =	vst.idx.msk $0xffff, v60  }
0x514: {  	s7 =	sadd.s32 $0x800, s6;
	v60 =	vadd.s32 v3, v58;
	v59 =	vld.idx.msk [tilespmem:v59+s22+$0x0], $0xffff  }
0x515: {  	v61 =	vor.u32 s7, v0;
	_ =	sdelay $0x3  }
0x516: {  	[tilespmem:v60+s4+$0x0] =	vst.idx.msk $0xffff, v59  }
0x517: {  	v60 =	vadd.s32 v8, v58;
	v59 =	vld.idx.msk [tilespmem:v61+s22+$0x0], $0xffff  }
0x518: {  	v61 =	vor.u32 s7, v7;
	_ =	sdelay $0x3  }
0x519: {  	[tilespmem:v60+s4+$0x0] =	vst.idx.msk $0xffff, v59  }
0x51a: {  	s9 =	sadd.s32 $0x1000, s6;
	v60 =	vadd.s32 v9, v58;
	v59 =	vld.idx.msk [tilespmem:v61+s22+$0x0], $0xffff  }
0x51b: {  	v61 =	vor.u32 s9, v0;
	_ =	sdelay $0x3  }
0x51c: {  	[tilespmem:v60+s4+$0x0] =	vst.idx.msk $0xffff, v59  }
0x51d: {  	v60 =	vadd.s32 v10, v58;
	v59 =	vld.idx.msk [tilespmem:v61+s22+$0x0], $0xffff  }
0x51e: {  	v61 =	vor.u32 s9, v7;
	_ =	sdelay $0x3  }
0x51f: {  	[tilespmem:v60+s4+$0x0] =	vst.idx.msk $0xffff, v59  }
0x520: {  	s8 =	sadd.s32 $0x1800, s6;
	v60 =	vadd.s32 v11, v58;
	v59 =	vld.idx.msk [tilespmem:v61+s22+$0x0], $0xffff  }
0x521: {  	v61 =	vor.u32 s8, v0;
	_ =	sdelay $0x3  }
0x522: {  	[tilespmem:v60+s4+$0x0] =	vst.idx.msk $0xffff, v59  }
0x523: {  	v60 =	vadd.s32 v12, v58;
	v59 =	vld.idx.msk [tilespmem:v61+s22+$0x0], $0xffff  }
0x524: {  	v61 =	vor.u32 s8, v7;
	_ =	sdelay $0x3  }
0x525: {  	[tilespmem:v60+s4+$0x0] =	vst.idx.msk $0xffff, v59  }
0x526: {  	s9 =	sadd.s32 $0x2000, s6;
	v60 =	vadd.s32 v13, v58;
	v59 =	vld.idx.msk [tilespmem:v61+s22+$0x0], $0xffff  }
0x527: {  	v61 =	vor.u32 s9, v0;
	_ =	sdelay $0x3  }
0x528: {  	[tilespmem:v60+s4+$0x0] =	vst.idx.msk $0xffff, v59  }
0x529: {  	v60 =	vadd.s32 v14, v58;
	v59 =	vld.idx.msk [tilespmem:v61+s22+$0x0], $0xffff  }
0x52a: {  	v61 =	vor.u32 s9, v7;
	_ =	sdelay $0x3  }
0x52b: {  	[tilespmem:v60+s4+$0x0] =	vst.idx.msk $0xffff, v59  }
0x52c: {  	s8 =	sadd.s32 $0x2800, s6;
	v60 =	vadd.s32 v15, v58;
	v59 =	vld.idx.msk [tilespmem:v61+s22+$0x0], $0xffff  }
0x52d: {  	v61 =	vor.u32 s8, v0;
	_ =	sdelay $0x3  }
0x52e: {  	[tilespmem:v60+s4+$0x0] =	vst.idx.msk $0xffff, v59  }
0x52f: {  	v60 =	vadd.s32 v16, v58;
	v59 =	vld.idx.msk [tilespmem:v61+s22+$0x0], $0xffff  }
0x530: {  	v61 =	vor.u32 s8, v7;
	_ =	sdelay $0x3  }
0x531: {  	[tilespmem:v60+s4+$0x0] =	vst.idx.msk $0xffff, v59  }
0x532: {  	s9 =	sadd.s32 $0x3000, s6;
	v60 =	vadd.s32 v17, v58;
	v59 =	vld.idx.msk [tilespmem:v61+s22+$0x0], $0xffff  }
0x533: {  	v61 =	vor.u32 s9, v0;
	_ =	sdelay $0x3  }
0x534: {  	[tilespmem:v60+s4+$0x0] =	vst.idx.msk $0xffff, v59  }
0x535: {  	v60 =	vadd.s32 v18, v58;
	v59 =	vld.idx.msk [tilespmem:v61+s22+$0x0], $0xffff  }
0x536: {  	v61 =	vor.u32 s9, v7;
	_ =	sdelay $0x3  }
0x537: {  	[tilespmem:v60+s4+$0x0] =	vst.idx.msk $0xffff, v59  }
0x538: {  	s8 =	sadd.s32 $0x3800, s6;
	v60 =	vadd.s32 v19, v58;
	v59 =	vld.idx.msk [tilespmem:v61+s22+$0x0], $0xffff  }
0x539: {  	v61 =	vor.u32 s8, v0;
	_ =	sdelay $0x3  }
0x53a: {  	[tilespmem:v60+s4+$0x0] =	vst.idx.msk $0xffff, v59  }
0x53b: {  	v60 =	vadd.s32 v20, v58;
	v59 =	vld.idx.msk [tilespmem:v61+s22+$0x0], $0xffff  }
0x53c: {  	v61 =	vor.u32 s8, v7;
	_ =	sdelay $0x3  }
0x53d: {  	[tilespmem:v60+s4+$0x0] =	vst.idx.msk $0xffff, v59  }
0x53e: {  	s9 =	sadd.s32 $0x4000, s6;
	v60 =	vadd.s32 v21, v58;
	v59 =	vld.idx.msk [tilespmem:v61+s22+$0x0], $0xffff  }
0x53f: {  	v61 =	vor.u32 s9, v0;
	_ =	sdelay $0x3  }
0x540: {  	[tilespmem:v60+s4+$0x0] =	vst.idx.msk $0xffff, v59  }
0x541: {  	v60 =	vadd.s32 v22, v58;
	v59 =	vld.idx.msk [tilespmem:v61+s22+$0x0], $0xffff  }
0x542: {  	v61 =	vor.u32 s9, v7;
	_ =	sdelay $0x3  }
0x543: {  	[tilespmem:v60+s4+$0x0] =	vst.idx.msk $0xffff, v59  }
0x544: {  	s8 =	sadd.s32 $0x4800, s6;
	v60 =	vadd.s32 v23, v58;
	v59 =	vld.idx.msk [tilespmem:v61+s22+$0x0], $0xffff  }
0x545: {  	v61 =	vor.u32 s8, v0;
	_ =	sdelay $0x3  }
0x546: {  	[tilespmem:v60+s4+$0x0] =	vst.idx.msk $0xffff, v59  }
0x547: {  	v60 =	vadd.s32 v24, v58;
	v59 =	vld.idx.msk [tilespmem:v61+s22+$0x0], $0xffff  }
0x548: {  	v61 =	vor.u32 s8, v7;
	_ =	sdelay $0x3  }
0x549: {  	[tilespmem:v60+s4+$0x0] =	vst.idx.msk $0xffff, v59  }
0x54a: {  	s9 =	sadd.s32 $0x5000, s6;
	v60 =	vadd.s32 v25, v58;
	v59 =	vld.idx.msk [tilespmem:v61+s22+$0x0], $0xffff  }
0x54b: {  	v61 =	vor.u32 s9, v0;
	_ =	sdelay $0x3  }
0x54c: {  	[tilespmem:v60+s4+$0x0] =	vst.idx.msk $0xffff, v59  }
0x54d: {  	v60 =	vadd.s32 v26, v58;
	v59 =	vld.idx.msk [tilespmem:v61+s22+$0x0], $0xffff  }
0x54e: {  	v61 =	vor.u32 s9, v7;
	_ =	sdelay $0x3  }
0x54f: {  	[tilespmem:v60+s4+$0x0] =	vst.idx.msk $0xffff, v59  }
0x550: {  	s8 =	sadd.s32 $0x5800, s6;
	v60 =	vadd.s32 v27, v58;
	v59 =	vld.idx.msk [tilespmem:v61+s22+$0x0], $0xffff  }
0x551: {  	v61 =	vor.u32 s8, v0;
	_ =	sdelay $0x3  }
0x552: {  	[tilespmem:v60+s4+$0x0] =	vst.idx.msk $0xffff, v59  }
0x553: {  	v60 =	vadd.s32 v28, v58;
	v59 =	vld.idx.msk [tilespmem:v61+s22+$0x0], $0xffff  }
0x554: {  	v61 =	vor.u32 s8, v7;
	_ =	sdelay $0x3  }
0x555: {  	[tilespmem:v60+s4+$0x0] =	vst.idx.msk $0xffff, v59  }
0x556: {  	s9 =	sadd.s32 $0x6000, s6;
	v60 =	vadd.s32 v29, v58;
	v59 =	vld.idx.msk [tilespmem:v61+s22+$0x0], $0xffff  }
0x557: {  	v61 =	vor.u32 s9, v0;
	_ =	sdelay $0x3  }
0x558: {  	[tilespmem:v60+s4+$0x0] =	vst.idx.msk $0xffff, v59  }
0x559: {  	v60 =	vadd.s32 v30, v58;
	v59 =	vld.idx.msk [tilespmem:v61+s22+$0x0], $0xffff  }
0x55a: {  	v61 =	vor.u32 s9, v7;
	_ =	sdelay $0x3  }
0x55b: {  	[tilespmem:v60+s4+$0x0] =	vst.idx.msk $0xffff, v59  }
0x55c: {  	s8 =	sadd.s32 $0x6800, s6;
	v60 =	vadd.s32 v31, v58;
	v59 =	vld.idx.msk [tilespmem:v61+s22+$0x0], $0xffff  }
0x55d: {  	v61 =	vor.u32 s8, v0;
	_ =	sdelay $0x3  }
0x55e: {  	[tilespmem:v60+s4+$0x0] =	vst.idx.msk $0xffff, v59  }
0x55f: {  	v60 =	vadd.s32 v32, v58;
	v59 =	vld.idx.msk [tilespmem:v61+s22+$0x0], $0xffff  }
0x560: {  	v61 =	vor.u32 s8, v7;
	_ =	sdelay $0x3  }
0x561: {  	[tilespmem:v60+s4+$0x0] =	vst.idx.msk $0xffff, v59  }
0x562: {  	s9 =	sadd.s32 $0x7000, s6;
	v60 =	vadd.s32 v33, v58;
	v59 =	vld.idx.msk [tilespmem:v61+s22+$0x0], $0xffff  }
0x563: {  	v61 =	vor.u32 s9, v0;
	_ =	sdelay $0x3  }
0x564: {  	[tilespmem:v60+s4+$0x0] =	vst.idx.msk $0xffff, v59  }
0x565: {  	v60 =	vadd.s32 v34, v58;
	v59 =	vld.idx.msk [tilespmem:v61+s22+$0x0], $0xffff  }
0x566: {  	v61 =	vor.u32 s9, v7;
	_ =	sdelay $0x3  }
0x567: {  	[tilespmem:v60+s4+$0x0] =	vst.idx.msk $0xffff, v59  }
0x568: {  	s8 =	sadd.s32 $0x7800, s6;
	v60 =	vadd.s32 v35, v58;
	v59 =	vld.idx.msk [tilespmem:v61+s22+$0x0], $0xffff  }
0x569: {  	v61 =	vor.u32 s8, v0;
	_ =	sdelay $0x3  }
0x56a: {  	[tilespmem:v60+s4+$0x0] =	vst.idx.msk $0xffff, v59  }
0x56b: {  	v60 =	vadd.s32 v36, v58;
	v59 =	vld.idx.msk [tilespmem:v61+s22+$0x0], $0xffff  }
0x56c: {  	v61 =	vor.u32 s8, v7;
	_ =	sdelay $0x3  }
0x56d: {  	[tilespmem:v60+s4+$0x0] =	vst.idx.msk $0xffff, v59  }
0x56e: {  	s9 =	sadd.s32 $0x8000, s6;
	v60 =	vadd.s32 v37, v58;
	v59 =	vld.idx.msk [tilespmem:v61+s22+$0x0], $0xffff  }
0x56f: {  	v61 =	vor.u32 s9, v0;
	_ =	sdelay $0x3  }
0x570: {  	[tilespmem:v60+s4+$0x0] =	vst.idx.msk $0xffff, v59  }
0x571: {  	v60 =	vadd.s32 v38, v58;
	v59 =	vld.idx.msk [tilespmem:v61+s22+$0x0], $0xffff  }
0x572: {  	v61 =	vor.u32 s9, v7;
	_ =	sdelay $0x3  }
0x573: {  	[tilespmem:v60+s4+$0x0] =	vst.idx.msk $0xffff, v59  }
0x574: {  	s8 =	sadd.s32 $0x8800, s6;
	v60 =	vadd.s32 v39, v58;
	v59 =	vld.idx.msk [tilespmem:v61+s22+$0x0], $0xffff  }
0x575: {  	v61 =	vor.u32 s8, v0;
	_ =	sdelay $0x3  }
0x576: {  	[tilespmem:v60+s4+$0x0] =	vst.idx.msk $0xffff, v59  }
0x577: {  	v60 =	vadd.s32 v40, v58;
	v59 =	vld.idx.msk [tilespmem:v61+s22+$0x0], $0xffff  }
0x578: {  	v61 =	vor.u32 s8, v7;
	_ =	sdelay $0x3  }
0x579: {  	[tilespmem:v60+s4+$0x0] =	vst.idx.msk $0xffff, v59  }
0x57a: {  	s9 =	sadd.s32 $0x9000, s6;
	v60 =	vadd.s32 v41, v58;
	v59 =	vld.idx.msk [tilespmem:v61+s22+$0x0], $0xffff  }
0x57b: {  	v61 =	vor.u32 s9, v0;
	_ =	sdelay $0x3  }
0x57c: {  	[tilespmem:v60+s4+$0x0] =	vst.idx.msk $0xffff, v59  }
0x57d: {  	v60 =	vadd.s32 v42, v58;
	v59 =	vld.idx.msk [tilespmem:v61+s22+$0x0], $0xffff  }
0x57e: {  	v61 =	vor.u32 s9, v7;
	_ =	sdelay $0x3  }
0x57f: {  	[tilespmem:v60+s4+$0x0] =	vst.idx.msk $0xffff, v59  }
0x580: {  	s8 =	sadd.s32 $0x9800, s6;
	v60 =	vadd.s32 v43, v58;
	v59 =	vld.idx.msk [tilespmem:v61+s22+$0x0], $0xffff  }
0x581: {  	v61 =	vor.u32 s8, v0;
	_ =	sdelay $0x3  }
0x582: {  	[tilespmem:v60+s4+$0x0] =	vst.idx.msk $0xffff, v59  }
0x583: {  	v60 =	vadd.s32 v44, v58;
	v59 =	vld.idx.msk [tilespmem:v61+s22+$0x0], $0xffff  }
0x584: {  	v61 =	vor.u32 s8, v7;
	_ =	sdelay $0x3  }
0x585: {  	[tilespmem:v60+s4+$0x0] =	vst.idx.msk $0xffff, v59  }
0x586: {  	s9 =	sadd.s32 $0xA000, s6;
	v60 =	vadd.s32 v45, v58;
	v59 =	vld.idx.msk [tilespmem:v61+s22+$0x0], $0xffff  }
0x587: {  	v61 =	vor.u32 s9, v0;
	_ =	sdelay $0x3  }
0x588: {  	[tilespmem:v60+s4+$0x0] =	vst.idx.msk $0xffff, v59  }
0x589: {  	v60 =	vadd.s32 v46, v58;
	v59 =	vld.idx.msk [tilespmem:v61+s22+$0x0], $0xffff  }
0x58a: {  	v61 =	vor.u32 s9, v7;
	_ =	sdelay $0x3  }
0x58b: {  	[tilespmem:v60+s4+$0x0] =	vst.idx.msk $0xffff, v59  }
0x58c: {  	s8 =	sadd.s32 $0xA800, s6;
	v60 =	vadd.s32 v47, v58;
	v59 =	vld.idx.msk [tilespmem:v61+s22+$0x0], $0xffff  }
0x58d: {  	v61 =	vor.u32 s8, v0;
	_ =	sdelay $0x3  }
0x58e: {  	[tilespmem:v60+s4+$0x0] =	vst.idx.msk $0xffff, v59  }
0x58f: {  	v60 =	vadd.s32 v48, v58;
	v59 =	vld.idx.msk [tilespmem:v61+s22+$0x0], $0xffff  }
0x590: {  	v61 =	vor.u32 s8, v7;
	_ =	sdelay $0x3  }
0x591: {  	[tilespmem:v60+s4+$0x0] =	vst.idx.msk $0xffff, v59  }
0x592: {  	s9 =	sadd.s32 $0xB000, s6;
	v60 =	vadd.s32 v49, v58;
	v59 =	vld.idx.msk [tilespmem:v61+s22+$0x0], $0xffff  }
0x593: {  	v61 =	vor.u32 s9, v0;
	_ =	sdelay $0x3  }
0x594: {  	[tilespmem:v60+s4+$0x0] =	vst.idx.msk $0xffff, v59  }
0x595: {  	v60 =	vadd.s32 v50, v58;
	v59 =	vld.idx.msk [tilespmem:v61+s22+$0x0], $0xffff  }
0x596: {  	v61 =	vor.u32 s9, v7;
	_ =	sdelay $0x3  }
0x597: {  	[tilespmem:v60+s4+$0x0] =	vst.idx.msk $0xffff, v59  }
0x598: {  	s8 =	sadd.s32 $0xB800, s6;
	v60 =	vadd.s32 v51, v58;
	v59 =	vld.idx.msk [tilespmem:v61+s22+$0x0], $0xffff  }
0x599: {  	v61 =	vor.u32 s8, v0;
	_ =	sdelay $0x3  }
0x59a: {  	[tilespmem:v60+s4+$0x0] =	vst.idx.msk $0xffff, v59  }
0x59b: {  	v60 =	vadd.s32 v52, v58;
	v59 =	vld.idx.msk [tilespmem:v61+s22+$0x0], $0xffff  }
0x59c: {  	v61 =	vor.u32 s8, v7;
	_ =	sdelay $0x3  }
0x59d: {  	[tilespmem:v60+s4+$0x0] =	vst.idx.msk $0xffff, v59  }
0x59e: {  	s9 =	sadd.s32 $0xC000, s6;
	v60 =	vadd.s32 v53, v58;
	v59 =	vld.idx.msk [tilespmem:v61+s22+$0x0], $0xffff  }
0x59f: {  	v61 =	vor.u32 s9, v0;
	_ =	sdelay $0x3  }
0x5a0: {  	[tilespmem:v60+s4+$0x0] =	vst.idx.msk $0xffff, v59  }
0x5a1: {  	v60 =	vadd.s32 v54, v58;
	v59 =	vld.idx.msk [tilespmem:v61+s22+$0x0], $0xffff  }
0x5a2: {  	v61 =	vor.u32 s9, v7;
	_ =	sdelay $0x3  }
0x5a3: {  	[tilespmem:v60+s4+$0x0] =	vst.idx.msk $0xffff, v59  }
0x5a4: {  	s6 =	sadd.s32 $0xC800, s6;
	v60 =	vadd.s32 v55, v58;
	v59 =	vld.idx.msk [tilespmem:v61+s22+$0x0], $0xffff  }
0x5a5: {  	v61 =	vor.u32 s6, v0;
	_ =	sdelay $0x3  }
0x5a6: {  	[tilespmem:v60+s4+$0x0] =	vst.idx.msk $0xffff, v59  }
0x5a7: {  	v60 =	vadd.s32 v56, v58;
	v59 =	vld.idx.msk [tilespmem:v61+s22+$0x0], $0xffff  }
0x5a8: {  	v61 =	vor.u32 s6, v7;
	_ =	sdelay $0x3  }
0x5a9: {  	[tilespmem:v60+s4+$0x0] =	vst.idx.msk $0xffff, v59  }
0x5aa: {  	v58 =	vadd.s32 v57, v58;
	v59 =	vld.idx.msk [tilespmem:v61+s22+$0x0], $0xffff;
	_ =	sdelay $0x4  }
0x5ab: {  	s8 =	rddreg [dreg:$0xd];
	[tilespmem:v58+s4+$0x0] =	vst.idx.msk $0xffff, v59  }
0x5ac: {  	[hbm4b:s8+s1] =	stream.linear.scatter [tilespmem:s4], [sflag:$0x2], $0xD400, $0x38;
	[tilespmem:$0x1B480] =	vst v63  }
0x5ad: {  	_ =	swait.ge [sflag:s25], $0xD400  }
0x5ae: {  	s5 =	sadd.s32 $0x1, s5;
	s9 =	rddreg [dreg:$0xe]  }
0x5af: {  	p0 =	sne.s32 s5, s9  }
.Ltmp4:
0x5b0: {  	_ = 	snop;
	(pc) =	sbr.rel @p0 .LBB2_1-.Ltmp4, $3  }
0x5b1: {  	_ =	sdelay $0x1  }
0x5b2: {  	[sflag:s25] =	ssyncset.done $0x0  }
0x5b3: {  	[sflag:s25] =	ssyncadd.s32 $0xFFFF2C00  }
0x5b4: {  	_ =	sfence.sel $0x180000  }
0x5b5: {  	[bflag:$0x0] =	sbarrier.arrive $0xFFFF  }
0x5b6: {  	_ =	strace $0x90000047  }
0x5b7: {  	s0 =	stileid.u32;
	[bflag:$0x2] =	sbarrier.arrive $0xFFFF  }
0x5b8: {  	p0 =	sne.s32 s0, $0x0;
	s0 =	rddreg [dreg:$0x2]  }
0x5b9: {  	s0 =	sadd.s32 @!p0 $0x100000, s0  }
0x5ba: {  	[sflag:s0] =	ssyncadd.tile.s32 @!p0 $0x1;
	_ =	shalt  }
.Lfunc_end2:
_tile_overlayer_lowered:
.L_overlay_start_2:
0x5bb: {  	(tag) =	ssettag $0x2  }
0x5bc: {  	s0 =	rddreg [dreg:$0x0];
	s2 =	stileid.u32  }
0x5bd: {  	s1 =	rddreg [dreg:$0x1];
	p0 =	sne.s32 s2, $0x0  }
0x5be: {  	s3 =	rddreg [dreg:$0x2];
	[bflag:$0x3] =	sbarrier.arrive $0xFFFF;
	s2 =	simm.s32 @!p0 $0x1C02  }
0x5bf: {  	[timem:s3], [sflag:s2] =	dma.local @!p0 [hbm:s0], s1  }
0x5c0: {  	s0 =	simm.s32 @!p0 $0x2  }
0x5c1: {  	_ =	swait.ge @!p0 [sflag:s0], s1  }
0x5c2: {  	s1 =	ssub.s32 @!p0 $0x0, s1;
	[sflag:s0] =	ssyncset.done @!p0 $0x0  }
0x5c3: {  	[sflag:s0] =	ssyncadd.s32 @!p0 s1  }
0x5c4: {  	[bflag:$0x3] =	sbarrier.arrive $0xFFFF  }
0x5c5: {  	_ =	shalt  }

</sc_bundles>
